<compile_context>
chip_gen: v7x
topology: tpu7x:2x2x1
jax: 0.10.2.dev20260603
libtpu: 0.0.44.dev20260713+nightly
codegen_flags: <defaults>
</compile_context>

<pallas_src>
import functools

import jax
import jax.numpy as jnp
from jax import lax
from jax.experimental import pallas as pl
from jax.experimental.pallas import tpu as pltpu
from jax.experimental.pallas import tpu_sc as plsc

N = 10000
D = 128
NC = 2
NS = 16
NW = NC * NS
K = 128
CH = 80
NB = 2

_mesh = plsc.VectorSubcoreMesh(
    core_axis_name="c", subcore_axis_name="s", num_cores=NC, num_subcores=NS
)


@functools.partial(
    pl.kernel,
    out_type=jax.ShapeDtypeStruct((NC * N, D), jnp.float32),
    mesh=_mesh,
    scratch_types=(
        [pltpu.VMEM((K,), jnp.int32) for _ in range(NB)]
        + [pltpu.VMEM((K,), jnp.int32) for _ in range(NB)]
        + [pltpu.VMEM((K,), jnp.float32) for _ in range(NB)]
        + [pltpu.VMEM((K, D), jnp.float32) for _ in range(NB)]
        + [pltpu.VMEM_SHARED((N, D), jnp.float32)]
        + [pltpu.SemaphoreType.DMA for _ in range(2 * NB)]
    ),
)
def _sc_spmm(row_hbm, col_hbm, val_hbm, x_hbm, out_hbm, *scratch):
    cbufs = scratch[0:NB]
    rbufs = scratch[NB:2 * NB]
    vbufs = scratch[2 * NB:3 * NB]
    bufs = scratch[3 * NB:4 * NB]
    acc = scratch[4 * NB]
    isems = scratch[4 * NB + 1:4 * NB + 1 + NB]
    gsems = scratch[4 * NB + 1 + NB:4 * NB + 1 + 2 * NB]
    buf0 = bufs[0]

    c = lax.axis_index("c")
    s = lax.axis_index("s")
    w = s * NC + c
    ebase = w * CH * K

    def _zrow(r, carry):
        for j in range(D // 16):
            buf0[r, pl.ds(j * 16, 16)] = jnp.zeros((16,), jnp.float32)
        return carry

    lax.fori_loop(0, K, _zrow, 0)
    for z in range(5):
        idx = s + z * NS

        @pl.when(idx < N // K)
        def _():
            pltpu.sync_copy(buf0, acc.at[pl.ds(idx * K, K)])

    @pl.when(s == 0)
    def _():
        pltpu.sync_copy(buf0.at[pl.ds(0, N % K)],
                        acc.at[pl.ds((N // K) * K, N % K)])

    plsc.subcore_barrier()

    def _idx_dma(k, b):
        off = ebase + k * K
        pltpu.async_copy(col_hbm.at[pl.ds(off, K)], cbufs[b], isems[b])
        pltpu.async_copy(row_hbm.at[pl.ds(off, K)], rbufs[b], isems[b])
        pltpu.async_copy(val_hbm.at[pl.ds(off, K)], vbufs[b], isems[b])

    def _idx_wait(b):
        z = pl.ds(0, K)
        pltpu.make_async_copy(col_hbm.at[z], cbufs[b], isems[b]).wait()
        pltpu.make_async_copy(row_hbm.at[z], rbufs[b], isems[b]).wait()
        pltpu.make_async_copy(val_hbm.at[z], vbufs[b], isems[b]).wait()

    def _gather(b):
        pltpu.async_copy(x_hbm.at[cbufs[b]], bufs[b], gsems[b])

    def _gwait(b):
        pltpu.make_async_copy(x_hbm.at[cbufs[b]], bufs[b], gsems[b]).wait()

    def _process(b):
        def _edge16(g, inner):
            vv = vbufs[b][pl.ds(g * 16, 16)]
            for i in range(16):
                e = g * 16 + i
                v = vv[i]
                for j in range(D // 16):
                    sl = pl.ds(j * 16, 16)
                    bufs[b][e, sl] = bufs[b][e, sl] * v
            return inner

        lax.fori_loop(0, K // 16, _edge16, 0)
        pltpu.sync_copy(bufs[b], acc.at[rbufs[b]], add=True)

    for b in range(NB):
        _idx_dma(b, b)
    for b in range(NB - 1):
        _idx_wait(b)
        _gather(b)

    def _round(p, carry):
        for b in range(NB):
            k = NB * p + b
            _gwait(b)
            _idx_wait((b + NB - 1) % NB)
            _gather((b + NB - 1) % NB)
            _process(b)
            _idx_dma(jnp.minimum(k + NB, CH - 1), b)
        return carry

    lax.fori_loop(0, CH // NB, _round, 0)
    for i in range(NB - 1):
        _gwait((CH + i) % NB)
    _idx_wait((CH - 1) % NB)

    plsc.subcore_barrier()

    for z in range(5):
        idx = s + z * NS

        @pl.when(idx < N // K)
        def _():
            pltpu.sync_copy(acc.at[pl.ds(idx * K, K)],
                            out_hbm.at[pl.ds(c * N + idx * K, K)])

    @pl.when(s == 0)
    def _():
        pltpu.sync_copy(acc.at[pl.ds((N // K) * K, N % K)],
                        out_hbm.at[pl.ds(c * N + (N // K) * K, N % K)])


def _add_body(a_ref, b_ref, o_ref):
    o_ref[...] = a_ref[...] + b_ref[...]


def _combine_partials(partial):
    br = 400
    grid = N // br
    return pl.pallas_call(
        _add_body,
        out_shape=jax.ShapeDtypeStruct((N, D), jnp.float32),
        grid=(grid,),
        in_specs=[
            pl.BlockSpec((br, D), lambda i: (i, 0)),
            pl.BlockSpec((br, D), lambda i: (i + grid, 0)),
        ],
        out_specs=pl.BlockSpec((br, D), lambda i: (i, 0)),
    )(partial, partial)


def kernel(adj_indices, adj_values, x):
    row = adj_indices[0]
    col = adj_indices[1]
    e = adj_values.shape[0]
    ep = NW * CH * K
    pad = ep - e
    row_p = jnp.concatenate([row, jnp.zeros((pad,), jnp.int32)])
    col_p = jnp.concatenate([col, jnp.zeros((pad,), jnp.int32)])
    val_p = jnp.concatenate([adj_values, jnp.zeros((pad,), jnp.float32)])
    partial = _sc_spmm(row_p, col_p, val_p, x)
    return _combine_partials(partial)

# --- scband reference (transcript-rebuilt; emitter-appended) ---
"""Pipeline reference for scband-gcnlayer-30116310680316 (READ-ONLY COPY).

The authoritative reference and input builder live on the scoring server;
editing this copy changes nothing except your own understanding.
"""

import jax, jax.numpy as jnp
import numpy as np

N = 10000
E = 320000
D = 128

def setup_inputs(seed: int = 0) -> dict:
    key = jax.random.key(seed)
    k1, k2, k3 = jax.random.split(key, 3)
    # COO representation of the sparse adjacency matrix adj[N, N]
    adj_indices = jax.random.randint(k1, (2, E), 0, N, dtype=jnp.int32)
    adj_values = jax.random.uniform(k2, (E,), dtype=jnp.float32)
    x = jax.random.normal(k3, (N, D), dtype=jnp.float32)
    return {"adj_indices": adj_indices, "adj_values": adj_values, "x": x}

def reference(adj_indices, adj_values, x):
    # torch.sparse.mm(adj, x): out[r] = sum_c adj[r, c] * x[c]
    row = adj_indices[0]
    col = adj_indices[1]
    gathered = jnp.take(x, col, axis=0) * adj_values[:, None]
    out = jax.ops.segment_sum(gathered, row, num_segments=N)
    return out

if __name__ == "__main__":
    import jax
    _d = setup_inputs()
    print(jax.jit(kernel)(*tuple(_d.values())))

</pallas_src>

<mosaic_0001>
#map = affine_map<(d0, d1) -> (0)>
#map1 = affine_map<(d0, d1) -> (0, 0)>
module attributes {stable_mosaic.version = 14 : i64} {
  func.func @_sc_spmm(%arg0: i32, %arg1: i32, %arg2: memref<327680xi32, #tpu.memory_space<hbm>>, %arg3: memref<327680xi32, #tpu.memory_space<hbm>>, %arg4: memref<327680xf32, #tpu.memory_space<hbm>>, %arg5: memref<10000x128xf32, #tpu.memory_space<hbm>>, %arg6: memref<20000x128xf32, #tpu.memory_space<hbm>>, %arg7: memref<128xi32, #tpu.memory_space<vmem>>, %arg8: memref<128xi32, #tpu.memory_space<vmem>>, %arg9: memref<128xi32, #tpu.memory_space<vmem>>, %arg10: memref<128xi32, #tpu.memory_space<vmem>>, %arg11: memref<128xf32, #tpu.memory_space<vmem>>, %arg12: memref<128xf32, #tpu.memory_space<vmem>>, %arg13: memref<128x128xf32, #tpu.memory_space<vmem>>, %arg14: memref<128x128xf32, #tpu.memory_space<vmem>>, %arg15: memref<10000x128xf32, #tpu.memory_space<vmem_shared>>, %arg16: memref<!tpu.dma_semaphore, #tpu.memory_space<semaphore_mem>>, %arg17: memref<!tpu.dma_semaphore, #tpu.memory_space<semaphore_mem>>, %arg18: memref<!tpu.dma_semaphore, #tpu.memory_space<semaphore_mem>>, %arg19: memref<!tpu.dma_semaphore, #tpu.memory_space<semaphore_mem>>) attributes {dimension_semantics = [#tpu.dimension_semantics<core_parallel>, #tpu.dimension_semantics<subcore_parallel>], iteration_bounds = array<i64: 2, 16>, scalar_prefetch = 0 : i64, scratch_operands = 13 : i64, tpu.core_type = #tpu.core_type<sc_vector_subcore>, window_params = [{transform_indices = #map}, {transform_indices = #map}, {transform_indices = #map}, {transform_indices = #map1}, {transform_indices = #map1}]} {
    %mul3A = arith.constant 2 : i32
    %mul3A_0 = arith.muli %arg1, %mul3A : i32
    %add3A = arith.addi %mul3A_0, %arg0 : i32
    %mul3A_1 = arith.constant 80 : i32
    %mul3A_2 = arith.muli %add3A, %mul3A_1 : i32
    %mul3A_3 = arith.constant 128 : i32
    %mul3A_4 = arith.muli %mul3A_2, %mul3A_3 : i32
    %scan3A = arith.constant 0 : i32
    %scan3A_5 = arith.constant 0 : i32
    %scan3A_6 = arith.constant 128 : i32
    %scan3A_7 = arith.addi %scan3A_5, %scan3A_6 : i32
    %scan3A_8 = arith.constant 1 : i32
    scf.for %scan3A_137 = %scan3A_5 to %scan3A_7 step %scan3A_8  : i32 {
      %broadcast_in_dim3A = arith.constant 0.000000e+00 : f32
      %broadcast_in_dim3A_138 = vector.broadcast %broadcast_in_dim3A : f32 to vector<16xf32>
      %swap3A = arith.index_cast %scan3A_137 : i32 to index
      %swap3A_139 = arith.constant 0 : index
      %swap3A_140 = tpu.vector_load %arg13[%swap3A, %swap3A_139] {strides = array<i32>} : memref<128x128xf32, #tpu.memory_space<vmem>>, vector<1x16xf32>,
      %swap3A_141 = vector.shape_cast %swap3A_140 : vector<1x16xf32> to vector<16xf32>
      %swap3A_142 = vector.shape_cast %broadcast_in_dim3A_138 : vector<16xf32> to vector<1x16xf32>
      tpu.vector_store %arg13[%swap3A, %swap3A_139], %swap3A_142 {strides = array<i32>} : memref<128x128xf32, #tpu.memory_space<vmem>>, vector<1x16xf32>,
      %broadcast_in_dim3A_143 = arith.constant 0.000000e+00 : f32
      %broadcast_in_dim3A_144 = vector.broadcast %broadcast_in_dim3A_143 : f32 to vector<16xf32>
      %swap3A_145 = arith.index_cast %scan3A_137 : i32 to index
      %swap3A_146 = arith.constant 16 : index
      %swap3A_147 = tpu.vector_load %arg13[%swap3A_145, %swap3A_146] {strides = array<i32>} : memref<128x128xf32, #tpu.memory_space<vmem>>, vector<1x16xf32>,
      %swap3A_148 = vector.shape_cast %swap3A_147 : vector<1x16xf32> to vector<16xf32>
      %swap3A_149 = vector.shape_cast %broadcast_in_dim3A_144 : vector<16xf32> to vector<1x16xf32>
      tpu.vector_store %arg13[%swap3A_145, %swap3A_146], %swap3A_149 {strides = array<i32>} : memref<128x128xf32, #tpu.memory_space<vmem>>, vector<1x16xf32>,
      %broadcast_in_dim3A_150 = arith.constant 0.000000e+00 : f32
      %broadcast_in_dim3A_151 = vector.broadcast %broadcast_in_dim3A_150 : f32 to vector<16xf32>
      %swap3A_152 = arith.index_cast %scan3A_137 : i32 to index
      %swap3A_153 = arith.constant 32 : index
      %swap3A_154 = tpu.vector_load %arg13[%swap3A_152, %swap3A_153] {strides = array<i32>} : memref<128x128xf32, #tpu.memory_space<vmem>>, vector<1x16xf32>,
      %swap3A_155 = vector.shape_cast %swap3A_154 : vector<1x16xf32> to vector<16xf32>
      %swap3A_156 = vector.shape_cast %broadcast_in_dim3A_151 : vector<16xf32> to vector<1x16xf32>
      tpu.vector_store %arg13[%swap3A_152, %swap3A_153], %swap3A_156 {strides = array<i32>} : memref<128x128xf32, #tpu.memory_space<vmem>>, vector<1x16xf32>,
      %broadcast_in_dim3A_157 = arith.constant 0.000000e+00 : f32
      %broadcast_in_dim3A_158 = vector.broadcast %broadcast_in_dim3A_157 : f32 to vector<16xf32>
      %swap3A_159 = arith.index_cast %scan3A_137 : i32 to index
      %swap3A_160 = arith.constant 48 : index
      %swap3A_161 = tpu.vector_load %arg13[%swap3A_159, %swap3A_160] {strides = array<i32>} : memref<128x128xf32, #tpu.memory_space<vmem>>, vector<1x16xf32>,
      %swap3A_162 = vector.shape_cast %swap3A_161 : vector<1x16xf32> to vector<16xf32>
      %swap3A_163 = vector.shape_cast %broadcast_in_dim3A_158 : vector<16xf32> to vector<1x16xf32>
      tpu.vector_store %arg13[%swap3A_159, %swap3A_160], %swap3A_163 {strides = array<i32>} : memref<128x128xf32, #tpu.memory_space<vmem>>, vector<1x16xf32>,
      %broadcast_in_dim3A_164 = arith.constant 0.000000e+00 : f32
      %broadcast_in_dim3A_165 = vector.broadcast %broadcast_in_dim3A_164 : f32 to vector<16xf32>
      %swap3A_166 = arith.index_cast %scan3A_137 : i32 to index
      %swap3A_167 = arith.constant 64 : index
      %swap3A_168 = tpu.vector_load %arg13[%swap3A_166, %swap3A_167] {strides = array<i32>} : memref<128x128xf32, #tpu.memory_space<vmem>>, vector<1x16xf32>,
      %swap3A_169 = vector.shape_cast %swap3A_168 : vector<1x16xf32> to vector<16xf32>
      %swap3A_170 = vector.shape_cast %broadcast_in_dim3A_165 : vector<16xf32> to vector<1x16xf32>
      tpu.vector_store %arg13[%swap3A_166, %swap3A_167], %swap3A_170 {strides = array<i32>} : memref<128x128xf32, #tpu.memory_space<vmem>>, vector<1x16xf32>,
      %broadcast_in_dim3A_171 = arith.constant 0.000000e+00 : f32
      %broadcast_in_dim3A_172 = vector.broadcast %broadcast_in_dim3A_171 : f32 to vector<16xf32>
      %swap3A_173 = arith.index_cast %scan3A_137 : i32 to index
      %swap3A_174 = arith.constant 80 : index
      %swap3A_175 = tpu.vector_load %arg13[%swap3A_173, %swap3A_174] {strides = array<i32>} : memref<128x128xf32, #tpu.memory_space<vmem>>, vector<1x16xf32>,
      %swap3A_176 = vector.shape_cast %swap3A_175 : vector<1x16xf32> to vector<16xf32>
      %swap3A_177 = vector.shape_cast %broadcast_in_dim3A_172 : vector<16xf32> to vector<1x16xf32>
      tpu.vector_store %arg13[%swap3A_173, %swap3A_174], %swap3A_177 {strides = array<i32>} : memref<128x128xf32, #tpu.memory_space<vmem>>, vector<1x16xf32>,
      %broadcast_in_dim3A_178 = arith.constant 0.000000e+00 : f32
      %broadcast_in_dim3A_179 = vector.broadcast %broadcast_in_dim3A_178 : f32 to vector<16xf32>
      %swap3A_180 = arith.index_cast %scan3A_137 : i32 to index
      %swap3A_181 = arith.constant 96 : index
      %swap3A_182 = tpu.vector_load %arg13[%swap3A_180, %swap3A_181] {strides = array<i32>} : memref<128x128xf32, #tpu.memory_space<vmem>>, vector<1x16xf32>,
      %swap3A_183 = vector.shape_cast %swap3A_182 : vector<1x16xf32> to vector<16xf32>
      %swap3A_184 = vector.shape_cast %broadcast_in_dim3A_179 : vector<16xf32> to vector<1x16xf32>
      tpu.vector_store %arg13[%swap3A_180, %swap3A_181], %swap3A_184 {strides = array<i32>} : memref<128x128xf32, #tpu.memory_space<vmem>>, vector<1x16xf32>,
      %broadcast_in_dim3A_185 = arith.constant 0.000000e+00 : f32
      %broadcast_in_dim3A_186 = vector.broadcast %broadcast_in_dim3A_185 : f32 to vector<16xf32>
      %swap3A_187 = arith.index_cast %scan3A_137 : i32 to index
      %swap3A_188 = arith.constant 112 : index
      %swap3A_189 = tpu.vector_load %arg13[%swap3A_187, %swap3A_188] {strides = array<i32>} : memref<128x128xf32, #tpu.memory_space<vmem>>, vector<1x16xf32>,
      %swap3A_190 = vector.shape_cast %swap3A_189 : vector<1x16xf32> to vector<16xf32>
      %swap3A_191 = vector.shape_cast %broadcast_in_dim3A_186 : vector<16xf32> to vector<1x16xf32>
      tpu.vector_store %arg13[%swap3A_187, %swap3A_188], %swap3A_191 {strides = array<i32>} : memref<128x128xf32, #tpu.memory_space<vmem>>, vector<1x16xf32>,
    }
    %scan3A_9 = arith.constant 128 : i32
    %add3A_10 = arith.constant 0 : i32
    %add3A_11 = arith.addi %arg1, %add3A_10 : i32
    %lt3A = arith.constant 78 : i32
    %lt3A_12 = arith.cmpi slt, %add3A_11, %lt3A : i32
    %convert_element_type3A = arith.extui %lt3A_12 : i1 to i32
    %cond3A = arith.constant 0 : i32
    %cond3A_13 = arith.cmpi ne, %convert_element_type3A, %cond3A : i32
    scf.if %cond3A_13 {
      %mul3A_137 = arith.constant 128 : i32
      %mul3A_138 = arith.muli %add3A_11, %mul3A_137 : i32
      "tpu.region"() ({
        %run_scoped3A = tpu.sem_alloc : memref<!tpu.dma_semaphore, #tpu.memory_space<semaphore_mem>>
        %dma_start3A_139 = arith.constant 0 : i32
        %dma_start3A_140 = tpu.memref_slice %arg15[%mul3A_138, %dma_start3A_139] : memref<10000x128xf32, #tpu.memory_space<vmem_shared>> -> memref<128x128xf32, #tpu.memory_space<vmem_shared>>
        %dma_start3A_141 = arith.constant 0 : i32
        %dma_start3A_142 = tpu.memref_slice %arg15[%mul3A_138, %dma_start3A_141] : memref<10000x128xf32, #tpu.memory_space<vmem_shared>> -> memref<128x128xf32, #tpu.memory_space<vmem_shared>>
        tpu.enqueue_dma source(%arg13 : memref<128x128xf32, #tpu.memory_space<vmem>>) target(%dma_start3A_142 : memref<128x128xf32, #tpu.memory_space<vmem_shared>>) target_semaphore(%run_scoped3A : memref<!tpu.dma_semaphore, #tpu.memory_space<semaphore_mem>>)
        %dma_wait3A_143 = arith.constant 0 : i32
        %dma_wait3A_144 = tpu.memref_slice %arg15[%mul3A_138, %dma_wait3A_143] : memref<10000x128xf32, #tpu.memory_space<vmem_shared>> -> memref<128x128xf32, #tpu.memory_space<vmem_shared>>
        %dma_wait3A_145 = arith.constant 0 : i32
        %dma_wait3A_146 = tpu.memref_slice %arg15[%mul3A_138, %dma_wait3A_145] : memref<10000x128xf32, #tpu.memory_space<vmem_shared>> -> memref<128x128xf32, #tpu.memory_space<vmem_shared>>
        tpu.wait_dma2 semaphore(%run_scoped3A : memref<!tpu.dma_semaphore, #tpu.memory_space<semaphore_mem>>) src(%arg13 : memref<128x128xf32, #tpu.memory_space<vmem>>) dst(%dma_wait3A_146 : memref<128x128xf32, #tpu.memory_space<vmem_shared>>)
        tpu.yield
      }) : () -> ()
    } else {
    }
    %add3A_14 = arith.constant 16 : i32
    %add3A_15 = arith.addi %arg1, %add3A_14 : i32
    %lt3A_16 = arith.constant 78 : i32
    %lt3A_17 = arith.cmpi slt, %add3A_15, %lt3A_16 : i32
    %convert_element_type3A_18 = arith.extui %lt3A_17 : i1 to i32
    %cond3A_19 = arith.constant 0 : i32
    %cond3A_20 = arith.cmpi ne, %convert_element_type3A_18, %cond3A_19 : i32
    scf.if %cond3A_20 {
      %mul3A_137 = arith.constant 128 : i32
      %mul3A_138 = arith.muli %add3A_15, %mul3A_137 : i32
      "tpu.region"() ({
        %run_scoped3A = tpu.sem_alloc : memref<!tpu.dma_semaphore, #tpu.memory_space<semaphore_mem>>
        %dma_start3A_139 = arith.constant 0 : i32
        %dma_start3A_140 = tpu.memref_slice %arg15[%mul3A_138, %dma_start3A_139] : memref<10000x128xf32, #tpu.memory_space<vmem_shared>> -> memref<128x128xf32, #tpu.memory_space<vmem_shared>>
        %dma_start3A_141 = arith.constant 0 : i32
        %dma_start3A_142 = tpu.memref_slice %arg15[%mul3A_138, %dma_start3A_141] : memref<10000x128xf32, #tpu.memory_space<vmem_shared>> -> memref<128x128xf32, #tpu.memory_space<vmem_shared>>
        tpu.enqueue_dma source(%arg13 : memref<128x128xf32, #tpu.memory_space<vmem>>) target(%dma_start3A_142 : memref<128x128xf32, #tpu.memory_space<vmem_shared>>) target_semaphore(%run_scoped3A : memref<!tpu.dma_semaphore, #tpu.memory_space<semaphore_mem>>)
        %dma_wait3A_143 = arith.constant 0 : i32
        %dma_wait3A_144 = tpu.memref_slice %arg15[%mul3A_138, %dma_wait3A_143] : memref<10000x128xf32, #tpu.memory_space<vmem_shared>> -> memref<128x128xf32, #tpu.memory_space<vmem_shared>>
        %dma_wait3A_145 = arith.constant 0 : i32
        %dma_wait3A_146 = tpu.memref_slice %arg15[%mul3A_138, %dma_wait3A_145] : memref<10000x128xf32, #tpu.memory_space<vmem_shared>> -> memref<128x128xf32, #tpu.memory_space<vmem_shared>>
        tpu.wait_dma2 semaphore(%run_scoped3A : memref<!tpu.dma_semaphore, #tpu.memory_space<semaphore_mem>>) src(%arg13 : memref<128x128xf32, #tpu.memory_space<vmem>>) dst(%dma_wait3A_146 : memref<128x128xf32, #tpu.memory_space<vmem_shared>>)
        tpu.yield
      }) : () -> ()
    } else {
    }
    %add3A_21 = arith.constant 32 : i32
    %add3A_22 = arith.addi %arg1, %add3A_21 : i32
    %lt3A_23 = arith.constant 78 : i32
    %lt3A_24 = arith.cmpi slt, %add3A_22, %lt3A_23 : i32
    %convert_element_type3A_25 = arith.extui %lt3A_24 : i1 to i32
    %cond3A_26 = arith.constant 0 : i32
    %cond3A_27 = arith.cmpi ne, %convert_element_type3A_25, %cond3A_26 : i32
    scf.if %cond3A_27 {
      %mul3A_137 = arith.constant 128 : i32
      %mul3A_138 = arith.muli %add3A_22, %mul3A_137 : i32
      "tpu.region"() ({
        %run_scoped3A = tpu.sem_alloc : memref<!tpu.dma_semaphore, #tpu.memory_space<semaphore_mem>>
        %dma_start3A_139 = arith.constant 0 : i32
        %dma_start3A_140 = tpu.memref_slice %arg15[%mul3A_138, %dma_start3A_139] : memref<10000x128xf32, #tpu.memory_space<vmem_shared>> -> memref<128x128xf32, #tpu.memory_space<vmem_shared>>
        %dma_start3A_141 = arith.constant 0 : i32
        %dma_start3A_142 = tpu.memref_slice %arg15[%mul3A_138, %dma_start3A_141] : memref<10000x128xf32, #tpu.memory_space<vmem_shared>> -> memref<128x128xf32, #tpu.memory_space<vmem_shared>>
        tpu.enqueue_dma source(%arg13 : memref<128x128xf32, #tpu.memory_space<vmem>>) target(%dma_start3A_142 : memref<128x128xf32, #tpu.memory_space<vmem_shared>>) target_semaphore(%run_scoped3A : memref<!tpu.dma_semaphore, #tpu.memory_space<semaphore_mem>>)
        %dma_wait3A_143 = arith.constant 0 : i32
        %dma_wait3A_144 = tpu.memref_slice %arg15[%mul3A_138, %dma_wait3A_143] : memref<10000x128xf32, #tpu.memory_space<vmem_shared>> -> memref<128x128xf32, #tpu.memory_space<vmem_shared>>
        %dma_wait3A_145 = arith.constant 0 : i32
        %dma_wait3A_146 = tpu.memref_slice %arg15[%mul3A_138, %dma_wait3A_145] : memref<10000x128xf32, #tpu.memory_space<vmem_shared>> -> memref<128x128xf32, #tpu.memory_space<vmem_shared>>
        tpu.wait_dma2 semaphore(%run_scoped3A : memref<!tpu.dma_semaphore, #tpu.memory_space<semaphore_mem>>) src(%arg13 : memref<128x128xf32, #tpu.memory_space<vmem>>) dst(%dma_wait3A_146 : memref<128x128xf32, #tpu.memory_space<vmem_shared>>)
        tpu.yield
      }) : () -> ()
    } else {
    }
    %add3A_28 = arith.constant 48 : i32
    %add3A_29 = arith.addi %arg1, %add3A_28 : i32
    %lt3A_30 = arith.constant 78 : i32
    %lt3A_31 = arith.cmpi slt, %add3A_29, %lt3A_30 : i32
    %convert_element_type3A_32 = arith.extui %lt3A_31 : i1 to i32
    %cond3A_33 = arith.constant 0 : i32
    %cond3A_34 = arith.cmpi ne, %convert_element_type3A_32, %cond3A_33 : i32
    scf.if %cond3A_34 {
      %mul3A_137 = arith.constant 128 : i32
      %mul3A_138 = arith.muli %add3A_29, %mul3A_137 : i32
      "tpu.region"() ({
        %run_scoped3A = tpu.sem_alloc : memref<!tpu.dma_semaphore, #tpu.memory_space<semaphore_mem>>
        %dma_start3A_139 = arith.constant 0 : i32
        %dma_start3A_140 = tpu.memref_slice %arg15[%mul3A_138, %dma_start3A_139] : memref<10000x128xf32, #tpu.memory_space<vmem_shared>> -> memref<128x128xf32, #tpu.memory_space<vmem_shared>>
        %dma_start3A_141 = arith.constant 0 : i32
        %dma_start3A_142 = tpu.memref_slice %arg15[%mul3A_138, %dma_start3A_141] : memref<10000x128xf32, #tpu.memory_space<vmem_shared>> -> memref<128x128xf32, #tpu.memory_space<vmem_shared>>
        tpu.enqueue_dma source(%arg13 : memref<128x128xf32, #tpu.memory_space<vmem>>) target(%dma_start3A_142 : memref<128x128xf32, #tpu.memory_space<vmem_shared>>) target_semaphore(%run_scoped3A : memref<!tpu.dma_semaphore, #tpu.memory_space<semaphore_mem>>)
        %dma_wait3A_143 = arith.constant 0 : i32
        %dma_wait3A_144 = tpu.memref_slice %arg15[%mul3A_138, %dma_wait3A_143] : memref<10000x128xf32, #tpu.memory_space<vmem_shared>> -> memref<128x128xf32, #tpu.memory_space<vmem_shared>>
        %dma_wait3A_145 = arith.constant 0 : i32
        %dma_wait3A_146 = tpu.memref_slice %arg15[%mul3A_138, %dma_wait3A_145] : memref<10000x128xf32, #tpu.memory_space<vmem_shared>> -> memref<128x128xf32, #tpu.memory_space<vmem_shared>>
        tpu.wait_dma2 semaphore(%run_scoped3A : memref<!tpu.dma_semaphore, #tpu.memory_space<semaphore_mem>>) src(%arg13 : memref<128x128xf32, #tpu.memory_space<vmem>>) dst(%dma_wait3A_146 : memref<128x128xf32, #tpu.memory_space<vmem_shared>>)
        tpu.yield
      }) : () -> ()
    } else {
    }
    %add3A_35 = arith.constant 64 : i32
    %add3A_36 = arith.addi %arg1, %add3A_35 : i32
    %lt3A_37 = arith.constant 78 : i32
    %lt3A_38 = arith.cmpi slt, %add3A_36, %lt3A_37 : i32
    %convert_element_type3A_39 = arith.extui %lt3A_38 : i1 to i32
    %cond3A_40 = arith.constant 0 : i32
    %cond3A_41 = arith.cmpi ne, %convert_element_type3A_39, %cond3A_40 : i32
    scf.if %cond3A_41 {
      %mul3A_137 = arith.constant 128 : i32
      %mul3A_138 = arith.muli %add3A_36, %mul3A_137 : i32
      "tpu.region"() ({
        %run_scoped3A = tpu.sem_alloc : memref<!tpu.dma_semaphore, #tpu.memory_space<semaphore_mem>>
        %dma_start3A_139 = arith.constant 0 : i32
        %dma_start3A_140 = tpu.memref_slice %arg15[%mul3A_138, %dma_start3A_139] : memref<10000x128xf32, #tpu.memory_space<vmem_shared>> -> memref<128x128xf32, #tpu.memory_space<vmem_shared>>
        %dma_start3A_141 = arith.constant 0 : i32
        %dma_start3A_142 = tpu.memref_slice %arg15[%mul3A_138, %dma_start3A_141] : memref<10000x128xf32, #tpu.memory_space<vmem_shared>> -> memref<128x128xf32, #tpu.memory_space<vmem_shared>>
        tpu.enqueue_dma source(%arg13 : memref<128x128xf32, #tpu.memory_space<vmem>>) target(%dma_start3A_142 : memref<128x128xf32, #tpu.memory_space<vmem_shared>>) target_semaphore(%run_scoped3A : memref<!tpu.dma_semaphore, #tpu.memory_space<semaphore_mem>>)
        %dma_wait3A_143 = arith.constant 0 : i32
        %dma_wait3A_144 = tpu.memref_slice %arg15[%mul3A_138, %dma_wait3A_143] : memref<10000x128xf32, #tpu.memory_space<vmem_shared>> -> memref<128x128xf32, #tpu.memory_space<vmem_shared>>
        %dma_wait3A_145 = arith.constant 0 : i32
        %dma_wait3A_146 = tpu.memref_slice %arg15[%mul3A_138, %dma_wait3A_145] : memref<10000x128xf32, #tpu.memory_space<vmem_shared>> -> memref<128x128xf32, #tpu.memory_space<vmem_shared>>
        tpu.wait_dma2 semaphore(%run_scoped3A : memref<!tpu.dma_semaphore, #tpu.memory_space<semaphore_mem>>) src(%arg13 : memref<128x128xf32, #tpu.memory_space<vmem>>) dst(%dma_wait3A_146 : memref<128x128xf32, #tpu.memory_space<vmem_shared>>)
        tpu.yield
      }) : () -> ()
    } else {
    }
    %eq3A = arith.constant 0 : i32
    %eq3A_42 = arith.cmpi eq, %arg1, %eq3A : i32
    %convert_element_type3A_43 = arith.extui %eq3A_42 : i1 to i32
    %cond3A_44 = arith.constant 0 : i32
    %cond3A_45 = arith.cmpi ne, %convert_element_type3A_43, %cond3A_44 : i32
    scf.if %cond3A_45 {
      "tpu.region"() ({
        %run_scoped3A = tpu.sem_alloc : memref<!tpu.dma_semaphore, #tpu.memory_space<semaphore_mem>>
        %dma_start3A_137 = arith.constant 0 : i32
        %dma_start3A_138 = arith.constant 0 : i32
        %dma_start3A_139 = tpu.memref_slice %arg13[%dma_start3A_137, %dma_start3A_138] : memref<128x128xf32, #tpu.memory_space<vmem>> -> memref<16x128xf32, #tpu.memory_space<vmem>>
        %dma_start3A_140 = arith.constant 9984 : i32
        %dma_start3A_141 = arith.constant 0 : i32
        %dma_start3A_142 = tpu.memref_slice %arg15[%dma_start3A_140, %dma_start3A_141] : memref<10000x128xf32, #tpu.memory_space<vmem_shared>> -> memref<16x128xf32, #tpu.memory_space<vmem_shared>>
        %dma_start3A_143 = arith.constant 9984 : i32
        %dma_start3A_144 = arith.constant 0 : i32
        %dma_start3A_145 = tpu.memref_slice %arg15[%dma_start3A_143, %dma_start3A_144] : memref<10000x128xf32, #tpu.memory_space<vmem_shared>> -> memref<16x128xf32, #tpu.memory_space<vmem_shared>>
        %dma_start3A_146 = arith.constant 0 : i32
        %dma_start3A_147 = arith.constant 0 : i32
        %dma_start3A_148 = tpu.memref_slice %arg13[%dma_start3A_146, %dma_start3A_147] : memref<128x128xf32, #tpu.memory_space<vmem>> -> memref<16x128xf32, #tpu.memory_space<vmem>>
        tpu.enqueue_dma source(%dma_start3A_148 : memref<16x128xf32, #tpu.memory_space<vmem>>) target(%dma_start3A_145 : memref<16x128xf32, #tpu.memory_space<vmem_shared>>) target_semaphore(%run_scoped3A : memref<!tpu.dma_semaphore, #tpu.memory_space<semaphore_mem>>)
        %dma_wait3A_149 = arith.constant 0 : i32
        %dma_wait3A_150 = arith.constant 0 : i32
        %dma_wait3A_151 = tpu.memref_slice %arg13[%dma_wait3A_149, %dma_wait3A_150] : memref<128x128xf32, #tpu.memory_space<vmem>> -> memref<16x128xf32, #tpu.memory_space<vmem>>
        %dma_wait3A_152 = arith.constant 9984 : i32
        %dma_wait3A_153 = arith.constant 0 : i32
        %dma_wait3A_154 = tpu.memref_slice %arg15[%dma_wait3A_152, %dma_wait3A_153] : memref<10000x128xf32, #tpu.memory_space<vmem_shared>> -> memref<16x128xf32, #tpu.memory_space<vmem_shared>>
        %dma_wait3A_155 = arith.constant 9984 : i32
        %dma_wait3A_156 = arith.constant 0 : i32
        %dma_wait3A_157 = tpu.memref_slice %arg15[%dma_wait3A_155, %dma_wait3A_156] : memref<10000x128xf32, #tpu.memory_space<vmem_shared>> -> memref<16x128xf32, #tpu.memory_space<vmem_shared>>
        %dma_wait3A_158 = arith.constant 0 : i32
        %dma_wait3A_159 = arith.constant 0 : i32
        %dma_wait3A_160 = tpu.memref_slice %arg13[%dma_wait3A_158, %dma_wait3A_159] : memref<128x128xf32, #tpu.memory_space<vmem>> -> memref<16x128xf32, #tpu.memory_space<vmem>>
        tpu.wait_dma2 semaphore(%run_scoped3A : memref<!tpu.dma_semaphore, #tpu.memory_space<semaphore_mem>>) src(%dma_wait3A_160 : memref<16x128xf32, #tpu.memory_space<vmem>>) dst(%dma_wait3A_157 : memref<16x128xf32, #tpu.memory_space<vmem_shared>>)
        tpu.yield
      }) : () -> ()
    } else {
    }
    %barrier3A = arith.constant 0 : index
    tpu.barrier barrier_id(%barrier3A)
    %add3A_46 = arith.constant 0 : i32
    %add3A_47 = arith.addi %mul3A_4, %add3A_46 : i32
    %dma_start3A = tpu.memref_slice %arg3[%add3A_47] : memref<327680xi32, #tpu.memory_space<hbm>> -> memref<128xi32, #tpu.memory_space<hbm>>
    %dma_start3A_48 = tpu.memref_slice %arg3[%add3A_47] : memref<327680xi32, #tpu.memory_space<hbm>> -> memref<128xi32, #tpu.memory_space<hbm>>
    tpu.enqueue_dma source(%dma_start3A_48 : memref<128xi32, #tpu.memory_space<hbm>>) target(%arg7 : memref<128xi32, #tpu.memory_space<vmem>>) target_semaphore(%arg16 : memref<!tpu.dma_semaphore, #tpu.memory_space<semaphore_mem>>)
    %dma_start3A_49 = tpu.memref_slice %arg2[%add3A_47] : memref<327680xi32, #tpu.memory_space<hbm>> -> memref<128xi32, #tpu.memory_space<hbm>>
    %dma_start3A_50 = tpu.memref_slice %arg2[%add3A_47] : memref<327680xi32, #tpu.memory_space<hbm>> -> memref<128xi32, #tpu.memory_space<hbm>>
    tpu.enqueue_dma source(%dma_start3A_50 : memref<128xi32, #tpu.memory_space<hbm>>) target(%arg9 : memref<128xi32, #tpu.memory_space<vmem>>) target_semaphore(%arg16 : memref<!tpu.dma_semaphore, #tpu.memory_space<semaphore_mem>>)
    %dma_start3A_51 = tpu.memref_slice %arg4[%add3A_47] : memref<327680xf32, #tpu.memory_space<hbm>> -> memref<128xf32, #tpu.memory_space<hbm>>
    %dma_start3A_52 = tpu.memref_slice %arg4[%add3A_47] : memref<327680xf32, #tpu.memory_space<hbm>> -> memref<128xf32, #tpu.memory_space<hbm>>
    tpu.enqueue_dma source(%dma_start3A_52 : memref<128xf32, #tpu.memory_space<hbm>>) target(%arg11 : memref<128xf32, #tpu.memory_space<vmem>>) target_semaphore(%arg16 : memref<!tpu.dma_semaphore, #tpu.memory_space<semaphore_mem>>)
    %add3A_53 = arith.constant 128 : i32
    %add3A_54 = arith.addi %mul3A_4, %add3A_53 : i32
    %dma_start3A_55 = tpu.memref_slice %arg3[%add3A_54] : memref<327680xi32, #tpu.memory_space<hbm>> -> memref<128xi32, #tpu.memory_space<hbm>>
    %dma_start3A_56 = tpu.memref_slice %arg3[%add3A_54] : memref<327680xi32, #tpu.memory_space<hbm>> -> memref<128xi32, #tpu.memory_space<hbm>>
    tpu.enqueue_dma source(%dma_start3A_56 : memref<128xi32, #tpu.memory_space<hbm>>) target(%arg8 : memref<128xi32, #tpu.memory_space<vmem>>) target_semaphore(%arg17 : memref<!tpu.dma_semaphore, #tpu.memory_space<semaphore_mem>>)
    %dma_start3A_57 = tpu.memref_slice %arg2[%add3A_54] : memref<327680xi32, #tpu.memory_space<hbm>> -> memref<128xi32, #tpu.memory_space<hbm>>
    %dma_start3A_58 = tpu.memref_slice %arg2[%add3A_54] : memref<327680xi32, #tpu.memory_space<hbm>> -> memref<128xi32, #tpu.memory_space<hbm>>
    tpu.enqueue_dma source(%dma_start3A_58 : memref<128xi32, #tpu.memory_space<hbm>>) target(%arg10 : memref<128xi32, #tpu.memory_space<vmem>>) target_semaphore(%arg17 : memref<!tpu.dma_semaphore, #tpu.memory_space<semaphore_mem>>)
    %dma_start3A_59 = tpu.memref_slice %arg4[%add3A_54] : memref<327680xf32, #tpu.memory_space<hbm>> -> memref<128xf32, #tpu.memory_space<hbm>>
    %dma_start3A_60 = tpu.memref_slice %arg4[%add3A_54] : memref<327680xf32, #tpu.memory_space<hbm>> -> memref<128xf32, #tpu.memory_space<hbm>>
    tpu.enqueue_dma source(%dma_start3A_60 : memref<128xf32, #tpu.memory_space<hbm>>) target(%arg12 : memref<128xf32, #tpu.memory_space<vmem>>) target_semaphore(%arg17 : memref<!tpu.dma_semaphore, #tpu.memory_space<semaphore_mem>>)
    %dma_wait3A = arith.constant 0 : i32
    %dma_wait3A_61 = tpu.memref_slice %arg3[%dma_wait3A] : memref<327680xi32, #tpu.memory_space<hbm>> -> memref<128xi32, #tpu.memory_space<hbm>>
    %dma_wait3A_62 = arith.constant 0 : i32
    %dma_wait3A_63 = tpu.memref_slice %arg3[%dma_wait3A_62] : memref<327680xi32, #tpu.memory_space<hbm>> -> memref<128xi32, #tpu.memory_space<hbm>>
    tpu.wait_dma2 semaphore(%arg16 : memref<!tpu.dma_semaphore, #tpu.memory_space<semaphore_mem>>) src(%dma_wait3A_63 : memref<128xi32, #tpu.memory_space<hbm>>) dst(%arg7 : memref<128xi32, #tpu.memory_space<vmem>>)
    %dma_wait3A_64 = arith.constant 0 : i32
    %dma_wait3A_65 = tpu.memref_slice %arg2[%dma_wait3A_64] : memref<327680xi32, #tpu.memory_space<hbm>> -> memref<128xi32, #tpu.memory_space<hbm>>
    %dma_wait3A_66 = arith.constant 0 : i32
    %dma_wait3A_67 = tpu.memref_slice %arg2[%dma_wait3A_66] : memref<327680xi32, #tpu.memory_space<hbm>> -> memref<128xi32, #tpu.memory_space<hbm>>
    tpu.wait_dma2 semaphore(%arg16 : memref<!tpu.dma_semaphore, #tpu.memory_space<semaphore_mem>>) src(%dma_wait3A_67 : memref<128xi32, #tpu.memory_space<hbm>>) dst(%arg9 : memref<128xi32, #tpu.memory_space<vmem>>)
    %dma_wait3A_68 = arith.constant 0 : i32
    %dma_wait3A_69 = tpu.memref_slice %arg4[%dma_wait3A_68] : memref<327680xf32, #tpu.memory_space<hbm>> -> memref<128xf32, #tpu.memory_space<hbm>>
    %dma_wait3A_70 = arith.constant 0 : i32
    %dma_wait3A_71 = tpu.memref_slice %arg4[%dma_wait3A_70] : memref<327680xf32, #tpu.memory_space<hbm>> -> memref<128xf32, #tpu.memory_space<hbm>>
    tpu.wait_dma2 semaphore(%arg16 : memref<!tpu.dma_semaphore, #tpu.memory_space<semaphore_mem>>) src(%dma_wait3A_71 : memref<128xf32, #tpu.memory_space<hbm>>) dst(%arg11 : memref<128xf32, #tpu.memory_space<vmem>>)
    %dma_start3A_72 = arith.constant 0 : i32
    %dma_start3A_73 = arith.constant 0 : i32
    %dma_start3A_74 = tpu.memref_slice %arg5[%dma_start3A_72, %dma_start3A_73] : memref<10000x128xf32, #tpu.memory_space<hbm>> -> memref<10000x128xf32, #tpu.memory_space<hbm>>
    tpu.enqueue_indirect_dma source(%dma_start3A_74 : memref<10000x128xf32, #tpu.memory_space<hbm>>) target(%arg13 : memref<128x128xf32, #tpu.memory_space<vmem>>) offsets(%arg7 : memref<128xi32, #tpu.memory_space<vmem>>) semaphore(%arg18 : memref<!tpu.dma_semaphore, #tpu.memory_space<semaphore_mem>>)
    %scan3A_75 = arith.constant 0 : i32
    %scan3A_76 = arith.constant 0 : i32
    %scan3A_77 = arith.constant 40 : i32
    %scan3A_78 = arith.addi %scan3A_76, %scan3A_77 : i32
    %scan3A_79 = arith.constant 1 : i32
    scf.for %scan3A_137 = %scan3A_76 to %scan3A_78 step %scan3A_79  : i32 {
      %mul3A_138 = arith.constant 2 : i32
      %mul3A_139 = arith.muli %mul3A_138, %scan3A_137 : i32
      %add3A_140 = arith.constant 0 : i32
      %add3A_141 = arith.addi %mul3A_139, %add3A_140 : i32
      %dma_wait3A_142 = arith.constant 0 : i32
      %dma_wait3A_143 = arith.constant 0 : i32
      %dma_wait3A_144 = tpu.memref_slice %arg5[%dma_wait3A_142, %dma_wait3A_143] : memref<10000x128xf32, #tpu.memory_space<hbm>> -> memref<10000x128xf32, #tpu.memory_space<hbm>>
      tpu.wait_indirect_dma semaphore(%arg18 : memref<!tpu.dma_semaphore, #tpu.memory_space<semaphore_mem>>) src(%dma_wait3A_144 : memref<10000x128xf32, #tpu.memory_space<hbm>>) dst(%arg13 : memref<128x128xf32, #tpu.memory_space<vmem>>)
      %dma_wait3A_145 = arith.constant 0 : i32
      %dma_wait3A_146 = tpu.memref_slice %arg3[%dma_wait3A_145] : memref<327680xi32, #tpu.memory_space<hbm>> -> memref<128xi32, #tpu.memory_space<hbm>>
      %dma_wait3A_147 = arith.constant 0 : i32
      %dma_wait3A_148 = tpu.memref_slice %arg3[%dma_wait3A_147] : memref<327680xi32, #tpu.memory_space<hbm>> -> memref<128xi32, #tpu.memory_space<hbm>>
      tpu.wait_dma2 semaphore(%arg17 : memref<!tpu.dma_semaphore, #tpu.memory_space<semaphore_mem>>) src(%dma_wait3A_148 : memref<128xi32, #tpu.memory_space<hbm>>) dst(%arg8 : memref<128xi32, #tpu.memory_space<vmem>>)
      %dma_wait3A_149 = arith.constant 0 : i32
      %dma_wait3A_150 = tpu.memref_slice %arg2[%dma_wait3A_149] : memref<327680xi32, #tpu.memory_space<hbm>> -> memref<128xi32, #tpu.memory_space<hbm>>
      %dma_wait3A_151 = arith.constant 0 : i32
      %dma_wait3A_152 = tpu.memref_slice %arg2[%dma_wait3A_151] : memref<327680xi32, #tpu.memory_space<hbm>> -> memref<128xi32, #tpu.memory_space<hbm>>
      tpu.wait_dma2 semaphore(%arg17 : memref<!tpu.dma_semaphore, #tpu.memory_space<semaphore_mem>>) src(%dma_wait3A_152 : memref<128xi32, #tpu.memory_space<hbm>>) dst(%arg10 : memref<128xi32, #tpu.memory_space<vmem>>)
      %dma_wait3A_153 = arith.constant 0 : i32
      %dma_wait3A_154 = tpu.memref_slice %arg4[%dma_wait3A_153] : memref<327680xf32, #tpu.memory_space<hbm>> -> memref<128xf32, #tpu.memory_space<hbm>>
      %dma_wait3A_155 = arith.constant 0 : i32
      %dma_wait3A_156 = tpu.memref_slice %arg4[%dma_wait3A_155] : memref<327680xf32, #tpu.memory_space<hbm>> -> memref<128xf32, #tpu.memory_space<hbm>>
      tpu.wait_dma2 semaphore(%arg17 : memref<!tpu.dma_semaphore, #tpu.memory_space<semaphore_mem>>) src(%dma_wait3A_156 : memref<128xf32, #tpu.memory_space<hbm>>) dst(%arg12 : memref<128xf32, #tpu.memory_space<vmem>>)
      %dma_start3A_157 = arith.constant 0 : i32
      %dma_start3A_158 = arith.constant 0 : i32
      %dma_start3A_159 = tpu.memref_slice %arg5[%dma_start3A_157, %dma_start3A_158] : memref<10000x128xf32, #tpu.memory_space<hbm>> -> memref<10000x128xf32, #tpu.memory_space<hbm>>
      tpu.enqueue_indirect_dma source(%dma_start3A_159 : memref<10000x128xf32, #tpu.memory_space<hbm>>) target(%arg14 : memref<128x128xf32, #tpu.memory_space<vmem>>) offsets(%arg8 : memref<128xi32, #tpu.memory_space<vmem>>) semaphore(%arg19 : memref<!tpu.dma_semaphore, #tpu.memory_space<semaphore_mem>>)
      %scan3A_160 = arith.constant 0 : i32
      %scan3A_161 = arith.constant 0 : i32
      %scan3A_162 = arith.constant 8 : i32
      %scan3A_163 = arith.addi %scan3A_161, %scan3A_162 : i32
      %scan3A_164 = arith.constant 1 : i32
      scf.for %scan3A_219 = %scan3A_161 to %scan3A_163 step %scan3A_164  : i32 {
        %mul3A_220 = arith.constant 16 : i32
        %mul3A_221 = arith.muli %scan3A_219, %mul3A_220 : i32
        %get3A = arith.index_cast %mul3A_221 : i32 to index
        %get3A_222 = tpu.vector_load %arg11[%get3A] {strides = array<i32>} : memref<128xf32, #tpu.memory_space<vmem>>, vector<16xf32>,
        %get3A_223 = vector.shape_cast %get3A_222 : vector<16xf32> to vector<16xf32>
        %mul3A_224 = arith.constant 16 : i32
        %mul3A_225 = arith.muli %scan3A_219, %mul3A_224 : i32
        %add3A_226 = arith.constant 0 : i32
        %add3A_227 = arith.addi %mul3A_225, %add3A_226 : i32
        %slice3A = vector.extract_strided_slice %get3A_223 {offsets = [0], sizes = [1], strides = [1]} : vector<16xf32> to vector<1xf32>
        %squeeze3A = vector.extract %slice3A[0] : f32 from vector<1xf32>
        %get3A_228 = arith.index_cast %add3A_227 : i32 to index
        %get3A_229 = arith.constant 0 : index
        %get3A_230 = tpu.vector_load %arg13[%get3A_228, %get3A_229] {strides = array<i32>} : memref<128x128xf32, #tpu.memory_space<vmem>>, vector<1x16xf32>,
        %get3A_231 = vector.shape_cast %get3A_230 : vector<1x16xf32> to vector<16xf32>
        %mul3A_232 = vector.broadcast %squeeze3A : f32 to vector<16xf32>
        %mul3A_233 = arith.mulf %get3A_231, %mul3A_232 : vector<16xf32>
        %swap3A = arith.index_cast %add3A_227 : i32 to index
        %swap3A_234 = arith.constant 0 : index
        %swap3A_235 = tpu.vector_load %arg13[%swap3A, %swap3A_234] {strides = array<i32>} : memref<128x128xf32, #tpu.memory_space<vmem>>, vector<1x16xf32>,
        %swap3A_236 = vector.shape_cast %swap3A_235 : vector<1x16xf32> to vector<16xf32>
        %swap3A_237 = vector.shape_cast %mul3A_233 : vector<16xf32> to vector<1x16xf32>
        tpu.vector_store %arg13[%swap3A, %swap3A_234], %swap3A_237 {strides = array<i32>} : memref<128x128xf32, #tpu.memory_space<vmem>>, vector<1x16xf32>,
        %get3A_238 = arith.index_cast %add3A_227 : i32 to index
        %get3A_239 = arith.constant 16 : index
        %get3A_240 = tpu.vector_load %arg13[%get3A_238, %get3A_239] {strides = array<i32>} : memref<128x128xf32, #tpu.memory_space<vmem>>, vector<1x16xf32>,
        %get3A_241 = vector.shape_cast %get3A_240 : vector<1x16xf32> to vector<16xf32>
        %mul3A_242 = vector.broadcast %squeeze3A : f32 to vector<16xf32>
        %mul3A_243 = arith.mulf %get3A_241, %mul3A_242 : vector<16xf32>
        %swap3A_244 = arith.index_cast %add3A_227 : i32 to index
        %swap3A_245 = arith.constant 16 : index
        %swap3A_246 = tpu.vector_load %arg13[%swap3A_244, %swap3A_245] {strides = array<i32>} : memref<128x128xf32, #tpu.memory_space<vmem>>, vector<1x16xf32>,
        %swap3A_247 = vector.shape_cast %swap3A_246 : vector<1x16xf32> to vector<16xf32>
        %swap3A_248 = vector.shape_cast %mul3A_243 : vector<16xf32> to vector<1x16xf32>
        tpu.vector_store %arg13[%swap3A_244, %swap3A_245], %swap3A_248 {strides = array<i32>} : memref<128x128xf32, #tpu.memory_space<vmem>>, vector<1x16xf32>,
        %get3A_249 = arith.index_cast %add3A_227 : i32 to index
        %get3A_250 = arith.constant 32 : index
        %get3A_251 = tpu.vector_load %arg13[%get3A_249, %get3A_250] {strides = array<i32>} : memref<128x128xf32, #tpu.memory_space<vmem>>, vector<1x16xf32>,
        %get3A_252 = vector.shape_cast %get3A_251 : vector<1x16xf32> to vector<16xf32>
        %mul3A_253 = vector.broadcast %squeeze3A : f32 to vector<16xf32>
        %mul3A_254 = arith.mulf %get3A_252, %mul3A_253 : vector<16xf32>
        %swap3A_255 = arith.index_cast %add3A_227 : i32 to index
        %swap3A_256 = arith.constant 32 : index
        %swap3A_257 = tpu.vector_load %arg13[%swap3A_255, %swap3A_256] {strides = array<i32>} : memref<128x128xf32, #tpu.memory_space<vmem>>, vector<1x16xf32>,
        %swap3A_258 = vector.shape_cast %swap3A_257 : vector<1x16xf32> to vector<16xf32>
        %swap3A_259 = vector.shape_cast %mul3A_254 : vector<16xf32> to vector<1x16xf32>
        tpu.vector_store %arg13[%swap3A_255, %swap3A_256], %swap3A_259 {strides = array<i32>} : memref<128x128xf32, #tpu.memory_space<vmem>>, vector<1x16xf32>,
        %get3A_260 = arith.index_cast %add3A_227 : i32 to index
        %get3A_261 = arith.constant 48 : index
        %get3A_262 = tpu.vector_load %arg13[%get3A_260, %get3A_261] {strides = array<i32>} : memref<128x128xf32, #tpu.memory_space<vmem>>, vector<1x16xf32>,
        %get3A_263 = vector.shape_cast %get3A_262 : vector<1x16xf32> to vector<16xf32>
        %mul3A_264 = vector.broadcast %squeeze3A : f32 to vector<16xf32>
        %mul3A_265 = arith.mulf %get3A_263, %mul3A_264 : vector<16xf32>
        %swap3A_266 = arith.index_cast %add3A_227 : i32 to index
        %swap3A_267 = arith.constant 48 : index
        %swap3A_268 = tpu.vector_load %arg13[%swap3A_266, %swap3A_267] {strides = array<i32>} : memref<128x128xf32, #tpu.memory_space<vmem>>, vector<1x16xf32>,
        %swap3A_269 = vector.shape_cast %swap3A_268 : vector<1x16xf32> to vector<16xf32>
        %swap3A_270 = vector.shape_cast %mul3A_265 : vector<16xf32> to vector<1x16xf32>
        tpu.vector_store %arg13[%swap3A_266, %swap3A_267], %swap3A_270 {strides = array<i32>} : memref<128x128xf32, #tpu.memory_space<vmem>>, vector<1x16xf32>,
        %get3A_271 = arith.index_cast %add3A_227 : i32 to index
        %get3A_272 = arith.constant 64 : index
        %get3A_273 = tpu.vector_load %arg13[%get3A_271, %get3A_272] {strides = array<i32>} : memref<128x128xf32, #tpu.memory_space<vmem>>, vector<1x16xf32>,
        %get3A_274 = vector.shape_cast %get3A_273 : vector<1x16xf32> to vector<16xf32>
        %mul3A_275 = vector.broadcast %squeeze3A : f32 to vector<16xf32>
        %mul3A_276 = arith.mulf %get3A_274, %mul3A_275 : vector<16xf32>
        %swap3A_277 = arith.index_cast %add3A_227 : i32 to index
        %swap3A_278 = arith.constant 64 : index
        %swap3A_279 = tpu.vector_load %arg13[%swap3A_277, %swap3A_278] {strides = array<i32>} : memref<128x128xf32, #tpu.memory_space<vmem>>, vector<1x16xf32>,
        %swap3A_280 = vector.shape_cast %swap3A_279 : vector<1x16xf32> to vector<16xf32>
        %swap3A_281 = vector.shape_cast %mul3A_276 : vector<16xf32> to vector<1x16xf32>
        tpu.vector_store %arg13[%swap3A_277, %swap3A_278], %swap3A_281 {strides = array<i32>} : memref<128x128xf32, #tpu.memory_space<vmem>>, vector<1x16xf32>,
        %get3A_282 = arith.index_cast %add3A_227 : i32 to index
        %get3A_283 = arith.constant 80 : index
        %get3A_284 = tpu.vector_load %arg13[%get3A_282, %get3A_283] {strides = array<i32>} : memref<128x128xf32, #tpu.memory_space<vmem>>, vector<1x16xf32>,
        %get3A_285 = vector.shape_cast %get3A_284 : vector<1x16xf32> to vector<16xf32>
        %mul3A_286 = vector.broadcast %squeeze3A : f32 to vector<16xf32>
        %mul3A_287 = arith.mulf %get3A_285, %mul3A_286 : vector<16xf32>
        %swap3A_288 = arith.index_cast %add3A_227 : i32 to index
        %swap3A_289 = arith.constant 80 : index
        %swap3A_290 = tpu.vector_load %arg13[%swap3A_288, %swap3A_289] {strides = array<i32>} : memref<128x128xf32, #tpu.memory_space<vmem>>, vector<1x16xf32>,
        %swap3A_291 = vector.shape_cast %swap3A_290 : vector<1x16xf32> to vector<16xf32>
        %swap3A_292 = vector.shape_cast %mul3A_287 : vector<16xf32> to vector<1x16xf32>
        tpu.vector_store %arg13[%swap3A_288, %swap3A_289], %swap3A_292 {strides = array<i32>} : memref<128x128xf32, #tpu.memory_space<vmem>>, vector<1x16xf32>,
        %get3A_293 = arith.index_cast %add3A_227 : i32 to index
        %get3A_294 = arith.constant 96 : index
        %get3A_295 = tpu.vector_load %arg13[%get3A_293, %get3A_294] {strides = array<i32>} : memref<128x128xf32, #tpu.memory_space<vmem>>, vector<1x16xf32>,
        %get3A_296 = vector.shape_cast %get3A_295 : vector<1x16xf32> to vector<16xf32>
        %mul3A_297 = vector.broadcast %squeeze3A : f32 to vector<16xf32>
        %mul3A_298 = arith.mulf %get3A_296, %mul3A_297 : vector<16xf32>
        %swap3A_299 = arith.index_cast %add3A_227 : i32 to index
        %swap3A_300 = arith.constant 96 : index
        %swap3A_301 = tpu.vector_load %arg13[%swap3A_299, %swap3A_300] {strides = array<i32>} : memref<128x128xf32, #tpu.memory_space<vmem>>, vector<1x16xf32>,
        %swap3A_302 = vector.shape_cast %swap3A_301 : vector<1x16xf32> to vector<16xf32>
        %swap3A_303 = vector.shape_cast %mul3A_298 : vector<16xf32> to vector<1x16xf32>
        tpu.vector_store %arg13[%swap3A_299, %swap3A_300], %swap3A_303 {strides = array<i32>} : memref<128x128xf32, #tpu.memory_space<vmem>>, vector<1x16xf32>,
        %get3A_304 = arith.index_cast %add3A_227 : i32 to index
        %get3A_305 = arith.constant 112 : index
        %get3A_306 = tpu.vector_load %arg13[%get3A_304, %get3A_305] {strides = array<i32>} : memref<128x128xf32, #tpu.memory_space<vmem>>, vector<1x16xf32>,
        %get3A_307 = vector.shape_cast %get3A_306 : vector<1x16xf32> to vector<16xf32>
        %mul3A_308 = vector.broadcast %squeeze3A : f32 to vector<16xf32>
        %mul3A_309 = arith.mulf %get3A_307, %mul3A_308 : vector<16xf32>
        %swap3A_310 = arith.index_cast %add3A_227 : i32 to index
        %swap3A_311 = arith.constant 112 : index
        %swap3A_312 = tpu.vector_load %arg13[%swap3A_310, %swap3A_311] {strides = array<i32>} : memref<128x128xf32, #tpu.memory_space<vmem>>, vector<1x16xf32>,
        %swap3A_313 = vector.shape_cast %swap3A_312 : vector<1x16xf32> to vector<16xf32>
        %swap3A_314 = vector.shape_cast %mul3A_309 : vector<16xf32> to vector<1x16xf32>
        tpu.vector_store %arg13[%swap3A_310, %swap3A_311], %swap3A_314 {strides = array<i32>} : memref<128x128xf32, #tpu.memory_space<vmem>>, vector<1x16xf32>,
        %mul3A_315 = arith.constant 16 : i32
        %mul3A_316 = arith.muli %scan3A_219, %mul3A_315 : i32
        %add3A_317 = arith.constant 1 : i32
        %add3A_318 = arith.addi %mul3A_316, %add3A_317 : i32
        %slice3A_319 = vector.extract_strided_slice %get3A_223 {offsets = [1], sizes = [1], strides = [1]} : vector<16xf32> to vector<1xf32>
        %squeeze3A_320 = vector.extract %slice3A_319[0] : f32 from vector<1xf32>
        %get3A_321 = arith.index_cast %add3A_318 : i32 to index
        %get3A_322 = arith.constant 0 : index
        %get3A_323 = tpu.vector_load %arg13[%get3A_321, %get3A_322] {strides = array<i32>} : memref<128x128xf32, #tpu.memory_space<vmem>>, vector<1x16xf32>,
        %get3A_324 = vector.shape_cast %get3A_323 : vector<1x16xf32> to vector<16xf32>
        %mul3A_325 = vector.broadcast %squeeze3A_320 : f32 to vector<16xf32>
        %mul3A_326 = arith.mulf %get3A_324, %mul3A_325 : vector<16xf32>
        %swap3A_327 = arith.index_cast %add3A_318 : i32 to index
        %swap3A_328 = arith.constant 0 : index
        %swap3A_329 = tpu.vector_load %arg13[%swap3A_327, %swap3A_328] {strides = array<i32>} : memref<128x128xf32, #tpu.memory_space<vmem>>, vector<1x16xf32>,
        %swap3A_330 = vector.shape_cast %swap3A_329 : vector<1x16xf32> to vector<16xf32>
        %swap3A_331 = vector.shape_cast %mul3A_326 : vector<16xf32> to vector<1x16xf32>
        tpu.vector_store %arg13[%swap3A_327, %swap3A_328], %swap3A_331 {strides = array<i32>} : memref<128x128xf32, #tpu.memory_space<vmem>>, vector<1x16xf32>,
        %get3A_332 = arith.index_cast %add3A_318 : i32 to index
        %get3A_333 = arith.constant 16 : index
        %get3A_334 = tpu.vector_load %arg13[%get3A_332, %get3A_333] {strides = array<i32>} : memref<128x128xf32, #tpu.memory_space<vmem>>, vector<1x16xf32>,
        %get3A_335 = vector.shape_cast %get3A_334 : vector<1x16xf32> to vector<16xf32>
        %mul3A_336 = vector.broadcast %squeeze3A_320 : f32 to vector<16xf32>
        %mul3A_337 = arith.mulf %get3A_335, %mul3A_336 : vector<16xf32>
        %swap3A_338 = arith.index_cast %add3A_318 : i32 to index
        %swap3A_339 = arith.constant 16 : index
        %swap3A_340 = tpu.vector_load %arg13[%swap3A_338, %swap3A_339] {strides = array<i32>} : memref<128x128xf32, #tpu.memory_space<vmem>>, vector<1x16xf32>,
        %swap3A_341 = vector.shape_cast %swap3A_340 : vector<1x16xf32> to vector<16xf32>
        %swap3A_342 = vector.shape_cast %mul3A_337 : vector<16xf32> to vector<1x16xf32>
        tpu.vector_store %arg13[%swap3A_338, %swap3A_339], %swap3A_342 {strides = array<i32>} : memref<128x128xf32, #tpu.memory_space<vmem>>, vector<1x16xf32>,
        %get3A_343 = arith.index_cast %add3A_318 : i32 to index
        %get3A_344 = arith.constant 32 : index
        %get3A_345 = tpu.vector_load %arg13[%get3A_343, %get3A_344] {strides = array<i32>} : memref<128x128xf32, #tpu.memory_space<vmem>>, vector<1x16xf32>,
        %get3A_346 = vector.shape_cast %get3A_345 : vector<1x16xf32> to vector<16xf32>
        %mul3A_347 = vector.broadcast %squeeze3A_320 : f32 to vector<16xf32>
        %mul3A_348 = arith.mulf %get3A_346, %mul3A_347 : vector<16xf32>
        %swap3A_349 = arith.index_cast %add3A_318 : i32 to index
        %swap3A_350 = arith.constant 32 : index
        %swap3A_351 = tpu.vector_load %arg13[%swap3A_349, %swap3A_350] {strides = array<i32>} : memref<128x128xf32, #tpu.memory_space<vmem>>, vector<1x16xf32>,
        %swap3A_352 = vector.shape_cast %swap3A_351 : vector<1x16xf32> to vector<16xf32>
        %swap3A_353 = vector.shape_cast %mul3A_348 : vector<16xf32> to vector<1x16xf32>
        tpu.vector_store %arg13[%swap3A_349, %swap3A_350], %swap3A_353 {strides = array<i32>} : memref<128x128xf32, #tpu.memory_space<vmem>>, vector<1x16xf32>,
        %get3A_354 = arith.index_cast %add3A_318 : i32 to index
        %get3A_355 = arith.constant 48 : index
        %get3A_356 = tpu.vector_load %arg13[%get3A_354, %get3A_355] {strides = array<i32>} : memref<128x128xf32, #tpu.memory_space<vmem>>, vector<1x16xf32>,
        %get3A_357 = vector.shape_cast %get3A_356 : vector<1x16xf32> to vector<16xf32>
        %mul3A_358 = vector.broadcast %squeeze3A_320 : f32 to vector<16xf32>
        %mul3A_359 = arith.mulf %get3A_357, %mul3A_358 : vector<16xf32>
        %swap3A_360 = arith.index_cast %add3A_318 : i32 to index
        %swap3A_361 = arith.constant 48 : index
        %swap3A_362 = tpu.vector_load %arg13[%swap3A_360, %swap3A_361] {strides = array<i32>} : memref<128x128xf32, #tpu.memory_space<vmem>>, vector<1x16xf32>,
        %swap3A_363 = vector.shape_cast %swap3A_362 : vector<1x16xf32> to vector<16xf32>
        %swap3A_364 = vector.shape_cast %mul3A_359 : vector<16xf32> to vector<1x16xf32>
        tpu.vector_store %arg13[%swap3A_360, %swap3A_361], %swap3A_364 {strides = array<i32>} : memref<128x128xf32, #tpu.memory_space<vmem>>, vector<1x16xf32>,
        %get3A_365 = arith.index_cast %add3A_318 : i32 to index
        %get3A_366 = arith.constant 64 : index
        %get3A_367 = tpu.vector_load %arg13[%get3A_365, %get3A_366] {strides = array<i32>} : memref<128x128xf32, #tpu.memory_space<vmem>>, vector<1x16xf32>,
        %get3A_368 = vector.shape_cast %get3A_367 : vector<1x16xf32> to vector<16xf32>
        %mul3A_369 = vector.broadcast %squeeze3A_320 : f32 to vector<16xf32>
        %mul3A_370 = arith.mulf %get3A_368, %mul3A_369 : vector<16xf32>
        %swap3A_371 = arith.index_cast %add3A_318 : i32 to index
        %swap3A_372 = arith.constant 64 : index
        %swap3A_373 = tpu.vector_load %arg13[%swap3A_371, %swap3A_372] {strides = array<i32>} : memref<128x128xf32, #tpu.memory_space<vmem>>, vector<1x16xf32>,
        %swap3A_374 = vector.shape_cast %swap3A_373 : vector<1x16xf32> to vector<16xf32>
        %swap3A_375 = vector.shape_cast %mul3A_370 : vector<16xf32> to vector<1x16xf32>
        tpu.vector_store %arg13[%swap3A_371, %swap3A_372], %swap3A_375 {strides = array<i32>} : memref<128x128xf32, #tpu.memory_space<vmem>>, vector<1x16xf32>,
        %get3A_376 = arith.index_cast %add3A_318 : i32 to index
        %get3A_377 = arith.constant 80 : index
        %get3A_378 = tpu.vector_load %arg13[%get3A_376, %get3A_377] {strides = array<i32>} : memref<128x128xf32, #tpu.memory_space<vmem>>, vector<1x16xf32>,
        %get3A_379 = vector.shape_cast %get3A_378 : vector<1x16xf32> to vector<16xf32>
        %mul3A_380 = vector.broadcast %squeeze3A_320 : f32 to vector<16xf32>
        %mul3A_381 = arith.mulf %get3A_379, %mul3A_380 : vector<16xf32>
        %swap3A_382 = arith.index_cast %add3A_318 : i32 to index
        %swap3A_383 = arith.constant 80 : index
        %swap3A_384 = tpu.vector_load %arg13[%swap3A_382, %swap3A_383] {strides = array<i32>} : memref<128x128xf32, #tpu.memory_space<vmem>>, vector<1x16xf32>,
        %swap3A_385 = vector.shape_cast %swap3A_384 : vector<1x16xf32> to vector<16xf32>
        %swap3A_386 = vector.shape_cast %mul3A_381 : vector<16xf32> to vector<1x16xf32>
        tpu.vector_store %arg13[%swap3A_382, %swap3A_383], %swap3A_386 {strides = array<i32>} : memref<128x128xf32, #tpu.memory_space<vmem>>, vector<1x16xf32>,
        %get3A_387 = arith.index_cast %add3A_318 : i32 to index
        %get3A_388 = arith.constant 96 : index
        %get3A_389 = tpu.vector_load %arg13[%get3A_387, %get3A_388] {strides = array<i32>} : memref<128x128xf32, #tpu.memory_space<vmem>>, vector<1x16xf32>,
        %get3A_390 = vector.shape_cast %get3A_389 : vector<1x16xf32> to vector<16xf32>
        %mul3A_391 = vector.broadcast %squeeze3A_320 : f32 to vector<16xf32>
        %mul3A_392 = arith.mulf %get3A_390, %mul3A_391 : vector<16xf32>
        %swap3A_393 = arith.index_cast %add3A_318 : i32 to index
        %swap3A_394 = arith.constant 96 : index
        %swap3A_395 = tpu.vector_load %arg13[%swap3A_393, %swap3A_394] {strides = array<i32>} : memref<128x128xf32, #tpu.memory_space<vmem>>, vector<1x16xf32>,
        %swap3A_396 = vector.shape_cast %swap3A_395 : vector<1x16xf32> to vector<16xf32>
        %swap3A_397 = vector.shape_cast %mul3A_392 : vector<16xf32> to vector<1x16xf32>
        tpu.vector_store %arg13[%swap3A_393, %swap3A_394], %swap3A_397 {strides = array<i32>} : memref<128x128xf32, #tpu.memory_space<vmem>>, vector<1x16xf32>,
        %get3A_398 = arith.index_cast %add3A_318 : i32 to index
        %get3A_399 = arith.constant 112 : index
        %get3A_400 = tpu.vector_load %arg13[%get3A_398, %get3A_399] {strides = array<i32>} : memref<128x128xf32, #tpu.memory_space<vmem>>, vector<1x16xf32>,
        %get3A_401 = vector.shape_cast %get3A_400 : vector<1x16xf32> to vector<16xf32>
        %mul3A_402 = vector.broadcast %squeeze3A_320 : f32 to vector<16xf32>
        %mul3A_403 = arith.mulf %get3A_401, %mul3A_402 : vector<16xf32>
        %swap3A_404 = arith.index_cast %add3A_318 : i32 to index
        %swap3A_405 = arith.constant 112 : index
        %swap3A_406 = tpu.vector_load %arg13[%swap3A_404, %swap3A_405] {strides = array<i32>} : memref<128x128xf32, #tpu.memory_space<vmem>>, vector<1x16xf32>,
        %swap3A_407 = vector.shape_cast %swap3A_406 : vector<1x16xf32> to vector<16xf32>
        %swap3A_408 = vector.shape_cast %mul3A_403 : vector<16xf32> to vector<1x16xf32>
        tpu.vector_store %arg13[%swap3A_404, %swap3A_405], %swap3A_408 {strides = array<i32>} : memref<128x128xf32, #tpu.memory_space<vmem>>, vector<1x16xf32>,
        %mul3A_409 = arith.constant 16 : i32
        %mul3A_410 = arith.muli %scan3A_219, %mul3A_409 : i32
        %add3A_411 = arith.constant 2 : i32
        %add3A_412 = arith.addi %mul3A_410, %add3A_411 : i32
        %slice3A_413 = vector.extract_strided_slice %get3A_223 {offsets = [2], sizes = [1], strides = [1]} : vector<16xf32> to vector<1xf32>
        %squeeze3A_414 = vector.extract %slice3A_413[0] : f32 from vector<1xf32>
        %get3A_415 = arith.index_cast %add3A_412 : i32 to index
        %get3A_416 = arith.constant 0 : index
        %get3A_417 = tpu.vector_load %arg13[%get3A_415, %get3A_416] {strides = array<i32>} : memref<128x128xf32, #tpu.memory_space<vmem>>, vector<1x16xf32>,
        %get3A_418 = vector.shape_cast %get3A_417 : vector<1x16xf32> to vector<16xf32>
        %mul3A_419 = vector.broadcast %squeeze3A_414 : f32 to vector<16xf32>
        %mul3A_420 = arith.mulf %get3A_418, %mul3A_419 : vector<16xf32>
        %swap3A_421 = arith.index_cast %add3A_412 : i32 to index
        %swap3A_422 = arith.constant 0 : index
        %swap3A_423 = tpu.vector_load %arg13[%swap3A_421, %swap3A_422] {strides = array<i32>} : memref<128x128xf32, #tpu.memory_space<vmem>>, vector<1x16xf32>,
        %swap3A_424 = vector.shape_cast %swap3A_423 : vector<1x16xf32> to vector<16xf32>
        %swap3A_425 = vector.shape_cast %mul3A_420 : vector<16xf32> to vector<1x16xf32>
        tpu.vector_store %arg13[%swap3A_421, %swap3A_422], %swap3A_425 {strides = array<i32>} : memref<128x128xf32, #tpu.memory_space<vmem>>, vector<1x16xf32>,
        %get3A_426 = arith.index_cast %add3A_412 : i32 to index
        %get3A_427 = arith.constant 16 : index
        %get3A_428 = tpu.vector_load %arg13[%get3A_426, %get3A_427] {strides = array<i32>} : memref<128x128xf32, #tpu.memory_space<vmem>>, vector<1x16xf32>,
        %get3A_429 = vector.shape_cast %get3A_428 : vector<1x16xf32> to vector<16xf32>
        %mul3A_430 = vector.broadcast %squeeze3A_414 : f32 to vector<16xf32>
        %mul3A_431 = arith.mulf %get3A_429, %mul3A_430 : vector<16xf32>
        %swap3A_432 = arith.index_cast %add3A_412 : i32 to index
        %swap3A_433 = arith.constant 16 : index
        %swap3A_434 = tpu.vector_load %arg13[%swap3A_432, %swap3A_433] {strides = array<i32>} : memref<128x128xf32, #tpu.memory_space<vmem>>, vector<1x16xf32>,
        %swap3A_435 = vector.shape_cast %swap3A_434 : vector<1x16xf32> to vector<16xf32>
        %swap3A_436 = vector.shape_cast %mul3A_431 : vector<16xf32> to vector<1x16xf32>
        tpu.vector_store %arg13[%swap3A_432, %swap3A_433], %swap3A_436 {strides = array<i32>} : memref<128x128xf32, #tpu.memory_space<vmem>>, vector<1x16xf32>,
        %get3A_437 = arith.index_cast %add3A_412 : i32 to index
        %get3A_438 = arith.constant 32 : index
        %get3A_439 = tpu.vector_load %arg13[%get3A_437, %get3A_438] {strides = array<i32>} : memref<128x128xf32, #tpu.memory_space<vmem>>, vector<1x16xf32>,
        %get3A_440 = vector.shape_cast %get3A_439 : vector<1x16xf32> to vector<16xf32>
        %mul3A_441 = vector.broadcast %squeeze3A_414 : f32 to vector<16xf32>
        %mul3A_442 = arith.mulf %get3A_440, %mul3A_441 : vector<16xf32>
        %swap3A_443 = arith.index_cast %add3A_412 : i32 to index
        %swap3A_444 = arith.constant 32 : index
        %swap3A_445 = tpu.vector_load %arg13[%swap3A_443, %swap3A_444] {strides = array<i32>} : memref<128x128xf32, #tpu.memory_space<vmem>>, vector<1x16xf32>,
        %swap3A_446 = vector.shape_cast %swap3A_445 : vector<1x16xf32> to vector<16xf32>
        %swap3A_447 = vector.shape_cast %mul3A_442 : vector<16xf32> to vector<1x16xf32>
        tpu.vector_store %arg13[%swap3A_443, %swap3A_444], %swap3A_447 {strides = array<i32>} : memref<128x128xf32, #tpu.memory_space<vmem>>, vector<1x16xf32>,
        %get3A_448 = arith.index_cast %add3A_412 : i32 to index
        %get3A_449 = arith.constant 48 : index
        %get3A_450 = tpu.vector_load %arg13[%get3A_448, %get3A_449] {strides = array<i32>} : memref<128x128xf32, #tpu.memory_space<vmem>>, vector<1x16xf32>,
        %get3A_451 = vector.shape_cast %get3A_450 : vector<1x16xf32> to vector<16xf32>
        %mul3A_452 = vector.broadcast %squeeze3A_414 : f32 to vector<16xf32>
        %mul3A_453 = arith.mulf %get3A_451, %mul3A_452 : vector<16xf32>
        %swap3A_454 = arith.index_cast %add3A_412 : i32 to index
        %swap3A_455 = arith.constant 48 : index
        %swap3A_456 = tpu.vector_load %arg13[%swap3A_454, %swap3A_455] {strides = array<i32>} : memref<128x128xf32, #tpu.memory_space<vmem>>, vector<1x16xf32>,
        %swap3A_457 = vector.shape_cast %swap3A_456 : vector<1x16xf32> to vector<16xf32>
        %swap3A_458 = vector.shape_cast %mul3A_453 : vector<16xf32> to vector<1x16xf32>
        tpu.vector_store %arg13[%swap3A_454, %swap3A_455], %swap3A_458 {strides = array<i32>} : memref<128x128xf32, #tpu.memory_space<vmem>>, vector<1x16xf32>,
        %get3A_459 = arith.index_cast %add3A_412 : i32 to index
        %get3A_460 = arith.constant 64 : index
        %get3A_461 = tpu.vector_load %arg13[%get3A_459, %get3A_460] {strides = array<i32>} : memref<128x128xf32, #tpu.memory_space<vmem>>, vector<1x16xf32>,
        %get3A_462 = vector.shape_cast %get3A_461 : vector<1x16xf32> to vector<16xf32>
        %mul3A_463 = vector.broadcast %squeeze3A_414 : f32 to vector<16xf32>
        %mul3A_464 = arith.mulf %get3A_462, %mul3A_463 : vector<16xf32>
        %swap3A_465 = arith.index_cast %add3A_412 : i32 to index
        %swap3A_466 = arith.constant 64 : index
        %swap3A_467 = tpu.vector_load %arg13[%swap3A_465, %swap3A_466] {strides = array<i32>} : memref<128x128xf32, #tpu.memory_space<vmem>>, vector<1x16xf32>,
        %swap3A_468 = vector.shape_cast %swap3A_467 : vector<1x16xf32> to vector<16xf32>
        %swap3A_469 = vector.shape_cast %mul3A_464 : vector<16xf32> to vector<1x16xf32>
        tpu.vector_store %arg13[%swap3A_465, %swap3A_466], %swap3A_469 {strides = array<i32>} : memref<128x128xf32, #tpu.memory_space<vmem>>, vector<1x16xf32>,
        %get3A_470 = arith.index_cast %add3A_412 : i32 to index
        %get3A_471 = arith.constant 80 : index
        %get3A_472 = tpu.vector_load %arg13[%get3A_470, %get3A_471] {strides = array<i32>} : memref<128x128xf32, #tpu.memory_space<vmem>>, vector<1x16xf32>,
        %get3A_473 = vector.shape_cast %get3A_472 : vector<1x16xf32> to vector<16xf32>
        %mul3A_474 = vector.broadcast %squeeze3A_414 : f32 to vector<16xf32>
        %mul3A_475 = arith.mulf %get3A_473, %mul3A_474 : vector<16xf32>
        %swap3A_476 = arith.index_cast %add3A_412 : i32 to index
        %swap3A_477 = arith.constant 80 : index
        %swap3A_478 = tpu.vector_load %arg13[%swap3A_476, %swap3A_477] {strides = array<i32>} : memref<128x128xf32, #tpu.memory_space<vmem>>, vector<1x16xf32>,
        %swap3A_479 = vector.shape_cast %swap3A_478 : vector<1x16xf32> to vector<16xf32>
        %swap3A_480 = vector.shape_cast %mul3A_475 : vector<16xf32> to vector<1x16xf32>
        tpu.vector_store %arg13[%swap3A_476, %swap3A_477], %swap3A_480 {strides = array<i32>} : memref<128x128xf32, #tpu.memory_space<vmem>>, vector<1x16xf32>,
        %get3A_481 = arith.index_cast %add3A_412 : i32 to index
        %get3A_482 = arith.constant 96 : index
        %get3A_483 = tpu.vector_load %arg13[%get3A_481, %get3A_482] {strides = array<i32>} : memref<128x128xf32, #tpu.memory_space<vmem>>, vector<1x16xf32>,
        %get3A_484 = vector.shape_cast %get3A_483 : vector<1x16xf32> to vector<16xf32>
        %mul3A_485 = vector.broadcast %squeeze3A_414 : f32 to vector<16xf32>
        %mul3A_486 = arith.mulf %get3A_484, %mul3A_485 : vector<16xf32>
        %swap3A_487 = arith.index_cast %add3A_412 : i32 to index
        %swap3A_488 = arith.constant 96 : index
        %swap3A_489 = tpu.vector_load %arg13[%swap3A_487, %swap3A_488] {strides = array<i32>} : memref<128x128xf32, #tpu.memory_space<vmem>>, vector<1x16xf32>,
        %swap3A_490 = vector.shape_cast %swap3A_489 : vector<1x16xf32> to vector<16xf32>
        %swap3A_491 = vector.shape_cast %mul3A_486 : vector<16xf32> to vector<1x16xf32>
        tpu.vector_store %arg13[%swap3A_487, %swap3A_488], %swap3A_491 {strides = array<i32>} : memref<128x128xf32, #tpu.memory_space<vmem>>, vector<1x16xf32>,
        %get3A_492 = arith.index_cast %add3A_412 : i32 to index
        %get3A_493 = arith.constant 112 : index
        %get3A_494 = tpu.vector_load %arg13[%get3A_492, %get3A_493] {strides = array<i32>} : memref<128x128xf32, #tpu.memory_space<vmem>>, vector<1x16xf32>,
        %get3A_495 = vector.shape_cast %get3A_494 : vector<1x16xf32> to vector<16xf32>
        %mul3A_496 = vector.broadcast %squeeze3A_414 : f32 to vector<16xf32>
        %mul3A_497 = arith.mulf %get3A_495, %mul3A_496 : vector<16xf32>
        %swap3A_498 = arith.index_cast %add3A_412 : i32 to index
        %swap3A_499 = arith.constant 112 : index
        %swap3A_500 = tpu.vector_load %arg13[%swap3A_498, %swap3A_499] {strides = array<i32>} : memref<128x128xf32, #tpu.memory_space<vmem>>, vector<1x16xf32>,
        %swap3A_501 = vector.shape_cast %swap3A_500 : vector<1x16xf32> to vector<16xf32>
        %swap3A_502 = vector.shape_cast %mul3A_497 : vector<16xf32> to vector<1x16xf32>
        tpu.vector_store %arg13[%swap3A_498, %swap3A_499], %swap3A_502 {strides = array<i32>} : memref<128x128xf32, #tpu.memory_space<vmem>>, vector<1x16xf32>,
        %mul3A_503 = arith.constant 16 : i32
        %mul3A_504 = arith.muli %scan3A_219, %mul3A_503 : i32
        %add3A_505 = arith.constant 3 : i32
        %add3A_506 = arith.addi %mul3A_504, %add3A_505 : i32
        %slice3A_507 = vector.extract_strided_slice %get3A_223 {offsets = [3], sizes = [1], strides = [1]} : vector<16xf32> to vector<1xf32>
        %squeeze3A_508 = vector.extract %slice3A_507[0] : f32 from vector<1xf32>
        %get3A_509 = arith.index_cast %add3A_506 : i32 to index
        %get3A_510 = arith.constant 0 : index
        %get3A_511 = tpu.vector_load %arg13[%get3A_509, %get3A_510] {strides = array<i32>} : memref<128x128xf32, #tpu.memory_space<vmem>>, vector<1x16xf32>,
        %get3A_512 = vector.shape_cast %get3A_511 : vector<1x16xf32> to vector<16xf32>
        %mul3A_513 = vector.broadcast %squeeze3A_508 : f32 to vector<16xf32>
        %mul3A_514 = arith.mulf %get3A_512, %mul3A_513 : vector<16xf32>
        %swap3A_515 = arith.index_cast %add3A_506 : i32 to index
        %swap3A_516 = arith.constant 0 : index
        %swap3A_517 = tpu.vector_load %arg13[%swap3A_515, %swap3A_516] {strides = array<i32>} : memref<128x128xf32, #tpu.memory_space<vmem>>, vector<1x16xf32>,
        %swap3A_518 = vector.shape_cast %swap3A_517 : vector<1x16xf32> to vector<16xf32>
        %swap3A_519 = vector.shape_cast %mul3A_514 : vector<16xf32> to vector<1x16xf32>
        tpu.vector_store %arg13[%swap3A_515, %swap3A_516], %swap3A_519 {strides = array<i32>} : memref<128x128xf32, #tpu.memory_space<vmem>>, vector<1x16xf32>,
        %get3A_520 = arith.index_cast %add3A_506 : i32 to index
        %get3A_521 = arith.constant 16 : index
        %get3A_522 = tpu.vector_load %arg13[%get3A_520, %get3A_521] {strides = array<i32>} : memref<128x128xf32, #tpu.memory_space<vmem>>, vector<1x16xf32>,
        %get3A_523 = vector.shape_cast %get3A_522 : vector<1x16xf32> to vector<16xf32>
        %mul3A_524 = vector.broadcast %squeeze3A_508 : f32 to vector<16xf32>
        %mul3A_525 = arith.mulf %get3A_523, %mul3A_524 : vector<16xf32>
        %swap3A_526 = arith.index_cast %add3A_506 : i32 to index
        %swap3A_527 = arith.constant 16 : index
        %swap3A_528 = tpu.vector_load %arg13[%swap3A_526, %swap3A_527] {strides = array<i32>} : memref<128x128xf32, #tpu.memory_space<vmem>>, vector<1x16xf32>,
        %swap3A_529 = vector.shape_cast %swap3A_528 : vector<1x16xf32> to vector<16xf32>
        %swap3A_530 = vector.shape_cast %mul3A_525 : vector<16xf32> to vector<1x16xf32>
        tpu.vector_store %arg13[%swap3A_526, %swap3A_527], %swap3A_530 {strides = array<i32>} : memref<128x128xf32, #tpu.memory_space<vmem>>, vector<1x16xf32>,
        %get3A_531 = arith.index_cast %add3A_506 : i32 to index
        %get3A_532 = arith.constant 32 : index
        %get3A_533 = tpu.vector_load %arg13[%get3A_531, %get3A_532] {strides = array<i32>} : memref<128x128xf32, #tpu.memory_space<vmem>>, vector<1x16xf32>,
        %get3A_534 = vector.shape_cast %get3A_533 : vector<1x16xf32> to vector<16xf32>
        %mul3A_535 = vector.broadcast %squeeze3A_508 : f32 to vector<16xf32>
        %mul3A_536 = arith.mulf %get3A_534, %mul3A_535 : vector<16xf32>
        %swap3A_537 = arith.index_cast %add3A_506 : i32 to index
        %swap3A_538 = arith.constant 32 : index
        %swap3A_539 = tpu.vector_load %arg13[%swap3A_537, %swap3A_538] {strides = array<i32>} : memref<128x128xf32, #tpu.memory_space<vmem>>, vector<1x16xf32>,
        %swap3A_540 = vector.shape_cast %swap3A_539 : vector<1x16xf32> to vector<16xf32>
        %swap3A_541 = vector.shape_cast %mul3A_536 : vector<16xf32> to vector<1x16xf32>
        tpu.vector_store %arg13[%swap3A_537, %swap3A_538], %swap3A_541 {strides = array<i32>} : memref<128x128xf32, #tpu.memory_space<vmem>>, vector<1x16xf32>,
        %get3A_542 = arith.index_cast %add3A_506 : i32 to index
        %get3A_543 = arith.constant 48 : index
        %get3A_544 = tpu.vector_load %arg13[%get3A_542, %get3A_543] {strides = array<i32>} : memref<128x128xf32, #tpu.memory_space<vmem>>, vector<1x16xf32>,
        %get3A_545 = vector.shape_cast %get3A_544 : vector<1x16xf32> to vector<16xf32>
        %mul3A_546 = vector.broadcast %squeeze3A_508 : f32 to vector<16xf32>
        %mul3A_547 = arith.mulf %get3A_545, %mul3A_546 : vector<16xf32>
        %swap3A_548 = arith.index_cast %add3A_506 : i32 to index
        %swap3A_549 = arith.constant 48 : index
        %swap3A_550 = tpu.vector_load %arg13[%swap3A_548, %swap3A_549] {strides = array<i32>} : memref<128x128xf32, #tpu.memory_space<vmem>>, vector<1x16xf32>,
        %swap3A_551 = vector.shape_cast %swap3A_550 : vector<1x16xf32> to vector<16xf32>
        %swap3A_552 = vector.shape_cast %mul3A_547 : vector<16xf32> to vector<1x16xf32>
        tpu.vector_store %arg13[%swap3A_548, %swap3A_549], %swap3A_552 {strides = array<i32>} : memref<128x128xf32, #tpu.memory_space<vmem>>, vector<1x16xf32>,
        %get3A_553 = arith.index_cast %add3A_506 : i32 to index
        %get3A_554 = arith.constant 64 : index
        %get3A_555 = tpu.vector_load %arg13[%get3A_553, %get3A_554] {strides = array<i32>} : memref<128x128xf32, #tpu.memory_space<vmem>>, vector<1x16xf32>,
        %get3A_556 = vector.shape_cast %get3A_555 : vector<1x16xf32> to vector<16xf32>
        %mul3A_557 = vector.broadcast %squeeze3A_508 : f32 to vector<16xf32>
        %mul3A_558 = arith.mulf %get3A_556, %mul3A_557 : vector<16xf32>
        %swap3A_559 = arith.index_cast %add3A_506 : i32 to index
        %swap3A_560 = arith.constant 64 : index
        %swap3A_561 = tpu.vector_load %arg13[%swap3A_559, %swap3A_560] {strides = array<i32>} : memref<128x128xf32, #tpu.memory_space<vmem>>, vector<1x16xf32>,
        %swap3A_562 = vector.shape_cast %swap3A_561 : vector<1x16xf32> to vector<16xf32>
        %swap3A_563 = vector.shape_cast %mul3A_558 : vector<16xf32> to vector<1x16xf32>
        tpu.vector_store %arg13[%swap3A_559, %swap3A_560], %swap3A_563 {strides = array<i32>} : memref<128x128xf32, #tpu.memory_space<vmem>>, vector<1x16xf32>,
        %get3A_564 = arith.index_cast %add3A_506 : i32 to index
        %get3A_565 = arith.constant 80 : index
        %get3A_566 = tpu.vector_load %arg13[%get3A_564, %get3A_565] {strides = array<i32>} : memref<128x128xf32, #tpu.memory_space<vmem>>, vector<1x16xf32>,
        %get3A_567 = vector.shape_cast %get3A_566 : vector<1x16xf32> to vector<16xf32>
        %mul3A_568 = vector.broadcast %squeeze3A_508 : f32 to vector<16xf32>
        %mul3A_569 = arith.mulf %get3A_567, %mul3A_568 : vector<16xf32>
        %swap3A_570 = arith.index_cast %add3A_506 : i32 to index
        %swap3A_571 = arith.constant 80 : index
        %swap3A_572 = tpu.vector_load %arg13[%swap3A_570, %swap3A_571] {strides = array<i32>} : memref<128x128xf32, #tpu.memory_space<vmem>>, vector<1x16xf32>,
        %swap3A_573 = vector.shape_cast %swap3A_572 : vector<1x16xf32> to vector<16xf32>
        %swap3A_574 = vector.shape_cast %mul3A_569 : vector<16xf32> to vector<1x16xf32>
        tpu.vector_store %arg13[%swap3A_570, %swap3A_571], %swap3A_574 {strides = array<i32>} : memref<128x128xf32, #tpu.memory_space<vmem>>, vector<1x16xf32>,
        %get3A_575 = arith.index_cast %add3A_506 : i32 to index
        %get3A_576 = arith.constant 96 : index
        %get3A_577 = tpu.vector_load %arg13[%get3A_575, %get3A_576] {strides = array<i32>} : memref<128x128xf32, #tpu.memory_space<vmem>>, vector<1x16xf32>,
        %get3A_578 = vector.shape_cast %get3A_577 : vector<1x16xf32> to vector<16xf32>
        %mul3A_579 = vector.broadcast %squeeze3A_508 : f32 to vector<16xf32>
        %mul3A_580 = arith.mulf %get3A_578, %mul3A_579 : vector<16xf32>
        %swap3A_581 = arith.index_cast %add3A_506 : i32 to index
        %swap3A_582 = arith.constant 96 : index
        %swap3A_583 = tpu.vector_load %arg13[%swap3A_581, %swap3A_582] {strides = array<i32>} : memref<128x128xf32, #tpu.memory_space<vmem>>, vector<1x16xf32>,
        %swap3A_584 = vector.shape_cast %swap3A_583 : vector<1x16xf32> to vector<16xf32>
        %swap3A_585 = vector.shape_cast %mul3A_580 : vector<16xf32> to vector<1x16xf32>
        tpu.vector_store %arg13[%swap3A_581, %swap3A_582], %swap3A_585 {strides = array<i32>} : memref<128x128xf32, #tpu.memory_space<vmem>>, vector<1x16xf32>,
        %get3A_586 = arith.index_cast %add3A_506 : i32 to index
        %get3A_587 = arith.constant 112 : index
        %get3A_588 = tpu.vector_load %arg13[%get3A_586, %get3A_587] {strides = array<i32>} : memref<128x128xf32, #tpu.memory_space<vmem>>, vector<1x16xf32>,
        %get3A_589 = vector.shape_cast %get3A_588 : vector<1x16xf32> to vector<16xf32>
        %mul3A_590 = vector.broadcast %squeeze3A_508 : f32 to vector<16xf32>
        %mul3A_591 = arith.mulf %get3A_589, %mul3A_590 : vector<16xf32>
        %swap3A_592 = arith.index_cast %add3A_506 : i32 to index
        %swap3A_593 = arith.constant 112 : index
        %swap3A_594 = tpu.vector_load %arg13[%swap3A_592, %swap3A_593] {strides = array<i32>} : memref<128x128xf32, #tpu.memory_space<vmem>>, vector<1x16xf32>,
        %swap3A_595 = vector.shape_cast %swap3A_594 : vector<1x16xf32> to vector<16xf32>
        %swap3A_596 = vector.shape_cast %mul3A_591 : vector<16xf32> to vector<1x16xf32>
        tpu.vector_store %arg13[%swap3A_592, %swap3A_593], %swap3A_596 {strides = array<i32>} : memref<128x128xf32, #tpu.memory_space<vmem>>, vector<1x16xf32>,
        %mul3A_597 = arith.constant 16 : i32
        %mul3A_598 = arith.muli %scan3A_219, %mul3A_597 : i32
        %add3A_599 = arith.constant 4 : i32
        %add3A_600 = arith.addi %mul3A_598, %add3A_599 : i32
        %slice3A_601 = vector.extract_strided_slice %get3A_223 {offsets = [4], sizes = [1], strides = [1]} : vector<16xf32> to vector<1xf32>
        %squeeze3A_602 = vector.extract %slice3A_601[0] : f32 from vector<1xf32>
        %get3A_603 = arith.index_cast %add3A_600 : i32 to index
        %get3A_604 = arith.constant 0 : index
        %get3A_605 = tpu.vector_load %arg13[%get3A_603, %get3A_604] {strides = array<i32>} : memref<128x128xf32, #tpu.memory_space<vmem>>, vector<1x16xf32>,
        %get3A_606 = vector.shape_cast %get3A_605 : vector<1x16xf32> to vector<16xf32>
        %mul3A_607 = vector.broadcast %squeeze3A_602 : f32 to vector<16xf32>
        %mul3A_608 = arith.mulf %get3A_606, %mul3A_607 : vector<16xf32>
        %swap3A_609 = arith.index_cast %add3A_600 : i32 to index
        %swap3A_610 = arith.constant 0 : index
        %swap3A_611 = tpu.vector_load %arg13[%swap3A_609, %swap3A_610] {strides = array<i32>} : memref<128x128xf32, #tpu.memory_space<vmem>>, vector<1x16xf32>,
        %swap3A_612 = vector.shape_cast %swap3A_611 : vector<1x16xf32> to vector<16xf32>
        %swap3A_613 = vector.shape_cast %mul3A_608 : vector<16xf32> to vector<1x16xf32>
        tpu.vector_store %arg13[%swap3A_609, %swap3A_610], %swap3A_613 {strides = array<i32>} : memref<128x128xf32, #tpu.memory_space<vmem>>, vector<1x16xf32>,
        %get3A_614 = arith.index_cast %add3A_600 : i32 to index
        %get3A_615 = arith.constant 16 : index
        %get3A_616 = tpu.vector_load %arg13[%get3A_614, %get3A_615] {strides = array<i32>} : memref<128x128xf32, #tpu.memory_space<vmem>>, vector<1x16xf32>,
        %get3A_617 = vector.shape_cast %get3A_616 : vector<1x16xf32> to vector<16xf32>
        %mul3A_618 = vector.broadcast %squeeze3A_602 : f32 to vector<16xf32>
        %mul3A_619 = arith.mulf %get3A_617, %mul3A_618 : vector<16xf32>
        %swap3A_620 = arith.index_cast %add3A_600 : i32 to index
        %swap3A_621 = arith.constant 16 : index
        %swap3A_622 = tpu.vector_load %arg13[%swap3A_620, %swap3A_621] {strides = array<i32>} : memref<128x128xf32, #tpu.memory_space<vmem>>, vector<1x16xf32>,
        %swap3A_623 = vector.shape_cast %swap3A_622 : vector<1x16xf32> to vector<16xf32>
        %swap3A_624 = vector.shape_cast %mul3A_619 : vector<16xf32> to vector<1x16xf32>
        tpu.vector_store %arg13[%swap3A_620, %swap3A_621], %swap3A_624 {strides = array<i32>} : memref<128x128xf32, #tpu.memory_space<vmem>>, vector<1x16xf32>,
        %get3A_625 = arith.index_cast %add3A_600 : i32 to index
        %get3A_626 = arith.constant 32 : index
        %get3A_627 = tpu.vector_load %arg13[%get3A_625, %get3A_626] {strides = array<i32>} : memref<128x128xf32, #tpu.memory_space<vmem>>, vector<1x16xf32>,
        %get3A_628 = vector.shape_cast %get3A_627 : vector<1x16xf32> to vector<16xf32>
        %mul3A_629 = vector.broadcast %squeeze3A_602 : f32 to vector<16xf32>
        %mul3A_630 = arith.mulf %get3A_628, %mul3A_629 : vector<16xf32>
        %swap3A_631 = arith.index_cast %add3A_600 : i32 to index
        %swap3A_632 = arith.constant 32 : index
        %swap3A_633 = tpu.vector_load %arg13[%swap3A_631, %swap3A_632] {strides = array<i32>} : memref<128x128xf32, #tpu.memory_space<vmem>>, vector<1x16xf32>,
        %swap3A_634 = vector.shape_cast %swap3A_633 : vector<1x16xf32> to vector<16xf32>
        %swap3A_635 = vector.shape_cast %mul3A_630 : vector<16xf32> to vector<1x16xf32>
        tpu.vector_store %arg13[%swap3A_631, %swap3A_632], %swap3A_635 {strides = array<i32>} : memref<128x128xf32, #tpu.memory_space<vmem>>, vector<1x16xf32>,
        %get3A_636 = arith.index_cast %add3A_600 : i32 to index
        %get3A_637 = arith.constant 48 : index
        %get3A_638 = tpu.vector_load %arg13[%get3A_636, %get3A_637] {strides = array<i32>} : memref<128x128xf32, #tpu.memory_space<vmem>>, vector<1x16xf32>,
        %get3A_639 = vector.shape_cast %get3A_638 : vector<1x16xf32> to vector<16xf32>
        %mul3A_640 = vector.broadcast %squeeze3A_602 : f32 to vector<16xf32>
        %mul3A_641 = arith.mulf %get3A_639, %mul3A_640 : vector<16xf32>
        %swap3A_642 = arith.index_cast %add3A_600 : i32 to index
        %swap3A_643 = arith.constant 48 : index
        %swap3A_644 = tpu.vector_load %arg13[%swap3A_642, %swap3A_643] {strides = array<i32>} : memref<128x128xf32, #tpu.memory_space<vmem>>, vector<1x16xf32>,
        %swap3A_645 = vector.shape_cast %swap3A_644 : vector<1x16xf32> to vector<16xf32>
        %swap3A_646 = vector.shape_cast %mul3A_641 : vector<16xf32> to vector<1x16xf32>
        tpu.vector_store %arg13[%swap3A_642, %swap3A_643], %swap3A_646 {strides = array<i32>} : memref<128x128xf32, #tpu.memory_space<vmem>>, vector<1x16xf32>,
        %get3A_647 = arith.index_cast %add3A_600 : i32 to index
        %get3A_648 = arith.constant 64 : index
        %get3A_649 = tpu.vector_load %arg13[%get3A_647, %get3A_648] {strides = array<i32>} : memref<128x128xf32, #tpu.memory_space<vmem>>, vector<1x16xf32>,
        %get3A_650 = vector.shape_cast %get3A_649 : vector<1x16xf32> to vector<16xf32>
        %mul3A_651 = vector.broadcast %squeeze3A_602 : f32 to vector<16xf32>
        %mul3A_652 = arith.mulf %get3A_650, %mul3A_651 : vector<16xf32>
        %swap3A_653 = arith.index_cast %add3A_600 : i32 to index
        %swap3A_654 = arith.constant 64 : index
        %swap3A_655 = tpu.vector_load %arg13[%swap3A_653, %swap3A_654] {strides = array<i32>} : memref<128x128xf32, #tpu.memory_space<vmem>>, vector<1x16xf32>,
        %swap3A_656 = vector.shape_cast %swap3A_655 : vector<1x16xf32> to vector<16xf32>
        %swap3A_657 = vector.shape_cast %mul3A_652 : vector<16xf32> to vector<1x16xf32>
        tpu.vector_store %arg13[%swap3A_653, %swap3A_654], %swap3A_657 {strides = array<i32>} : memref<128x128xf32, #tpu.memory_space<vmem>>, vector<1x16xf32>,
        %get3A_658 = arith.index_cast %add3A_600 : i32 to index
        %get3A_659 = arith.constant 80 : index
        %get3A_660 = tpu.vector_load %arg13[%get3A_658, %get3A_659] {strides = array<i32>} : memref<128x128xf32, #tpu.memory_space<vmem>>, vector<1x16xf32>,
        %get3A_661 = vector.shape_cast %get3A_660 : vector<1x16xf32> to vector<16xf32>
        %mul3A_662 = vector.broadcast %squeeze3A_602 : f32 to vector<16xf32>
        %mul3A_663 = arith.mulf %get3A_661, %mul3A_662 : vector<16xf32>
        %swap3A_664 = arith.index_cast %add3A_600 : i32 to index
        %swap3A_665 = arith.constant 80 : index
        %swap3A_666 = tpu.vector_load %arg13[%swap3A_664, %swap3A_665] {strides = array<i32>} : memref<128x128xf32, #tpu.memory_space<vmem>>, vector<1x16xf32>,
        %swap3A_667 = vector.shape_cast %swap3A_666 : vector<1x16xf32> to vector<16xf32>
        %swap3A_668 = vector.shape_cast %mul3A_663 : vector<16xf32> to vector<1x16xf32>
        tpu.vector_store %arg13[%swap3A_664, %swap3A_665], %swap3A_668 {strides = array<i32>} : memref<128x128xf32, #tpu.memory_space<vmem>>, vector<1x16xf32>,
        %get3A_669 = arith.index_cast %add3A_600 : i32 to index
        %get3A_670 = arith.constant 96 : index
        %get3A_671 = tpu.vector_load %arg13[%get3A_669, %get3A_670] {strides = array<i32>} : memref<128x128xf32, #tpu.memory_space<vmem>>, vector<1x16xf32>,
        %get3A_672 = vector.shape_cast %get3A_671 : vector<1x16xf32> to vector<16xf32>
        %mul3A_673 = vector.broadcast %squeeze3A_602 : f32 to vector<16xf32>
        %mul3A_674 = arith.mulf %get3A_672, %mul3A_673 : vector<16xf32>
        %swap3A_675 = arith.index_cast %add3A_600 : i32 to index
        %swap3A_676 = arith.constant 96 : index
        %swap3A_677 = tpu.vector_load %arg13[%swap3A_675, %swap3A_676] {strides = array<i32>} : memref<128x128xf32, #tpu.memory_space<vmem>>, vector<1x16xf32>,
        %swap3A_678 = vector.shape_cast %swap3A_677 : vector<1x16xf32> to vector<16xf32>
        %swap3A_679 = vector.shape_cast %mul3A_674 : vector<16xf32> to vector<1x16xf32>
        tpu.vector_store %arg13[%swap3A_675, %swap3A_676], %swap3A_679 {strides = array<i32>} : memref<128x128xf32, #tpu.memory_space<vmem>>, vector<1x16xf32>,
        %get3A_680 = arith.index_cast %add3A_600 : i32 to index
        %get3A_681 = arith.constant 112 : index
        %get3A_682 = tpu.vector_load %arg13[%get3A_680, %get3A_681] {strides = array<i32>} : memref<128x128xf32, #tpu.memory_space<vmem>>, vector<1x16xf32>,
        %get3A_683 = vector.shape_cast %get3A_682 : vector<1x16xf32> to vector<16xf32>
        %mul3A_684 = vector.broadcast %squeeze3A_602 : f32 to vector<16xf32>
        %mul3A_685 = arith.mulf %get3A_683, %mul3A_684 : vector<16xf32>
        %swap3A_686 = arith.index_cast %add3A_600 : i32 to index
        %swap3A_687 = arith.constant 112 : index
        %swap3A_688 = tpu.vector_load %arg13[%swap3A_686, %swap3A_687] {strides = array<i32>} : memref<128x128xf32, #tpu.memory_space<vmem>>, vector<1x16xf32>,
        %swap3A_689 = vector.shape_cast %swap3A_688 : vector<1x16xf32> to vector<16xf32>
        %swap3A_690 = vector.shape_cast %mul3A_685 : vector<16xf32> to vector<1x16xf32>
        tpu.vector_store %arg13[%swap3A_686, %swap3A_687], %swap3A_690 {strides = array<i32>} : memref<128x128xf32, #tpu.memory_space<vmem>>, vector<1x16xf32>,
        %mul3A_691 = arith.constant 16 : i32
        %mul3A_692 = arith.muli %scan3A_219, %mul3A_691 : i32
        %add3A_693 = arith.constant 5 : i32
        %add3A_694 = arith.addi %mul3A_692, %add3A_693 : i32
        %slice3A_695 = vector.extract_strided_slice %get3A_223 {offsets = [5], sizes = [1], strides = [1]} : vector<16xf32> to vector<1xf32>
        %squeeze3A_696 = vector.extract %slice3A_695[0] : f32 from vector<1xf32>
        %get3A_697 = arith.index_cast %add3A_694 : i32 to index
        %get3A_698 = arith.constant 0 : index
        %get3A_699 = tpu.vector_load %arg13[%get3A_697, %get3A_698] {strides = array<i32>} : memref<128x128xf32, #tpu.memory_space<vmem>>, vector<1x16xf32>,
        %get3A_700 = vector.shape_cast %get3A_699 : vector<1x16xf32> to vector<16xf32>
        %mul3A_701 = vector.broadcast %squeeze3A_696 : f32 to vector<16xf32>
        %mul3A_702 = arith.mulf %get3A_700, %mul3A_701 : vector<16xf32>
        %swap3A_703 = arith.index_cast %add3A_694 : i32 to index
        %swap3A_704 = arith.constant 0 : index
        %swap3A_705 = tpu.vector_load %arg13[%swap3A_703, %swap3A_704] {strides = array<i32>} : memref<128x128xf32, #tpu.memory_space<vmem>>, vector<1x16xf32>,
        %swap3A_706 = vector.shape_cast %swap3A_705 : vector<1x16xf32> to vector<16xf32>
        %swap3A_707 = vector.shape_cast %mul3A_702 : vector<16xf32> to vector<1x16xf32>
        tpu.vector_store %arg13[%swap3A_703, %swap3A_704], %swap3A_707 {strides = array<i32>} : memref<128x128xf32, #tpu.memory_space<vmem>>, vector<1x16xf32>,
        %get3A_708 = arith.index_cast %add3A_694 : i32 to index
        %get3A_709 = arith.constant 16 : index
        %get3A_710 = tpu.vector_load %arg13[%get3A_708, %get3A_709] {strides = array<i32>} : memref<128x128xf32, #tpu.memory_space<vmem>>, vector<1x16xf32>,
        %get3A_711 = vector.shape_cast %get3A_710 : vector<1x16xf32> to vector<16xf32>
        %mul3A_712 = vector.broadcast %squeeze3A_696 : f32 to vector<16xf32>
        %mul3A_713 = arith.mulf %get3A_711, %mul3A_712 : vector<16xf32>
        %swap3A_714 = arith.index_cast %add3A_694 : i32 to index
        %swap3A_715 = arith.constant 16 : index
        %swap3A_716 = tpu.vector_load %arg13[%swap3A_714, %swap3A_715] {strides = array<i32>} : memref<128x128xf32, #tpu.memory_space<vmem>>, vector<1x16xf32>,
        %swap3A_717 = vector.shape_cast %swap3A_716 : vector<1x16xf32> to vector<16xf32>
        %swap3A_718 = vector.shape_cast %mul3A_713 : vector<16xf32> to vector<1x16xf32>
        tpu.vector_store %arg13[%swap3A_714, %swap3A_715], %swap3A_718 {strides = array<i32>} : memref<128x128xf32, #tpu.memory_space<vmem>>, vector<1x16xf32>,
        %get3A_719 = arith.index_cast %add3A_694 : i32 to index
        %get3A_720 = arith.constant 32 : index
        %get3A_721 = tpu.vector_load %arg13[%get3A_719, %get3A_720] {strides = array<i32>} : memref<128x128xf32, #tpu.memory_space<vmem>>, vector<1x16xf32>,
        %get3A_722 = vector.shape_cast %get3A_721 : vector<1x16xf32> to vector<16xf32>
        %mul3A_723 = vector.broadcast %squeeze3A_696 : f32 to vector<16xf32>
        %mul3A_724 = arith.mulf %get3A_722, %mul3A_723 : vector<16xf32>
        %swap3A_725 = arith.index_cast %add3A_694 : i32 to index
        %swap3A_726 = arith.constant 32 : index
        %swap3A_727 = tpu.vector_load %arg13[%swap3A_725, %swap3A_726] {strides = array<i32>} : memref<128x128xf32, #tpu.memory_space<vmem>>, vector<1x16xf32>,
        %swap3A_728 = vector.shape_cast %swap3A_727 : vector<1x16xf32> to vector<16xf32>
        %swap3A_729 = vector.shape_cast %mul3A_724 : vector<16xf32> to vector<1x16xf32>
        tpu.vector_store %arg13[%swap3A_725, %swap3A_726], %swap3A_729 {strides = array<i32>} : memref<128x128xf32, #tpu.memory_space<vmem>>, vector<1x16xf32>,
        %get3A_730 = arith.index_cast %add3A_694 : i32 to index
        %get3A_731 = arith.constant 48 : index
        %get3A_732 = tpu.vector_load %arg13[%get3A_730, %get3A_731] {strides = array<i32>} : memref<128x128xf32, #tpu.memory_space<vmem>>, vector<1x16xf32>,
        %get3A_733 = vector.shape_cast %get3A_732 : vector<1x16xf32> to vector<16xf32>
        %mul3A_734 = vector.broadcast %squeeze3A_696 : f32 to vector<16xf32>
        %mul3A_735 = arith.mulf %get3A_733, %mul3A_734 : vector<16xf32>
        %swap3A_736 = arith.index_cast %add3A_694 : i32 to index
        %swap3A_737 = arith.constant 48 : index
        %swap3A_738 = tpu.vector_load %arg13[%swap3A_736, %swap3A_737] {strides = array<i32>} : memref<128x128xf32, #tpu.memory_space<vmem>>, vector<1x16xf32>,
        %swap3A_739 = vector.shape_cast %swap3A_738 : vector<1x16xf32> to vector<16xf32>
        %swap3A_740 = vector.shape_cast %mul3A_735 : vector<16xf32> to vector<1x16xf32>
        tpu.vector_store %arg13[%swap3A_736, %swap3A_737], %swap3A_740 {strides = array<i32>} : memref<128x128xf32, #tpu.memory_space<vmem>>, vector<1x16xf32>,
        %get3A_741 = arith.index_cast %add3A_694 : i32 to index
        %get3A_742 = arith.constant 64 : index
        %get3A_743 = tpu.vector_load %arg13[%get3A_741, %get3A_742] {strides = array<i32>} : memref<128x128xf32, #tpu.memory_space<vmem>>, vector<1x16xf32>,
        %get3A_744 = vector.shape_cast %get3A_743 : vector<1x16xf32> to vector<16xf32>
        %mul3A_745 = vector.broadcast %squeeze3A_696 : f32 to vector<16xf32>
        %mul3A_746 = arith.mulf %get3A_744, %mul3A_745 : vector<16xf32>
        %swap3A_747 = arith.index_cast %add3A_694 : i32 to index
        %swap3A_748 = arith.constant 64 : index
        %swap3A_749 = tpu.vector_load %arg13[%swap3A_747, %swap3A_748] {strides = array<i32>} : memref<128x128xf32, #tpu.memory_space<vmem>>, vector<1x16xf32>,
        %swap3A_750 = vector.shape_cast %swap3A_749 : vector<1x16xf32> to vector<16xf32>
        %swap3A_751 = vector.shape_cast %mul3A_746 : vector<16xf32> to vector<1x16xf32>
        tpu.vector_store %arg13[%swap3A_747, %swap3A_748], %swap3A_751 {strides = array<i32>} : memref<128x128xf32, #tpu.memory_space<vmem>>, vector<1x16xf32>,
        %get3A_752 = arith.index_cast %add3A_694 : i32 to index
        %get3A_753 = arith.constant 80 : index
        %get3A_754 = tpu.vector_load %arg13[%get3A_752, %get3A_753] {strides = array<i32>} : memref<128x128xf32, #tpu.memory_space<vmem>>, vector<1x16xf32>,
        %get3A_755 = vector.shape_cast %get3A_754 : vector<1x16xf32> to vector<16xf32>
        %mul3A_756 = vector.broadcast %squeeze3A_696 : f32 to vector<16xf32>
        %mul3A_757 = arith.mulf %get3A_755, %mul3A_756 : vector<16xf32>
        %swap3A_758 = arith.index_cast %add3A_694 : i32 to index
        %swap3A_759 = arith.constant 80 : index
        %swap3A_760 = tpu.vector_load %arg13[%swap3A_758, %swap3A_759] {strides = array<i32>} : memref<128x128xf32, #tpu.memory_space<vmem>>, vector<1x16xf32>,
        %swap3A_761 = vector.shape_cast %swap3A_760 : vector<1x16xf32> to vector<16xf32>
        %swap3A_762 = vector.shape_cast %mul3A_757 : vector<16xf32> to vector<1x16xf32>
        tpu.vector_store %arg13[%swap3A_758, %swap3A_759], %swap3A_762 {strides = array<i32>} : memref<128x128xf32, #tpu.memory_space<vmem>>, vector<1x16xf32>,
        %get3A_763 = arith.index_cast %add3A_694 : i32 to index
        %get3A_764 = arith.constant 96 : index
        %get3A_765 = tpu.vector_load %arg13[%get3A_763, %get3A_764] {strides = array<i32>} : memref<128x128xf32, #tpu.memory_space<vmem>>, vector<1x16xf32>,
        %get3A_766 = vector.shape_cast %get3A_765 : vector<1x16xf32> to vector<16xf32>
        %mul3A_767 = vector.broadcast %squeeze3A_696 : f32 to vector<16xf32>
        %mul3A_768 = arith.mulf %get3A_766, %mul3A_767 : vector<16xf32>
        %swap3A_769 = arith.index_cast %add3A_694 : i32 to index
        %swap3A_770 = arith.constant 96 : index
        %swap3A_771 = tpu.vector_load %arg13[%swap3A_769, %swap3A_770] {strides = array<i32>} : memref<128x128xf32, #tpu.memory_space<vmem>>, vector<1x16xf32>,
        %swap3A_772 = vector.shape_cast %swap3A_771 : vector<1x16xf32> to vector<16xf32>
        %swap3A_773 = vector.shape_cast %mul3A_768 : vector<16xf32> to vector<1x16xf32>
        tpu.vector_store %arg13[%swap3A_769, %swap3A_770], %swap3A_773 {strides = array<i32>} : memref<128x128xf32, #tpu.memory_space<vmem>>, vector<1x16xf32>,
        %get3A_774 = arith.index_cast %add3A_694 : i32 to index
        %get3A_775 = arith.constant 112 : index
        %get3A_776 = tpu.vector_load %arg13[%get3A_774, %get3A_775] {strides = array<i32>} : memref<128x128xf32, #tpu.memory_space<vmem>>, vector<1x16xf32>,
        %get3A_777 = vector.shape_cast %get3A_776 : vector<1x16xf32> to vector<16xf32>
        %mul3A_778 = vector.broadcast %squeeze3A_696 : f32 to vector<16xf32>
        %mul3A_779 = arith.mulf %get3A_777, %mul3A_778 : vector<16xf32>
        %swap3A_780 = arith.index_cast %add3A_694 : i32 to index
        %swap3A_781 = arith.constant 112 : index
        %swap3A_782 = tpu.vector_load %arg13[%swap3A_780, %swap3A_781] {strides = array<i32>} : memref<128x128xf32, #tpu.memory_space<vmem>>, vector<1x16xf32>,
        %swap3A_783 = vector.shape_cast %swap3A_782 : vector<1x16xf32> to vector<16xf32>
        %swap3A_784 = vector.shape_cast %mul3A_779 : vector<16xf32> to vector<1x16xf32>
        tpu.vector_store %arg13[%swap3A_780, %swap3A_781], %swap3A_784 {strides = array<i32>} : memref<128x128xf32, #tpu.memory_space<vmem>>, vector<1x16xf32>,
        %mul3A_785 = arith.constant 16 : i32
        %mul3A_786 = arith.muli %scan3A_219, %mul3A_785 : i32
        %add3A_787 = arith.constant 6 : i32
        %add3A_788 = arith.addi %mul3A_786, %add3A_787 : i32
        %slice3A_789 = vector.extract_strided_slice %get3A_223 {offsets = [6], sizes = [1], strides = [1]} : vector<16xf32> to vector<1xf32>
        %squeeze3A_790 = vector.extract %slice3A_789[0] : f32 from vector<1xf32>
        %get3A_791 = arith.index_cast %add3A_788 : i32 to index
        %get3A_792 = arith.constant 0 : index
        %get3A_793 = tpu.vector_load %arg13[%get3A_791, %get3A_792] {strides = array<i32>} : memref<128x128xf32, #tpu.memory_space<vmem>>, vector<1x16xf32>,
        %get3A_794 = vector.shape_cast %get3A_793 : vector<1x16xf32> to vector<16xf32>
        %mul3A_795 = vector.broadcast %squeeze3A_790 : f32 to vector<16xf32>
        %mul3A_796 = arith.mulf %get3A_794, %mul3A_795 : vector<16xf32>
        %swap3A_797 = arith.index_cast %add3A_788 : i32 to index
        %swap3A_798 = arith.constant 0 : index
        %swap3A_799 = tpu.vector_load %arg13[%swap3A_797, %swap3A_798] {strides = array<i32>} : memref<128x128xf32, #tpu.memory_space<vmem>>, vector<1x16xf32>,
        %swap3A_800 = vector.shape_cast %swap3A_799 : vector<1x16xf32> to vector<16xf32>
        %swap3A_801 = vector.shape_cast %mul3A_796 : vector<16xf32> to vector<1x16xf32>
        tpu.vector_store %arg13[%swap3A_797, %swap3A_798], %swap3A_801 {strides = array<i32>} : memref<128x128xf32, #tpu.memory_space<vmem>>, vector<1x16xf32>,
        %get3A_802 = arith.index_cast %add3A_788 : i32 to index
        %get3A_803 = arith.constant 16 : index
        %get3A_804 = tpu.vector_load %arg13[%get3A_802, %get3A_803] {strides = array<i32>} : memref<128x128xf32, #tpu.memory_space<vmem>>, vector<1x16xf32>,
        %get3A_805 = vector.shape_cast %get3A_804 : vector<1x16xf32> to vector<16xf32>
        %mul3A_806 = vector.broadcast %squeeze3A_790 : f32 to vector<16xf32>
        %mul3A_807 = arith.mulf %get3A_805, %mul3A_806 : vector<16xf32>
        %swap3A_808 = arith.index_cast %add3A_788 : i32 to index
        %swap3A_809 = arith.constant 16 : index
        %swap3A_810 = tpu.vector_load %arg13[%swap3A_808, %swap3A_809] {strides = array<i32>} : memref<128x128xf32, #tpu.memory_space<vmem>>, vector<1x16xf32>,
        %swap3A_811 = vector.shape_cast %swap3A_810 : vector<1x16xf32> to vector<16xf32>
        %swap3A_812 = vector.shape_cast %mul3A_807 : vector<16xf32> to vector<1x16xf32>
        tpu.vector_store %arg13[%swap3A_808, %swap3A_809], %swap3A_812 {strides = array<i32>} : memref<128x128xf32, #tpu.memory_space<vmem>>, vector<1x16xf32>,
        %get3A_813 = arith.index_cast %add3A_788 : i32 to index
        %get3A_814 = arith.constant 32 : index
        %get3A_815 = tpu.vector_load %arg13[%get3A_813, %get3A_814] {strides = array<i32>} : memref<128x128xf32, #tpu.memory_space<vmem>>, vector<1x16xf32>,
        %get3A_816 = vector.shape_cast %get3A_815 : vector<1x16xf32> to vector<16xf32>
        %mul3A_817 = vector.broadcast %squeeze3A_790 : f32 to vector<16xf32>
        %mul3A_818 = arith.mulf %get3A_816, %mul3A_817 : vector<16xf32>
        %swap3A_819 = arith.index_cast %add3A_788 : i32 to index
        %swap3A_820 = arith.constant 32 : index
        %swap3A_821 = tpu.vector_load %arg13[%swap3A_819, %swap3A_820] {strides = array<i32>} : memref<128x128xf32, #tpu.memory_space<vmem>>, vector<1x16xf32>,
        %swap3A_822 = vector.shape_cast %swap3A_821 : vector<1x16xf32> to vector<16xf32>
        %swap3A_823 = vector.shape_cast %mul3A_818 : vector<16xf32> to vector<1x16xf32>
        tpu.vector_store %arg13[%swap3A_819, %swap3A_820], %swap3A_823 {strides = array<i32>} : memref<128x128xf32, #tpu.memory_space<vmem>>, vector<1x16xf32>,
        %get3A_824 = arith.index_cast %add3A_788 : i32 to index
        %get3A_825 = arith.constant 48 : index
        %get3A_826 = tpu.vector_load %arg13[%get3A_824, %get3A_825] {strides = array<i32>} : memref<128x128xf32, #tpu.memory_space<vmem>>, vector<1x16xf32>,
        %get3A_827 = vector.shape_cast %get3A_826 : vector<1x16xf32> to vector<16xf32>
        %mul3A_828 = vector.broadcast %squeeze3A_790 : f32 to vector<16xf32>
        %mul3A_829 = arith.mulf %get3A_827, %mul3A_828 : vector<16xf32>
        %swap3A_830 = arith.index_cast %add3A_788 : i32 to index
        %swap3A_831 = arith.constant 48 : index
        %swap3A_832 = tpu.vector_load %arg13[%swap3A_830, %swap3A_831] {strides = array<i32>} : memref<128x128xf32, #tpu.memory_space<vmem>>, vector<1x16xf32>,
        %swap3A_833 = vector.shape_cast %swap3A_832 : vector<1x16xf32> to vector<16xf32>
        %swap3A_834 = vector.shape_cast %mul3A_829 : vector<16xf32> to vector<1x16xf32>
        tpu.vector_store %arg13[%swap3A_830, %swap3A_831], %swap3A_834 {strides = array<i32>} : memref<128x128xf32, #tpu.memory_space<vmem>>, vector<1x16xf32>,
        %get3A_835 = arith.index_cast %add3A_788 : i32 to index
        %get3A_836 = arith.constant 64 : index
        %get3A_837 = tpu.vector_load %arg13[%get3A_835, %get3A_836] {strides = array<i32>} : memref<128x128xf32, #tpu.memory_space<vmem>>, vector<1x16xf32>,
        %get3A_838 = vector.shape_cast %get3A_837 : vector<1x16xf32> to vector<16xf32>
        %mul3A_839 = vector.broadcast %squeeze3A_790 : f32 to vector<16xf32>
        %mul3A_840 = arith.mulf %get3A_838, %mul3A_839 : vector<16xf32>
        %swap3A_841 = arith.index_cast %add3A_788 : i32 to index
        %swap3A_842 = arith.constant 64 : index
        %swap3A_843 = tpu.vector_load %arg13[%swap3A_841, %swap3A_842] {strides = array<i32>} : memref<128x128xf32, #tpu.memory_space<vmem>>, vector<1x16xf32>,
        %swap3A_844 = vector.shape_cast %swap3A_843 : vector<1x16xf32> to vector<16xf32>
        %swap3A_845 = vector.shape_cast %mul3A_840 : vector<16xf32> to vector<1x16xf32>
        tpu.vector_store %arg13[%swap3A_841, %swap3A_842], %swap3A_845 {strides = array<i32>} : memref<128x128xf32, #tpu.memory_space<vmem>>, vector<1x16xf32>,
        %get3A_846 = arith.index_cast %add3A_788 : i32 to index
        %get3A_847 = arith.constant 80 : index
        %get3A_848 = tpu.vector_load %arg13[%get3A_846, %get3A_847] {strides = array<i32>} : memref<128x128xf32, #tpu.memory_space<vmem>>, vector<1x16xf32>,
        %get3A_849 = vector.shape_cast %get3A_848 : vector<1x16xf32> to vector<16xf32>
        %mul3A_850 = vector.broadcast %squeeze3A_790 : f32 to vector<16xf32>
        %mul3A_851 = arith.mulf %get3A_849, %mul3A_850 : vector<16xf32>
        %swap3A_852 = arith.index_cast %add3A_788 : i32 to index
        %swap3A_853 = arith.constant 80 : index
        %swap3A_854 = tpu.vector_load %arg13[%swap3A_852, %swap3A_853] {strides = array<i32>} : memref<128x128xf32, #tpu.memory_space<vmem>>, vector<1x16xf32>,
        %swap3A_855 = vector.shape_cast %swap3A_854 : vector<1x16xf32> to vector<16xf32>
        %swap3A_856 = vector.shape_cast %mul3A_851 : vector<16xf32> to vector<1x16xf32>
        tpu.vector_store %arg13[%swap3A_852, %swap3A_853], %swap3A_856 {strides = array<i32>} : memref<128x128xf32, #tpu.memory_space<vmem>>, vector<1x16xf32>,
        %get3A_857 = arith.index_cast %add3A_788 : i32 to index
        %get3A_858 = arith.constant 96 : index
        %get3A_859 = tpu.vector_load %arg13[%get3A_857, %get3A_858] {strides = array<i32>} : memref<128x128xf32, #tpu.memory_space<vmem>>, vector<1x16xf32>,
        %get3A_860 = vector.shape_cast %get3A_859 : vector<1x16xf32> to vector<16xf32>
        %mul3A_861 = vector.broadcast %squeeze3A_790 : f32 to vector<16xf32>
        %mul3A_862 = arith.mulf %get3A_860, %mul3A_861 : vector<16xf32>
        %swap3A_863 = arith.index_cast %add3A_788 : i32 to index
        %swap3A_864 = arith.constant 96 : index
        %swap3A_865 = tpu.vector_load %arg13[%swap3A_863, %swap3A_864] {strides = array<i32>} : memref<128x128xf32, #tpu.memory_space<vmem>>, vector<1x16xf32>,
        %swap3A_866 = vector.shape_cast %swap3A_865 : vector<1x16xf32> to vector<16xf32>
        %swap3A_867 = vector.shape_cast %mul3A_862 : vector<16xf32> to vector<1x16xf32>
        tpu.vector_store %arg13[%swap3A_863, %swap3A_864], %swap3A_867 {strides = array<i32>} : memref<128x128xf32, #tpu.memory_space<vmem>>, vector<1x16xf32>,
        %get3A_868 = arith.index_cast %add3A_788 : i32 to index
        %get3A_869 = arith.constant 112 : index
        %get3A_870 = tpu.vector_load %arg13[%get3A_868, %get3A_869] {strides = array<i32>} : memref<128x128xf32, #tpu.memory_space<vmem>>, vector<1x16xf32>,
        %get3A_871 = vector.shape_cast %get3A_870 : vector<1x16xf32> to vector<16xf32>
        %mul3A_872 = vector.broadcast %squeeze3A_790 : f32 to vector<16xf32>
        %mul3A_873 = arith.mulf %get3A_871, %mul3A_872 : vector<16xf32>
        %swap3A_874 = arith.index_cast %add3A_788 : i32 to index
        %swap3A_875 = arith.constant 112 : index
        %swap3A_876 = tpu.vector_load %arg13[%swap3A_874, %swap3A_875] {strides = array<i32>} : memref<128x128xf32, #tpu.memory_space<vmem>>, vector<1x16xf32>,
        %swap3A_877 = vector.shape_cast %swap3A_876 : vector<1x16xf32> to vector<16xf32>
        %swap3A_878 = vector.shape_cast %mul3A_873 : vector<16xf32> to vector<1x16xf32>
        tpu.vector_store %arg13[%swap3A_874, %swap3A_875], %swap3A_878 {strides = array<i32>} : memref<128x128xf32, #tpu.memory_space<vmem>>, vector<1x16xf32>,
        %mul3A_879 = arith.constant 16 : i32
        %mul3A_880 = arith.muli %scan3A_219, %mul3A_879 : i32
        %add3A_881 = arith.constant 7 : i32
        %add3A_882 = arith.addi %mul3A_880, %add3A_881 : i32
        %slice3A_883 = vector.extract_strided_slice %get3A_223 {offsets = [7], sizes = [1], strides = [1]} : vector<16xf32> to vector<1xf32>
        %squeeze3A_884 = vector.extract %slice3A_883[0] : f32 from vector<1xf32>
        %get3A_885 = arith.index_cast %add3A_882 : i32 to index
        %get3A_886 = arith.constant 0 : index
        %get3A_887 = tpu.vector_load %arg13[%get3A_885, %get3A_886] {strides = array<i32>} : memref<128x128xf32, #tpu.memory_space<vmem>>, vector<1x16xf32>,
        %get3A_888 = vector.shape_cast %get3A_887 : vector<1x16xf32> to vector<16xf32>
        %mul3A_889 = vector.broadcast %squeeze3A_884 : f32 to vector<16xf32>
        %mul3A_890 = arith.mulf %get3A_888, %mul3A_889 : vector<16xf32>
        %swap3A_891 = arith.index_cast %add3A_882 : i32 to index
        %swap3A_892 = arith.constant 0 : index
        %swap3A_893 = tpu.vector_load %arg13[%swap3A_891, %swap3A_892] {strides = array<i32>} : memref<128x128xf32, #tpu.memory_space<vmem>>, vector<1x16xf32>,
        %swap3A_894 = vector.shape_cast %swap3A_893 : vector<1x16xf32> to vector<16xf32>
        %swap3A_895 = vector.shape_cast %mul3A_890 : vector<16xf32> to vector<1x16xf32>
        tpu.vector_store %arg13[%swap3A_891, %swap3A_892], %swap3A_895 {strides = array<i32>} : memref<128x128xf32, #tpu.memory_space<vmem>>, vector<1x16xf32>,
        %get3A_896 = arith.index_cast %add3A_882 : i32 to index
        %get3A_897 = arith.constant 16 : index
        %get3A_898 = tpu.vector_load %arg13[%get3A_896, %get3A_897] {strides = array<i32>} : memref<128x128xf32, #tpu.memory_space<vmem>>, vector<1x16xf32>,
        %get3A_899 = vector.shape_cast %get3A_898 : vector<1x16xf32> to vector<16xf32>
        %mul3A_900 = vector.broadcast %squeeze3A_884 : f32 to vector<16xf32>
        %mul3A_901 = arith.mulf %get3A_899, %mul3A_900 : vector<16xf32>
        %swap3A_902 = arith.index_cast %add3A_882 : i32 to index
        %swap3A_903 = arith.constant 16 : index
        %swap3A_904 = tpu.vector_load %arg13[%swap3A_902, %swap3A_903] {strides = array<i32>} : memref<128x128xf32, #tpu.memory_space<vmem>>, vector<1x16xf32>,
        %swap3A_905 = vector.shape_cast %swap3A_904 : vector<1x16xf32> to vector<16xf32>
        %swap3A_906 = vector.shape_cast %mul3A_901 : vector<16xf32> to vector<1x16xf32>
        tpu.vector_store %arg13[%swap3A_902, %swap3A_903], %swap3A_906 {strides = array<i32>} : memref<128x128xf32, #tpu.memory_space<vmem>>, vector<1x16xf32>,
        %get3A_907 = arith.index_cast %add3A_882 : i32 to index
        %get3A_908 = arith.constant 32 : index
        %get3A_909 = tpu.vector_load %arg13[%get3A_907, %get3A_908] {strides = array<i32>} : memref<128x128xf32, #tpu.memory_space<vmem>>, vector<1x16xf32>,
        %get3A_910 = vector.shape_cast %get3A_909 : vector<1x16xf32> to vector<16xf32>
        %mul3A_911 = vector.broadcast %squeeze3A_884 : f32 to vector<16xf32>
        %mul3A_912 = arith.mulf %get3A_910, %mul3A_911 : vector<16xf32>
        %swap3A_913 = arith.index_cast %add3A_882 : i32 to index
        %swap3A_914 = arith.constant 32 : index
        %swap3A_915 = tpu.vector_load %arg13[%swap3A_913, %swap3A_914] {strides = array<i32>} : memref<128x128xf32, #tpu.memory_space<vmem>>, vector<1x16xf32>,
        %swap3A_916 = vector.shape_cast %swap3A_915 : vector<1x16xf32> to vector<16xf32>
        %swap3A_917 = vector.shape_cast %mul3A_912 : vector<16xf32> to vector<1x16xf32>
        tpu.vector_store %arg13[%swap3A_913, %swap3A_914], %swap3A_917 {strides = array<i32>} : memref<128x128xf32, #tpu.memory_space<vmem>>, vector<1x16xf32>,
        %get3A_918 = arith.index_cast %add3A_882 : i32 to index
        %get3A_919 = arith.constant 48 : index
        %get3A_920 = tpu.vector_load %arg13[%get3A_918, %get3A_919] {strides = array<i32>} : memref<128x128xf32, #tpu.memory_space<vmem>>, vector<1x16xf32>,
        %get3A_921 = vector.shape_cast %get3A_920 : vector<1x16xf32> to vector<16xf32>
        %mul3A_922 = vector.broadcast %squeeze3A_884 : f32 to vector<16xf32>
        %mul3A_923 = arith.mulf %get3A_921, %mul3A_922 : vector<16xf32>
        %swap3A_924 = arith.index_cast %add3A_882 : i32 to index
        %swap3A_925 = arith.constant 48 : index
        %swap3A_926 = tpu.vector_load %arg13[%swap3A_924, %swap3A_925] {strides = array<i32>} : memref<128x128xf32, #tpu.memory_space<vmem>>, vector<1x16xf32>,
        %swap3A_927 = vector.shape_cast %swap3A_926 : vector<1x16xf32> to vector<16xf32>
        %swap3A_928 = vector.shape_cast %mul3A_923 : vector<16xf32> to vector<1x16xf32>
        tpu.vector_store %arg13[%swap3A_924, %swap3A_925], %swap3A_928 {strides = array<i32>} : memref<128x128xf32, #tpu.memory_space<vmem>>, vector<1x16xf32>,
        %get3A_929 = arith.index_cast %add3A_882 : i32 to index
        %get3A_930 = arith.constant 64 : index
        %get3A_931 = tpu.vector_load %arg13[%get3A_929, %get3A_930] {strides = array<i32>} : memref<128x128xf32, #tpu.memory_space<vmem>>, vector<1x16xf32>,
        %get3A_932 = vector.shape_cast %get3A_931 : vector<1x16xf32> to vector<16xf32>
        %mul3A_933 = vector.broadcast %squeeze3A_884 : f32 to vector<16xf32>
        %mul3A_934 = arith.mulf %get3A_932, %mul3A_933 : vector<16xf32>
        %swap3A_935 = arith.index_cast %add3A_882 : i32 to index
        %swap3A_936 = arith.constant 64 : index
        %swap3A_937 = tpu.vector_load %arg13[%swap3A_935, %swap3A_936] {strides = array<i32>} : memref<128x128xf32, #tpu.memory_space<vmem>>, vector<1x16xf32>,
        %swap3A_938 = vector.shape_cast %swap3A_937 : vector<1x16xf32> to vector<16xf32>
        %swap3A_939 = vector.shape_cast %mul3A_934 : vector<16xf32> to vector<1x16xf32>
        tpu.vector_store %arg13[%swap3A_935, %swap3A_936], %swap3A_939 {strides = array<i32>} : memref<128x128xf32, #tpu.memory_space<vmem>>, vector<1x16xf32>,
        %get3A_940 = arith.index_cast %add3A_882 : i32 to index
        %get3A_941 = arith.constant 80 : index
        %get3A_942 = tpu.vector_load %arg13[%get3A_940, %get3A_941] {strides = array<i32>} : memref<128x128xf32, #tpu.memory_space<vmem>>, vector<1x16xf32>,
        %get3A_943 = vector.shape_cast %get3A_942 : vector<1x16xf32> to vector<16xf32>
        %mul3A_944 = vector.broadcast %squeeze3A_884 : f32 to vector<16xf32>
        %mul3A_945 = arith.mulf %get3A_943, %mul3A_944 : vector<16xf32>
        %swap3A_946 = arith.index_cast %add3A_882 : i32 to index
        %swap3A_947 = arith.constant 80 : index
        %swap3A_948 = tpu.vector_load %arg13[%swap3A_946, %swap3A_947] {strides = array<i32>} : memref<128x128xf32, #tpu.memory_space<vmem>>, vector<1x16xf32>,
        %swap3A_949 = vector.shape_cast %swap3A_948 : vector<1x16xf32> to vector<16xf32>
        %swap3A_950 = vector.shape_cast %mul3A_945 : vector<16xf32> to vector<1x16xf32>
        tpu.vector_store %arg13[%swap3A_946, %swap3A_947], %swap3A_950 {strides = array<i32>} : memref<128x128xf32, #tpu.memory_space<vmem>>, vector<1x16xf32>,
        %get3A_951 = arith.index_cast %add3A_882 : i32 to index
        %get3A_952 = arith.constant 96 : index
        %get3A_953 = tpu.vector_load %arg13[%get3A_951, %get3A_952] {strides = array<i32>} : memref<128x128xf32, #tpu.memory_space<vmem>>, vector<1x16xf32>,
        %get3A_954 = vector.shape_cast %get3A_953 : vector<1x16xf32> to vector<16xf32>
        %mul3A_955 = vector.broadcast %squeeze3A_884 : f32 to vector<16xf32>
        %mul3A_956 = arith.mulf %get3A_954, %mul3A_955 : vector<16xf32>
        %swap3A_957 = arith.index_cast %add3A_882 : i32 to index
        %swap3A_958 = arith.constant 96 : index
        %swap3A_959 = tpu.vector_load %arg13[%swap3A_957, %swap3A_958] {strides = array<i32>} : memref<128x128xf32, #tpu.memory_space<vmem>>, vector<1x16xf32>,
        %swap3A_960 = vector.shape_cast %swap3A_959 : vector<1x16xf32> to vector<16xf32>
        %swap3A_961 = vector.shape_cast %mul3A_956 : vector<16xf32> to vector<1x16xf32>
        tpu.vector_store %arg13[%swap3A_957, %swap3A_958], %swap3A_961 {strides = array<i32>} : memref<128x128xf32, #tpu.memory_space<vmem>>, vector<1x16xf32>,
        %get3A_962 = arith.index_cast %add3A_882 : i32 to index
        %get3A_963 = arith.constant 112 : index
        %get3A_964 = tpu.vector_load %arg13[%get3A_962, %get3A_963] {strides = array<i32>} : memref<128x128xf32, #tpu.memory_space<vmem>>, vector<1x16xf32>,
        %get3A_965 = vector.shape_cast %get3A_964 : vector<1x16xf32> to vector<16xf32>
        %mul3A_966 = vector.broadcast %squeeze3A_884 : f32 to vector<16xf32>
        %mul3A_967 = arith.mulf %get3A_965, %mul3A_966 : vector<16xf32>
        %swap3A_968 = arith.index_cast %add3A_882 : i32 to index
        %swap3A_969 = arith.constant 112 : index
        %swap3A_970 = tpu.vector_load %arg13[%swap3A_968, %swap3A_969] {strides = array<i32>} : memref<128x128xf32, #tpu.memory_space<vmem>>, vector<1x16xf32>,
        %swap3A_971 = vector.shape_cast %swap3A_970 : vector<1x16xf32> to vector<16xf32>
        %swap3A_972 = vector.shape_cast %mul3A_967 : vector<16xf32> to vector<1x16xf32>
        tpu.vector_store %arg13[%swap3A_968, %swap3A_969], %swap3A_972 {strides = array<i32>} : memref<128x128xf32, #tpu.memory_space<vmem>>, vector<1x16xf32>,
        %mul3A_973 = arith.constant 16 : i32
        %mul3A_974 = arith.muli %scan3A_219, %mul3A_973 : i32
        %add3A_975 = arith.constant 8 : i32
        %add3A_976 = arith.addi %mul3A_974, %add3A_975 : i32
        %slice3A_977 = vector.extract_strided_slice %get3A_223 {offsets = [8], sizes = [1], strides = [1]} : vector<16xf32> to vector<1xf32>
        %squeeze3A_978 = vector.extract %slice3A_977[0] : f32 from vector<1xf32>
        %get3A_979 = arith.index_cast %add3A_976 : i32 to index
        %get3A_980 = arith.constant 0 : index
        %get3A_981 = tpu.vector_load %arg13[%get3A_979, %get3A_980] {strides = array<i32>} : memref<128x128xf32, #tpu.memory_space<vmem>>, vector<1x16xf32>,
        %get3A_982 = vector.shape_cast %get3A_981 : vector<1x16xf32> to vector<16xf32>
        %mul3A_983 = vector.broadcast %squeeze3A_978 : f32 to vector<16xf32>
        %mul3A_984 = arith.mulf %get3A_982, %mul3A_983 : vector<16xf32>
        %swap3A_985 = arith.index_cast %add3A_976 : i32 to index
        %swap3A_986 = arith.constant 0 : index
        %swap3A_987 = tpu.vector_load %arg13[%swap3A_985, %swap3A_986] {strides = array<i32>} : memref<128x128xf32, #tpu.memory_space<vmem>>, vector<1x16xf32>,
        %swap3A_988 = vector.shape_cast %swap3A_987 : vector<1x16xf32> to vector<16xf32>
        %swap3A_989 = vector.shape_cast %mul3A_984 : vector<16xf32> to vector<1x16xf32>
        tpu.vector_store %arg13[%swap3A_985, %swap3A_986], %swap3A_989 {strides = array<i32>} : memref<128x128xf32, #tpu.memory_space<vmem>>, vector<1x16xf32>,
        %get3A_990 = arith.index_cast %add3A_976 : i32 to index
        %get3A_991 = arith.constant 16 : index
        %get3A_992 = tpu.vector_load %arg13[%get3A_990, %get3A_991] {strides = array<i32>} : memref<128x128xf32, #tpu.memory_space<vmem>>, vector<1x16xf32>,
        %get3A_993 = vector.shape_cast %get3A_992 : vector<1x16xf32> to vector<16xf32>
        %mul3A_994 = vector.broadcast %squeeze3A_978 : f32 to vector<16xf32>
        %mul3A_995 = arith.mulf %get3A_993, %mul3A_994 : vector<16xf32>
        %swap3A_996 = arith.index_cast %add3A_976 : i32 to index
        %swap3A_997 = arith.constant 16 : index
        %swap3A_998 = tpu.vector_load %arg13[%swap3A_996, %swap3A_997] {strides = array<i32>} : memref<128x128xf32, #tpu.memory_space<vmem>>, vector<1x16xf32>,
        %swap3A_999 = vector.shape_cast %swap3A_998 : vector<1x16xf32> to vector<16xf32>
        %swap3A_1000 = vector.shape_cast %mul3A_995 : vector<16xf32> to vector<1x16xf32>
        tpu.vector_store %arg13[%swap3A_996, %swap3A_997], %swap3A_1000 {strides = array<i32>} : memref<128x128xf32, #tpu.memory_space<vmem>>, vector<1x16xf32>,
        %get3A_1001 = arith.index_cast %add3A_976 : i32 to index
        %get3A_1002 = arith.constant 32 : index
        %get3A_1003 = tpu.vector_load %arg13[%get3A_1001, %get3A_1002] {strides = array<i32>} : memref<128x128xf32, #tpu.memory_space<vmem>>, vector<1x16xf32>,
        %get3A_1004 = vector.shape_cast %get3A_1003 : vector<1x16xf32> to vector<16xf32>
        %mul3A_1005 = vector.broadcast %squeeze3A_978 : f32 to vector<16xf32>
        %mul3A_1006 = arith.mulf %get3A_1004, %mul3A_1005 : vector<16xf32>
        %swap3A_1007 = arith.index_cast %add3A_976 : i32 to index
        %swap3A_1008 = arith.constant 32 : index
        %swap3A_1009 = tpu.vector_load %arg13[%swap3A_1007, %swap3A_1008] {strides = array<i32>} : memref<128x128xf32, #tpu.memory_space<vmem>>, vector<1x16xf32>,
        %swap3A_1010 = vector.shape_cast %swap3A_1009 : vector<1x16xf32> to vector<16xf32>
        %swap3A_1011 = vector.shape_cast %mul3A_1006 : vector<16xf32> to vector<1x16xf32>
        tpu.vector_store %arg13[%swap3A_1007, %swap3A_1008], %swap3A_1011 {strides = array<i32>} : memref<128x128xf32, #tpu.memory_space<vmem>>, vector<1x16xf32>,
        %get3A_1012 = arith.index_cast %add3A_976 : i32 to index
        %get3A_1013 = arith.constant 48 : index
        %get3A_1014 = tpu.vector_load %arg13[%get3A_1012, %get3A_1013] {strides = array<i32>} : memref<128x128xf32, #tpu.memory_space<vmem>>, vector<1x16xf32>,
        %get3A_1015 = vector.shape_cast %get3A_1014 : vector<1x16xf32> to vector<16xf32>
        %mul3A_1016 = vector.broadcast %squeeze3A_978 : f32 to vector<16xf32>
        %mul3A_1017 = arith.mulf %get3A_1015, %mul3A_1016 : vector<16xf32>
        %swap3A_1018 = arith.index_cast %add3A_976 : i32 to index
        %swap3A_1019 = arith.constant 48 : index
        %swap3A_1020 = tpu.vector_load %arg13[%swap3A_1018, %swap3A_1019] {strides = array<i32>} : memref<128x128xf32, #tpu.memory_space<vmem>>, vector<1x16xf32>,
        %swap3A_1021 = vector.shape_cast %swap3A_1020 : vector<1x16xf32> to vector<16xf32>
        %swap3A_1022 = vector.shape_cast %mul3A_1017 : vector<16xf32> to vector<1x16xf32>
        tpu.vector_store %arg13[%swap3A_1018, %swap3A_1019], %swap3A_1022 {strides = array<i32>} : memref<128x128xf32, #tpu.memory_space<vmem>>, vector<1x16xf32>,
        %get3A_1023 = arith.index_cast %add3A_976 : i32 to index
        %get3A_1024 = arith.constant 64 : index
        %get3A_1025 = tpu.vector_load %arg13[%get3A_1023, %get3A_1024] {strides = array<i32>} : memref<128x128xf32, #tpu.memory_space<vmem>>, vector<1x16xf32>,
        %get3A_1026 = vector.shape_cast %get3A_1025 : vector<1x16xf32> to vector<16xf32>
        %mul3A_1027 = vector.broadcast %squeeze3A_978 : f32 to vector<16xf32>
        %mul3A_1028 = arith.mulf %get3A_1026, %mul3A_1027 : vector<16xf32>
        %swap3A_1029 = arith.index_cast %add3A_976 : i32 to index
        %swap3A_1030 = arith.constant 64 : index
        %swap3A_1031 = tpu.vector_load %arg13[%swap3A_1029, %swap3A_1030] {strides = array<i32>} : memref<128x128xf32, #tpu.memory_space<vmem>>, vector<1x16xf32>,
        %swap3A_1032 = vector.shape_cast %swap3A_1031 : vector<1x16xf32> to vector<16xf32>
        %swap3A_1033 = vector.shape_cast %mul3A_1028 : vector<16xf32> to vector<1x16xf32>
        tpu.vector_store %arg13[%swap3A_1029, %swap3A_1030], %swap3A_1033 {strides = array<i32>} : memref<128x128xf32, #tpu.memory_space<vmem>>, vector<1x16xf32>,
        %get3A_1034 = arith.index_cast %add3A_976 : i32 to index
        %get3A_1035 = arith.constant 80 : index
        %get3A_1036 = tpu.vector_load %arg13[%get3A_1034, %get3A_1035] {strides = array<i32>} : memref<128x128xf32, #tpu.memory_space<vmem>>, vector<1x16xf32>,
        %get3A_1037 = vector.shape_cast %get3A_1036 : vector<1x16xf32> to vector<16xf32>
        %mul3A_1038 = vector.broadcast %squeeze3A_978 : f32 to vector<16xf32>
        %mul3A_1039 = arith.mulf %get3A_1037, %mul3A_1038 : vector<16xf32>
        %swap3A_1040 = arith.index_cast %add3A_976 : i32 to index
        %swap3A_1041 = arith.constant 80 : index
        %swap3A_1042 = tpu.vector_load %arg13[%swap3A_1040, %swap3A_1041] {strides = array<i32>} : memref<128x128xf32, #tpu.memory_space<vmem>>, vector<1x16xf32>,
        %swap3A_1043 = vector.shape_cast %swap3A_1042 : vector<1x16xf32> to vector<16xf32>
        %swap3A_1044 = vector.shape_cast %mul3A_1039 : vector<16xf32> to vector<1x16xf32>
        tpu.vector_store %arg13[%swap3A_1040, %swap3A_1041], %swap3A_1044 {strides = array<i32>} : memref<128x128xf32, #tpu.memory_space<vmem>>, vector<1x16xf32>,
        %get3A_1045 = arith.index_cast %add3A_976 : i32 to index
        %get3A_1046 = arith.constant 96 : index
        %get3A_1047 = tpu.vector_load %arg13[%get3A_1045, %get3A_1046] {strides = array<i32>} : memref<128x128xf32, #tpu.memory_space<vmem>>, vector<1x16xf32>,
        %get3A_1048 = vector.shape_cast %get3A_1047 : vector<1x16xf32> to vector<16xf32>
        %mul3A_1049 = vector.broadcast %squeeze3A_978 : f32 to vector<16xf32>
        %mul3A_1050 = arith.mulf %get3A_1048, %mul3A_1049 : vector<16xf32>
        %swap3A_1051 = arith.index_cast %add3A_976 : i32 to index
        %swap3A_1052 = arith.constant 96 : index
        %swap3A_1053 = tpu.vector_load %arg13[%swap3A_1051, %swap3A_1052] {strides = array<i32>} : memref<128x128xf32, #tpu.memory_space<vmem>>, vector<1x16xf32>,
        %swap3A_1054 = vector.shape_cast %swap3A_1053 : vector<1x16xf32> to vector<16xf32>
        %swap3A_1055 = vector.shape_cast %mul3A_1050 : vector<16xf32> to vector<1x16xf32>
        tpu.vector_store %arg13[%swap3A_1051, %swap3A_1052], %swap3A_1055 {strides = array<i32>} : memref<128x128xf32, #tpu.memory_space<vmem>>, vector<1x16xf32>,
        %get3A_1056 = arith.index_cast %add3A_976 : i32 to index
        %get3A_1057 = arith.constant 112 : index
        %get3A_1058 = tpu.vector_load %arg13[%get3A_1056, %get3A_1057] {strides = array<i32>} : memref<128x128xf32, #tpu.memory_space<vmem>>, vector<1x16xf32>,
        %get3A_1059 = vector.shape_cast %get3A_1058 : vector<1x16xf32> to vector<16xf32>
        %mul3A_1060 = vector.broadcast %squeeze3A_978 : f32 to vector<16xf32>
        %mul3A_1061 = arith.mulf %get3A_1059, %mul3A_1060 : vector<16xf32>
        %swap3A_1062 = arith.index_cast %add3A_976 : i32 to index
        %swap3A_1063 = arith.constant 112 : index
        %swap3A_1064 = tpu.vector_load %arg13[%swap3A_1062, %swap3A_1063] {strides = array<i32>} : memref<128x128xf32, #tpu.memory_space<vmem>>, vector<1x16xf32>,
        %swap3A_1065 = vector.shape_cast %swap3A_1064 : vector<1x16xf32> to vector<16xf32>
        %swap3A_1066 = vector.shape_cast %mul3A_1061 : vector<16xf32> to vector<1x16xf32>
        tpu.vector_store %arg13[%swap3A_1062, %swap3A_1063], %swap3A_1066 {strides = array<i32>} : memref<128x128xf32, #tpu.memory_space<vmem>>, vector<1x16xf32>,
        %mul3A_1067 = arith.constant 16 : i32
        %mul3A_1068 = arith.muli %scan3A_219, %mul3A_1067 : i32
        %add3A_1069 = arith.constant 9 : i32
        %add3A_1070 = arith.addi %mul3A_1068, %add3A_1069 : i32
        %slice3A_1071 = vector.extract_strided_slice %get3A_223 {offsets = [9], sizes = [1], strides = [1]} : vector<16xf32> to vector<1xf32>
        %squeeze3A_1072 = vector.extract %slice3A_1071[0] : f32 from vector<1xf32>
        %get3A_1073 = arith.index_cast %add3A_1070 : i32 to index
        %get3A_1074 = arith.constant 0 : index
        %get3A_1075 = tpu.vector_load %arg13[%get3A_1073, %get3A_1074] {strides = array<i32>} : memref<128x128xf32, #tpu.memory_space<vmem>>, vector<1x16xf32>,
        %get3A_1076 = vector.shape_cast %get3A_1075 : vector<1x16xf32> to vector<16xf32>
        %mul3A_1077 = vector.broadcast %squeeze3A_1072 : f32 to vector<16xf32>
        %mul3A_1078 = arith.mulf %get3A_1076, %mul3A_1077 : vector<16xf32>
        %swap3A_1079 = arith.index_cast %add3A_1070 : i32 to index
        %swap3A_1080 = arith.constant 0 : index
        %swap3A_1081 = tpu.vector_load %arg13[%swap3A_1079, %swap3A_1080] {strides = array<i32>} : memref<128x128xf32, #tpu.memory_space<vmem>>, vector<1x16xf32>,
        %swap3A_1082 = vector.shape_cast %swap3A_1081 : vector<1x16xf32> to vector<16xf32>
        %swap3A_1083 = vector.shape_cast %mul3A_1078 : vector<16xf32> to vector<1x16xf32>
        tpu.vector_store %arg13[%swap3A_1079, %swap3A_1080], %swap3A_1083 {strides = array<i32>} : memref<128x128xf32, #tpu.memory_space<vmem>>, vector<1x16xf32>,
        %get3A_1084 = arith.index_cast %add3A_1070 : i32 to index
        %get3A_1085 = arith.constant 16 : index
        %get3A_1086 = tpu.vector_load %arg13[%get3A_1084, %get3A_1085] {strides = array<i32>} : memref<128x128xf32, #tpu.memory_space<vmem>>, vector<1x16xf32>,
        %get3A_1087 = vector.shape_cast %get3A_1086 : vector<1x16xf32> to vector<16xf32>
        %mul3A_1088 = vector.broadcast %squeeze3A_1072 : f32 to vector<16xf32>
        %mul3A_1089 = arith.mulf %get3A_1087, %mul3A_1088 : vector<16xf32>
        %swap3A_1090 = arith.index_cast %add3A_1070 : i32 to index
        %swap3A_1091 = arith.constant 16 : index
        %swap3A_1092 = tpu.vector_load %arg13[%swap3A_1090, %swap3A_1091] {strides = array<i32>} : memref<128x128xf32, #tpu.memory_space<vmem>>, vector<1x16xf32>,
        %swap3A_1093 = vector.shape_cast %swap3A_1092 : vector<1x16xf32> to vector<16xf32>
        %swap3A_1094 = vector.shape_cast %mul3A_1089 : vector<16xf32> to vector<1x16xf32>
        tpu.vector_store %arg13[%swap3A_1090, %swap3A_1091], %swap3A_1094 {strides = array<i32>} : memref<128x128xf32, #tpu.memory_space<vmem>>, vector<1x16xf32>,
        %get3A_1095 = arith.index_cast %add3A_1070 : i32 to index
        %get3A_1096 = arith.constant 32 : index
        %get3A_1097 = tpu.vector_load %arg13[%get3A_1095, %get3A_1096] {strides = array<i32>} : memref<128x128xf32, #tpu.memory_space<vmem>>, vector<1x16xf32>,
        %get3A_1098 = vector.shape_cast %get3A_1097 : vector<1x16xf32> to vector<16xf32>
        %mul3A_1099 = vector.broadcast %squeeze3A_1072 : f32 to vector<16xf32>
        %mul3A_1100 = arith.mulf %get3A_1098, %mul3A_1099 : vector<16xf32>
        %swap3A_1101 = arith.index_cast %add3A_1070 : i32 to index
        %swap3A_1102 = arith.constant 32 : index
        %swap3A_1103 = tpu.vector_load %arg13[%swap3A_1101, %swap3A_1102] {strides = array<i32>} : memref<128x128xf32, #tpu.memory_space<vmem>>, vector<1x16xf32>,
        %swap3A_1104 = vector.shape_cast %swap3A_1103 : vector<1x16xf32> to vector<16xf32>
        %swap3A_1105 = vector.shape_cast %mul3A_1100 : vector<16xf32> to vector<1x16xf32>
        tpu.vector_store %arg13[%swap3A_1101, %swap3A_1102], %swap3A_1105 {strides = array<i32>} : memref<128x128xf32, #tpu.memory_space<vmem>>, vector<1x16xf32>,
        %get3A_1106 = arith.index_cast %add3A_1070 : i32 to index
        %get3A_1107 = arith.constant 48 : index
        %get3A_1108 = tpu.vector_load %arg13[%get3A_1106, %get3A_1107] {strides = array<i32>} : memref<128x128xf32, #tpu.memory_space<vmem>>, vector<1x16xf32>,
        %get3A_1109 = vector.shape_cast %get3A_1108 : vector<1x16xf32> to vector<16xf32>
        %mul3A_1110 = vector.broadcast %squeeze3A_1072 : f32 to vector<16xf32>
        %mul3A_1111 = arith.mulf %get3A_1109, %mul3A_1110 : vector<16xf32>
        %swap3A_1112 = arith.index_cast %add3A_1070 : i32 to index
        %swap3A_1113 = arith.constant 48 : index
        %swap3A_1114 = tpu.vector_load %arg13[%swap3A_1112, %swap3A_1113] {strides = array<i32>} : memref<128x128xf32, #tpu.memory_space<vmem>>, vector<1x16xf32>,
        %swap3A_1115 = vector.shape_cast %swap3A_1114 : vector<1x16xf32> to vector<16xf32>
        %swap3A_1116 = vector.shape_cast %mul3A_1111 : vector<16xf32> to vector<1x16xf32>
        tpu.vector_store %arg13[%swap3A_1112, %swap3A_1113], %swap3A_1116 {strides = array<i32>} : memref<128x128xf32, #tpu.memory_space<vmem>>, vector<1x16xf32>,
        %get3A_1117 = arith.index_cast %add3A_1070 : i32 to index
        %get3A_1118 = arith.constant 64 : index
        %get3A_1119 = tpu.vector_load %arg13[%get3A_1117, %get3A_1118] {strides = array<i32>} : memref<128x128xf32, #tpu.memory_space<vmem>>, vector<1x16xf32>,
        %get3A_1120 = vector.shape_cast %get3A_1119 : vector<1x16xf32> to vector<16xf32>
        %mul3A_1121 = vector.broadcast %squeeze3A_1072 : f32 to vector<16xf32>
        %mul3A_1122 = arith.mulf %get3A_1120, %mul3A_1121 : vector<16xf32>
        %swap3A_1123 = arith.index_cast %add3A_1070 : i32 to index
        %swap3A_1124 = arith.constant 64 : index
        %swap3A_1125 = tpu.vector_load %arg13[%swap3A_1123, %swap3A_1124] {strides = array<i32>} : memref<128x128xf32, #tpu.memory_space<vmem>>, vector<1x16xf32>,
        %swap3A_1126 = vector.shape_cast %swap3A_1125 : vector<1x16xf32> to vector<16xf32>
        %swap3A_1127 = vector.shape_cast %mul3A_1122 : vector<16xf32> to vector<1x16xf32>
        tpu.vector_store %arg13[%swap3A_1123, %swap3A_1124], %swap3A_1127 {strides = array<i32>} : memref<128x128xf32, #tpu.memory_space<vmem>>, vector<1x16xf32>,
        %get3A_1128 = arith.index_cast %add3A_1070 : i32 to index
        %get3A_1129 = arith.constant 80 : index
        %get3A_1130 = tpu.vector_load %arg13[%get3A_1128, %get3A_1129] {strides = array<i32>} : memref<128x128xf32, #tpu.memory_space<vmem>>, vector<1x16xf32>,
        %get3A_1131 = vector.shape_cast %get3A_1130 : vector<1x16xf32> to vector<16xf32>
        %mul3A_1132 = vector.broadcast %squeeze3A_1072 : f32 to vector<16xf32>
        %mul3A_1133 = arith.mulf %get3A_1131, %mul3A_1132 : vector<16xf32>
        %swap3A_1134 = arith.index_cast %add3A_1070 : i32 to index
        %swap3A_1135 = arith.constant 80 : index
        %swap3A_1136 = tpu.vector_load %arg13[%swap3A_1134, %swap3A_1135] {strides = array<i32>} : memref<128x128xf32, #tpu.memory_space<vmem>>, vector<1x16xf32>,
        %swap3A_1137 = vector.shape_cast %swap3A_1136 : vector<1x16xf32> to vector<16xf32>
        %swap3A_1138 = vector.shape_cast %mul3A_1133 : vector<16xf32> to vector<1x16xf32>
        tpu.vector_store %arg13[%swap3A_1134, %swap3A_1135], %swap3A_1138 {strides = array<i32>} : memref<128x128xf32, #tpu.memory_space<vmem>>, vector<1x16xf32>,
        %get3A_1139 = arith.index_cast %add3A_1070 : i32 to index
        %get3A_1140 = arith.constant 96 : index
        %get3A_1141 = tpu.vector_load %arg13[%get3A_1139, %get3A_1140] {strides = array<i32>} : memref<128x128xf32, #tpu.memory_space<vmem>>, vector<1x16xf32>,
        %get3A_1142 = vector.shape_cast %get3A_1141 : vector<1x16xf32> to vector<16xf32>
        %mul3A_1143 = vector.broadcast %squeeze3A_1072 : f32 to vector<16xf32>
        %mul3A_1144 = arith.mulf %get3A_1142, %mul3A_1143 : vector<16xf32>
        %swap3A_1145 = arith.index_cast %add3A_1070 : i32 to index
        %swap3A_1146 = arith.constant 96 : index
        %swap3A_1147 = tpu.vector_load %arg13[%swap3A_1145, %swap3A_1146] {strides = array<i32>} : memref<128x128xf32, #tpu.memory_space<vmem>>, vector<1x16xf32>,
        %swap3A_1148 = vector.shape_cast %swap3A_1147 : vector<1x16xf32> to vector<16xf32>
        %swap3A_1149 = vector.shape_cast %mul3A_1144 : vector<16xf32> to vector<1x16xf32>
        tpu.vector_store %arg13[%swap3A_1145, %swap3A_1146], %swap3A_1149 {strides = array<i32>} : memref<128x128xf32, #tpu.memory_space<vmem>>, vector<1x16xf32>,
        %get3A_1150 = arith.index_cast %add3A_1070 : i32 to index
        %get3A_1151 = arith.constant 112 : index
        %get3A_1152 = tpu.vector_load %arg13[%get3A_1150, %get3A_1151] {strides = array<i32>} : memref<128x128xf32, #tpu.memory_space<vmem>>, vector<1x16xf32>,
        %get3A_1153 = vector.shape_cast %get3A_1152 : vector<1x16xf32> to vector<16xf32>
        %mul3A_1154 = vector.broadcast %squeeze3A_1072 : f32 to vector<16xf32>
        %mul3A_1155 = arith.mulf %get3A_1153, %mul3A_1154 : vector<16xf32>
        %swap3A_1156 = arith.index_cast %add3A_1070 : i32 to index
        %swap3A_1157 = arith.constant 112 : index
        %swap3A_1158 = tpu.vector_load %arg13[%swap3A_1156, %swap3A_1157] {strides = array<i32>} : memref<128x128xf32, #tpu.memory_space<vmem>>, vector<1x16xf32>,
        %swap3A_1159 = vector.shape_cast %swap3A_1158 : vector<1x16xf32> to vector<16xf32>
        %swap3A_1160 = vector.shape_cast %mul3A_1155 : vector<16xf32> to vector<1x16xf32>
        tpu.vector_store %arg13[%swap3A_1156, %swap3A_1157], %swap3A_1160 {strides = array<i32>} : memref<128x128xf32, #tpu.memory_space<vmem>>, vector<1x16xf32>,
        %mul3A_1161 = arith.constant 16 : i32
        %mul3A_1162 = arith.muli %scan3A_219, %mul3A_1161 : i32
        %add3A_1163 = arith.constant 10 : i32
        %add3A_1164 = arith.addi %mul3A_1162, %add3A_1163 : i32
        %slice3A_1165 = vector.extract_strided_slice %get3A_223 {offsets = [10], sizes = [1], strides = [1]} : vector<16xf32> to vector<1xf32>
        %squeeze3A_1166 = vector.extract %slice3A_1165[0] : f32 from vector<1xf32>
        %get3A_1167 = arith.index_cast %add3A_1164 : i32 to index
        %get3A_1168 = arith.constant 0 : index
        %get3A_1169 = tpu.vector_load %arg13[%get3A_1167, %get3A_1168] {strides = array<i32>} : memref<128x128xf32, #tpu.memory_space<vmem>>, vector<1x16xf32>,
        %get3A_1170 = vector.shape_cast %get3A_1169 : vector<1x16xf32> to vector<16xf32>
        %mul3A_1171 = vector.broadcast %squeeze3A_1166 : f32 to vector<16xf32>
        %mul3A_1172 = arith.mulf %get3A_1170, %mul3A_1171 : vector<16xf32>
        %swap3A_1173 = arith.index_cast %add3A_1164 : i32 to index
        %swap3A_1174 = arith.constant 0 : index
        %swap3A_1175 = tpu.vector_load %arg13[%swap3A_1173, %swap3A_1174] {strides = array<i32>} : memref<128x128xf32, #tpu.memory_space<vmem>>, vector<1x16xf32>,
        %swap3A_1176 = vector.shape_cast %swap3A_1175 : vector<1x16xf32> to vector<16xf32>
        %swap3A_1177 = vector.shape_cast %mul3A_1172 : vector<16xf32> to vector<1x16xf32>
        tpu.vector_store %arg13[%swap3A_1173, %swap3A_1174], %swap3A_1177 {strides = array<i32>} : memref<128x128xf32, #tpu.memory_space<vmem>>, vector<1x16xf32>,
        %get3A_1178 = arith.index_cast %add3A_1164 : i32 to index
        %get3A_1179 = arith.constant 16 : index
        %get3A_1180 = tpu.vector_load %arg13[%get3A_1178, %get3A_1179] {strides = array<i32>} : memref<128x128xf32, #tpu.memory_space<vmem>>, vector<1x16xf32>,
        %get3A_1181 = vector.shape_cast %get3A_1180 : vector<1x16xf32> to vector<16xf32>
        %mul3A_1182 = vector.broadcast %squeeze3A_1166 : f32 to vector<16xf32>
        %mul3A_1183 = arith.mulf %get3A_1181, %mul3A_1182 : vector<16xf32>
        %swap3A_1184 = arith.index_cast %add3A_1164 : i32 to index
        %swap3A_1185 = arith.constant 16 : index
        %swap3A_1186 = tpu.vector_load %arg13[%swap3A_1184, %swap3A_1185] {strides = array<i32>} : memref<128x128xf32, #tpu.memory_space<vmem>>, vector<1x16xf32>,
        %swap3A_1187 = vector.shape_cast %swap3A_1186 : vector<1x16xf32> to vector<16xf32>
        %swap3A_1188 = vector.shape_cast %mul3A_1183 : vector<16xf32> to vector<1x16xf32>
        tpu.vector_store %arg13[%swap3A_1184, %swap3A_1185], %swap3A_1188 {strides = array<i32>} : memref<128x128xf32, #tpu.memory_space<vmem>>, vector<1x16xf32>,
        %get3A_1189 = arith.index_cast %add3A_1164 : i32 to index
        %get3A_1190 = arith.constant 32 : index
        %get3A_1191 = tpu.vector_load %arg13[%get3A_1189, %get3A_1190] {strides = array<i32>} : memref<128x128xf32, #tpu.memory_space<vmem>>, vector<1x16xf32>,
        %get3A_1192 = vector.shape_cast %get3A_1191 : vector<1x16xf32> to vector<16xf32>
        %mul3A_1193 = vector.broadcast %squeeze3A_1166 : f32 to vector<16xf32>
        %mul3A_1194 = arith.mulf %get3A_1192, %mul3A_1193 : vector<16xf32>
        %swap3A_1195 = arith.index_cast %add3A_1164 : i32 to index
        %swap3A_1196 = arith.constant 32 : index
        %swap3A_1197 = tpu.vector_load %arg13[%swap3A_1195, %swap3A_1196] {strides = array<i32>} : memref<128x128xf32, #tpu.memory_space<vmem>>, vector<1x16xf32>,
        %swap3A_1198 = vector.shape_cast %swap3A_1197 : vector<1x16xf32> to vector<16xf32>
        %swap3A_1199 = vector.shape_cast %mul3A_1194 : vector<16xf32> to vector<1x16xf32>
        tpu.vector_store %arg13[%swap3A_1195, %swap3A_1196], %swap3A_1199 {strides = array<i32>} : memref<128x128xf32, #tpu.memory_space<vmem>>, vector<1x16xf32>,
        %get3A_1200 = arith.index_cast %add3A_1164 : i32 to index
        %get3A_1201 = arith.constant 48 : index
        %get3A_1202 = tpu.vector_load %arg13[%get3A_1200, %get3A_1201] {strides = array<i32>} : memref<128x128xf32, #tpu.memory_space<vmem>>, vector<1x16xf32>,
        %get3A_1203 = vector.shape_cast %get3A_1202 : vector<1x16xf32> to vector<16xf32>
        %mul3A_1204 = vector.broadcast %squeeze3A_1166 : f32 to vector<16xf32>
        %mul3A_1205 = arith.mulf %get3A_1203, %mul3A_1204 : vector<16xf32>
        %swap3A_1206 = arith.index_cast %add3A_1164 : i32 to index
        %swap3A_1207 = arith.constant 48 : index
        %swap3A_1208 = tpu.vector_load %arg13[%swap3A_1206, %swap3A_1207] {strides = array<i32>} : memref<128x128xf32, #tpu.memory_space<vmem>>, vector<1x16xf32>,
        %swap3A_1209 = vector.shape_cast %swap3A_1208 : vector<1x16xf32> to vector<16xf32>
        %swap3A_1210 = vector.shape_cast %mul3A_1205 : vector<16xf32> to vector<1x16xf32>
        tpu.vector_store %arg13[%swap3A_1206, %swap3A_1207], %swap3A_1210 {strides = array<i32>} : memref<128x128xf32, #tpu.memory_space<vmem>>, vector<1x16xf32>,
        %get3A_1211 = arith.index_cast %add3A_1164 : i32 to index
        %get3A_1212 = arith.constant 64 : index
        %get3A_1213 = tpu.vector_load %arg13[%get3A_1211, %get3A_1212] {strides = array<i32>} : memref<128x128xf32, #tpu.memory_space<vmem>>, vector<1x16xf32>,
        %get3A_1214 = vector.shape_cast %get3A_1213 : vector<1x16xf32> to vector<16xf32>
        %mul3A_1215 = vector.broadcast %squeeze3A_1166 : f32 to vector<16xf32>
        %mul3A_1216 = arith.mulf %get3A_1214, %mul3A_1215 : vector<16xf32>
        %swap3A_1217 = arith.index_cast %add3A_1164 : i32 to index
        %swap3A_1218 = arith.constant 64 : index
        %swap3A_1219 = tpu.vector_load %arg13[%swap3A_1217, %swap3A_1218] {strides = array<i32>} : memref<128x128xf32, #tpu.memory_space<vmem>>, vector<1x16xf32>,
        %swap3A_1220 = vector.shape_cast %swap3A_1219 : vector<1x16xf32> to vector<16xf32>
        %swap3A_1221 = vector.shape_cast %mul3A_1216 : vector<16xf32> to vector<1x16xf32>
        tpu.vector_store %arg13[%swap3A_1217, %swap3A_1218], %swap3A_1221 {strides = array<i32>} : memref<128x128xf32, #tpu.memory_space<vmem>>, vector<1x16xf32>,
        %get3A_1222 = arith.index_cast %add3A_1164 : i32 to index
        %get3A_1223 = arith.constant 80 : index
        %get3A_1224 = tpu.vector_load %arg13[%get3A_1222, %get3A_1223] {strides = array<i32>} : memref<128x128xf32, #tpu.memory_space<vmem>>, vector<1x16xf32>,
        %get3A_1225 = vector.shape_cast %get3A_1224 : vector<1x16xf32> to vector<16xf32>
        %mul3A_1226 = vector.broadcast %squeeze3A_1166 : f32 to vector<16xf32>
        %mul3A_1227 = arith.mulf %get3A_1225, %mul3A_1226 : vector<16xf32>
        %swap3A_1228 = arith.index_cast %add3A_1164 : i32 to index
        %swap3A_1229 = arith.constant 80 : index
        %swap3A_1230 = tpu.vector_load %arg13[%swap3A_1228, %swap3A_1229] {strides = array<i32>} : memref<128x128xf32, #tpu.memory_space<vmem>>, vector<1x16xf32>,
        %swap3A_1231 = vector.shape_cast %swap3A_1230 : vector<1x16xf32> to vector<16xf32>
        %swap3A_1232 = vector.shape_cast %mul3A_1227 : vector<16xf32> to vector<1x16xf32>
        tpu.vector_store %arg13[%swap3A_1228, %swap3A_1229], %swap3A_1232 {strides = array<i32>} : memref<128x128xf32, #tpu.memory_space<vmem>>, vector<1x16xf32>,
        %get3A_1233 = arith.index_cast %add3A_1164 : i32 to index
        %get3A_1234 = arith.constant 96 : index
        %get3A_1235 = tpu.vector_load %arg13[%get3A_1233, %get3A_1234] {strides = array<i32>} : memref<128x128xf32, #tpu.memory_space<vmem>>, vector<1x16xf32>,
        %get3A_1236 = vector.shape_cast %get3A_1235 : vector<1x16xf32> to vector<16xf32>
        %mul3A_1237 = vector.broadcast %squeeze3A_1166 : f32 to vector<16xf32>
        %mul3A_1238 = arith.mulf %get3A_1236, %mul3A_1237 : vector<16xf32>
        %swap3A_1239 = arith.index_cast %add3A_1164 : i32 to index
        %swap3A_1240 = arith.constant 96 : index
        %swap3A_1241 = tpu.vector_load %arg13[%swap3A_1239, %swap3A_1240] {strides = array<i32>} : memref<128x128xf32, #tpu.memory_space<vmem>>, vector<1x16xf32>,
        %swap3A_1242 = vector.shape_cast %swap3A_1241 : vector<1x16xf32> to vector<16xf32>
        %swap3A_1243 = vector.shape_cast %mul3A_1238 : vector<16xf32> to vector<1x16xf32>
        tpu.vector_store %arg13[%swap3A_1239, %swap3A_1240], %swap3A_1243 {strides = array<i32>} : memref<128x128xf32, #tpu.memory_space<vmem>>, vector<1x16xf32>,
        %get3A_1244 = arith.index_cast %add3A_1164 : i32 to index
        %get3A_1245 = arith.constant 112 : index
        %get3A_1246 = tpu.vector_load %arg13[%get3A_1244, %get3A_1245] {strides = array<i32>} : memref<128x128xf32, #tpu.memory_space<vmem>>, vector<1x16xf32>,
        %get3A_1247 = vector.shape_cast %get3A_1246 : vector<1x16xf32> to vector<16xf32>
        %mul3A_1248 = vector.broadcast %squeeze3A_1166 : f32 to vector<16xf32>
        %mul3A_1249 = arith.mulf %get3A_1247, %mul3A_1248 : vector<16xf32>
        %swap3A_1250 = arith.index_cast %add3A_1164 : i32 to index
        %swap3A_1251 = arith.constant 112 : index
        %swap3A_1252 = tpu.vector_load %arg13[%swap3A_1250, %swap3A_1251] {strides = array<i32>} : memref<128x128xf32, #tpu.memory_space<vmem>>, vector<1x16xf32>,
        %swap3A_1253 = vector.shape_cast %swap3A_1252 : vector<1x16xf32> to vector<16xf32>
        %swap3A_1254 = vector.shape_cast %mul3A_1249 : vector<16xf32> to vector<1x16xf32>
        tpu.vector_store %arg13[%swap3A_1250, %swap3A_1251], %swap3A_1254 {strides = array<i32>} : memref<128x128xf32, #tpu.memory_space<vmem>>, vector<1x16xf32>,
        %mul3A_1255 = arith.constant 16 : i32
        %mul3A_1256 = arith.muli %scan3A_219, %mul3A_1255 : i32
        %add3A_1257 = arith.constant 11 : i32
        %add3A_1258 = arith.addi %mul3A_1256, %add3A_1257 : i32
        %slice3A_1259 = vector.extract_strided_slice %get3A_223 {offsets = [11], sizes = [1], strides = [1]} : vector<16xf32> to vector<1xf32>
        %squeeze3A_1260 = vector.extract %slice3A_1259[0] : f32 from vector<1xf32>
        %get3A_1261 = arith.index_cast %add3A_1258 : i32 to index
        %get3A_1262 = arith.constant 0 : index
        %get3A_1263 = tpu.vector_load %arg13[%get3A_1261, %get3A_1262] {strides = array<i32>} : memref<128x128xf32, #tpu.memory_space<vmem>>, vector<1x16xf32>,
        %get3A_1264 = vector.shape_cast %get3A_1263 : vector<1x16xf32> to vector<16xf32>
        %mul3A_1265 = vector.broadcast %squeeze3A_1260 : f32 to vector<16xf32>
        %mul3A_1266 = arith.mulf %get3A_1264, %mul3A_1265 : vector<16xf32>
        %swap3A_1267 = arith.index_cast %add3A_1258 : i32 to index
        %swap3A_1268 = arith.constant 0 : index
        %swap3A_1269 = tpu.vector_load %arg13[%swap3A_1267, %swap3A_1268] {strides = array<i32>} : memref<128x128xf32, #tpu.memory_space<vmem>>, vector<1x16xf32>,
        %swap3A_1270 = vector.shape_cast %swap3A_1269 : vector<1x16xf32> to vector<16xf32>
        %swap3A_1271 = vector.shape_cast %mul3A_1266 : vector<16xf32> to vector<1x16xf32>
        tpu.vector_store %arg13[%swap3A_1267, %swap3A_1268], %swap3A_1271 {strides = array<i32>} : memref<128x128xf32, #tpu.memory_space<vmem>>, vector<1x16xf32>,
        %get3A_1272 = arith.index_cast %add3A_1258 : i32 to index
        %get3A_1273 = arith.constant 16 : index
        %get3A_1274 = tpu.vector_load %arg13[%get3A_1272, %get3A_1273] {strides = array<i32>} : memref<128x128xf32, #tpu.memory_space<vmem>>, vector<1x16xf32>,
        %get3A_1275 = vector.shape_cast %get3A_1274 : vector<1x16xf32> to vector<16xf32>
        %mul3A_1276 = vector.broadcast %squeeze3A_1260 : f32 to vector<16xf32>
        %mul3A_1277 = arith.mulf %get3A_1275, %mul3A_1276 : vector<16xf32>
        %swap3A_1278 = arith.index_cast %add3A_1258 : i32 to index
        %swap3A_1279 = arith.constant 16 : index
        %swap3A_1280 = tpu.vector_load %arg13[%swap3A_1278, %swap3A_1279] {strides = array<i32>} : memref<128x128xf32, #tpu.memory_space<vmem>>, vector<1x16xf32>,
        %swap3A_1281 = vector.shape_cast %swap3A_1280 : vector<1x16xf32> to vector<16xf32>
        %swap3A_1282 = vector.shape_cast %mul3A_1277 : vector<16xf32> to vector<1x16xf32>
        tpu.vector_store %arg13[%swap3A_1278, %swap3A_1279], %swap3A_1282 {strides = array<i32>} : memref<128x128xf32, #tpu.memory_space<vmem>>, vector<1x16xf32>,
        %get3A_1283 = arith.index_cast %add3A_1258 : i32 to index
        %get3A_1284 = arith.constant 32 : index
        %get3A_1285 = tpu.vector_load %arg13[%get3A_1283, %get3A_1284] {strides = array<i32>} : memref<128x128xf32, #tpu.memory_space<vmem>>, vector<1x16xf32>,
        %get3A_1286 = vector.shape_cast %get3A_1285 : vector<1x16xf32> to vector<16xf32>
        %mul3A_1287 = vector.broadcast %squeeze3A_1260 : f32 to vector<16xf32>
        %mul3A_1288 = arith.mulf %get3A_1286, %mul3A_1287 : vector<16xf32>
        %swap3A_1289 = arith.index_cast %add3A_1258 : i32 to index
        %swap3A_1290 = arith.constant 32 : index
        %swap3A_1291 = tpu.vector_load %arg13[%swap3A_1289, %swap3A_1290] {strides = array<i32>} : memref<128x128xf32, #tpu.memory_space<vmem>>, vector<1x16xf32>,
        %swap3A_1292 = vector.shape_cast %swap3A_1291 : vector<1x16xf32> to vector<16xf32>
        %swap3A_1293 = vector.shape_cast %mul3A_1288 : vector<16xf32> to vector<1x16xf32>
        tpu.vector_store %arg13[%swap3A_1289, %swap3A_1290], %swap3A_1293 {strides = array<i32>} : memref<128x128xf32, #tpu.memory_space<vmem>>, vector<1x16xf32>,
        %get3A_1294 = arith.index_cast %add3A_1258 : i32 to index
        %get3A_1295 = arith.constant 48 : index
        %get3A_1296 = tpu.vector_load %arg13[%get3A_1294, %get3A_1295] {strides = array<i32>} : memref<128x128xf32, #tpu.memory_space<vmem>>, vector<1x16xf32>,
        %get3A_1297 = vector.shape_cast %get3A_1296 : vector<1x16xf32> to vector<16xf32>
        %mul3A_1298 = vector.broadcast %squeeze3A_1260 : f32 to vector<16xf32>
        %mul3A_1299 = arith.mulf %get3A_1297, %mul3A_1298 : vector<16xf32>
        %swap3A_1300 = arith.index_cast %add3A_1258 : i32 to index
        %swap3A_1301 = arith.constant 48 : index
        %swap3A_1302 = tpu.vector_load %arg13[%swap3A_1300, %swap3A_1301] {strides = array<i32>} : memref<128x128xf32, #tpu.memory_space<vmem>>, vector<1x16xf32>,
        %swap3A_1303 = vector.shape_cast %swap3A_1302 : vector<1x16xf32> to vector<16xf32>
        %swap3A_1304 = vector.shape_cast %mul3A_1299 : vector<16xf32> to vector<1x16xf32>
        tpu.vector_store %arg13[%swap3A_1300, %swap3A_1301], %swap3A_1304 {strides = array<i32>} : memref<128x128xf32, #tpu.memory_space<vmem>>, vector<1x16xf32>,
        %get3A_1305 = arith.index_cast %add3A_1258 : i32 to index
        %get3A_1306 = arith.constant 64 : index
        %get3A_1307 = tpu.vector_load %arg13[%get3A_1305, %get3A_1306] {strides = array<i32>} : memref<128x128xf32, #tpu.memory_space<vmem>>, vector<1x16xf32>,
        %get3A_1308 = vector.shape_cast %get3A_1307 : vector<1x16xf32> to vector<16xf32>
        %mul3A_1309 = vector.broadcast %squeeze3A_1260 : f32 to vector<16xf32>
        %mul3A_1310 = arith.mulf %get3A_1308, %mul3A_1309 : vector<16xf32>
        %swap3A_1311 = arith.index_cast %add3A_1258 : i32 to index
        %swap3A_1312 = arith.constant 64 : index
        %swap3A_1313 = tpu.vector_load %arg13[%swap3A_1311, %swap3A_1312] {strides = array<i32>} : memref<128x128xf32, #tpu.memory_space<vmem>>, vector<1x16xf32>,
        %swap3A_1314 = vector.shape_cast %swap3A_1313 : vector<1x16xf32> to vector<16xf32>
        %swap3A_1315 = vector.shape_cast %mul3A_1310 : vector<16xf32> to vector<1x16xf32>
        tpu.vector_store %arg13[%swap3A_1311, %swap3A_1312], %swap3A_1315 {strides = array<i32>} : memref<128x128xf32, #tpu.memory_space<vmem>>, vector<1x16xf32>,
        %get3A_1316 = arith.index_cast %add3A_1258 : i32 to index
        %get3A_1317 = arith.constant 80 : index
        %get3A_1318 = tpu.vector_load %arg13[%get3A_1316, %get3A_1317] {strides = array<i32>} : memref<128x128xf32, #tpu.memory_space<vmem>>, vector<1x16xf32>,
        %get3A_1319 = vector.shape_cast %get3A_1318 : vector<1x16xf32> to vector<16xf32>
        %mul3A_1320 = vector.broadcast %squeeze3A_1260 : f32 to vector<16xf32>
        %mul3A_1321 = arith.mulf %get3A_1319, %mul3A_1320 : vector<16xf32>
        %swap3A_1322 = arith.index_cast %add3A_1258 : i32 to index
        %swap3A_1323 = arith.constant 80 : index
        %swap3A_1324 = tpu.vector_load %arg13[%swap3A_1322, %swap3A_1323] {strides = array<i32>} : memref<128x128xf32, #tpu.memory_space<vmem>>, vector<1x16xf32>,
        %swap3A_1325 = vector.shape_cast %swap3A_1324 : vector<1x16xf32> to vector<16xf32>
        %swap3A_1326 = vector.shape_cast %mul3A_1321 : vector<16xf32> to vector<1x16xf32>
        tpu.vector_store %arg13[%swap3A_1322, %swap3A_1323], %swap3A_1326 {strides = array<i32>} : memref<128x128xf32, #tpu.memory_space<vmem>>, vector<1x16xf32>,
        %get3A_1327 = arith.index_cast %add3A_1258 : i32 to index
        %get3A_1328 = arith.constant 96 : index
        %get3A_1329 = tpu.vector_load %arg13[%get3A_1327, %get3A_1328] {strides = array<i32>} : memref<128x128xf32, #tpu.memory_space<vmem>>, vector<1x16xf32>,
        %get3A_1330 = vector.shape_cast %get3A_1329 : vector<1x16xf32> to vector<16xf32>
        %mul3A_1331 = vector.broadcast %squeeze3A_1260 : f32 to vector<16xf32>
        %mul3A_1332 = arith.mulf %get3A_1330, %mul3A_1331 : vector<16xf32>
        %swap3A_1333 = arith.index_cast %add3A_1258 : i32 to index
        %swap3A_1334 = arith.constant 96 : index
        %swap3A_1335 = tpu.vector_load %arg13[%swap3A_1333, %swap3A_1334] {strides = array<i32>} : memref<128x128xf32, #tpu.memory_space<vmem>>, vector<1x16xf32>,
        %swap3A_1336 = vector.shape_cast %swap3A_1335 : vector<1x16xf32> to vector<16xf32>
        %swap3A_1337 = vector.shape_cast %mul3A_1332 : vector<16xf32> to vector<1x16xf32>
        tpu.vector_store %arg13[%swap3A_1333, %swap3A_1334], %swap3A_1337 {strides = array<i32>} : memref<128x128xf32, #tpu.memory_space<vmem>>, vector<1x16xf32>,
        %get3A_1338 = arith.index_cast %add3A_1258 : i32 to index
        %get3A_1339 = arith.constant 112 : index
        %get3A_1340 = tpu.vector_load %arg13[%get3A_1338, %get3A_1339] {strides = array<i32>} : memref<128x128xf32, #tpu.memory_space<vmem>>, vector<1x16xf32>,
        %get3A_1341 = vector.shape_cast %get3A_1340 : vector<1x16xf32> to vector<16xf32>
        %mul3A_1342 = vector.broadcast %squeeze3A_1260 : f32 to vector<16xf32>
        %mul3A_1343 = arith.mulf %get3A_1341, %mul3A_1342 : vector<16xf32>
        %swap3A_1344 = arith.index_cast %add3A_1258 : i32 to index
        %swap3A_1345 = arith.constant 112 : index
        %swap3A_1346 = tpu.vector_load %arg13[%swap3A_1344, %swap3A_1345] {strides = array<i32>} : memref<128x128xf32, #tpu.memory_space<vmem>>, vector<1x16xf32>,
        %swap3A_1347 = vector.shape_cast %swap3A_1346 : vector<1x16xf32> to vector<16xf32>
        %swap3A_1348 = vector.shape_cast %mul3A_1343 : vector<16xf32> to vector<1x16xf32>
        tpu.vector_store %arg13[%swap3A_1344, %swap3A_1345], %swap3A_1348 {strides = array<i32>} : memref<128x128xf32, #tpu.memory_space<vmem>>, vector<1x16xf32>,
        %mul3A_1349 = arith.constant 16 : i32
        %mul3A_1350 = arith.muli %scan3A_219, %mul3A_1349 : i32
        %add3A_1351 = arith.constant 12 : i32
        %add3A_1352 = arith.addi %mul3A_1350, %add3A_1351 : i32
        %slice3A_1353 = vector.extract_strided_slice %get3A_223 {offsets = [12], sizes = [1], strides = [1]} : vector<16xf32> to vector<1xf32>
        %squeeze3A_1354 = vector.extract %slice3A_1353[0] : f32 from vector<1xf32>
        %get3A_1355 = arith.index_cast %add3A_1352 : i32 to index
        %get3A_1356 = arith.constant 0 : index
        %get3A_1357 = tpu.vector_load %arg13[%get3A_1355, %get3A_1356] {strides = array<i32>} : memref<128x128xf32, #tpu.memory_space<vmem>>, vector<1x16xf32>,
        %get3A_1358 = vector.shape_cast %get3A_1357 : vector<1x16xf32> to vector<16xf32>
        %mul3A_1359 = vector.broadcast %squeeze3A_1354 : f32 to vector<16xf32>
        %mul3A_1360 = arith.mulf %get3A_1358, %mul3A_1359 : vector<16xf32>
        %swap3A_1361 = arith.index_cast %add3A_1352 : i32 to index
        %swap3A_1362 = arith.constant 0 : index
        %swap3A_1363 = tpu.vector_load %arg13[%swap3A_1361, %swap3A_1362] {strides = array<i32>} : memref<128x128xf32, #tpu.memory_space<vmem>>, vector<1x16xf32>,
        %swap3A_1364 = vector.shape_cast %swap3A_1363 : vector<1x16xf32> to vector<16xf32>
        %swap3A_1365 = vector.shape_cast %mul3A_1360 : vector<16xf32> to vector<1x16xf32>
        tpu.vector_store %arg13[%swap3A_1361, %swap3A_1362], %swap3A_1365 {strides = array<i32>} : memref<128x128xf32, #tpu.memory_space<vmem>>, vector<1x16xf32>,
        %get3A_1366 = arith.index_cast %add3A_1352 : i32 to index
        %get3A_1367 = arith.constant 16 : index
        %get3A_1368 = tpu.vector_load %arg13[%get3A_1366, %get3A_1367] {strides = array<i32>} : memref<128x128xf32, #tpu.memory_space<vmem>>, vector<1x16xf32>,
        %get3A_1369 = vector.shape_cast %get3A_1368 : vector<1x16xf32> to vector<16xf32>
        %mul3A_1370 = vector.broadcast %squeeze3A_1354 : f32 to vector<16xf32>
        %mul3A_1371 = arith.mulf %get3A_1369, %mul3A_1370 : vector<16xf32>
        %swap3A_1372 = arith.index_cast %add3A_1352 : i32 to index
        %swap3A_1373 = arith.constant 16 : index
        %swap3A_1374 = tpu.vector_load %arg13[%swap3A_1372, %swap3A_1373] {strides = array<i32>} : memref<128x128xf32, #tpu.memory_space<vmem>>, vector<1x16xf32>,
        %swap3A_1375 = vector.shape_cast %swap3A_1374 : vector<1x16xf32> to vector<16xf32>
        %swap3A_1376 = vector.shape_cast %mul3A_1371 : vector<16xf32> to vector<1x16xf32>
        tpu.vector_store %arg13[%swap3A_1372, %swap3A_1373], %swap3A_1376 {strides = array<i32>} : memref<128x128xf32, #tpu.memory_space<vmem>>, vector<1x16xf32>,
        %get3A_1377 = arith.index_cast %add3A_1352 : i32 to index
        %get3A_1378 = arith.constant 32 : index
        %get3A_1379 = tpu.vector_load %arg13[%get3A_1377, %get3A_1378] {strides = array<i32>} : memref<128x128xf32, #tpu.memory_space<vmem>>, vector<1x16xf32>,
        %get3A_1380 = vector.shape_cast %get3A_1379 : vector<1x16xf32> to vector<16xf32>
        %mul3A_1381 = vector.broadcast %squeeze3A_1354 : f32 to vector<16xf32>
        %mul3A_1382 = arith.mulf %get3A_1380, %mul3A_1381 : vector<16xf32>
        %swap3A_1383 = arith.index_cast %add3A_1352 : i32 to index
        %swap3A_1384 = arith.constant 32 : index
        %swap3A_1385 = tpu.vector_load %arg13[%swap3A_1383, %swap3A_1384] {strides = array<i32>} : memref<128x128xf32, #tpu.memory_space<vmem>>, vector<1x16xf32>,
        %swap3A_1386 = vector.shape_cast %swap3A_1385 : vector<1x16xf32> to vector<16xf32>
        %swap3A_1387 = vector.shape_cast %mul3A_1382 : vector<16xf32> to vector<1x16xf32>
        tpu.vector_store %arg13[%swap3A_1383, %swap3A_1384], %swap3A_1387 {strides = array<i32>} : memref<128x128xf32, #tpu.memory_space<vmem>>, vector<1x16xf32>,
        %get3A_1388 = arith.index_cast %add3A_1352 : i32 to index
        %get3A_1389 = arith.constant 48 : index
        %get3A_1390 = tpu.vector_load %arg13[%get3A_1388, %get3A_1389] {strides = array<i32>} : memref<128x128xf32, #tpu.memory_space<vmem>>, vector<1x16xf32>,
        %get3A_1391 = vector.shape_cast %get3A_1390 : vector<1x16xf32> to vector<16xf32>
        %mul3A_1392 = vector.broadcast %squeeze3A_1354 : f32 to vector<16xf32>
        %mul3A_1393 = arith.mulf %get3A_1391, %mul3A_1392 : vector<16xf32>
        %swap3A_1394 = arith.index_cast %add3A_1352 : i32 to index
        %swap3A_1395 = arith.constant 48 : index
        %swap3A_1396 = tpu.vector_load %arg13[%swap3A_1394, %swap3A_1395] {strides = array<i32>} : memref<128x128xf32, #tpu.memory_space<vmem>>, vector<1x16xf32>,
        %swap3A_1397 = vector.shape_cast %swap3A_1396 : vector<1x16xf32> to vector<16xf32>
        %swap3A_1398 = vector.shape_cast %mul3A_1393 : vector<16xf32> to vector<1x16xf32>
        tpu.vector_store %arg13[%swap3A_1394, %swap3A_1395], %swap3A_1398 {strides = array<i32>} : memref<128x128xf32, #tpu.memory_space<vmem>>, vector<1x16xf32>,
        %get3A_1399 = arith.index_cast %add3A_1352 : i32 to index
        %get3A_1400 = arith.constant 64 : index
        %get3A_1401 = tpu.vector_load %arg13[%get3A_1399, %get3A_1400] {strides = array<i32>} : memref<128x128xf32, #tpu.memory_space<vmem>>, vector<1x16xf32>,
        %get3A_1402 = vector.shape_cast %get3A_1401 : vector<1x16xf32> to vector<16xf32>
        %mul3A_1403 = vector.broadcast %squeeze3A_1354 : f32 to vector<16xf32>
        %mul3A_1404 = arith.mulf %get3A_1402, %mul3A_1403 : vector<16xf32>
        %swap3A_1405 = arith.index_cast %add3A_1352 : i32 to index
        %swap3A_1406 = arith.constant 64 : index
        %swap3A_1407 = tpu.vector_load %arg13[%swap3A_1405, %swap3A_1406] {strides = array<i32>} : memref<128x128xf32, #tpu.memory_space<vmem>>, vector<1x16xf32>,
        %swap3A_1408 = vector.shape_cast %swap3A_1407 : vector<1x16xf32> to vector<16xf32>
        %swap3A_1409 = vector.shape_cast %mul3A_1404 : vector<16xf32> to vector<1x16xf32>
        tpu.vector_store %arg13[%swap3A_1405, %swap3A_1406], %swap3A_1409 {strides = array<i32>} : memref<128x128xf32, #tpu.memory_space<vmem>>, vector<1x16xf32>,
        %get3A_1410 = arith.index_cast %add3A_1352 : i32 to index
        %get3A_1411 = arith.constant 80 : index
        %get3A_1412 = tpu.vector_load %arg13[%get3A_1410, %get3A_1411] {strides = array<i32>} : memref<128x128xf32, #tpu.memory_space<vmem>>, vector<1x16xf32>,
        %get3A_1413 = vector.shape_cast %get3A_1412 : vector<1x16xf32> to vector<16xf32>
        %mul3A_1414 = vector.broadcast %squeeze3A_1354 : f32 to vector<16xf32>
        %mul3A_1415 = arith.mulf %get3A_1413, %mul3A_1414 : vector<16xf32>
        %swap3A_1416 = arith.index_cast %add3A_1352 : i32 to index
        %swap3A_1417 = arith.constant 80 : index
        %swap3A_1418 = tpu.vector_load %arg13[%swap3A_1416, %swap3A_1417] {strides = array<i32>} : memref<128x128xf32, #tpu.memory_space<vmem>>, vector<1x16xf32>,
        %swap3A_1419 = vector.shape_cast %swap3A_1418 : vector<1x16xf32> to vector<16xf32>
        %swap3A_1420 = vector.shape_cast %mul3A_1415 : vector<16xf32> to vector<1x16xf32>
        tpu.vector_store %arg13[%swap3A_1416, %swap3A_1417], %swap3A_1420 {strides = array<i32>} : memref<128x128xf32, #tpu.memory_space<vmem>>, vector<1x16xf32>,
        %get3A_1421 = arith.index_cast %add3A_1352 : i32 to index
        %get3A_1422 = arith.constant 96 : index
        %get3A_1423 = tpu.vector_load %arg13[%get3A_1421, %get3A_1422] {strides = array<i32>} : memref<128x128xf32, #tpu.memory_space<vmem>>, vector<1x16xf32>,
        %get3A_1424 = vector.shape_cast %get3A_1423 : vector<1x16xf32> to vector<16xf32>
        %mul3A_1425 = vector.broadcast %squeeze3A_1354 : f32 to vector<16xf32>
        %mul3A_1426 = arith.mulf %get3A_1424, %mul3A_1425 : vector<16xf32>
        %swap3A_1427 = arith.index_cast %add3A_1352 : i32 to index
        %swap3A_1428 = arith.constant 96 : index
        %swap3A_1429 = tpu.vector_load %arg13[%swap3A_1427, %swap3A_1428] {strides = array<i32>} : memref<128x128xf32, #tpu.memory_space<vmem>>, vector<1x16xf32>,
        %swap3A_1430 = vector.shape_cast %swap3A_1429 : vector<1x16xf32> to vector<16xf32>
        %swap3A_1431 = vector.shape_cast %mul3A_1426 : vector<16xf32> to vector<1x16xf32>
        tpu.vector_store %arg13[%swap3A_1427, %swap3A_1428], %swap3A_1431 {strides = array<i32>} : memref<128x128xf32, #tpu.memory_space<vmem>>, vector<1x16xf32>,
        %get3A_1432 = arith.index_cast %add3A_1352 : i32 to index
        %get3A_1433 = arith.constant 112 : index
        %get3A_1434 = tpu.vector_load %arg13[%get3A_1432, %get3A_1433] {strides = array<i32>} : memref<128x128xf32, #tpu.memory_space<vmem>>, vector<1x16xf32>,
        %get3A_1435 = vector.shape_cast %get3A_1434 : vector<1x16xf32> to vector<16xf32>
        %mul3A_1436 = vector.broadcast %squeeze3A_1354 : f32 to vector<16xf32>
        %mul3A_1437 = arith.mulf %get3A_1435, %mul3A_1436 : vector<16xf32>
        %swap3A_1438 = arith.index_cast %add3A_1352 : i32 to index
        %swap3A_1439 = arith.constant 112 : index
        %swap3A_1440 = tpu.vector_load %arg13[%swap3A_1438, %swap3A_1439] {strides = array<i32>} : memref<128x128xf32, #tpu.memory_space<vmem>>, vector<1x16xf32>,
        %swap3A_1441 = vector.shape_cast %swap3A_1440 : vector<1x16xf32> to vector<16xf32>
        %swap3A_1442 = vector.shape_cast %mul3A_1437 : vector<16xf32> to vector<1x16xf32>
        tpu.vector_store %arg13[%swap3A_1438, %swap3A_1439], %swap3A_1442 {strides = array<i32>} : memref<128x128xf32, #tpu.memory_space<vmem>>, vector<1x16xf32>,
        %mul3A_1443 = arith.constant 16 : i32
        %mul3A_1444 = arith.muli %scan3A_219, %mul3A_1443 : i32
        %add3A_1445 = arith.constant 13 : i32
        %add3A_1446 = arith.addi %mul3A_1444, %add3A_1445 : i32
        %slice3A_1447 = vector.extract_strided_slice %get3A_223 {offsets = [13], sizes = [1], strides = [1]} : vector<16xf32> to vector<1xf32>
        %squeeze3A_1448 = vector.extract %slice3A_1447[0] : f32 from vector<1xf32>
        %get3A_1449 = arith.index_cast %add3A_1446 : i32 to index
        %get3A_1450 = arith.constant 0 : index
        %get3A_1451 = tpu.vector_load %arg13[%get3A_1449, %get3A_1450] {strides = array<i32>} : memref<128x128xf32, #tpu.memory_space<vmem>>, vector<1x16xf32>,
        %get3A_1452 = vector.shape_cast %get3A_1451 : vector<1x16xf32> to vector<16xf32>
        %mul3A_1453 = vector.broadcast %squeeze3A_1448 : f32 to vector<16xf32>
        %mul3A_1454 = arith.mulf %get3A_1452, %mul3A_1453 : vector<16xf32>
        %swap3A_1455 = arith.index_cast %add3A_1446 : i32 to index
        %swap3A_1456 = arith.constant 0 : index
        %swap3A_1457 = tpu.vector_load %arg13[%swap3A_1455, %swap3A_1456] {strides = array<i32>} : memref<128x128xf32, #tpu.memory_space<vmem>>, vector<1x16xf32>,
        %swap3A_1458 = vector.shape_cast %swap3A_1457 : vector<1x16xf32> to vector<16xf32>
        %swap3A_1459 = vector.shape_cast %mul3A_1454 : vector<16xf32> to vector<1x16xf32>
        tpu.vector_store %arg13[%swap3A_1455, %swap3A_1456], %swap3A_1459 {strides = array<i32>} : memref<128x128xf32, #tpu.memory_space<vmem>>, vector<1x16xf32>,
        %get3A_1460 = arith.index_cast %add3A_1446 : i32 to index
        %get3A_1461 = arith.constant 16 : index
        %get3A_1462 = tpu.vector_load %arg13[%get3A_1460, %get3A_1461] {strides = array<i32>} : memref<128x128xf32, #tpu.memory_space<vmem>>, vector<1x16xf32>,
        %get3A_1463 = vector.shape_cast %get3A_1462 : vector<1x16xf32> to vector<16xf32>
        %mul3A_1464 = vector.broadcast %squeeze3A_1448 : f32 to vector<16xf32>
        %mul3A_1465 = arith.mulf %get3A_1463, %mul3A_1464 : vector<16xf32>
        %swap3A_1466 = arith.index_cast %add3A_1446 : i32 to index
        %swap3A_1467 = arith.constant 16 : index
        %swap3A_1468 = tpu.vector_load %arg13[%swap3A_1466, %swap3A_1467] {strides = array<i32>} : memref<128x128xf32, #tpu.memory_space<vmem>>, vector<1x16xf32>,
        %swap3A_1469 = vector.shape_cast %swap3A_1468 : vector<1x16xf32> to vector<16xf32>
        %swap3A_1470 = vector.shape_cast %mul3A_1465 : vector<16xf32> to vector<1x16xf32>
        tpu.vector_store %arg13[%swap3A_1466, %swap3A_1467], %swap3A_1470 {strides = array<i32>} : memref<128x128xf32, #tpu.memory_space<vmem>>, vector<1x16xf32>,
        %get3A_1471 = arith.index_cast %add3A_1446 : i32 to index
        %get3A_1472 = arith.constant 32 : index
        %get3A_1473 = tpu.vector_load %arg13[%get3A_1471, %get3A_1472] {strides = array<i32>} : memref<128x128xf32, #tpu.memory_space<vmem>>, vector<1x16xf32>,
        %get3A_1474 = vector.shape_cast %get3A_1473 : vector<1x16xf32> to vector<16xf32>
        %mul3A_1475 = vector.broadcast %squeeze3A_1448 : f32 to vector<16xf32>
        %mul3A_1476 = arith.mulf %get3A_1474, %mul3A_1475 : vector<16xf32>
        %swap3A_1477 = arith.index_cast %add3A_1446 : i32 to index
        %swap3A_1478 = arith.constant 32 : index
        %swap3A_1479 = tpu.vector_load %arg13[%swap3A_1477, %swap3A_1478] {strides = array<i32>} : memref<128x128xf32, #tpu.memory_space<vmem>>, vector<1x16xf32>,
        %swap3A_1480 = vector.shape_cast %swap3A_1479 : vector<1x16xf32> to vector<16xf32>
        %swap3A_1481 = vector.shape_cast %mul3A_1476 : vector<16xf32> to vector<1x16xf32>
        tpu.vector_store %arg13[%swap3A_1477, %swap3A_1478], %swap3A_1481 {strides = array<i32>} : memref<128x128xf32, #tpu.memory_space<vmem>>, vector<1x16xf32>,
        %get3A_1482 = arith.index_cast %add3A_1446 : i32 to index
        %get3A_1483 = arith.constant 48 : index
        %get3A_1484 = tpu.vector_load %arg13[%get3A_1482, %get3A_1483] {strides = array<i32>} : memref<128x128xf32, #tpu.memory_space<vmem>>, vector<1x16xf32>,
        %get3A_1485 = vector.shape_cast %get3A_1484 : vector<1x16xf32> to vector<16xf32>
        %mul3A_1486 = vector.broadcast %squeeze3A_1448 : f32 to vector<16xf32>
        %mul3A_1487 = arith.mulf %get3A_1485, %mul3A_1486 : vector<16xf32>
        %swap3A_1488 = arith.index_cast %add3A_1446 : i32 to index
        %swap3A_1489 = arith.constant 48 : index
        %swap3A_1490 = tpu.vector_load %arg13[%swap3A_1488, %swap3A_1489] {strides = array<i32>} : memref<128x128xf32, #tpu.memory_space<vmem>>, vector<1x16xf32>,
        %swap3A_1491 = vector.shape_cast %swap3A_1490 : vector<1x16xf32> to vector<16xf32>
        %swap3A_1492 = vector.shape_cast %mul3A_1487 : vector<16xf32> to vector<1x16xf32>
        tpu.vector_store %arg13[%swap3A_1488, %swap3A_1489], %swap3A_1492 {strides = array<i32>} : memref<128x128xf32, #tpu.memory_space<vmem>>, vector<1x16xf32>,
        %get3A_1493 = arith.index_cast %add3A_1446 : i32 to index
        %get3A_1494 = arith.constant 64 : index
        %get3A_1495 = tpu.vector_load %arg13[%get3A_1493, %get3A_1494] {strides = array<i32>} : memref<128x128xf32, #tpu.memory_space<vmem>>, vector<1x16xf32>,
        %get3A_1496 = vector.shape_cast %get3A_1495 : vector<1x16xf32> to vector<16xf32>
        %mul3A_1497 = vector.broadcast %squeeze3A_1448 : f32 to vector<16xf32>
        %mul3A_1498 = arith.mulf %get3A_1496, %mul3A_1497 : vector<16xf32>
        %swap3A_1499 = arith.index_cast %add3A_1446 : i32 to index
        %swap3A_1500 = arith.constant 64 : index
        %swap3A_1501 = tpu.vector_load %arg13[%swap3A_1499, %swap3A_1500] {strides = array<i32>} : memref<128x128xf32, #tpu.memory_space<vmem>>, vector<1x16xf32>,
        %swap3A_1502 = vector.shape_cast %swap3A_1501 : vector<1x16xf32> to vector<16xf32>
        %swap3A_1503 = vector.shape_cast %mul3A_1498 : vector<16xf32> to vector<1x16xf32>
        tpu.vector_store %arg13[%swap3A_1499, %swap3A_1500], %swap3A_1503 {strides = array<i32>} : memref<128x128xf32, #tpu.memory_space<vmem>>, vector<1x16xf32>,
        %get3A_1504 = arith.index_cast %add3A_1446 : i32 to index
        %get3A_1505 = arith.constant 80 : index
        %get3A_1506 = tpu.vector_load %arg13[%get3A_1504, %get3A_1505] {strides = array<i32>} : memref<128x128xf32, #tpu.memory_space<vmem>>, vector<1x16xf32>,
        %get3A_1507 = vector.shape_cast %get3A_1506 : vector<1x16xf32> to vector<16xf32>
        %mul3A_1508 = vector.broadcast %squeeze3A_1448 : f32 to vector<16xf32>
        %mul3A_1509 = arith.mulf %get3A_1507, %mul3A_1508 : vector<16xf32>
        %swap3A_1510 = arith.index_cast %add3A_1446 : i32 to index
        %swap3A_1511 = arith.constant 80 : index
        %swap3A_1512 = tpu.vector_load %arg13[%swap3A_1510, %swap3A_1511] {strides = array<i32>} : memref<128x128xf32, #tpu.memory_space<vmem>>, vector<1x16xf32>,
        %swap3A_1513 = vector.shape_cast %swap3A_1512 : vector<1x16xf32> to vector<16xf32>
        %swap3A_1514 = vector.shape_cast %mul3A_1509 : vector<16xf32> to vector<1x16xf32>
        tpu.vector_store %arg13[%swap3A_1510, %swap3A_1511], %swap3A_1514 {strides = array<i32>} : memref<128x128xf32, #tpu.memory_space<vmem>>, vector<1x16xf32>,
        %get3A_1515 = arith.index_cast %add3A_1446 : i32 to index
        %get3A_1516 = arith.constant 96 : index
        %get3A_1517 = tpu.vector_load %arg13[%get3A_1515, %get3A_1516] {strides = array<i32>} : memref<128x128xf32, #tpu.memory_space<vmem>>, vector<1x16xf32>,
        %get3A_1518 = vector.shape_cast %get3A_1517 : vector<1x16xf32> to vector<16xf32>
        %mul3A_1519 = vector.broadcast %squeeze3A_1448 : f32 to vector<16xf32>
        %mul3A_1520 = arith.mulf %get3A_1518, %mul3A_1519 : vector<16xf32>
        %swap3A_1521 = arith.index_cast %add3A_1446 : i32 to index
        %swap3A_1522 = arith.constant 96 : index
        %swap3A_1523 = tpu.vector_load %arg13[%swap3A_1521, %swap3A_1522] {strides = array<i32>} : memref<128x128xf32, #tpu.memory_space<vmem>>, vector<1x16xf32>,
        %swap3A_1524 = vector.shape_cast %swap3A_1523 : vector<1x16xf32> to vector<16xf32>
        %swap3A_1525 = vector.shape_cast %mul3A_1520 : vector<16xf32> to vector<1x16xf32>
        tpu.vector_store %arg13[%swap3A_1521, %swap3A_1522], %swap3A_1525 {strides = array<i32>} : memref<128x128xf32, #tpu.memory_space<vmem>>, vector<1x16xf32>,
        %get3A_1526 = arith.index_cast %add3A_1446 : i32 to index
        %get3A_1527 = arith.constant 112 : index
        %get3A_1528 = tpu.vector_load %arg13[%get3A_1526, %get3A_1527] {strides = array<i32>} : memref<128x128xf32, #tpu.memory_space<vmem>>, vector<1x16xf32>,
        %get3A_1529 = vector.shape_cast %get3A_1528 : vector<1x16xf32> to vector<16xf32>
        %mul3A_1530 = vector.broadcast %squeeze3A_1448 : f32 to vector<16xf32>
        %mul3A_1531 = arith.mulf %get3A_1529, %mul3A_1530 : vector<16xf32>
        %swap3A_1532 = arith.index_cast %add3A_1446 : i32 to index
        %swap3A_1533 = arith.constant 112 : index
        %swap3A_1534 = tpu.vector_load %arg13[%swap3A_1532, %swap3A_1533] {strides = array<i32>} : memref<128x128xf32, #tpu.memory_space<vmem>>, vector<1x16xf32>,
        %swap3A_1535 = vector.shape_cast %swap3A_1534 : vector<1x16xf32> to vector<16xf32>
        %swap3A_1536 = vector.shape_cast %mul3A_1531 : vector<16xf32> to vector<1x16xf32>
        tpu.vector_store %arg13[%swap3A_1532, %swap3A_1533], %swap3A_1536 {strides = array<i32>} : memref<128x128xf32, #tpu.memory_space<vmem>>, vector<1x16xf32>,
        %mul3A_1537 = arith.constant 16 : i32
        %mul3A_1538 = arith.muli %scan3A_219, %mul3A_1537 : i32
        %add3A_1539 = arith.constant 14 : i32
        %add3A_1540 = arith.addi %mul3A_1538, %add3A_1539 : i32
        %slice3A_1541 = vector.extract_strided_slice %get3A_223 {offsets = [14], sizes = [1], strides = [1]} : vector<16xf32> to vector<1xf32>
        %squeeze3A_1542 = vector.extract %slice3A_1541[0] : f32 from vector<1xf32>
        %get3A_1543 = arith.index_cast %add3A_1540 : i32 to index
        %get3A_1544 = arith.constant 0 : index
        %get3A_1545 = tpu.vector_load %arg13[%get3A_1543, %get3A_1544] {strides = array<i32>} : memref<128x128xf32, #tpu.memory_space<vmem>>, vector<1x16xf32>,
        %get3A_1546 = vector.shape_cast %get3A_1545 : vector<1x16xf32> to vector<16xf32>
        %mul3A_1547 = vector.broadcast %squeeze3A_1542 : f32 to vector<16xf32>
        %mul3A_1548 = arith.mulf %get3A_1546, %mul3A_1547 : vector<16xf32>
        %swap3A_1549 = arith.index_cast %add3A_1540 : i32 to index
        %swap3A_1550 = arith.constant 0 : index
        %swap3A_1551 = tpu.vector_load %arg13[%swap3A_1549, %swap3A_1550] {strides = array<i32>} : memref<128x128xf32, #tpu.memory_space<vmem>>, vector<1x16xf32>,
        %swap3A_1552 = vector.shape_cast %swap3A_1551 : vector<1x16xf32> to vector<16xf32>
        %swap3A_1553 = vector.shape_cast %mul3A_1548 : vector<16xf32> to vector<1x16xf32>
        tpu.vector_store %arg13[%swap3A_1549, %swap3A_1550], %swap3A_1553 {strides = array<i32>} : memref<128x128xf32, #tpu.memory_space<vmem>>, vector<1x16xf32>,
        %get3A_1554 = arith.index_cast %add3A_1540 : i32 to index
        %get3A_1555 = arith.constant 16 : index
        %get3A_1556 = tpu.vector_load %arg13[%get3A_1554, %get3A_1555] {strides = array<i32>} : memref<128x128xf32, #tpu.memory_space<vmem>>, vector<1x16xf32>,
        %get3A_1557 = vector.shape_cast %get3A_1556 : vector<1x16xf32> to vector<16xf32>
        %mul3A_1558 = vector.broadcast %squeeze3A_1542 : f32 to vector<16xf32>
        %mul3A_1559 = arith.mulf %get3A_1557, %mul3A_1558 : vector<16xf32>
        %swap3A_1560 = arith.index_cast %add3A_1540 : i32 to index
        %swap3A_1561 = arith.constant 16 : index
        %swap3A_1562 = tpu.vector_load %arg13[%swap3A_1560, %swap3A_1561] {strides = array<i32>} : memref<128x128xf32, #tpu.memory_space<vmem>>, vector<1x16xf32>,
        %swap3A_1563 = vector.shape_cast %swap3A_1562 : vector<1x16xf32> to vector<16xf32>
        %swap3A_1564 = vector.shape_cast %mul3A_1559 : vector<16xf32> to vector<1x16xf32>
        tpu.vector_store %arg13[%swap3A_1560, %swap3A_1561], %swap3A_1564 {strides = array<i32>} : memref<128x128xf32, #tpu.memory_space<vmem>>, vector<1x16xf32>,
        %get3A_1565 = arith.index_cast %add3A_1540 : i32 to index
        %get3A_1566 = arith.constant 32 : index
        %get3A_1567 = tpu.vector_load %arg13[%get3A_1565, %get3A_1566] {strides = array<i32>} : memref<128x128xf32, #tpu.memory_space<vmem>>, vector<1x16xf32>,
        %get3A_1568 = vector.shape_cast %get3A_1567 : vector<1x16xf32> to vector<16xf32>
        %mul3A_1569 = vector.broadcast %squeeze3A_1542 : f32 to vector<16xf32>
        %mul3A_1570 = arith.mulf %get3A_1568, %mul3A_1569 : vector<16xf32>
        %swap3A_1571 = arith.index_cast %add3A_1540 : i32 to index
        %swap3A_1572 = arith.constant 32 : index
        %swap3A_1573 = tpu.vector_load %arg13[%swap3A_1571, %swap3A_1572] {strides = array<i32>} : memref<128x128xf32, #tpu.memory_space<vmem>>, vector<1x16xf32>,
        %swap3A_1574 = vector.shape_cast %swap3A_1573 : vector<1x16xf32> to vector<16xf32>
        %swap3A_1575 = vector.shape_cast %mul3A_1570 : vector<16xf32> to vector<1x16xf32>
        tpu.vector_store %arg13[%swap3A_1571, %swap3A_1572], %swap3A_1575 {strides = array<i32>} : memref<128x128xf32, #tpu.memory_space<vmem>>, vector<1x16xf32>,
        %get3A_1576 = arith.index_cast %add3A_1540 : i32 to index
        %get3A_1577 = arith.constant 48 : index
        %get3A_1578 = tpu.vector_load %arg13[%get3A_1576, %get3A_1577] {strides = array<i32>} : memref<128x128xf32, #tpu.memory_space<vmem>>, vector<1x16xf32>,
        %get3A_1579 = vector.shape_cast %get3A_1578 : vector<1x16xf32> to vector<16xf32>
        %mul3A_1580 = vector.broadcast %squeeze3A_1542 : f32 to vector<16xf32>
        %mul3A_1581 = arith.mulf %get3A_1579, %mul3A_1580 : vector<16xf32>
        %swap3A_1582 = arith.index_cast %add3A_1540 : i32 to index
        %swap3A_1583 = arith.constant 48 : index
        %swap3A_1584 = tpu.vector_load %arg13[%swap3A_1582, %swap3A_1583] {strides = array<i32>} : memref<128x128xf32, #tpu.memory_space<vmem>>, vector<1x16xf32>,
        %swap3A_1585 = vector.shape_cast %swap3A_1584 : vector<1x16xf32> to vector<16xf32>
        %swap3A_1586 = vector.shape_cast %mul3A_1581 : vector<16xf32> to vector<1x16xf32>
        tpu.vector_store %arg13[%swap3A_1582, %swap3A_1583], %swap3A_1586 {strides = array<i32>} : memref<128x128xf32, #tpu.memory_space<vmem>>, vector<1x16xf32>,
        %get3A_1587 = arith.index_cast %add3A_1540 : i32 to index
        %get3A_1588 = arith.constant 64 : index
        %get3A_1589 = tpu.vector_load %arg13[%get3A_1587, %get3A_1588] {strides = array<i32>} : memref<128x128xf32, #tpu.memory_space<vmem>>, vector<1x16xf32>,
        %get3A_1590 = vector.shape_cast %get3A_1589 : vector<1x16xf32> to vector<16xf32>
        %mul3A_1591 = vector.broadcast %squeeze3A_1542 : f32 to vector<16xf32>
        %mul3A_1592 = arith.mulf %get3A_1590, %mul3A_1591 : vector<16xf32>
        %swap3A_1593 = arith.index_cast %add3A_1540 : i32 to index
        %swap3A_1594 = arith.constant 64 : index
        %swap3A_1595 = tpu.vector_load %arg13[%swap3A_1593, %swap3A_1594] {strides = array<i32>} : memref<128x128xf32, #tpu.memory_space<vmem>>, vector<1x16xf32>,
        %swap3A_1596 = vector.shape_cast %swap3A_1595 : vector<1x16xf32> to vector<16xf32>
        %swap3A_1597 = vector.shape_cast %mul3A_1592 : vector<16xf32> to vector<1x16xf32>
        tpu.vector_store %arg13[%swap3A_1593, %swap3A_1594], %swap3A_1597 {strides = array<i32>} : memref<128x128xf32, #tpu.memory_space<vmem>>, vector<1x16xf32>,
        %get3A_1598 = arith.index_cast %add3A_1540 : i32 to index
        %get3A_1599 = arith.constant 80 : index
        %get3A_1600 = tpu.vector_load %arg13[%get3A_1598, %get3A_1599] {strides = array<i32>} : memref<128x128xf32, #tpu.memory_space<vmem>>, vector<1x16xf32>,
        %get3A_1601 = vector.shape_cast %get3A_1600 : vector<1x16xf32> to vector<16xf32>
        %mul3A_1602 = vector.broadcast %squeeze3A_1542 : f32 to vector<16xf32>
        %mul3A_1603 = arith.mulf %get3A_1601, %mul3A_1602 : vector<16xf32>
        %swap3A_1604 = arith.index_cast %add3A_1540 : i32 to index
        %swap3A_1605 = arith.constant 80 : index
        %swap3A_1606 = tpu.vector_load %arg13[%swap3A_1604, %swap3A_1605] {strides = array<i32>} : memref<128x128xf32, #tpu.memory_space<vmem>>, vector<1x16xf32>,
        %swap3A_1607 = vector.shape_cast %swap3A_1606 : vector<1x16xf32> to vector<16xf32>
        %swap3A_1608 = vector.shape_cast %mul3A_1603 : vector<16xf32> to vector<1x16xf32>
        tpu.vector_store %arg13[%swap3A_1604, %swap3A_1605], %swap3A_1608 {strides = array<i32>} : memref<128x128xf32, #tpu.memory_space<vmem>>, vector<1x16xf32>,
        %get3A_1609 = arith.index_cast %add3A_1540 : i32 to index
        %get3A_1610 = arith.constant 96 : index
        %get3A_1611 = tpu.vector_load %arg13[%get3A_1609, %get3A_1610] {strides = array<i32>} : memref<128x128xf32, #tpu.memory_space<vmem>>, vector<1x16xf32>,
        %get3A_1612 = vector.shape_cast %get3A_1611 : vector<1x16xf32> to vector<16xf32>
        %mul3A_1613 = vector.broadcast %squeeze3A_1542 : f32 to vector<16xf32>
        %mul3A_1614 = arith.mulf %get3A_1612, %mul3A_1613 : vector<16xf32>
        %swap3A_1615 = arith.index_cast %add3A_1540 : i32 to index
        %swap3A_1616 = arith.constant 96 : index
        %swap3A_1617 = tpu.vector_load %arg13[%swap3A_1615, %swap3A_1616] {strides = array<i32>} : memref<128x128xf32, #tpu.memory_space<vmem>>, vector<1x16xf32>,
        %swap3A_1618 = vector.shape_cast %swap3A_1617 : vector<1x16xf32> to vector<16xf32>
        %swap3A_1619 = vector.shape_cast %mul3A_1614 : vector<16xf32> to vector<1x16xf32>
        tpu.vector_store %arg13[%swap3A_1615, %swap3A_1616], %swap3A_1619 {strides = array<i32>} : memref<128x128xf32, #tpu.memory_space<vmem>>, vector<1x16xf32>,
        %get3A_1620 = arith.index_cast %add3A_1540 : i32 to index
        %get3A_1621 = arith.constant 112 : index
        %get3A_1622 = tpu.vector_load %arg13[%get3A_1620, %get3A_1621] {strides = array<i32>} : memref<128x128xf32, #tpu.memory_space<vmem>>, vector<1x16xf32>,
        %get3A_1623 = vector.shape_cast %get3A_1622 : vector<1x16xf32> to vector<16xf32>
        %mul3A_1624 = vector.broadcast %squeeze3A_1542 : f32 to vector<16xf32>
        %mul3A_1625 = arith.mulf %get3A_1623, %mul3A_1624 : vector<16xf32>
        %swap3A_1626 = arith.index_cast %add3A_1540 : i32 to index
        %swap3A_1627 = arith.constant 112 : index
        %swap3A_1628 = tpu.vector_load %arg13[%swap3A_1626, %swap3A_1627] {strides = array<i32>} : memref<128x128xf32, #tpu.memory_space<vmem>>, vector<1x16xf32>,
        %swap3A_1629 = vector.shape_cast %swap3A_1628 : vector<1x16xf32> to vector<16xf32>
        %swap3A_1630 = vector.shape_cast %mul3A_1625 : vector<16xf32> to vector<1x16xf32>
        tpu.vector_store %arg13[%swap3A_1626, %swap3A_1627], %swap3A_1630 {strides = array<i32>} : memref<128x128xf32, #tpu.memory_space<vmem>>, vector<1x16xf32>,
        %mul3A_1631 = arith.constant 16 : i32
        %mul3A_1632 = arith.muli %scan3A_219, %mul3A_1631 : i32
        %add3A_1633 = arith.constant 15 : i32
        %add3A_1634 = arith.addi %mul3A_1632, %add3A_1633 : i32
        %slice3A_1635 = vector.extract_strided_slice %get3A_223 {offsets = [15], sizes = [1], strides = [1]} : vector<16xf32> to vector<1xf32>
        %squeeze3A_1636 = vector.extract %slice3A_1635[0] : f32 from vector<1xf32>
        %get3A_1637 = arith.index_cast %add3A_1634 : i32 to index
        %get3A_1638 = arith.constant 0 : index
        %get3A_1639 = tpu.vector_load %arg13[%get3A_1637, %get3A_1638] {strides = array<i32>} : memref<128x128xf32, #tpu.memory_space<vmem>>, vector<1x16xf32>,
        %get3A_1640 = vector.shape_cast %get3A_1639 : vector<1x16xf32> to vector<16xf32>
        %mul3A_1641 = vector.broadcast %squeeze3A_1636 : f32 to vector<16xf32>
        %mul3A_1642 = arith.mulf %get3A_1640, %mul3A_1641 : vector<16xf32>
        %swap3A_1643 = arith.index_cast %add3A_1634 : i32 to index
        %swap3A_1644 = arith.constant 0 : index
        %swap3A_1645 = tpu.vector_load %arg13[%swap3A_1643, %swap3A_1644] {strides = array<i32>} : memref<128x128xf32, #tpu.memory_space<vmem>>, vector<1x16xf32>,
        %swap3A_1646 = vector.shape_cast %swap3A_1645 : vector<1x16xf32> to vector<16xf32>
        %swap3A_1647 = vector.shape_cast %mul3A_1642 : vector<16xf32> to vector<1x16xf32>
        tpu.vector_store %arg13[%swap3A_1643, %swap3A_1644], %swap3A_1647 {strides = array<i32>} : memref<128x128xf32, #tpu.memory_space<vmem>>, vector<1x16xf32>,
        %get3A_1648 = arith.index_cast %add3A_1634 : i32 to index
        %get3A_1649 = arith.constant 16 : index
        %get3A_1650 = tpu.vector_load %arg13[%get3A_1648, %get3A_1649] {strides = array<i32>} : memref<128x128xf32, #tpu.memory_space<vmem>>, vector<1x16xf32>,
        %get3A_1651 = vector.shape_cast %get3A_1650 : vector<1x16xf32> to vector<16xf32>
        %mul3A_1652 = vector.broadcast %squeeze3A_1636 : f32 to vector<16xf32>
        %mul3A_1653 = arith.mulf %get3A_1651, %mul3A_1652 : vector<16xf32>
        %swap3A_1654 = arith.index_cast %add3A_1634 : i32 to index
        %swap3A_1655 = arith.constant 16 : index
        %swap3A_1656 = tpu.vector_load %arg13[%swap3A_1654, %swap3A_1655] {strides = array<i32>} : memref<128x128xf32, #tpu.memory_space<vmem>>, vector<1x16xf32>,
        %swap3A_1657 = vector.shape_cast %swap3A_1656 : vector<1x16xf32> to vector<16xf32>
        %swap3A_1658 = vector.shape_cast %mul3A_1653 : vector<16xf32> to vector<1x16xf32>
        tpu.vector_store %arg13[%swap3A_1654, %swap3A_1655], %swap3A_1658 {strides = array<i32>} : memref<128x128xf32, #tpu.memory_space<vmem>>, vector<1x16xf32>,
        %get3A_1659 = arith.index_cast %add3A_1634 : i32 to index
        %get3A_1660 = arith.constant 32 : index
        %get3A_1661 = tpu.vector_load %arg13[%get3A_1659, %get3A_1660] {strides = array<i32>} : memref<128x128xf32, #tpu.memory_space<vmem>>, vector<1x16xf32>,
        %get3A_1662 = vector.shape_cast %get3A_1661 : vector<1x16xf32> to vector<16xf32>
        %mul3A_1663 = vector.broadcast %squeeze3A_1636 : f32 to vector<16xf32>
        %mul3A_1664 = arith.mulf %get3A_1662, %mul3A_1663 : vector<16xf32>
        %swap3A_1665 = arith.index_cast %add3A_1634 : i32 to index
        %swap3A_1666 = arith.constant 32 : index
        %swap3A_1667 = tpu.vector_load %arg13[%swap3A_1665, %swap3A_1666] {strides = array<i32>} : memref<128x128xf32, #tpu.memory_space<vmem>>, vector<1x16xf32>,
        %swap3A_1668 = vector.shape_cast %swap3A_1667 : vector<1x16xf32> to vector<16xf32>
        %swap3A_1669 = vector.shape_cast %mul3A_1664 : vector<16xf32> to vector<1x16xf32>
        tpu.vector_store %arg13[%swap3A_1665, %swap3A_1666], %swap3A_1669 {strides = array<i32>} : memref<128x128xf32, #tpu.memory_space<vmem>>, vector<1x16xf32>,
        %get3A_1670 = arith.index_cast %add3A_1634 : i32 to index
        %get3A_1671 = arith.constant 48 : index
        %get3A_1672 = tpu.vector_load %arg13[%get3A_1670, %get3A_1671] {strides = array<i32>} : memref<128x128xf32, #tpu.memory_space<vmem>>, vector<1x16xf32>,
        %get3A_1673 = vector.shape_cast %get3A_1672 : vector<1x16xf32> to vector<16xf32>
        %mul3A_1674 = vector.broadcast %squeeze3A_1636 : f32 to vector<16xf32>
        %mul3A_1675 = arith.mulf %get3A_1673, %mul3A_1674 : vector<16xf32>
        %swap3A_1676 = arith.index_cast %add3A_1634 : i32 to index
        %swap3A_1677 = arith.constant 48 : index
        %swap3A_1678 = tpu.vector_load %arg13[%swap3A_1676, %swap3A_1677] {strides = array<i32>} : memref<128x128xf32, #tpu.memory_space<vmem>>, vector<1x16xf32>,
        %swap3A_1679 = vector.shape_cast %swap3A_1678 : vector<1x16xf32> to vector<16xf32>
        %swap3A_1680 = vector.shape_cast %mul3A_1675 : vector<16xf32> to vector<1x16xf32>
        tpu.vector_store %arg13[%swap3A_1676, %swap3A_1677], %swap3A_1680 {strides = array<i32>} : memref<128x128xf32, #tpu.memory_space<vmem>>, vector<1x16xf32>,
        %get3A_1681 = arith.index_cast %add3A_1634 : i32 to index
        %get3A_1682 = arith.constant 64 : index
        %get3A_1683 = tpu.vector_load %arg13[%get3A_1681, %get3A_1682] {strides = array<i32>} : memref<128x128xf32, #tpu.memory_space<vmem>>, vector<1x16xf32>,
        %get3A_1684 = vector.shape_cast %get3A_1683 : vector<1x16xf32> to vector<16xf32>
        %mul3A_1685 = vector.broadcast %squeeze3A_1636 : f32 to vector<16xf32>
        %mul3A_1686 = arith.mulf %get3A_1684, %mul3A_1685 : vector<16xf32>
        %swap3A_1687 = arith.index_cast %add3A_1634 : i32 to index
        %swap3A_1688 = arith.constant 64 : index
        %swap3A_1689 = tpu.vector_load %arg13[%swap3A_1687, %swap3A_1688] {strides = array<i32>} : memref<128x128xf32, #tpu.memory_space<vmem>>, vector<1x16xf32>,
        %swap3A_1690 = vector.shape_cast %swap3A_1689 : vector<1x16xf32> to vector<16xf32>
        %swap3A_1691 = vector.shape_cast %mul3A_1686 : vector<16xf32> to vector<1x16xf32>
        tpu.vector_store %arg13[%swap3A_1687, %swap3A_1688], %swap3A_1691 {strides = array<i32>} : memref<128x128xf32, #tpu.memory_space<vmem>>, vector<1x16xf32>,
        %get3A_1692 = arith.index_cast %add3A_1634 : i32 to index
        %get3A_1693 = arith.constant 80 : index
        %get3A_1694 = tpu.vector_load %arg13[%get3A_1692, %get3A_1693] {strides = array<i32>} : memref<128x128xf32, #tpu.memory_space<vmem>>, vector<1x16xf32>,
        %get3A_1695 = vector.shape_cast %get3A_1694 : vector<1x16xf32> to vector<16xf32>
        %mul3A_1696 = vector.broadcast %squeeze3A_1636 : f32 to vector<16xf32>
        %mul3A_1697 = arith.mulf %get3A_1695, %mul3A_1696 : vector<16xf32>
        %swap3A_1698 = arith.index_cast %add3A_1634 : i32 to index
        %swap3A_1699 = arith.constant 80 : index
        %swap3A_1700 = tpu.vector_load %arg13[%swap3A_1698, %swap3A_1699] {strides = array<i32>} : memref<128x128xf32, #tpu.memory_space<vmem>>, vector<1x16xf32>,
        %swap3A_1701 = vector.shape_cast %swap3A_1700 : vector<1x16xf32> to vector<16xf32>
        %swap3A_1702 = vector.shape_cast %mul3A_1697 : vector<16xf32> to vector<1x16xf32>
        tpu.vector_store %arg13[%swap3A_1698, %swap3A_1699], %swap3A_1702 {strides = array<i32>} : memref<128x128xf32, #tpu.memory_space<vmem>>, vector<1x16xf32>,
        %get3A_1703 = arith.index_cast %add3A_1634 : i32 to index
        %get3A_1704 = arith.constant 96 : index
        %get3A_1705 = tpu.vector_load %arg13[%get3A_1703, %get3A_1704] {strides = array<i32>} : memref<128x128xf32, #tpu.memory_space<vmem>>, vector<1x16xf32>,
        %get3A_1706 = vector.shape_cast %get3A_1705 : vector<1x16xf32> to vector<16xf32>
        %mul3A_1707 = vector.broadcast %squeeze3A_1636 : f32 to vector<16xf32>
        %mul3A_1708 = arith.mulf %get3A_1706, %mul3A_1707 : vector<16xf32>
        %swap3A_1709 = arith.index_cast %add3A_1634 : i32 to index
        %swap3A_1710 = arith.constant 96 : index
        %swap3A_1711 = tpu.vector_load %arg13[%swap3A_1709, %swap3A_1710] {strides = array<i32>} : memref<128x128xf32, #tpu.memory_space<vmem>>, vector<1x16xf32>,
        %swap3A_1712 = vector.shape_cast %swap3A_1711 : vector<1x16xf32> to vector<16xf32>
        %swap3A_1713 = vector.shape_cast %mul3A_1708 : vector<16xf32> to vector<1x16xf32>
        tpu.vector_store %arg13[%swap3A_1709, %swap3A_1710], %swap3A_1713 {strides = array<i32>} : memref<128x128xf32, #tpu.memory_space<vmem>>, vector<1x16xf32>,
        %get3A_1714 = arith.index_cast %add3A_1634 : i32 to index
        %get3A_1715 = arith.constant 112 : index
        %get3A_1716 = tpu.vector_load %arg13[%get3A_1714, %get3A_1715] {strides = array<i32>} : memref<128x128xf32, #tpu.memory_space<vmem>>, vector<1x16xf32>,
        %get3A_1717 = vector.shape_cast %get3A_1716 : vector<1x16xf32> to vector<16xf32>
        %mul3A_1718 = vector.broadcast %squeeze3A_1636 : f32 to vector<16xf32>
        %mul3A_1719 = arith.mulf %get3A_1717, %mul3A_1718 : vector<16xf32>
        %swap3A_1720 = arith.index_cast %add3A_1634 : i32 to index
        %swap3A_1721 = arith.constant 112 : index
        %swap3A_1722 = tpu.vector_load %arg13[%swap3A_1720, %swap3A_1721] {strides = array<i32>} : memref<128x128xf32, #tpu.memory_space<vmem>>, vector<1x16xf32>,
        %swap3A_1723 = vector.shape_cast %swap3A_1722 : vector<1x16xf32> to vector<16xf32>
        %swap3A_1724 = vector.shape_cast %mul3A_1719 : vector<16xf32> to vector<1x16xf32>
        tpu.vector_store %arg13[%swap3A_1720, %swap3A_1721], %swap3A_1724 {strides = array<i32>} : memref<128x128xf32, #tpu.memory_space<vmem>>, vector<1x16xf32>,
      }
      %scan3A_165 = arith.constant 8 : i32
      "tpu.region"() ({
        %run_scoped3A = tpu.sem_alloc : memref<!tpu.dma_semaphore, #tpu.memory_space<semaphore_mem>>
        %dma_start3A_219 = arith.constant 0 : i32
        %dma_start3A_220 = arith.constant 0 : i32
        %dma_start3A_221 = tpu.memref_slice %arg15[%dma_start3A_219, %dma_start3A_220] : memref<10000x128xf32, #tpu.memory_space<vmem_shared>> -> memref<10000x128xf32, #tpu.memory_space<vmem_shared>>
        tpu.enqueue_indirect_dma source(%arg13 : memref<128x128xf32, #tpu.memory_space<vmem>>) target(%dma_start3A_221 : memref<10000x128xf32, #tpu.memory_space<vmem_shared>>) offsets(%arg9 : memref<128xi32, #tpu.memory_space<vmem>>) semaphore(%run_scoped3A : memref<!tpu.dma_semaphore, #tpu.memory_space<semaphore_mem>>) {add = true}
        %dma_wait3A_222 = arith.constant 0 : i32
        %dma_wait3A_223 = arith.constant 0 : i32
        %dma_wait3A_224 = tpu.memref_slice %arg15[%dma_wait3A_222, %dma_wait3A_223] : memref<10000x128xf32, #tpu.memory_space<vmem_shared>> -> memref<10000x128xf32, #tpu.memory_space<vmem_shared>>
        tpu.wait_indirect_dma semaphore(%run_scoped3A : memref<!tpu.dma_semaphore, #tpu.memory_space<semaphore_mem>>) src(%arg13 : memref<128x128xf32, #tpu.memory_space<vmem>>) dst(%dma_wait3A_224 : memref<10000x128xf32, #tpu.memory_space<vmem_shared>>)
        tpu.yield
      }) : () -> ()
      %add3A_166 = arith.constant 2 : i32
      %add3A_167 = arith.addi %add3A_141, %add3A_166 : i32
      %min3A = arith.constant 79 : i32
      %min3A_168 = arith.minsi %add3A_167, %min3A : i32
      %mul3A_169 = arith.constant 128 : i32
      %mul3A_170 = arith.muli %min3A_168, %mul3A_169 : i32
      %add3A_171 = arith.addi %mul3A_4, %mul3A_170 : i32
      %dma_start3A_172 = tpu.memref_slice %arg3[%add3A_171] : memref<327680xi32, #tpu.memory_space<hbm>> -> memref<128xi32, #tpu.memory_space<hbm>>
      %dma_start3A_173 = tpu.memref_slice %arg3[%add3A_171] : memref<327680xi32, #tpu.memory_space<hbm>> -> memref<128xi32, #tpu.memory_space<hbm>>
      tpu.enqueue_dma source(%dma_start3A_173 : memref<128xi32, #tpu.memory_space<hbm>>) target(%arg7 : memref<128xi32, #tpu.memory_space<vmem>>) target_semaphore(%arg16 : memref<!tpu.dma_semaphore, #tpu.memory_space<semaphore_mem>>)
      %dma_start3A_174 = tpu.memref_slice %arg2[%add3A_171] : memref<327680xi32, #tpu.memory_space<hbm>> -> memref<128xi32, #tpu.memory_space<hbm>>
      %dma_start3A_175 = tpu.memref_slice %arg2[%add3A_171] : memref<327680xi32, #tpu.memory_space<hbm>> -> memref<128xi32, #tpu.memory_space<hbm>>
      tpu.enqueue_dma source(%dma_start3A_175 : memref<128xi32, #tpu.memory_space<hbm>>) target(%arg9 : memref<128xi32, #tpu.memory_space<vmem>>) target_semaphore(%arg16 : memref<!tpu.dma_semaphore, #tpu.memory_space<semaphore_mem>>)
      %dma_start3A_176 = tpu.memref_slice %arg4[%add3A_171] : memref<327680xf32, #tpu.memory_space<hbm>> -> memref<128xf32, #tpu.memory_space<hbm>>
      %dma_start3A_177 = tpu.memref_slice %arg4[%add3A_171] : memref<327680xf32, #tpu.memory_space<hbm>> -> memref<128xf32, #tpu.memory_space<hbm>>
      tpu.enqueue_dma source(%dma_start3A_177 : memref<128xf32, #tpu.memory_space<hbm>>) target(%arg11 : memref<128xf32, #tpu.memory_space<vmem>>) target_semaphore(%arg16 : memref<!tpu.dma_semaphore, #tpu.memory_space<semaphore_mem>>)
      %mul3A_178 = arith.constant 2 : i32
      %mul3A_179 = arith.muli %mul3A_178, %scan3A_137 : i32
      %add3A_180 = arith.constant 1 : i32
      %add3A_181 = arith.addi %mul3A_179, %add3A_180 : i32
      %dma_wait3A_182 = arith.constant 0 : i32
      %dma_wait3A_183 = arith.constant 0 : i32
      %dma_wait3A_184 = tpu.memref_slice %arg5[%dma_wait3A_182, %dma_wait3A_183] : memref<10000x128xf32, #tpu.memory_space<hbm>> -> memref<10000x128xf32, #tpu.memory_space<hbm>>
      tpu.wait_indirect_dma semaphore(%arg19 : memref<!tpu.dma_semaphore, #tpu.memory_space<semaphore_mem>>) src(%dma_wait3A_184 : memref<10000x128xf32, #tpu.memory_space<hbm>>) dst(%arg14 : memref<128x128xf32, #tpu.memory_space<vmem>>)
      %dma_wait3A_185 = arith.constant 0 : i32
      %dma_wait3A_186 = tpu.memref_slice %arg3[%dma_wait3A_185] : memref<327680xi32, #tpu.memory_space<hbm>> -> memref<128xi32, #tpu.memory_space<hbm>>
      %dma_wait3A_187 = arith.constant 0 : i32
      %dma_wait3A_188 = tpu.memref_slice %arg3[%dma_wait3A_187] : memref<327680xi32, #tpu.memory_space<hbm>> -> memref<128xi32, #tpu.memory_space<hbm>>
      tpu.wait_dma2 semaphore(%arg16 : memref<!tpu.dma_semaphore, #tpu.memory_space<semaphore_mem>>) src(%dma_wait3A_188 : memref<128xi32, #tpu.memory_space<hbm>>) dst(%arg7 : memref<128xi32, #tpu.memory_space<vmem>>)
      %dma_wait3A_189 = arith.constant 0 : i32
      %dma_wait3A_190 = tpu.memref_slice %arg2[%dma_wait3A_189] : memref<327680xi32, #tpu.memory_space<hbm>> -> memref<128xi32, #tpu.memory_space<hbm>>
      %dma_wait3A_191 = arith.constant 0 : i32
      %dma_wait3A_192 = tpu.memref_slice %arg2[%dma_wait3A_191] : memref<327680xi32, #tpu.memory_space<hbm>> -> memref<128xi32, #tpu.memory_space<hbm>>
      tpu.wait_dma2 semaphore(%arg16 : memref<!tpu.dma_semaphore, #tpu.memory_space<semaphore_mem>>) src(%dma_wait3A_192 : memref<128xi32, #tpu.memory_space<hbm>>) dst(%arg9 : memref<128xi32, #tpu.memory_space<vmem>>)
      %dma_wait3A_193 = arith.constant 0 : i32
      %dma_wait3A_194 = tpu.memref_slice %arg4[%dma_wait3A_193] : memref<327680xf32, #tpu.memory_space<hbm>> -> memref<128xf32, #tpu.memory_space<hbm>>
      %dma_wait3A_195 = arith.constant 0 : i32
      %dma_wait3A_196 = tpu.memref_slice %arg4[%dma_wait3A_195] : memref<327680xf32, #tpu.memory_space<hbm>> -> memref<128xf32, #tpu.memory_space<hbm>>
      tpu.wait_dma2 semaphore(%arg16 : memref<!tpu.dma_semaphore, #tpu.memory_space<semaphore_mem>>) src(%dma_wait3A_196 : memref<128xf32, #tpu.memory_space<hbm>>) dst(%arg11 : memref<128xf32, #tpu.memory_space<vmem>>)
      %dma_start3A_197 = arith.constant 0 : i32
      %dma_start3A_198 = arith.constant 0 : i32
      %dma_start3A_199 = tpu.memref_slice %arg5[%dma_start3A_197, %dma_start3A_198] : memref<10000x128xf32, #tpu.memory_space<hbm>> -> memref<10000x128xf32, #tpu.memory_space<hbm>>
      tpu.enqueue_indirect_dma source(%dma_start3A_199 : memref<10000x128xf32, #tpu.memory_space<hbm>>) target(%arg13 : memref<128x128xf32, #tpu.memory_space<vmem>>) offsets(%arg7 : memref<128xi32, #tpu.memory_space<vmem>>) semaphore(%arg18 : memref<!tpu.dma_semaphore, #tpu.memory_space<semaphore_mem>>)
      %scan3A_200 = arith.constant 0 : i32
      %scan3A_201 = arith.constant 0 : i32
      %scan3A_202 = arith.constant 8 : i32
      %scan3A_203 = arith.addi %scan3A_201, %scan3A_202 : i32
      %scan3A_204 = arith.constant 1 : i32
      scf.for %scan3A_219 = %scan3A_201 to %scan3A_203 step %scan3A_204  : i32 {
        %mul3A_220 = arith.constant 16 : i32
        %mul3A_221 = arith.muli %scan3A_219, %mul3A_220 : i32
        %get3A = arith.index_cast %mul3A_221 : i32 to index
        %get3A_222 = tpu.vector_load %arg12[%get3A] {strides = array<i32>} : memref<128xf32, #tpu.memory_space<vmem>>, vector<16xf32>,
        %get3A_223 = vector.shape_cast %get3A_222 : vector<16xf32> to vector<16xf32>
        %mul3A_224 = arith.constant 16 : i32
        %mul3A_225 = arith.muli %scan3A_219, %mul3A_224 : i32
        %add3A_226 = arith.constant 0 : i32
        %add3A_227 = arith.addi %mul3A_225, %add3A_226 : i32
        %slice3A = vector.extract_strided_slice %get3A_223 {offsets = [0], sizes = [1], strides = [1]} : vector<16xf32> to vector<1xf32>
        %squeeze3A = vector.extract %slice3A[0] : f32 from vector<1xf32>
        %get3A_228 = arith.index_cast %add3A_227 : i32 to index
        %get3A_229 = arith.constant 0 : index
        %get3A_230 = tpu.vector_load %arg14[%get3A_228, %get3A_229] {strides = array<i32>} : memref<128x128xf32, #tpu.memory_space<vmem>>, vector<1x16xf32>,
        %get3A_231 = vector.shape_cast %get3A_230 : vector<1x16xf32> to vector<16xf32>
        %mul3A_232 = vector.broadcast %squeeze3A : f32 to vector<16xf32>
        %mul3A_233 = arith.mulf %get3A_231, %mul3A_232 : vector<16xf32>
        %swap3A = arith.index_cast %add3A_227 : i32 to index
        %swap3A_234 = arith.constant 0 : index
        %swap3A_235 = tpu.vector_load %arg14[%swap3A, %swap3A_234] {strides = array<i32>} : memref<128x128xf32, #tpu.memory_space<vmem>>, vector<1x16xf32>,
        %swap3A_236 = vector.shape_cast %swap3A_235 : vector<1x16xf32> to vector<16xf32>
        %swap3A_237 = vector.shape_cast %mul3A_233 : vector<16xf32> to vector<1x16xf32>
        tpu.vector_store %arg14[%swap3A, %swap3A_234], %swap3A_237 {strides = array<i32>} : memref<128x128xf32, #tpu.memory_space<vmem>>, vector<1x16xf32>,
        %get3A_238 = arith.index_cast %add3A_227 : i32 to index
        %get3A_239 = arith.constant 16 : index
        %get3A_240 = tpu.vector_load %arg14[%get3A_238, %get3A_239] {strides = array<i32>} : memref<128x128xf32, #tpu.memory_space<vmem>>, vector<1x16xf32>,
        %get3A_241 = vector.shape_cast %get3A_240 : vector<1x16xf32> to vector<16xf32>
        %mul3A_242 = vector.broadcast %squeeze3A : f32 to vector<16xf32>
        %mul3A_243 = arith.mulf %get3A_241, %mul3A_242 : vector<16xf32>
        %swap3A_244 = arith.index_cast %add3A_227 : i32 to index
        %swap3A_245 = arith.constant 16 : index
        %swap3A_246 = tpu.vector_load %arg14[%swap3A_244, %swap3A_245] {strides = array<i32>} : memref<128x128xf32, #tpu.memory_space<vmem>>, vector<1x16xf32>,
        %swap3A_247 = vector.shape_cast %swap3A_246 : vector<1x16xf32> to vector<16xf32>
        %swap3A_248 = vector.shape_cast %mul3A_243 : vector<16xf32> to vector<1x16xf32>
        tpu.vector_store %arg14[%swap3A_244, %swap3A_245], %swap3A_248 {strides = array<i32>} : memref<128x128xf32, #tpu.memory_space<vmem>>, vector<1x16xf32>,
        %get3A_249 = arith.index_cast %add3A_227 : i32 to index
        %get3A_250 = arith.constant 32 : index
        %get3A_251 = tpu.vector_load %arg14[%get3A_249, %get3A_250] {strides = array<i32>} : memref<128x128xf32, #tpu.memory_space<vmem>>, vector<1x16xf32>,
        %get3A_252 = vector.shape_cast %get3A_251 : vector<1x16xf32> to vector<16xf32>
        %mul3A_253 = vector.broadcast %squeeze3A : f32 to vector<16xf32>
        %mul3A_254 = arith.mulf %get3A_252, %mul3A_253 : vector<16xf32>
        %swap3A_255 = arith.index_cast %add3A_227 : i32 to index
        %swap3A_256 = arith.constant 32 : index
        %swap3A_257 = tpu.vector_load %arg14[%swap3A_255, %swap3A_256] {strides = array<i32>} : memref<128x128xf32, #tpu.memory_space<vmem>>, vector<1x16xf32>,
        %swap3A_258 = vector.shape_cast %swap3A_257 : vector<1x16xf32> to vector<16xf32>
        %swap3A_259 = vector.shape_cast %mul3A_254 : vector<16xf32> to vector<1x16xf32>
        tpu.vector_store %arg14[%swap3A_255, %swap3A_256], %swap3A_259 {strides = array<i32>} : memref<128x128xf32, #tpu.memory_space<vmem>>, vector<1x16xf32>,
        %get3A_260 = arith.index_cast %add3A_227 : i32 to index
        %get3A_261 = arith.constant 48 : index
        %get3A_262 = tpu.vector_load %arg14[%get3A_260, %get3A_261] {strides = array<i32>} : memref<128x128xf32, #tpu.memory_space<vmem>>, vector<1x16xf32>,
        %get3A_263 = vector.shape_cast %get3A_262 : vector<1x16xf32> to vector<16xf32>
        %mul3A_264 = vector.broadcast %squeeze3A : f32 to vector<16xf32>
        %mul3A_265 = arith.mulf %get3A_263, %mul3A_264 : vector<16xf32>
        %swap3A_266 = arith.index_cast %add3A_227 : i32 to index
        %swap3A_267 = arith.constant 48 : index
        %swap3A_268 = tpu.vector_load %arg14[%swap3A_266, %swap3A_267] {strides = array<i32>} : memref<128x128xf32, #tpu.memory_space<vmem>>, vector<1x16xf32>,
        %swap3A_269 = vector.shape_cast %swap3A_268 : vector<1x16xf32> to vector<16xf32>
        %swap3A_270 = vector.shape_cast %mul3A_265 : vector<16xf32> to vector<1x16xf32>
        tpu.vector_store %arg14[%swap3A_266, %swap3A_267], %swap3A_270 {strides = array<i32>} : memref<128x128xf32, #tpu.memory_space<vmem>>, vector<1x16xf32>,
        %get3A_271 = arith.index_cast %add3A_227 : i32 to index
        %get3A_272 = arith.constant 64 : index
        %get3A_273 = tpu.vector_load %arg14[%get3A_271, %get3A_272] {strides = array<i32>} : memref<128x128xf32, #tpu.memory_space<vmem>>, vector<1x16xf32>,
        %get3A_274 = vector.shape_cast %get3A_273 : vector<1x16xf32> to vector<16xf32>
        %mul3A_275 = vector.broadcast %squeeze3A : f32 to vector<16xf32>
        %mul3A_276 = arith.mulf %get3A_274, %mul3A_275 : vector<16xf32>
        %swap3A_277 = arith.index_cast %add3A_227 : i32 to index
        %swap3A_278 = arith.constant 64 : index
        %swap3A_279 = tpu.vector_load %arg14[%swap3A_277, %swap3A_278] {strides = array<i32>} : memref<128x128xf32, #tpu.memory_space<vmem>>, vector<1x16xf32>,
        %swap3A_280 = vector.shape_cast %swap3A_279 : vector<1x16xf32> to vector<16xf32>
        %swap3A_281 = vector.shape_cast %mul3A_276 : vector<16xf32> to vector<1x16xf32>
        tpu.vector_store %arg14[%swap3A_277, %swap3A_278], %swap3A_281 {strides = array<i32>} : memref<128x128xf32, #tpu.memory_space<vmem>>, vector<1x16xf32>,
        %get3A_282 = arith.index_cast %add3A_227 : i32 to index
        %get3A_283 = arith.constant 80 : index
        %get3A_284 = tpu.vector_load %arg14[%get3A_282, %get3A_283] {strides = array<i32>} : memref<128x128xf32, #tpu.memory_space<vmem>>, vector<1x16xf32>,
        %get3A_285 = vector.shape_cast %get3A_284 : vector<1x16xf32> to vector<16xf32>
        %mul3A_286 = vector.broadcast %squeeze3A : f32 to vector<16xf32>
        %mul3A_287 = arith.mulf %get3A_285, %mul3A_286 : vector<16xf32>
        %swap3A_288 = arith.index_cast %add3A_227 : i32 to index
        %swap3A_289 = arith.constant 80 : index
        %swap3A_290 = tpu.vector_load %arg14[%swap3A_288, %swap3A_289] {strides = array<i32>} : memref<128x128xf32, #tpu.memory_space<vmem>>, vector<1x16xf32>,
        %swap3A_291 = vector.shape_cast %swap3A_290 : vector<1x16xf32> to vector<16xf32>
        %swap3A_292 = vector.shape_cast %mul3A_287 : vector<16xf32> to vector<1x16xf32>
        tpu.vector_store %arg14[%swap3A_288, %swap3A_289], %swap3A_292 {strides = array<i32>} : memref<128x128xf32, #tpu.memory_space<vmem>>, vector<1x16xf32>,
        %get3A_293 = arith.index_cast %add3A_227 : i32 to index
        %get3A_294 = arith.constant 96 : index
        %get3A_295 = tpu.vector_load %arg14[%get3A_293, %get3A_294] {strides = array<i32>} : memref<128x128xf32, #tpu.memory_space<vmem>>, vector<1x16xf32>,
        %get3A_296 = vector.shape_cast %get3A_295 : vector<1x16xf32> to vector<16xf32>
        %mul3A_297 = vector.broadcast %squeeze3A : f32 to vector<16xf32>
        %mul3A_298 = arith.mulf %get3A_296, %mul3A_297 : vector<16xf32>
        %swap3A_299 = arith.index_cast %add3A_227 : i32 to index
        %swap3A_300 = arith.constant 96 : index
        %swap3A_301 = tpu.vector_load %arg14[%swap3A_299, %swap3A_300] {strides = array<i32>} : memref<128x128xf32, #tpu.memory_space<vmem>>, vector<1x16xf32>,
        %swap3A_302 = vector.shape_cast %swap3A_301 : vector<1x16xf32> to vector<16xf32>
        %swap3A_303 = vector.shape_cast %mul3A_298 : vector<16xf32> to vector<1x16xf32>
        tpu.vector_store %arg14[%swap3A_299, %swap3A_300], %swap3A_303 {strides = array<i32>} : memref<128x128xf32, #tpu.memory_space<vmem>>, vector<1x16xf32>,
        %get3A_304 = arith.index_cast %add3A_227 : i32 to index
        %get3A_305 = arith.constant 112 : index
        %get3A_306 = tpu.vector_load %arg14[%get3A_304, %get3A_305] {strides = array<i32>} : memref<128x128xf32, #tpu.memory_space<vmem>>, vector<1x16xf32>,
        %get3A_307 = vector.shape_cast %get3A_306 : vector<1x16xf32> to vector<16xf32>
        %mul3A_308 = vector.broadcast %squeeze3A : f32 to vector<16xf32>
        %mul3A_309 = arith.mulf %get3A_307, %mul3A_308 : vector<16xf32>
        %swap3A_310 = arith.index_cast %add3A_227 : i32 to index
        %swap3A_311 = arith.constant 112 : index
        %swap3A_312 = tpu.vector_load %arg14[%swap3A_310, %swap3A_311] {strides = array<i32>} : memref<128x128xf32, #tpu.memory_space<vmem>>, vector<1x16xf32>,
        %swap3A_313 = vector.shape_cast %swap3A_312 : vector<1x16xf32> to vector<16xf32>
        %swap3A_314 = vector.shape_cast %mul3A_309 : vector<16xf32> to vector<1x16xf32>
        tpu.vector_store %arg14[%swap3A_310, %swap3A_311], %swap3A_314 {strides = array<i32>} : memref<128x128xf32, #tpu.memory_space<vmem>>, vector<1x16xf32>,
        %mul3A_315 = arith.constant 16 : i32
        %mul3A_316 = arith.muli %scan3A_219, %mul3A_315 : i32
        %add3A_317 = arith.constant 1 : i32
        %add3A_318 = arith.addi %mul3A_316, %add3A_317 : i32
        %slice3A_319 = vector.extract_strided_slice %get3A_223 {offsets = [1], sizes = [1], strides = [1]} : vector<16xf32> to vector<1xf32>
        %squeeze3A_320 = vector.extract %slice3A_319[0] : f32 from vector<1xf32>
        %get3A_321 = arith.index_cast %add3A_318 : i32 to index
        %get3A_322 = arith.constant 0 : index
        %get3A_323 = tpu.vector_load %arg14[%get3A_321, %get3A_322] {strides = array<i32>} : memref<128x128xf32, #tpu.memory_space<vmem>>, vector<1x16xf32>,
        %get3A_324 = vector.shape_cast %get3A_323 : vector<1x16xf32> to vector<16xf32>
        %mul3A_325 = vector.broadcast %squeeze3A_320 : f32 to vector<16xf32>
        %mul3A_326 = arith.mulf %get3A_324, %mul3A_325 : vector<16xf32>
        %swap3A_327 = arith.index_cast %add3A_318 : i32 to index
        %swap3A_328 = arith.constant 0 : index
        %swap3A_329 = tpu.vector_load %arg14[%swap3A_327, %swap3A_328] {strides = array<i32>} : memref<128x128xf32, #tpu.memory_space<vmem>>, vector<1x16xf32>,
        %swap3A_330 = vector.shape_cast %swap3A_329 : vector<1x16xf32> to vector<16xf32>
        %swap3A_331 = vector.shape_cast %mul3A_326 : vector<16xf32> to vector<1x16xf32>
        tpu.vector_store %arg14[%swap3A_327, %swap3A_328], %swap3A_331 {strides = array<i32>} : memref<128x128xf32, #tpu.memory_space<vmem>>, vector<1x16xf32>,
        %get3A_332 = arith.index_cast %add3A_318 : i32 to index
        %get3A_333 = arith.constant 16 : index
        %get3A_334 = tpu.vector_load %arg14[%get3A_332, %get3A_333] {strides = array<i32>} : memref<128x128xf32, #tpu.memory_space<vmem>>, vector<1x16xf32>,
        %get3A_335 = vector.shape_cast %get3A_334 : vector<1x16xf32> to vector<16xf32>
        %mul3A_336 = vector.broadcast %squeeze3A_320 : f32 to vector<16xf32>
        %mul3A_337 = arith.mulf %get3A_335, %mul3A_336 : vector<16xf32>
        %swap3A_338 = arith.index_cast %add3A_318 : i32 to index
        %swap3A_339 = arith.constant 16 : index
        %swap3A_340 = tpu.vector_load %arg14[%swap3A_338, %swap3A_339] {strides = array<i32>} : memref<128x128xf32, #tpu.memory_space<vmem>>, vector<1x16xf32>,
        %swap3A_341 = vector.shape_cast %swap3A_340 : vector<1x16xf32> to vector<16xf32>
        %swap3A_342 = vector.shape_cast %mul3A_337 : vector<16xf32> to vector<1x16xf32>
        tpu.vector_store %arg14[%swap3A_338, %swap3A_339], %swap3A_342 {strides = array<i32>} : memref<128x128xf32, #tpu.memory_space<vmem>>, vector<1x16xf32>,
        %get3A_343 = arith.index_cast %add3A_318 : i32 to index
        %get3A_344 = arith.constant 32 : index
        %get3A_345 = tpu.vector_load %arg14[%get3A_343, %get3A_344] {strides = array<i32>} : memref<128x128xf32, #tpu.memory_space<vmem>>, vector<1x16xf32>,
        %get3A_346 = vector.shape_cast %get3A_345 : vector<1x16xf32> to vector<16xf32>
        %mul3A_347 = vector.broadcast %squeeze3A_320 : f32 to vector<16xf32>
        %mul3A_348 = arith.mulf %get3A_346, %mul3A_347 : vector<16xf32>
        %swap3A_349 = arith.index_cast %add3A_318 : i32 to index
        %swap3A_350 = arith.constant 32 : index
        %swap3A_351 = tpu.vector_load %arg14[%swap3A_349, %swap3A_350] {strides = array<i32>} : memref<128x128xf32, #tpu.memory_space<vmem>>, vector<1x16xf32>,
        %swap3A_352 = vector.shape_cast %swap3A_351 : vector<1x16xf32> to vector<16xf32>
        %swap3A_353 = vector.shape_cast %mul3A_348 : vector<16xf32> to vector<1x16xf32>
        tpu.vector_store %arg14[%swap3A_349, %swap3A_350], %swap3A_353 {strides = array<i32>} : memref<128x128xf32, #tpu.memory_space<vmem>>, vector<1x16xf32>,
        %get3A_354 = arith.index_cast %add3A_318 : i32 to index
        %get3A_355 = arith.constant 48 : index
        %get3A_356 = tpu.vector_load %arg14[%get3A_354, %get3A_355] {strides = array<i32>} : memref<128x128xf32, #tpu.memory_space<vmem>>, vector<1x16xf32>,
        %get3A_357 = vector.shape_cast %get3A_356 : vector<1x16xf32> to vector<16xf32>
        %mul3A_358 = vector.broadcast %squeeze3A_320 : f32 to vector<16xf32>
        %mul3A_359 = arith.mulf %get3A_357, %mul3A_358 : vector<16xf32>
        %swap3A_360 = arith.index_cast %add3A_318 : i32 to index
        %swap3A_361 = arith.constant 48 : index
        %swap3A_362 = tpu.vector_load %arg14[%swap3A_360, %swap3A_361] {strides = array<i32>} : memref<128x128xf32, #tpu.memory_space<vmem>>, vector<1x16xf32>,
        %swap3A_363 = vector.shape_cast %swap3A_362 : vector<1x16xf32> to vector<16xf32>
        %swap3A_364 = vector.shape_cast %mul3A_359 : vector<16xf32> to vector<1x16xf32>
        tpu.vector_store %arg14[%swap3A_360, %swap3A_361], %swap3A_364 {strides = array<i32>} : memref<128x128xf32, #tpu.memory_space<vmem>>, vector<1x16xf32>,
        %get3A_365 = arith.index_cast %add3A_318 : i32 to index
        %get3A_366 = arith.constant 64 : index
        %get3A_367 = tpu.vector_load %arg14[%get3A_365, %get3A_366] {strides = array<i32>} : memref<128x128xf32, #tpu.memory_space<vmem>>, vector<1x16xf32>,
        %get3A_368 = vector.shape_cast %get3A_367 : vector<1x16xf32> to vector<16xf32>
        %mul3A_369 = vector.broadcast %squeeze3A_320 : f32 to vector<16xf32>
        %mul3A_370 = arith.mulf %get3A_368, %mul3A_369 : vector<16xf32>
        %swap3A_371 = arith.index_cast %add3A_318 : i32 to index
        %swap3A_372 = arith.constant 64 : index
        %swap3A_373 = tpu.vector_load %arg14[%swap3A_371, %swap3A_372] {strides = array<i32>} : memref<128x128xf32, #tpu.memory_space<vmem>>, vector<1x16xf32>,
        %swap3A_374 = vector.shape_cast %swap3A_373 : vector<1x16xf32> to vector<16xf32>
        %swap3A_375 = vector.shape_cast %mul3A_370 : vector<16xf32> to vector<1x16xf32>
        tpu.vector_store %arg14[%swap3A_371, %swap3A_372], %swap3A_375 {strides = array<i32>} : memref<128x128xf32, #tpu.memory_space<vmem>>, vector<1x16xf32>,
        %get3A_376 = arith.index_cast %add3A_318 : i32 to index
        %get3A_377 = arith.constant 80 : index
        %get3A_378 = tpu.vector_load %arg14[%get3A_376, %get3A_377] {strides = array<i32>} : memref<128x128xf32, #tpu.memory_space<vmem>>, vector<1x16xf32>,
        %get3A_379 = vector.shape_cast %get3A_378 : vector<1x16xf32> to vector<16xf32>
        %mul3A_380 = vector.broadcast %squeeze3A_320 : f32 to vector<16xf32>
        %mul3A_381 = arith.mulf %get3A_379, %mul3A_380 : vector<16xf32>
        %swap3A_382 = arith.index_cast %add3A_318 : i32 to index
        %swap3A_383 = arith.constant 80 : index
        %swap3A_384 = tpu.vector_load %arg14[%swap3A_382, %swap3A_383] {strides = array<i32>} : memref<128x128xf32, #tpu.memory_space<vmem>>, vector<1x16xf32>,
        %swap3A_385 = vector.shape_cast %swap3A_384 : vector<1x16xf32> to vector<16xf32>
        %swap3A_386 = vector.shape_cast %mul3A_381 : vector<16xf32> to vector<1x16xf32>
        tpu.vector_store %arg14[%swap3A_382, %swap3A_383], %swap3A_386 {strides = array<i32>} : memref<128x128xf32, #tpu.memory_space<vmem>>, vector<1x16xf32>,
        %get3A_387 = arith.index_cast %add3A_318 : i32 to index
        %get3A_388 = arith.constant 96 : index
        %get3A_389 = tpu.vector_load %arg14[%get3A_387, %get3A_388] {strides = array<i32>} : memref<128x128xf32, #tpu.memory_space<vmem>>, vector<1x16xf32>,
        %get3A_390 = vector.shape_cast %get3A_389 : vector<1x16xf32> to vector<16xf32>
        %mul3A_391 = vector.broadcast %squeeze3A_320 : f32 to vector<16xf32>
        %mul3A_392 = arith.mulf %get3A_390, %mul3A_391 : vector<16xf32>
        %swap3A_393 = arith.index_cast %add3A_318 : i32 to index
        %swap3A_394 = arith.constant 96 : index
        %swap3A_395 = tpu.vector_load %arg14[%swap3A_393, %swap3A_394] {strides = array<i32>} : memref<128x128xf32, #tpu.memory_space<vmem>>, vector<1x16xf32>,
        %swap3A_396 = vector.shape_cast %swap3A_395 : vector<1x16xf32> to vector<16xf32>
        %swap3A_397 = vector.shape_cast %mul3A_392 : vector<16xf32> to vector<1x16xf32>
        tpu.vector_store %arg14[%swap3A_393, %swap3A_394], %swap3A_397 {strides = array<i32>} : memref<128x128xf32, #tpu.memory_space<vmem>>, vector<1x16xf32>,
        %get3A_398 = arith.index_cast %add3A_318 : i32 to index
        %get3A_399 = arith.constant 112 : index
        %get3A_400 = tpu.vector_load %arg14[%get3A_398, %get3A_399] {strides = array<i32>} : memref<128x128xf32, #tpu.memory_space<vmem>>, vector<1x16xf32>,
        %get3A_401 = vector.shape_cast %get3A_400 : vector<1x16xf32> to vector<16xf32>
        %mul3A_402 = vector.broadcast %squeeze3A_320 : f32 to vector<16xf32>
        %mul3A_403 = arith.mulf %get3A_401, %mul3A_402 : vector<16xf32>
        %swap3A_404 = arith.index_cast %add3A_318 : i32 to index
        %swap3A_405 = arith.constant 112 : index
        %swap3A_406 = tpu.vector_load %arg14[%swap3A_404, %swap3A_405] {strides = array<i32>} : memref<128x128xf32, #tpu.memory_space<vmem>>, vector<1x16xf32>,
        %swap3A_407 = vector.shape_cast %swap3A_406 : vector<1x16xf32> to vector<16xf32>
        %swap3A_408 = vector.shape_cast %mul3A_403 : vector<16xf32> to vector<1x16xf32>
        tpu.vector_store %arg14[%swap3A_404, %swap3A_405], %swap3A_408 {strides = array<i32>} : memref<128x128xf32, #tpu.memory_space<vmem>>, vector<1x16xf32>,
        %mul3A_409 = arith.constant 16 : i32
        %mul3A_410 = arith.muli %scan3A_219, %mul3A_409 : i32
        %add3A_411 = arith.constant 2 : i32
        %add3A_412 = arith.addi %mul3A_410, %add3A_411 : i32
        %slice3A_413 = vector.extract_strided_slice %get3A_223 {offsets = [2], sizes = [1], strides = [1]} : vector<16xf32> to vector<1xf32>
        %squeeze3A_414 = vector.extract %slice3A_413[0] : f32 from vector<1xf32>
        %get3A_415 = arith.index_cast %add3A_412 : i32 to index
        %get3A_416 = arith.constant 0 : index
        %get3A_417 = tpu.vector_load %arg14[%get3A_415, %get3A_416] {strides = array<i32>} : memref<128x128xf32, #tpu.memory_space<vmem>>, vector<1x16xf32>,
        %get3A_418 = vector.shape_cast %get3A_417 : vector<1x16xf32> to vector<16xf32>
        %mul3A_419 = vector.broadcast %squeeze3A_414 : f32 to vector<16xf32>
        %mul3A_420 = arith.mulf %get3A_418, %mul3A_419 : vector<16xf32>
        %swap3A_421 = arith.index_cast %add3A_412 : i32 to index
        %swap3A_422 = arith.constant 0 : index
        %swap3A_423 = tpu.vector_load %arg14[%swap3A_421, %swap3A_422] {strides = array<i32>} : memref<128x128xf32, #tpu.memory_space<vmem>>, vector<1x16xf32>,
        %swap3A_424 = vector.shape_cast %swap3A_423 : vector<1x16xf32> to vector<16xf32>
        %swap3A_425 = vector.shape_cast %mul3A_420 : vector<16xf32> to vector<1x16xf32>
        tpu.vector_store %arg14[%swap3A_421, %swap3A_422], %swap3A_425 {strides = array<i32>} : memref<128x128xf32, #tpu.memory_space<vmem>>, vector<1x16xf32>,
        %get3A_426 = arith.index_cast %add3A_412 : i32 to index
        %get3A_427 = arith.constant 16 : index
        %get3A_428 = tpu.vector_load %arg14[%get3A_426, %get3A_427] {strides = array<i32>} : memref<128x128xf32, #tpu.memory_space<vmem>>, vector<1x16xf32>,
        %get3A_429 = vector.shape_cast %get3A_428 : vector<1x16xf32> to vector<16xf32>
        %mul3A_430 = vector.broadcast %squeeze3A_414 : f32 to vector<16xf32>
        %mul3A_431 = arith.mulf %get3A_429, %mul3A_430 : vector<16xf32>
        %swap3A_432 = arith.index_cast %add3A_412 : i32 to index
        %swap3A_433 = arith.constant 16 : index
        %swap3A_434 = tpu.vector_load %arg14[%swap3A_432, %swap3A_433] {strides = array<i32>} : memref<128x128xf32, #tpu.memory_space<vmem>>, vector<1x16xf32>,
        %swap3A_435 = vector.shape_cast %swap3A_434 : vector<1x16xf32> to vector<16xf32>
        %swap3A_436 = vector.shape_cast %mul3A_431 : vector<16xf32> to vector<1x16xf32>
        tpu.vector_store %arg14[%swap3A_432, %swap3A_433], %swap3A_436 {strides = array<i32>} : memref<128x128xf32, #tpu.memory_space<vmem>>, vector<1x16xf32>,
        %get3A_437 = arith.index_cast %add3A_412 : i32 to index
        %get3A_438 = arith.constant 32 : index
        %get3A_439 = tpu.vector_load %arg14[%get3A_437, %get3A_438] {strides = array<i32>} : memref<128x128xf32, #tpu.memory_space<vmem>>, vector<1x16xf32>,
        %get3A_440 = vector.shape_cast %get3A_439 : vector<1x16xf32> to vector<16xf32>
        %mul3A_441 = vector.broadcast %squeeze3A_414 : f32 to vector<16xf32>
        %mul3A_442 = arith.mulf %get3A_440, %mul3A_441 : vector<16xf32>
        %swap3A_443 = arith.index_cast %add3A_412 : i32 to index
        %swap3A_444 = arith.constant 32 : index
        %swap3A_445 = tpu.vector_load %arg14[%swap3A_443, %swap3A_444] {strides = array<i32>} : memref<128x128xf32, #tpu.memory_space<vmem>>, vector<1x16xf32>,
        %swap3A_446 = vector.shape_cast %swap3A_445 : vector<1x16xf32> to vector<16xf32>
        %swap3A_447 = vector.shape_cast %mul3A_442 : vector<16xf32> to vector<1x16xf32>
        tpu.vector_store %arg14[%swap3A_443, %swap3A_444], %swap3A_447 {strides = array<i32>} : memref<128x128xf32, #tpu.memory_space<vmem>>, vector<1x16xf32>,
        %get3A_448 = arith.index_cast %add3A_412 : i32 to index
        %get3A_449 = arith.constant 48 : index
        %get3A_450 = tpu.vector_load %arg14[%get3A_448, %get3A_449] {strides = array<i32>} : memref<128x128xf32, #tpu.memory_space<vmem>>, vector<1x16xf32>,
        %get3A_451 = vector.shape_cast %get3A_450 : vector<1x16xf32> to vector<16xf32>
        %mul3A_452 = vector.broadcast %squeeze3A_414 : f32 to vector<16xf32>
        %mul3A_453 = arith.mulf %get3A_451, %mul3A_452 : vector<16xf32>
        %swap3A_454 = arith.index_cast %add3A_412 : i32 to index
        %swap3A_455 = arith.constant 48 : index
        %swap3A_456 = tpu.vector_load %arg14[%swap3A_454, %swap3A_455] {strides = array<i32>} : memref<128x128xf32, #tpu.memory_space<vmem>>, vector<1x16xf32>,
        %swap3A_457 = vector.shape_cast %swap3A_456 : vector<1x16xf32> to vector<16xf32>
        %swap3A_458 = vector.shape_cast %mul3A_453 : vector<16xf32> to vector<1x16xf32>
        tpu.vector_store %arg14[%swap3A_454, %swap3A_455], %swap3A_458 {strides = array<i32>} : memref<128x128xf32, #tpu.memory_space<vmem>>, vector<1x16xf32>,
        %get3A_459 = arith.index_cast %add3A_412 : i32 to index
        %get3A_460 = arith.constant 64 : index
        %get3A_461 = tpu.vector_load %arg14[%get3A_459, %get3A_460] {strides = array<i32>} : memref<128x128xf32, #tpu.memory_space<vmem>>, vector<1x16xf32>,
        %get3A_462 = vector.shape_cast %get3A_461 : vector<1x16xf32> to vector<16xf32>
        %mul3A_463 = vector.broadcast %squeeze3A_414 : f32 to vector<16xf32>
        %mul3A_464 = arith.mulf %get3A_462, %mul3A_463 : vector<16xf32>
        %swap3A_465 = arith.index_cast %add3A_412 : i32 to index
        %swap3A_466 = arith.constant 64 : index
        %swap3A_467 = tpu.vector_load %arg14[%swap3A_465, %swap3A_466] {strides = array<i32>} : memref<128x128xf32, #tpu.memory_space<vmem>>, vector<1x16xf32>,
        %swap3A_468 = vector.shape_cast %swap3A_467 : vector<1x16xf32> to vector<16xf32>
        %swap3A_469 = vector.shape_cast %mul3A_464 : vector<16xf32> to vector<1x16xf32>
        tpu.vector_store %arg14[%swap3A_465, %swap3A_466], %swap3A_469 {strides = array<i32>} : memref<128x128xf32, #tpu.memory_space<vmem>>, vector<1x16xf32>,
        %get3A_470 = arith.index_cast %add3A_412 : i32 to index
        %get3A_471 = arith.constant 80 : index
        %get3A_472 = tpu.vector_load %arg14[%get3A_470, %get3A_471] {strides = array<i32>} : memref<128x128xf32, #tpu.memory_space<vmem>>, vector<1x16xf32>,
        %get3A_473 = vector.shape_cast %get3A_472 : vector<1x16xf32> to vector<16xf32>
        %mul3A_474 = vector.broadcast %squeeze3A_414 : f32 to vector<16xf32>
        %mul3A_475 = arith.mulf %get3A_473, %mul3A_474 : vector<16xf32>
        %swap3A_476 = arith.index_cast %add3A_412 : i32 to index
        %swap3A_477 = arith.constant 80 : index
        %swap3A_478 = tpu.vector_load %arg14[%swap3A_476, %swap3A_477] {strides = array<i32>} : memref<128x128xf32, #tpu.memory_space<vmem>>, vector<1x16xf32>,
        %swap3A_479 = vector.shape_cast %swap3A_478 : vector<1x16xf32> to vector<16xf32>
        %swap3A_480 = vector.shape_cast %mul3A_475 : vector<16xf32> to vector<1x16xf32>
        tpu.vector_store %arg14[%swap3A_476, %swap3A_477], %swap3A_480 {strides = array<i32>} : memref<128x128xf32, #tpu.memory_space<vmem>>, vector<1x16xf32>,
        %get3A_481 = arith.index_cast %add3A_412 : i32 to index
        %get3A_482 = arith.constant 96 : index
        %get3A_483 = tpu.vector_load %arg14[%get3A_481, %get3A_482] {strides = array<i32>} : memref<128x128xf32, #tpu.memory_space<vmem>>, vector<1x16xf32>,
        %get3A_484 = vector.shape_cast %get3A_483 : vector<1x16xf32> to vector<16xf32>
        %mul3A_485 = vector.broadcast %squeeze3A_414 : f32 to vector<16xf32>
        %mul3A_486 = arith.mulf %get3A_484, %mul3A_485 : vector<16xf32>
        %swap3A_487 = arith.index_cast %add3A_412 : i32 to index
        %swap3A_488 = arith.constant 96 : index
        %swap3A_489 = tpu.vector_load %arg14[%swap3A_487, %swap3A_488] {strides = array<i32>} : memref<128x128xf32, #tpu.memory_space<vmem>>, vector<1x16xf32>,
        %swap3A_490 = vector.shape_cast %swap3A_489 : vector<1x16xf32> to vector<16xf32>
        %swap3A_491 = vector.shape_cast %mul3A_486 : vector<16xf32> to vector<1x16xf32>
        tpu.vector_store %arg14[%swap3A_487, %swap3A_488], %swap3A_491 {strides = array<i32>} : memref<128x128xf32, #tpu.memory_space<vmem>>, vector<1x16xf32>,
        %get3A_492 = arith.index_cast %add3A_412 : i32 to index
        %get3A_493 = arith.constant 112 : index
        %get3A_494 = tpu.vector_load %arg14[%get3A_492, %get3A_493] {strides = array<i32>} : memref<128x128xf32, #tpu.memory_space<vmem>>, vector<1x16xf32>,
        %get3A_495 = vector.shape_cast %get3A_494 : vector<1x16xf32> to vector<16xf32>
        %mul3A_496 = vector.broadcast %squeeze3A_414 : f32 to vector<16xf32>
        %mul3A_497 = arith.mulf %get3A_495, %mul3A_496 : vector<16xf32>
        %swap3A_498 = arith.index_cast %add3A_412 : i32 to index
        %swap3A_499 = arith.constant 112 : index
        %swap3A_500 = tpu.vector_load %arg14[%swap3A_498, %swap3A_499] {strides = array<i32>} : memref<128x128xf32, #tpu.memory_space<vmem>>, vector<1x16xf32>,
        %swap3A_501 = vector.shape_cast %swap3A_500 : vector<1x16xf32> to vector<16xf32>
        %swap3A_502 = vector.shape_cast %mul3A_497 : vector<16xf32> to vector<1x16xf32>
        tpu.vector_store %arg14[%swap3A_498, %swap3A_499], %swap3A_502 {strides = array<i32>} : memref<128x128xf32, #tpu.memory_space<vmem>>, vector<1x16xf32>,
        %mul3A_503 = arith.constant 16 : i32
        %mul3A_504 = arith.muli %scan3A_219, %mul3A_503 : i32
        %add3A_505 = arith.constant 3 : i32
        %add3A_506 = arith.addi %mul3A_504, %add3A_505 : i32
        %slice3A_507 = vector.extract_strided_slice %get3A_223 {offsets = [3], sizes = [1], strides = [1]} : vector<16xf32> to vector<1xf32>
        %squeeze3A_508 = vector.extract %slice3A_507[0] : f32 from vector<1xf32>
        %get3A_509 = arith.index_cast %add3A_506 : i32 to index
        %get3A_510 = arith.constant 0 : index
        %get3A_511 = tpu.vector_load %arg14[%get3A_509, %get3A_510] {strides = array<i32>} : memref<128x128xf32, #tpu.memory_space<vmem>>, vector<1x16xf32>,
        %get3A_512 = vector.shape_cast %get3A_511 : vector<1x16xf32> to vector<16xf32>
        %mul3A_513 = vector.broadcast %squeeze3A_508 : f32 to vector<16xf32>
        %mul3A_514 = arith.mulf %get3A_512, %mul3A_513 : vector<16xf32>
        %swap3A_515 = arith.index_cast %add3A_506 : i32 to index
        %swap3A_516 = arith.constant 0 : index
        %swap3A_517 = tpu.vector_load %arg14[%swap3A_515, %swap3A_516] {strides = array<i32>} : memref<128x128xf32, #tpu.memory_space<vmem>>, vector<1x16xf32>,
        %swap3A_518 = vector.shape_cast %swap3A_517 : vector<1x16xf32> to vector<16xf32>
        %swap3A_519 = vector.shape_cast %mul3A_514 : vector<16xf32> to vector<1x16xf32>
        tpu.vector_store %arg14[%swap3A_515, %swap3A_516], %swap3A_519 {strides = array<i32>} : memref<128x128xf32, #tpu.memory_space<vmem>>, vector<1x16xf32>,
        %get3A_520 = arith.index_cast %add3A_506 : i32 to index
        %get3A_521 = arith.constant 16 : index
        %get3A_522 = tpu.vector_load %arg14[%get3A_520, %get3A_521] {strides = array<i32>} : memref<128x128xf32, #tpu.memory_space<vmem>>, vector<1x16xf32>,
        %get3A_523 = vector.shape_cast %get3A_522 : vector<1x16xf32> to vector<16xf32>
        %mul3A_524 = vector.broadcast %squeeze3A_508 : f32 to vector<16xf32>
        %mul3A_525 = arith.mulf %get3A_523, %mul3A_524 : vector<16xf32>
        %swap3A_526 = arith.index_cast %add3A_506 : i32 to index
        %swap3A_527 = arith.constant 16 : index
        %swap3A_528 = tpu.vector_load %arg14[%swap3A_526, %swap3A_527] {strides = array<i32>} : memref<128x128xf32, #tpu.memory_space<vmem>>, vector<1x16xf32>,
        %swap3A_529 = vector.shape_cast %swap3A_528 : vector<1x16xf32> to vector<16xf32>
        %swap3A_530 = vector.shape_cast %mul3A_525 : vector<16xf32> to vector<1x16xf32>
        tpu.vector_store %arg14[%swap3A_526, %swap3A_527], %swap3A_530 {strides = array<i32>} : memref<128x128xf32, #tpu.memory_space<vmem>>, vector<1x16xf32>,
        %get3A_531 = arith.index_cast %add3A_506 : i32 to index
        %get3A_532 = arith.constant 32 : index
        %get3A_533 = tpu.vector_load %arg14[%get3A_531, %get3A_532] {strides = array<i32>} : memref<128x128xf32, #tpu.memory_space<vmem>>, vector<1x16xf32>,
        %get3A_534 = vector.shape_cast %get3A_533 : vector<1x16xf32> to vector<16xf32>
        %mul3A_535 = vector.broadcast %squeeze3A_508 : f32 to vector<16xf32>
        %mul3A_536 = arith.mulf %get3A_534, %mul3A_535 : vector<16xf32>
        %swap3A_537 = arith.index_cast %add3A_506 : i32 to index
        %swap3A_538 = arith.constant 32 : index
        %swap3A_539 = tpu.vector_load %arg14[%swap3A_537, %swap3A_538] {strides = array<i32>} : memref<128x128xf32, #tpu.memory_space<vmem>>, vector<1x16xf32>,
        %swap3A_540 = vector.shape_cast %swap3A_539 : vector<1x16xf32> to vector<16xf32>
        %swap3A_541 = vector.shape_cast %mul3A_536 : vector<16xf32> to vector<1x16xf32>
        tpu.vector_store %arg14[%swap3A_537, %swap3A_538], %swap3A_541 {strides = array<i32>} : memref<128x128xf32, #tpu.memory_space<vmem>>, vector<1x16xf32>,
        %get3A_542 = arith.index_cast %add3A_506 : i32 to index
        %get3A_543 = arith.constant 48 : index
        %get3A_544 = tpu.vector_load %arg14[%get3A_542, %get3A_543] {strides = array<i32>} : memref<128x128xf32, #tpu.memory_space<vmem>>, vector<1x16xf32>,
        %get3A_545 = vector.shape_cast %get3A_544 : vector<1x16xf32> to vector<16xf32>
        %mul3A_546 = vector.broadcast %squeeze3A_508 : f32 to vector<16xf32>
        %mul3A_547 = arith.mulf %get3A_545, %mul3A_546 : vector<16xf32>
        %swap3A_548 = arith.index_cast %add3A_506 : i32 to index
        %swap3A_549 = arith.constant 48 : index
        %swap3A_550 = tpu.vector_load %arg14[%swap3A_548, %swap3A_549] {strides = array<i32>} : memref<128x128xf32, #tpu.memory_space<vmem>>, vector<1x16xf32>,
        %swap3A_551 = vector.shape_cast %swap3A_550 : vector<1x16xf32> to vector<16xf32>
        %swap3A_552 = vector.shape_cast %mul3A_547 : vector<16xf32> to vector<1x16xf32>
        tpu.vector_store %arg14[%swap3A_548, %swap3A_549], %swap3A_552 {strides = array<i32>} : memref<128x128xf32, #tpu.memory_space<vmem>>, vector<1x16xf32>,
        %get3A_553 = arith.index_cast %add3A_506 : i32 to index
        %get3A_554 = arith.constant 64 : index
        %get3A_555 = tpu.vector_load %arg14[%get3A_553, %get3A_554] {strides = array<i32>} : memref<128x128xf32, #tpu.memory_space<vmem>>, vector<1x16xf32>,
        %get3A_556 = vector.shape_cast %get3A_555 : vector<1x16xf32> to vector<16xf32>
        %mul3A_557 = vector.broadcast %squeeze3A_508 : f32 to vector<16xf32>
        %mul3A_558 = arith.mulf %get3A_556, %mul3A_557 : vector<16xf32>
        %swap3A_559 = arith.index_cast %add3A_506 : i32 to index
        %swap3A_560 = arith.constant 64 : index
        %swap3A_561 = tpu.vector_load %arg14[%swap3A_559, %swap3A_560] {strides = array<i32>} : memref<128x128xf32, #tpu.memory_space<vmem>>, vector<1x16xf32>,
        %swap3A_562 = vector.shape_cast %swap3A_561 : vector<1x16xf32> to vector<16xf32>
        %swap3A_563 = vector.shape_cast %mul3A_558 : vector<16xf32> to vector<1x16xf32>
        tpu.vector_store %arg14[%swap3A_559, %swap3A_560], %swap3A_563 {strides = array<i32>} : memref<128x128xf32, #tpu.memory_space<vmem>>, vector<1x16xf32>,
        %get3A_564 = arith.index_cast %add3A_506 : i32 to index
        %get3A_565 = arith.constant 80 : index
        %get3A_566 = tpu.vector_load %arg14[%get3A_564, %get3A_565] {strides = array<i32>} : memref<128x128xf32, #tpu.memory_space<vmem>>, vector<1x16xf32>,
        %get3A_567 = vector.shape_cast %get3A_566 : vector<1x16xf32> to vector<16xf32>
        %mul3A_568 = vector.broadcast %squeeze3A_508 : f32 to vector<16xf32>
        %mul3A_569 = arith.mulf %get3A_567, %mul3A_568 : vector<16xf32>
        %swap3A_570 = arith.index_cast %add3A_506 : i32 to index
        %swap3A_571 = arith.constant 80 : index
        %swap3A_572 = tpu.vector_load %arg14[%swap3A_570, %swap3A_571] {strides = array<i32>} : memref<128x128xf32, #tpu.memory_space<vmem>>, vector<1x16xf32>,
        %swap3A_573 = vector.shape_cast %swap3A_572 : vector<1x16xf32> to vector<16xf32>
        %swap3A_574 = vector.shape_cast %mul3A_569 : vector<16xf32> to vector<1x16xf32>
        tpu.vector_store %arg14[%swap3A_570, %swap3A_571], %swap3A_574 {strides = array<i32>} : memref<128x128xf32, #tpu.memory_space<vmem>>, vector<1x16xf32>,
        %get3A_575 = arith.index_cast %add3A_506 : i32 to index
        %get3A_576 = arith.constant 96 : index
        %get3A_577 = tpu.vector_load %arg14[%get3A_575, %get3A_576] {strides = array<i32>} : memref<128x128xf32, #tpu.memory_space<vmem>>, vector<1x16xf32>,
        %get3A_578 = vector.shape_cast %get3A_577 : vector<1x16xf32> to vector<16xf32>
        %mul3A_579 = vector.broadcast %squeeze3A_508 : f32 to vector<16xf32>
        %mul3A_580 = arith.mulf %get3A_578, %mul3A_579 : vector<16xf32>
        %swap3A_581 = arith.index_cast %add3A_506 : i32 to index
        %swap3A_582 = arith.constant 96 : index
        %swap3A_583 = tpu.vector_load %arg14[%swap3A_581, %swap3A_582] {strides = array<i32>} : memref<128x128xf32, #tpu.memory_space<vmem>>, vector<1x16xf32>,
        %swap3A_584 = vector.shape_cast %swap3A_583 : vector<1x16xf32> to vector<16xf32>
        %swap3A_585 = vector.shape_cast %mul3A_580 : vector<16xf32> to vector<1x16xf32>
        tpu.vector_store %arg14[%swap3A_581, %swap3A_582], %swap3A_585 {strides = array<i32>} : memref<128x128xf32, #tpu.memory_space<vmem>>, vector<1x16xf32>,
        %get3A_586 = arith.index_cast %add3A_506 : i32 to index
        %get3A_587 = arith.constant 112 : index
        %get3A_588 = tpu.vector_load %arg14[%get3A_586, %get3A_587] {strides = array<i32>} : memref<128x128xf32, #tpu.memory_space<vmem>>, vector<1x16xf32>,
        %get3A_589 = vector.shape_cast %get3A_588 : vector<1x16xf32> to vector<16xf32>
        %mul3A_590 = vector.broadcast %squeeze3A_508 : f32 to vector<16xf32>
        %mul3A_591 = arith.mulf %get3A_589, %mul3A_590 : vector<16xf32>
        %swap3A_592 = arith.index_cast %add3A_506 : i32 to index
        %swap3A_593 = arith.constant 112 : index
        %swap3A_594 = tpu.vector_load %arg14[%swap3A_592, %swap3A_593] {strides = array<i32>} : memref<128x128xf32, #tpu.memory_space<vmem>>, vector<1x16xf32>,
        %swap3A_595 = vector.shape_cast %swap3A_594 : vector<1x16xf32> to vector<16xf32>
        %swap3A_596 = vector.shape_cast %mul3A_591 : vector<16xf32> to vector<1x16xf32>
        tpu.vector_store %arg14[%swap3A_592, %swap3A_593], %swap3A_596 {strides = array<i32>} : memref<128x128xf32, #tpu.memory_space<vmem>>, vector<1x16xf32>,
        %mul3A_597 = arith.constant 16 : i32
        %mul3A_598 = arith.muli %scan3A_219, %mul3A_597 : i32
        %add3A_599 = arith.constant 4 : i32
        %add3A_600 = arith.addi %mul3A_598, %add3A_599 : i32
        %slice3A_601 = vector.extract_strided_slice %get3A_223 {offsets = [4], sizes = [1], strides = [1]} : vector<16xf32> to vector<1xf32>
        %squeeze3A_602 = vector.extract %slice3A_601[0] : f32 from vector<1xf32>
        %get3A_603 = arith.index_cast %add3A_600 : i32 to index
        %get3A_604 = arith.constant 0 : index
        %get3A_605 = tpu.vector_load %arg14[%get3A_603, %get3A_604] {strides = array<i32>} : memref<128x128xf32, #tpu.memory_space<vmem>>, vector<1x16xf32>,
        %get3A_606 = vector.shape_cast %get3A_605 : vector<1x16xf32> to vector<16xf32>
        %mul3A_607 = vector.broadcast %squeeze3A_602 : f32 to vector<16xf32>
        %mul3A_608 = arith.mulf %get3A_606, %mul3A_607 : vector<16xf32>
        %swap3A_609 = arith.index_cast %add3A_600 : i32 to index
        %swap3A_610 = arith.constant 0 : index
        %swap3A_611 = tpu.vector_load %arg14[%swap3A_609, %swap3A_610] {strides = array<i32>} : memref<128x128xf32, #tpu.memory_space<vmem>>, vector<1x16xf32>,
        %swap3A_612 = vector.shape_cast %swap3A_611 : vector<1x16xf32> to vector<16xf32>
        %swap3A_613 = vector.shape_cast %mul3A_608 : vector<16xf32> to vector<1x16xf32>
        tpu.vector_store %arg14[%swap3A_609, %swap3A_610], %swap3A_613 {strides = array<i32>} : memref<128x128xf32, #tpu.memory_space<vmem>>, vector<1x16xf32>,
        %get3A_614 = arith.index_cast %add3A_600 : i32 to index
        %get3A_615 = arith.constant 16 : index
        %get3A_616 = tpu.vector_load %arg14[%get3A_614, %get3A_615] {strides = array<i32>} : memref<128x128xf32, #tpu.memory_space<vmem>>, vector<1x16xf32>,
        %get3A_617 = vector.shape_cast %get3A_616 : vector<1x16xf32> to vector<16xf32>
        %mul3A_618 = vector.broadcast %squeeze3A_602 : f32 to vector<16xf32>
        %mul3A_619 = arith.mulf %get3A_617, %mul3A_618 : vector<16xf32>
        %swap3A_620 = arith.index_cast %add3A_600 : i32 to index
        %swap3A_621 = arith.constant 16 : index
        %swap3A_622 = tpu.vector_load %arg14[%swap3A_620, %swap3A_621] {strides = array<i32>} : memref<128x128xf32, #tpu.memory_space<vmem>>, vector<1x16xf32>,
        %swap3A_623 = vector.shape_cast %swap3A_622 : vector<1x16xf32> to vector<16xf32>
        %swap3A_624 = vector.shape_cast %mul3A_619 : vector<16xf32> to vector<1x16xf32>
        tpu.vector_store %arg14[%swap3A_620, %swap3A_621], %swap3A_624 {strides = array<i32>} : memref<128x128xf32, #tpu.memory_space<vmem>>, vector<1x16xf32>,
        %get3A_625 = arith.index_cast %add3A_600 : i32 to index
        %get3A_626 = arith.constant 32 : index
        %get3A_627 = tpu.vector_load %arg14[%get3A_625, %get3A_626] {strides = array<i32>} : memref<128x128xf32, #tpu.memory_space<vmem>>, vector<1x16xf32>,
        %get3A_628 = vector.shape_cast %get3A_627 : vector<1x16xf32> to vector<16xf32>
        %mul3A_629 = vector.broadcast %squeeze3A_602 : f32 to vector<16xf32>
        %mul3A_630 = arith.mulf %get3A_628, %mul3A_629 : vector<16xf32>
        %swap3A_631 = arith.index_cast %add3A_600 : i32 to index
        %swap3A_632 = arith.constant 32 : index
        %swap3A_633 = tpu.vector_load %arg14[%swap3A_631, %swap3A_632] {strides = array<i32>} : memref<128x128xf32, #tpu.memory_space<vmem>>, vector<1x16xf32>,
        %swap3A_634 = vector.shape_cast %swap3A_633 : vector<1x16xf32> to vector<16xf32>
        %swap3A_635 = vector.shape_cast %mul3A_630 : vector<16xf32> to vector<1x16xf32>
        tpu.vector_store %arg14[%swap3A_631, %swap3A_632], %swap3A_635 {strides = array<i32>} : memref<128x128xf32, #tpu.memory_space<vmem>>, vector<1x16xf32>,
        %get3A_636 = arith.index_cast %add3A_600 : i32 to index
        %get3A_637 = arith.constant 48 : index
        %get3A_638 = tpu.vector_load %arg14[%get3A_636, %get3A_637] {strides = array<i32>} : memref<128x128xf32, #tpu.memory_space<vmem>>, vector<1x16xf32>,
        %get3A_639 = vector.shape_cast %get3A_638 : vector<1x16xf32> to vector<16xf32>
        %mul3A_640 = vector.broadcast %squeeze3A_602 : f32 to vector<16xf32>
        %mul3A_641 = arith.mulf %get3A_639, %mul3A_640 : vector<16xf32>
        %swap3A_642 = arith.index_cast %add3A_600 : i32 to index
        %swap3A_643 = arith.constant 48 : index
        %swap3A_644 = tpu.vector_load %arg14[%swap3A_642, %swap3A_643] {strides = array<i32>} : memref<128x128xf32, #tpu.memory_space<vmem>>, vector<1x16xf32>,
        %swap3A_645 = vector.shape_cast %swap3A_644 : vector<1x16xf32> to vector<16xf32>
        %swap3A_646 = vector.shape_cast %mul3A_641 : vector<16xf32> to vector<1x16xf32>
        tpu.vector_store %arg14[%swap3A_642, %swap3A_643], %swap3A_646 {strides = array<i32>} : memref<128x128xf32, #tpu.memory_space<vmem>>, vector<1x16xf32>,
        %get3A_647 = arith.index_cast %add3A_600 : i32 to index
        %get3A_648 = arith.constant 64 : index
        %get3A_649 = tpu.vector_load %arg14[%get3A_647, %get3A_648] {strides = array<i32>} : memref<128x128xf32, #tpu.memory_space<vmem>>, vector<1x16xf32>,
        %get3A_650 = vector.shape_cast %get3A_649 : vector<1x16xf32> to vector<16xf32>
        %mul3A_651 = vector.broadcast %squeeze3A_602 : f32 to vector<16xf32>
        %mul3A_652 = arith.mulf %get3A_650, %mul3A_651 : vector<16xf32>
        %swap3A_653 = arith.index_cast %add3A_600 : i32 to index
        %swap3A_654 = arith.constant 64 : index
        %swap3A_655 = tpu.vector_load %arg14[%swap3A_653, %swap3A_654] {strides = array<i32>} : memref<128x128xf32, #tpu.memory_space<vmem>>, vector<1x16xf32>,
        %swap3A_656 = vector.shape_cast %swap3A_655 : vector<1x16xf32> to vector<16xf32>
        %swap3A_657 = vector.shape_cast %mul3A_652 : vector<16xf32> to vector<1x16xf32>
        tpu.vector_store %arg14[%swap3A_653, %swap3A_654], %swap3A_657 {strides = array<i32>} : memref<128x128xf32, #tpu.memory_space<vmem>>, vector<1x16xf32>,
        %get3A_658 = arith.index_cast %add3A_600 : i32 to index
        %get3A_659 = arith.constant 80 : index
        %get3A_660 = tpu.vector_load %arg14[%get3A_658, %get3A_659] {strides = array<i32>} : memref<128x128xf32, #tpu.memory_space<vmem>>, vector<1x16xf32>,
        %get3A_661 = vector.shape_cast %get3A_660 : vector<1x16xf32> to vector<16xf32>
        %mul3A_662 = vector.broadcast %squeeze3A_602 : f32 to vector<16xf32>
        %mul3A_663 = arith.mulf %get3A_661, %mul3A_662 : vector<16xf32>
        %swap3A_664 = arith.index_cast %add3A_600 : i32 to index
        %swap3A_665 = arith.constant 80 : index
        %swap3A_666 = tpu.vector_load %arg14[%swap3A_664, %swap3A_665] {strides = array<i32>} : memref<128x128xf32, #tpu.memory_space<vmem>>, vector<1x16xf32>,
        %swap3A_667 = vector.shape_cast %swap3A_666 : vector<1x16xf32> to vector<16xf32>
        %swap3A_668 = vector.shape_cast %mul3A_663 : vector<16xf32> to vector<1x16xf32>
        tpu.vector_store %arg14[%swap3A_664, %swap3A_665], %swap3A_668 {strides = array<i32>} : memref<128x128xf32, #tpu.memory_space<vmem>>, vector<1x16xf32>,
        %get3A_669 = arith.index_cast %add3A_600 : i32 to index
        %get3A_670 = arith.constant 96 : index
        %get3A_671 = tpu.vector_load %arg14[%get3A_669, %get3A_670] {strides = array<i32>} : memref<128x128xf32, #tpu.memory_space<vmem>>, vector<1x16xf32>,
        %get3A_672 = vector.shape_cast %get3A_671 : vector<1x16xf32> to vector<16xf32>
        %mul3A_673 = vector.broadcast %squeeze3A_602 : f32 to vector<16xf32>
        %mul3A_674 = arith.mulf %get3A_672, %mul3A_673 : vector<16xf32>
        %swap3A_675 = arith.index_cast %add3A_600 : i32 to index
        %swap3A_676 = arith.constant 96 : index
        %swap3A_677 = tpu.vector_load %arg14[%swap3A_675, %swap3A_676] {strides = array<i32>} : memref<128x128xf32, #tpu.memory_space<vmem>>, vector<1x16xf32>,
        %swap3A_678 = vector.shape_cast %swap3A_677 : vector<1x16xf32> to vector<16xf32>
        %swap3A_679 = vector.shape_cast %mul3A_674 : vector<16xf32> to vector<1x16xf32>
        tpu.vector_store %arg14[%swap3A_675, %swap3A_676], %swap3A_679 {strides = array<i32>} : memref<128x128xf32, #tpu.memory_space<vmem>>, vector<1x16xf32>,
        %get3A_680 = arith.index_cast %add3A_600 : i32 to index
        %get3A_681 = arith.constant 112 : index
        %get3A_682 = tpu.vector_load %arg14[%get3A_680, %get3A_681] {strides = array<i32>} : memref<128x128xf32, #tpu.memory_space<vmem>>, vector<1x16xf32>,
        %get3A_683 = vector.shape_cast %get3A_682 : vector<1x16xf32> to vector<16xf32>
        %mul3A_684 = vector.broadcast %squeeze3A_602 : f32 to vector<16xf32>
        %mul3A_685 = arith.mulf %get3A_683, %mul3A_684 : vector<16xf32>
        %swap3A_686 = arith.index_cast %add3A_600 : i32 to index
        %swap3A_687 = arith.constant 112 : index
        %swap3A_688 = tpu.vector_load %arg14[%swap3A_686, %swap3A_687] {strides = array<i32>} : memref<128x128xf32, #tpu.memory_space<vmem>>, vector<1x16xf32>,
        %swap3A_689 = vector.shape_cast %swap3A_688 : vector<1x16xf32> to vector<16xf32>
        %swap3A_690 = vector.shape_cast %mul3A_685 : vector<16xf32> to vector<1x16xf32>
        tpu.vector_store %arg14[%swap3A_686, %swap3A_687], %swap3A_690 {strides = array<i32>} : memref<128x128xf32, #tpu.memory_space<vmem>>, vector<1x16xf32>,
        %mul3A_691 = arith.constant 16 : i32
        %mul3A_692 = arith.muli %scan3A_219, %mul3A_691 : i32
        %add3A_693 = arith.constant 5 : i32
        %add3A_694 = arith.addi %mul3A_692, %add3A_693 : i32
        %slice3A_695 = vector.extract_strided_slice %get3A_223 {offsets = [5], sizes = [1], strides = [1]} : vector<16xf32> to vector<1xf32>
        %squeeze3A_696 = vector.extract %slice3A_695[0] : f32 from vector<1xf32>
        %get3A_697 = arith.index_cast %add3A_694 : i32 to index
        %get3A_698 = arith.constant 0 : index
        %get3A_699 = tpu.vector_load %arg14[%get3A_697, %get3A_698] {strides = array<i32>} : memref<128x128xf32, #tpu.memory_space<vmem>>, vector<1x16xf32>,
        %get3A_700 = vector.shape_cast %get3A_699 : vector<1x16xf32> to vector<16xf32>
        %mul3A_701 = vector.broadcast %squeeze3A_696 : f32 to vector<16xf32>
        %mul3A_702 = arith.mulf %get3A_700, %mul3A_701 : vector<16xf32>
        %swap3A_703 = arith.index_cast %add3A_694 : i32 to index
        %swap3A_704 = arith.constant 0 : index
        %swap3A_705 = tpu.vector_load %arg14[%swap3A_703, %swap3A_704] {strides = array<i32>} : memref<128x128xf32, #tpu.memory_space<vmem>>, vector<1x16xf32>,
        %swap3A_706 = vector.shape_cast %swap3A_705 : vector<1x16xf32> to vector<16xf32>
        %swap3A_707 = vector.shape_cast %mul3A_702 : vector<16xf32> to vector<1x16xf32>
        tpu.vector_store %arg14[%swap3A_703, %swap3A_704], %swap3A_707 {strides = array<i32>} : memref<128x128xf32, #tpu.memory_space<vmem>>, vector<1x16xf32>,
        %get3A_708 = arith.index_cast %add3A_694 : i32 to index
        %get3A_709 = arith.constant 16 : index
        %get3A_710 = tpu.vector_load %arg14[%get3A_708, %get3A_709] {strides = array<i32>} : memref<128x128xf32, #tpu.memory_space<vmem>>, vector<1x16xf32>,
        %get3A_711 = vector.shape_cast %get3A_710 : vector<1x16xf32> to vector<16xf32>
        %mul3A_712 = vector.broadcast %squeeze3A_696 : f32 to vector<16xf32>
        %mul3A_713 = arith.mulf %get3A_711, %mul3A_712 : vector<16xf32>
        %swap3A_714 = arith.index_cast %add3A_694 : i32 to index
        %swap3A_715 = arith.constant 16 : index
        %swap3A_716 = tpu.vector_load %arg14[%swap3A_714, %swap3A_715] {strides = array<i32>} : memref<128x128xf32, #tpu.memory_space<vmem>>, vector<1x16xf32>,
        %swap3A_717 = vector.shape_cast %swap3A_716 : vector<1x16xf32> to vector<16xf32>
        %swap3A_718 = vector.shape_cast %mul3A_713 : vector<16xf32> to vector<1x16xf32>
        tpu.vector_store %arg14[%swap3A_714, %swap3A_715], %swap3A_718 {strides = array<i32>} : memref<128x128xf32, #tpu.memory_space<vmem>>, vector<1x16xf32>,
        %get3A_719 = arith.index_cast %add3A_694 : i32 to index
        %get3A_720 = arith.constant 32 : index
        %get3A_721 = tpu.vector_load %arg14[%get3A_719, %get3A_720] {strides = array<i32>} : memref<128x128xf32, #tpu.memory_space<vmem>>, vector<1x16xf32>,
        %get3A_722 = vector.shape_cast %get3A_721 : vector<1x16xf32> to vector<16xf32>
        %mul3A_723 = vector.broadcast %squeeze3A_696 : f32 to vector<16xf32>
        %mul3A_724 = arith.mulf %get3A_722, %mul3A_723 : vector<16xf32>
        %swap3A_725 = arith.index_cast %add3A_694 : i32 to index
        %swap3A_726 = arith.constant 32 : index
        %swap3A_727 = tpu.vector_load %arg14[%swap3A_725, %swap3A_726] {strides = array<i32>} : memref<128x128xf32, #tpu.memory_space<vmem>>, vector<1x16xf32>,
        %swap3A_728 = vector.shape_cast %swap3A_727 : vector<1x16xf32> to vector<16xf32>
        %swap3A_729 = vector.shape_cast %mul3A_724 : vector<16xf32> to vector<1x16xf32>
        tpu.vector_store %arg14[%swap3A_725, %swap3A_726], %swap3A_729 {strides = array<i32>} : memref<128x128xf32, #tpu.memory_space<vmem>>, vector<1x16xf32>,
        %get3A_730 = arith.index_cast %add3A_694 : i32 to index
        %get3A_731 = arith.constant 48 : index
        %get3A_732 = tpu.vector_load %arg14[%get3A_730, %get3A_731] {strides = array<i32>} : memref<128x128xf32, #tpu.memory_space<vmem>>, vector<1x16xf32>,
        %get3A_733 = vector.shape_cast %get3A_732 : vector<1x16xf32> to vector<16xf32>
        %mul3A_734 = vector.broadcast %squeeze3A_696 : f32 to vector<16xf32>
        %mul3A_735 = arith.mulf %get3A_733, %mul3A_734 : vector<16xf32>
        %swap3A_736 = arith.index_cast %add3A_694 : i32 to index
        %swap3A_737 = arith.constant 48 : index
        %swap3A_738 = tpu.vector_load %arg14[%swap3A_736, %swap3A_737] {strides = array<i32>} : memref<128x128xf32, #tpu.memory_space<vmem>>, vector<1x16xf32>,
        %swap3A_739 = vector.shape_cast %swap3A_738 : vector<1x16xf32> to vector<16xf32>
        %swap3A_740 = vector.shape_cast %mul3A_735 : vector<16xf32> to vector<1x16xf32>
        tpu.vector_store %arg14[%swap3A_736, %swap3A_737], %swap3A_740 {strides = array<i32>} : memref<128x128xf32, #tpu.memory_space<vmem>>, vector<1x16xf32>,
        %get3A_741 = arith.index_cast %add3A_694 : i32 to index
        %get3A_742 = arith.constant 64 : index
        %get3A_743 = tpu.vector_load %arg14[%get3A_741, %get3A_742] {strides = array<i32>} : memref<128x128xf32, #tpu.memory_space<vmem>>, vector<1x16xf32>,
        %get3A_744 = vector.shape_cast %get3A_743 : vector<1x16xf32> to vector<16xf32>
        %mul3A_745 = vector.broadcast %squeeze3A_696 : f32 to vector<16xf32>
        %mul3A_746 = arith.mulf %get3A_744, %mul3A_745 : vector<16xf32>
        %swap3A_747 = arith.index_cast %add3A_694 : i32 to index
        %swap3A_748 = arith.constant 64 : index
        %swap3A_749 = tpu.vector_load %arg14[%swap3A_747, %swap3A_748] {strides = array<i32>} : memref<128x128xf32, #tpu.memory_space<vmem>>, vector<1x16xf32>,
        %swap3A_750 = vector.shape_cast %swap3A_749 : vector<1x16xf32> to vector<16xf32>
        %swap3A_751 = vector.shape_cast %mul3A_746 : vector<16xf32> to vector<1x16xf32>
        tpu.vector_store %arg14[%swap3A_747, %swap3A_748], %swap3A_751 {strides = array<i32>} : memref<128x128xf32, #tpu.memory_space<vmem>>, vector<1x16xf32>,
        %get3A_752 = arith.index_cast %add3A_694 : i32 to index
        %get3A_753 = arith.constant 80 : index
        %get3A_754 = tpu.vector_load %arg14[%get3A_752, %get3A_753] {strides = array<i32>} : memref<128x128xf32, #tpu.memory_space<vmem>>, vector<1x16xf32>,
        %get3A_755 = vector.shape_cast %get3A_754 : vector<1x16xf32> to vector<16xf32>
        %mul3A_756 = vector.broadcast %squeeze3A_696 : f32 to vector<16xf32>
        %mul3A_757 = arith.mulf %get3A_755, %mul3A_756 : vector<16xf32>
        %swap3A_758 = arith.index_cast %add3A_694 : i32 to index
        %swap3A_759 = arith.constant 80 : index
        %swap3A_760 = tpu.vector_load %arg14[%swap3A_758, %swap3A_759] {strides = array<i32>} : memref<128x128xf32, #tpu.memory_space<vmem>>, vector<1x16xf32>,
        %swap3A_761 = vector.shape_cast %swap3A_760 : vector<1x16xf32> to vector<16xf32>
        %swap3A_762 = vector.shape_cast %mul3A_757 : vector<16xf32> to vector<1x16xf32>
        tpu.vector_store %arg14[%swap3A_758, %swap3A_759], %swap3A_762 {strides = array<i32>} : memref<128x128xf32, #tpu.memory_space<vmem>>, vector<1x16xf32>,
        %get3A_763 = arith.index_cast %add3A_694 : i32 to index
        %get3A_764 = arith.constant 96 : index
        %get3A_765 = tpu.vector_load %arg14[%get3A_763, %get3A_764] {strides = array<i32>} : memref<128x128xf32, #tpu.memory_space<vmem>>, vector<1x16xf32>,
        %get3A_766 = vector.shape_cast %get3A_765 : vector<1x16xf32> to vector<16xf32>
        %mul3A_767 = vector.broadcast %squeeze3A_696 : f32 to vector<16xf32>
        %mul3A_768 = arith.mulf %get3A_766, %mul3A_767 : vector<16xf32>
        %swap3A_769 = arith.index_cast %add3A_694 : i32 to index
        %swap3A_770 = arith.constant 96 : index
        %swap3A_771 = tpu.vector_load %arg14[%swap3A_769, %swap3A_770] {strides = array<i32>} : memref<128x128xf32, #tpu.memory_space<vmem>>, vector<1x16xf32>,
        %swap3A_772 = vector.shape_cast %swap3A_771 : vector<1x16xf32> to vector<16xf32>
        %swap3A_773 = vector.shape_cast %mul3A_768 : vector<16xf32> to vector<1x16xf32>
        tpu.vector_store %arg14[%swap3A_769, %swap3A_770], %swap3A_773 {strides = array<i32>} : memref<128x128xf32, #tpu.memory_space<vmem>>, vector<1x16xf32>,
        %get3A_774 = arith.index_cast %add3A_694 : i32 to index
        %get3A_775 = arith.constant 112 : index
        %get3A_776 = tpu.vector_load %arg14[%get3A_774, %get3A_775] {strides = array<i32>} : memref<128x128xf32, #tpu.memory_space<vmem>>, vector<1x16xf32>,
        %get3A_777 = vector.shape_cast %get3A_776 : vector<1x16xf32> to vector<16xf32>
        %mul3A_778 = vector.broadcast %squeeze3A_696 : f32 to vector<16xf32>
        %mul3A_779 = arith.mulf %get3A_777, %mul3A_778 : vector<16xf32>
        %swap3A_780 = arith.index_cast %add3A_694 : i32 to index
        %swap3A_781 = arith.constant 112 : index
        %swap3A_782 = tpu.vector_load %arg14[%swap3A_780, %swap3A_781] {strides = array<i32>} : memref<128x128xf32, #tpu.memory_space<vmem>>, vector<1x16xf32>,
        %swap3A_783 = vector.shape_cast %swap3A_782 : vector<1x16xf32> to vector<16xf32>
        %swap3A_784 = vector.shape_cast %mul3A_779 : vector<16xf32> to vector<1x16xf32>
        tpu.vector_store %arg14[%swap3A_780, %swap3A_781], %swap3A_784 {strides = array<i32>} : memref<128x128xf32, #tpu.memory_space<vmem>>, vector<1x16xf32>,
        %mul3A_785 = arith.constant 16 : i32
        %mul3A_786 = arith.muli %scan3A_219, %mul3A_785 : i32
        %add3A_787 = arith.constant 6 : i32
        %add3A_788 = arith.addi %mul3A_786, %add3A_787 : i32
        %slice3A_789 = vector.extract_strided_slice %get3A_223 {offsets = [6], sizes = [1], strides = [1]} : vector<16xf32> to vector<1xf32>
        %squeeze3A_790 = vector.extract %slice3A_789[0] : f32 from vector<1xf32>
        %get3A_791 = arith.index_cast %add3A_788 : i32 to index
        %get3A_792 = arith.constant 0 : index
        %get3A_793 = tpu.vector_load %arg14[%get3A_791, %get3A_792] {strides = array<i32>} : memref<128x128xf32, #tpu.memory_space<vmem>>, vector<1x16xf32>,
        %get3A_794 = vector.shape_cast %get3A_793 : vector<1x16xf32> to vector<16xf32>
        %mul3A_795 = vector.broadcast %squeeze3A_790 : f32 to vector<16xf32>
        %mul3A_796 = arith.mulf %get3A_794, %mul3A_795 : vector<16xf32>
        %swap3A_797 = arith.index_cast %add3A_788 : i32 to index
        %swap3A_798 = arith.constant 0 : index
        %swap3A_799 = tpu.vector_load %arg14[%swap3A_797, %swap3A_798] {strides = array<i32>} : memref<128x128xf32, #tpu.memory_space<vmem>>, vector<1x16xf32>,
        %swap3A_800 = vector.shape_cast %swap3A_799 : vector<1x16xf32> to vector<16xf32>
        %swap3A_801 = vector.shape_cast %mul3A_796 : vector<16xf32> to vector<1x16xf32>
        tpu.vector_store %arg14[%swap3A_797, %swap3A_798], %swap3A_801 {strides = array<i32>} : memref<128x128xf32, #tpu.memory_space<vmem>>, vector<1x16xf32>,
        %get3A_802 = arith.index_cast %add3A_788 : i32 to index
        %get3A_803 = arith.constant 16 : index
        %get3A_804 = tpu.vector_load %arg14[%get3A_802, %get3A_803] {strides = array<i32>} : memref<128x128xf32, #tpu.memory_space<vmem>>, vector<1x16xf32>,
        %get3A_805 = vector.shape_cast %get3A_804 : vector<1x16xf32> to vector<16xf32>
        %mul3A_806 = vector.broadcast %squeeze3A_790 : f32 to vector<16xf32>
        %mul3A_807 = arith.mulf %get3A_805, %mul3A_806 : vector<16xf32>
        %swap3A_808 = arith.index_cast %add3A_788 : i32 to index
        %swap3A_809 = arith.constant 16 : index
        %swap3A_810 = tpu.vector_load %arg14[%swap3A_808, %swap3A_809] {strides = array<i32>} : memref<128x128xf32, #tpu.memory_space<vmem>>, vector<1x16xf32>,
        %swap3A_811 = vector.shape_cast %swap3A_810 : vector<1x16xf32> to vector<16xf32>
        %swap3A_812 = vector.shape_cast %mul3A_807 : vector<16xf32> to vector<1x16xf32>
        tpu.vector_store %arg14[%swap3A_808, %swap3A_809], %swap3A_812 {strides = array<i32>} : memref<128x128xf32, #tpu.memory_space<vmem>>, vector<1x16xf32>,
        %get3A_813 = arith.index_cast %add3A_788 : i32 to index
        %get3A_814 = arith.constant 32 : index
        %get3A_815 = tpu.vector_load %arg14[%get3A_813, %get3A_814] {strides = array<i32>} : memref<128x128xf32, #tpu.memory_space<vmem>>, vector<1x16xf32>,
        %get3A_816 = vector.shape_cast %get3A_815 : vector<1x16xf32> to vector<16xf32>
        %mul3A_817 = vector.broadcast %squeeze3A_790 : f32 to vector<16xf32>
        %mul3A_818 = arith.mulf %get3A_816, %mul3A_817 : vector<16xf32>
        %swap3A_819 = arith.index_cast %add3A_788 : i32 to index
        %swap3A_820 = arith.constant 32 : index
        %swap3A_821 = tpu.vector_load %arg14[%swap3A_819, %swap3A_820] {strides = array<i32>} : memref<128x128xf32, #tpu.memory_space<vmem>>, vector<1x16xf32>,
        %swap3A_822 = vector.shape_cast %swap3A_821 : vector<1x16xf32> to vector<16xf32>
        %swap3A_823 = vector.shape_cast %mul3A_818 : vector<16xf32> to vector<1x16xf32>
        tpu.vector_store %arg14[%swap3A_819, %swap3A_820], %swap3A_823 {strides = array<i32>} : memref<128x128xf32, #tpu.memory_space<vmem>>, vector<1x16xf32>,
        %get3A_824 = arith.index_cast %add3A_788 : i32 to index
        %get3A_825 = arith.constant 48 : index
        %get3A_826 = tpu.vector_load %arg14[%get3A_824, %get3A_825] {strides = array<i32>} : memref<128x128xf32, #tpu.memory_space<vmem>>, vector<1x16xf32>,
        %get3A_827 = vector.shape_cast %get3A_826 : vector<1x16xf32> to vector<16xf32>
        %mul3A_828 = vector.broadcast %squeeze3A_790 : f32 to vector<16xf32>
        %mul3A_829 = arith.mulf %get3A_827, %mul3A_828 : vector<16xf32>
        %swap3A_830 = arith.index_cast %add3A_788 : i32 to index
        %swap3A_831 = arith.constant 48 : index
        %swap3A_832 = tpu.vector_load %arg14[%swap3A_830, %swap3A_831] {strides = array<i32>} : memref<128x128xf32, #tpu.memory_space<vmem>>, vector<1x16xf32>,
        %swap3A_833 = vector.shape_cast %swap3A_832 : vector<1x16xf32> to vector<16xf32>
        %swap3A_834 = vector.shape_cast %mul3A_829 : vector<16xf32> to vector<1x16xf32>
        tpu.vector_store %arg14[%swap3A_830, %swap3A_831], %swap3A_834 {strides = array<i32>} : memref<128x128xf32, #tpu.memory_space<vmem>>, vector<1x16xf32>,
        %get3A_835 = arith.index_cast %add3A_788 : i32 to index
        %get3A_836 = arith.constant 64 : index
        %get3A_837 = tpu.vector_load %arg14[%get3A_835, %get3A_836] {strides = array<i32>} : memref<128x128xf32, #tpu.memory_space<vmem>>, vector<1x16xf32>,
        %get3A_838 = vector.shape_cast %get3A_837 : vector<1x16xf32> to vector<16xf32>
        %mul3A_839 = vector.broadcast %squeeze3A_790 : f32 to vector<16xf32>
        %mul3A_840 = arith.mulf %get3A_838, %mul3A_839 : vector<16xf32>
        %swap3A_841 = arith.index_cast %add3A_788 : i32 to index
        %swap3A_842 = arith.constant 64 : index
        %swap3A_843 = tpu.vector_load %arg14[%swap3A_841, %swap3A_842] {strides = array<i32>} : memref<128x128xf32, #tpu.memory_space<vmem>>, vector<1x16xf32>,
        %swap3A_844 = vector.shape_cast %swap3A_843 : vector<1x16xf32> to vector<16xf32>
        %swap3A_845 = vector.shape_cast %mul3A_840 : vector<16xf32> to vector<1x16xf32>
        tpu.vector_store %arg14[%swap3A_841, %swap3A_842], %swap3A_845 {strides = array<i32>} : memref<128x128xf32, #tpu.memory_space<vmem>>, vector<1x16xf32>,
        %get3A_846 = arith.index_cast %add3A_788 : i32 to index
        %get3A_847 = arith.constant 80 : index
        %get3A_848 = tpu.vector_load %arg14[%get3A_846, %get3A_847] {strides = array<i32>} : memref<128x128xf32, #tpu.memory_space<vmem>>, vector<1x16xf32>,
        %get3A_849 = vector.shape_cast %get3A_848 : vector<1x16xf32> to vector<16xf32>
        %mul3A_850 = vector.broadcast %squeeze3A_790 : f32 to vector<16xf32>
        %mul3A_851 = arith.mulf %get3A_849, %mul3A_850 : vector<16xf32>
        %swap3A_852 = arith.index_cast %add3A_788 : i32 to index
        %swap3A_853 = arith.constant 80 : index
        %swap3A_854 = tpu.vector_load %arg14[%swap3A_852, %swap3A_853] {strides = array<i32>} : memref<128x128xf32, #tpu.memory_space<vmem>>, vector<1x16xf32>,
        %swap3A_855 = vector.shape_cast %swap3A_854 : vector<1x16xf32> to vector<16xf32>
        %swap3A_856 = vector.shape_cast %mul3A_851 : vector<16xf32> to vector<1x16xf32>
        tpu.vector_store %arg14[%swap3A_852, %swap3A_853], %swap3A_856 {strides = array<i32>} : memref<128x128xf32, #tpu.memory_space<vmem>>, vector<1x16xf32>,
        %get3A_857 = arith.index_cast %add3A_788 : i32 to index
        %get3A_858 = arith.constant 96 : index
        %get3A_859 = tpu.vector_load %arg14[%get3A_857, %get3A_858] {strides = array<i32>} : memref<128x128xf32, #tpu.memory_space<vmem>>, vector<1x16xf32>,
        %get3A_860 = vector.shape_cast %get3A_859 : vector<1x16xf32> to vector<16xf32>
        %mul3A_861 = vector.broadcast %squeeze3A_790 : f32 to vector<16xf32>
        %mul3A_862 = arith.mulf %get3A_860, %mul3A_861 : vector<16xf32>
        %swap3A_863 = arith.index_cast %add3A_788 : i32 to index
        %swap3A_864 = arith.constant 96 : index
        %swap3A_865 = tpu.vector_load %arg14[%swap3A_863, %swap3A_864] {strides = array<i32>} : memref<128x128xf32, #tpu.memory_space<vmem>>, vector<1x16xf32>,
        %swap3A_866 = vector.shape_cast %swap3A_865 : vector<1x16xf32> to vector<16xf32>
        %swap3A_867 = vector.shape_cast %mul3A_862 : vector<16xf32> to vector<1x16xf32>
        tpu.vector_store %arg14[%swap3A_863, %swap3A_864], %swap3A_867 {strides = array<i32>} : memref<128x128xf32, #tpu.memory_space<vmem>>, vector<1x16xf32>,
        %get3A_868 = arith.index_cast %add3A_788 : i32 to index
        %get3A_869 = arith.constant 112 : index
        %get3A_870 = tpu.vector_load %arg14[%get3A_868, %get3A_869] {strides = array<i32>} : memref<128x128xf32, #tpu.memory_space<vmem>>, vector<1x16xf32>,
        %get3A_871 = vector.shape_cast %get3A_870 : vector<1x16xf32> to vector<16xf32>
        %mul3A_872 = vector.broadcast %squeeze3A_790 : f32 to vector<16xf32>
        %mul3A_873 = arith.mulf %get3A_871, %mul3A_872 : vector<16xf32>
        %swap3A_874 = arith.index_cast %add3A_788 : i32 to index
        %swap3A_875 = arith.constant 112 : index
        %swap3A_876 = tpu.vector_load %arg14[%swap3A_874, %swap3A_875] {strides = array<i32>} : memref<128x128xf32, #tpu.memory_space<vmem>>, vector<1x16xf32>,
        %swap3A_877 = vector.shape_cast %swap3A_876 : vector<1x16xf32> to vector<16xf32>
        %swap3A_878 = vector.shape_cast %mul3A_873 : vector<16xf32> to vector<1x16xf32>
        tpu.vector_store %arg14[%swap3A_874, %swap3A_875], %swap3A_878 {strides = array<i32>} : memref<128x128xf32, #tpu.memory_space<vmem>>, vector<1x16xf32>,
        %mul3A_879 = arith.constant 16 : i32
        %mul3A_880 = arith.muli %scan3A_219, %mul3A_879 : i32
        %add3A_881 = arith.constant 7 : i32
        %add3A_882 = arith.addi %mul3A_880, %add3A_881 : i32
        %slice3A_883 = vector.extract_strided_slice %get3A_223 {offsets = [7], sizes = [1], strides = [1]} : vector<16xf32> to vector<1xf32>
        %squeeze3A_884 = vector.extract %slice3A_883[0] : f32 from vector<1xf32>
        %get3A_885 = arith.index_cast %add3A_882 : i32 to index
        %get3A_886 = arith.constant 0 : index
        %get3A_887 = tpu.vector_load %arg14[%get3A_885, %get3A_886] {strides = array<i32>} : memref<128x128xf32, #tpu.memory_space<vmem>>, vector<1x16xf32>,
        %get3A_888 = vector.shape_cast %get3A_887 : vector<1x16xf32> to vector<16xf32>
        %mul3A_889 = vector.broadcast %squeeze3A_884 : f32 to vector<16xf32>
        %mul3A_890 = arith.mulf %get3A_888, %mul3A_889 : vector<16xf32>
        %swap3A_891 = arith.index_cast %add3A_882 : i32 to index
        %swap3A_892 = arith.constant 0 : index
        %swap3A_893 = tpu.vector_load %arg14[%swap3A_891, %swap3A_892] {strides = array<i32>} : memref<128x128xf32, #tpu.memory_space<vmem>>, vector<1x16xf32>,
        %swap3A_894 = vector.shape_cast %swap3A_893 : vector<1x16xf32> to vector<16xf32>
        %swap3A_895 = vector.shape_cast %mul3A_890 : vector<16xf32> to vector<1x16xf32>
        tpu.vector_store %arg14[%swap3A_891, %swap3A_892], %swap3A_895 {strides = array<i32>} : memref<128x128xf32, #tpu.memory_space<vmem>>, vector<1x16xf32>,
        %get3A_896 = arith.index_cast %add3A_882 : i32 to index
        %get3A_897 = arith.constant 16 : index
        %get3A_898 = tpu.vector_load %arg14[%get3A_896, %get3A_897] {strides = array<i32>} : memref<128x128xf32, #tpu.memory_space<vmem>>, vector<1x16xf32>,
        %get3A_899 = vector.shape_cast %get3A_898 : vector<1x16xf32> to vector<16xf32>
        %mul3A_900 = vector.broadcast %squeeze3A_884 : f32 to vector<16xf32>
        %mul3A_901 = arith.mulf %get3A_899, %mul3A_900 : vector<16xf32>
        %swap3A_902 = arith.index_cast %add3A_882 : i32 to index
        %swap3A_903 = arith.constant 16 : index
        %swap3A_904 = tpu.vector_load %arg14[%swap3A_902, %swap3A_903] {strides = array<i32>} : memref<128x128xf32, #tpu.memory_space<vmem>>, vector<1x16xf32>,
        %swap3A_905 = vector.shape_cast %swap3A_904 : vector<1x16xf32> to vector<16xf32>
        %swap3A_906 = vector.shape_cast %mul3A_901 : vector<16xf32> to vector<1x16xf32>
        tpu.vector_store %arg14[%swap3A_902, %swap3A_903], %swap3A_906 {strides = array<i32>} : memref<128x128xf32, #tpu.memory_space<vmem>>, vector<1x16xf32>,
        %get3A_907 = arith.index_cast %add3A_882 : i32 to index
        %get3A_908 = arith.constant 32 : index
        %get3A_909 = tpu.vector_load %arg14[%get3A_907, %get3A_908] {strides = array<i32>} : memref<128x128xf32, #tpu.memory_space<vmem>>, vector<1x16xf32>,
        %get3A_910 = vector.shape_cast %get3A_909 : vector<1x16xf32> to vector<16xf32>
        %mul3A_911 = vector.broadcast %squeeze3A_884 : f32 to vector<16xf32>
        %mul3A_912 = arith.mulf %get3A_910, %mul3A_911 : vector<16xf32>
        %swap3A_913 = arith.index_cast %add3A_882 : i32 to index
        %swap3A_914 = arith.constant 32 : index
        %swap3A_915 = tpu.vector_load %arg14[%swap3A_913, %swap3A_914] {strides = array<i32>} : memref<128x128xf32, #tpu.memory_space<vmem>>, vector<1x16xf32>,
        %swap3A_916 = vector.shape_cast %swap3A_915 : vector<1x16xf32> to vector<16xf32>
        %swap3A_917 = vector.shape_cast %mul3A_912 : vector<16xf32> to vector<1x16xf32>
        tpu.vector_store %arg14[%swap3A_913, %swap3A_914], %swap3A_917 {strides = array<i32>} : memref<128x128xf32, #tpu.memory_space<vmem>>, vector<1x16xf32>,
        %get3A_918 = arith.index_cast %add3A_882 : i32 to index
        %get3A_919 = arith.constant 48 : index
        %get3A_920 = tpu.vector_load %arg14[%get3A_918, %get3A_919] {strides = array<i32>} : memref<128x128xf32, #tpu.memory_space<vmem>>, vector<1x16xf32>,
        %get3A_921 = vector.shape_cast %get3A_920 : vector<1x16xf32> to vector<16xf32>
        %mul3A_922 = vector.broadcast %squeeze3A_884 : f32 to vector<16xf32>
        %mul3A_923 = arith.mulf %get3A_921, %mul3A_922 : vector<16xf32>
        %swap3A_924 = arith.index_cast %add3A_882 : i32 to index
        %swap3A_925 = arith.constant 48 : index
        %swap3A_926 = tpu.vector_load %arg14[%swap3A_924, %swap3A_925] {strides = array<i32>} : memref<128x128xf32, #tpu.memory_space<vmem>>, vector<1x16xf32>,
        %swap3A_927 = vector.shape_cast %swap3A_926 : vector<1x16xf32> to vector<16xf32>
        %swap3A_928 = vector.shape_cast %mul3A_923 : vector<16xf32> to vector<1x16xf32>
        tpu.vector_store %arg14[%swap3A_924, %swap3A_925], %swap3A_928 {strides = array<i32>} : memref<128x128xf32, #tpu.memory_space<vmem>>, vector<1x16xf32>,
        %get3A_929 = arith.index_cast %add3A_882 : i32 to index
        %get3A_930 = arith.constant 64 : index
        %get3A_931 = tpu.vector_load %arg14[%get3A_929, %get3A_930] {strides = array<i32>} : memref<128x128xf32, #tpu.memory_space<vmem>>, vector<1x16xf32>,
        %get3A_932 = vector.shape_cast %get3A_931 : vector<1x16xf32> to vector<16xf32>
        %mul3A_933 = vector.broadcast %squeeze3A_884 : f32 to vector<16xf32>
        %mul3A_934 = arith.mulf %get3A_932, %mul3A_933 : vector<16xf32>
        %swap3A_935 = arith.index_cast %add3A_882 : i32 to index
        %swap3A_936 = arith.constant 64 : index
        %swap3A_937 = tpu.vector_load %arg14[%swap3A_935, %swap3A_936] {strides = array<i32>} : memref<128x128xf32, #tpu.memory_space<vmem>>, vector<1x16xf32>,
        %swap3A_938 = vector.shape_cast %swap3A_937 : vector<1x16xf32> to vector<16xf32>
        %swap3A_939 = vector.shape_cast %mul3A_934 : vector<16xf32> to vector<1x16xf32>
        tpu.vector_store %arg14[%swap3A_935, %swap3A_936], %swap3A_939 {strides = array<i32>} : memref<128x128xf32, #tpu.memory_space<vmem>>, vector<1x16xf32>,
        %get3A_940 = arith.index_cast %add3A_882 : i32 to index
        %get3A_941 = arith.constant 80 : index
        %get3A_942 = tpu.vector_load %arg14[%get3A_940, %get3A_941] {strides = array<i32>} : memref<128x128xf32, #tpu.memory_space<vmem>>, vector<1x16xf32>,
        %get3A_943 = vector.shape_cast %get3A_942 : vector<1x16xf32> to vector<16xf32>
        %mul3A_944 = vector.broadcast %squeeze3A_884 : f32 to vector<16xf32>
        %mul3A_945 = arith.mulf %get3A_943, %mul3A_944 : vector<16xf32>
        %swap3A_946 = arith.index_cast %add3A_882 : i32 to index
        %swap3A_947 = arith.constant 80 : index
        %swap3A_948 = tpu.vector_load %arg14[%swap3A_946, %swap3A_947] {strides = array<i32>} : memref<128x128xf32, #tpu.memory_space<vmem>>, vector<1x16xf32>,
        %swap3A_949 = vector.shape_cast %swap3A_948 : vector<1x16xf32> to vector<16xf32>
        %swap3A_950 = vector.shape_cast %mul3A_945 : vector<16xf32> to vector<1x16xf32>
        tpu.vector_store %arg14[%swap3A_946, %swap3A_947], %swap3A_950 {strides = array<i32>} : memref<128x128xf32, #tpu.memory_space<vmem>>, vector<1x16xf32>,
        %get3A_951 = arith.index_cast %add3A_882 : i32 to index
        %get3A_952 = arith.constant 96 : index
        %get3A_953 = tpu.vector_load %arg14[%get3A_951, %get3A_952] {strides = array<i32>} : memref<128x128xf32, #tpu.memory_space<vmem>>, vector<1x16xf32>,
        %get3A_954 = vector.shape_cast %get3A_953 : vector<1x16xf32> to vector<16xf32>
        %mul3A_955 = vector.broadcast %squeeze3A_884 : f32 to vector<16xf32>
        %mul3A_956 = arith.mulf %get3A_954, %mul3A_955 : vector<16xf32>
        %swap3A_957 = arith.index_cast %add3A_882 : i32 to index
        %swap3A_958 = arith.constant 96 : index
        %swap3A_959 = tpu.vector_load %arg14[%swap3A_957, %swap3A_958] {strides = array<i32>} : memref<128x128xf32, #tpu.memory_space<vmem>>, vector<1x16xf32>,
        %swap3A_960 = vector.shape_cast %swap3A_959 : vector<1x16xf32> to vector<16xf32>
        %swap3A_961 = vector.shape_cast %mul3A_956 : vector<16xf32> to vector<1x16xf32>
        tpu.vector_store %arg14[%swap3A_957, %swap3A_958], %swap3A_961 {strides = array<i32>} : memref<128x128xf32, #tpu.memory_space<vmem>>, vector<1x16xf32>,
        %get3A_962 = arith.index_cast %add3A_882 : i32 to index
        %get3A_963 = arith.constant 112 : index
        %get3A_964 = tpu.vector_load %arg14[%get3A_962, %get3A_963] {strides = array<i32>} : memref<128x128xf32, #tpu.memory_space<vmem>>, vector<1x16xf32>,
        %get3A_965 = vector.shape_cast %get3A_964 : vector<1x16xf32> to vector<16xf32>
        %mul3A_966 = vector.broadcast %squeeze3A_884 : f32 to vector<16xf32>
        %mul3A_967 = arith.mulf %get3A_965, %mul3A_966 : vector<16xf32>
        %swap3A_968 = arith.index_cast %add3A_882 : i32 to index
        %swap3A_969 = arith.constant 112 : index
        %swap3A_970 = tpu.vector_load %arg14[%swap3A_968, %swap3A_969] {strides = array<i32>} : memref<128x128xf32, #tpu.memory_space<vmem>>, vector<1x16xf32>,
        %swap3A_971 = vector.shape_cast %swap3A_970 : vector<1x16xf32> to vector<16xf32>
        %swap3A_972 = vector.shape_cast %mul3A_967 : vector<16xf32> to vector<1x16xf32>
        tpu.vector_store %arg14[%swap3A_968, %swap3A_969], %swap3A_972 {strides = array<i32>} : memref<128x128xf32, #tpu.memory_space<vmem>>, vector<1x16xf32>,
        %mul3A_973 = arith.constant 16 : i32
        %mul3A_974 = arith.muli %scan3A_219, %mul3A_973 : i32
        %add3A_975 = arith.constant 8 : i32
        %add3A_976 = arith.addi %mul3A_974, %add3A_975 : i32
        %slice3A_977 = vector.extract_strided_slice %get3A_223 {offsets = [8], sizes = [1], strides = [1]} : vector<16xf32> to vector<1xf32>
        %squeeze3A_978 = vector.extract %slice3A_977[0] : f32 from vector<1xf32>
        %get3A_979 = arith.index_cast %add3A_976 : i32 to index
        %get3A_980 = arith.constant 0 : index
        %get3A_981 = tpu.vector_load %arg14[%get3A_979, %get3A_980] {strides = array<i32>} : memref<128x128xf32, #tpu.memory_space<vmem>>, vector<1x16xf32>,
        %get3A_982 = vector.shape_cast %get3A_981 : vector<1x16xf32> to vector<16xf32>
        %mul3A_983 = vector.broadcast %squeeze3A_978 : f32 to vector<16xf32>
        %mul3A_984 = arith.mulf %get3A_982, %mul3A_983 : vector<16xf32>
        %swap3A_985 = arith.index_cast %add3A_976 : i32 to index
        %swap3A_986 = arith.constant 0 : index
        %swap3A_987 = tpu.vector_load %arg14[%swap3A_985, %swap3A_986] {strides = array<i32>} : memref<128x128xf32, #tpu.memory_space<vmem>>, vector<1x16xf32>,
        %swap3A_988 = vector.shape_cast %swap3A_987 : vector<1x16xf32> to vector<16xf32>
        %swap3A_989 = vector.shape_cast %mul3A_984 : vector<16xf32> to vector<1x16xf32>
        tpu.vector_store %arg14[%swap3A_985, %swap3A_986], %swap3A_989 {strides = array<i32>} : memref<128x128xf32, #tpu.memory_space<vmem>>, vector<1x16xf32>,
        %get3A_990 = arith.index_cast %add3A_976 : i32 to index
        %get3A_991 = arith.constant 16 : index
        %get3A_992 = tpu.vector_load %arg14[%get3A_990, %get3A_991] {strides = array<i32>} : memref<128x128xf32, #tpu.memory_space<vmem>>, vector<1x16xf32>,
        %get3A_993 = vector.shape_cast %get3A_992 : vector<1x16xf32> to vector<16xf32>
        %mul3A_994 = vector.broadcast %squeeze3A_978 : f32 to vector<16xf32>
        %mul3A_995 = arith.mulf %get3A_993, %mul3A_994 : vector<16xf32>
        %swap3A_996 = arith.index_cast %add3A_976 : i32 to index
        %swap3A_997 = arith.constant 16 : index
        %swap3A_998 = tpu.vector_load %arg14[%swap3A_996, %swap3A_997] {strides = array<i32>} : memref<128x128xf32, #tpu.memory_space<vmem>>, vector<1x16xf32>,
        %swap3A_999 = vector.shape_cast %swap3A_998 : vector<1x16xf32> to vector<16xf32>
        %swap3A_1000 = vector.shape_cast %mul3A_995 : vector<16xf32> to vector<1x16xf32>
        tpu.vector_store %arg14[%swap3A_996, %swap3A_997], %swap3A_1000 {strides = array<i32>} : memref<128x128xf32, #tpu.memory_space<vmem>>, vector<1x16xf32>,
        %get3A_1001 = arith.index_cast %add3A_976 : i32 to index
        %get3A_1002 = arith.constant 32 : index
        %get3A_1003 = tpu.vector_load %arg14[%get3A_1001, %get3A_1002] {strides = array<i32>} : memref<128x128xf32, #tpu.memory_space<vmem>>, vector<1x16xf32>,
        %get3A_1004 = vector.shape_cast %get3A_1003 : vector<1x16xf32> to vector<16xf32>
        %mul3A_1005 = vector.broadcast %squeeze3A_978 : f32 to vector<16xf32>
        %mul3A_1006 = arith.mulf %get3A_1004, %mul3A_1005 : vector<16xf32>
        %swap3A_1007 = arith.index_cast %add3A_976 : i32 to index
        %swap3A_1008 = arith.constant 32 : index
        %swap3A_1009 = tpu.vector_load %arg14[%swap3A_1007, %swap3A_1008] {strides = array<i32>} : memref<128x128xf32, #tpu.memory_space<vmem>>, vector<1x16xf32>,
        %swap3A_1010 = vector.shape_cast %swap3A_1009 : vector<1x16xf32> to vector<16xf32>
        %swap3A_1011 = vector.shape_cast %mul3A_1006 : vector<16xf32> to vector<1x16xf32>
        tpu.vector_store %arg14[%swap3A_1007, %swap3A_1008], %swap3A_1011 {strides = array<i32>} : memref<128x128xf32, #tpu.memory_space<vmem>>, vector<1x16xf32>,
        %get3A_1012 = arith.index_cast %add3A_976 : i32 to index
        %get3A_1013 = arith.constant 48 : index
        %get3A_1014 = tpu.vector_load %arg14[%get3A_1012, %get3A_1013] {strides = array<i32>} : memref<128x128xf32, #tpu.memory_space<vmem>>, vector<1x16xf32>,
        %get3A_1015 = vector.shape_cast %get3A_1014 : vector<1x16xf32> to vector<16xf32>
        %mul3A_1016 = vector.broadcast %squeeze3A_978 : f32 to vector<16xf32>
        %mul3A_1017 = arith.mulf %get3A_1015, %mul3A_1016 : vector<16xf32>
        %swap3A_1018 = arith.index_cast %add3A_976 : i32 to index
        %swap3A_1019 = arith.constant 48 : index
        %swap3A_1020 = tpu.vector_load %arg14[%swap3A_1018, %swap3A_1019] {strides = array<i32>} : memref<128x128xf32, #tpu.memory_space<vmem>>, vector<1x16xf32>,
        %swap3A_1021 = vector.shape_cast %swap3A_1020 : vector<1x16xf32> to vector<16xf32>
        %swap3A_1022 = vector.shape_cast %mul3A_1017 : vector<16xf32> to vector<1x16xf32>
        tpu.vector_store %arg14[%swap3A_1018, %swap3A_1019], %swap3A_1022 {strides = array<i32>} : memref<128x128xf32, #tpu.memory_space<vmem>>, vector<1x16xf32>,
        %get3A_1023 = arith.index_cast %add3A_976 : i32 to index
        %get3A_1024 = arith.constant 64 : index
        %get3A_1025 = tpu.vector_load %arg14[%get3A_1023, %get3A_1024] {strides = array<i32>} : memref<128x128xf32, #tpu.memory_space<vmem>>, vector<1x16xf32>,
        %get3A_1026 = vector.shape_cast %get3A_1025 : vector<1x16xf32> to vector<16xf32>
        %mul3A_1027 = vector.broadcast %squeeze3A_978 : f32 to vector<16xf32>
        %mul3A_1028 = arith.mulf %get3A_1026, %mul3A_1027 : vector<16xf32>
        %swap3A_1029 = arith.index_cast %add3A_976 : i32 to index
        %swap3A_1030 = arith.constant 64 : index
        %swap3A_1031 = tpu.vector_load %arg14[%swap3A_1029, %swap3A_1030] {strides = array<i32>} : memref<128x128xf32, #tpu.memory_space<vmem>>, vector<1x16xf32>,
        %swap3A_1032 = vector.shape_cast %swap3A_1031 : vector<1x16xf32> to vector<16xf32>
        %swap3A_1033 = vector.shape_cast %mul3A_1028 : vector<16xf32> to vector<1x16xf32>
        tpu.vector_store %arg14[%swap3A_1029, %swap3A_1030], %swap3A_1033 {strides = array<i32>} : memref<128x128xf32, #tpu.memory_space<vmem>>, vector<1x16xf32>,
        %get3A_1034 = arith.index_cast %add3A_976 : i32 to index
        %get3A_1035 = arith.constant 80 : index
        %get3A_1036 = tpu.vector_load %arg14[%get3A_1034, %get3A_1035] {strides = array<i32>} : memref<128x128xf32, #tpu.memory_space<vmem>>, vector<1x16xf32>,
        %get3A_1037 = vector.shape_cast %get3A_1036 : vector<1x16xf32> to vector<16xf32>
        %mul3A_1038 = vector.broadcast %squeeze3A_978 : f32 to vector<16xf32>
        %mul3A_1039 = arith.mulf %get3A_1037, %mul3A_1038 : vector<16xf32>
        %swap3A_1040 = arith.index_cast %add3A_976 : i32 to index
        %swap3A_1041 = arith.constant 80 : index
        %swap3A_1042 = tpu.vector_load %arg14[%swap3A_1040, %swap3A_1041] {strides = array<i32>} : memref<128x128xf32, #tpu.memory_space<vmem>>, vector<1x16xf32>,
        %swap3A_1043 = vector.shape_cast %swap3A_1042 : vector<1x16xf32> to vector<16xf32>
        %swap3A_1044 = vector.shape_cast %mul3A_1039 : vector<16xf32> to vector<1x16xf32>
        tpu.vector_store %arg14[%swap3A_1040, %swap3A_1041], %swap3A_1044 {strides = array<i32>} : memref<128x128xf32, #tpu.memory_space<vmem>>, vector<1x16xf32>,
        %get3A_1045 = arith.index_cast %add3A_976 : i32 to index
        %get3A_1046 = arith.constant 96 : index
        %get3A_1047 = tpu.vector_load %arg14[%get3A_1045, %get3A_1046] {strides = array<i32>} : memref<128x128xf32, #tpu.memory_space<vmem>>, vector<1x16xf32>,
        %get3A_1048 = vector.shape_cast %get3A_1047 : vector<1x16xf32> to vector<16xf32>
        %mul3A_1049 = vector.broadcast %squeeze3A_978 : f32 to vector<16xf32>
        %mul3A_1050 = arith.mulf %get3A_1048, %mul3A_1049 : vector<16xf32>
        %swap3A_1051 = arith.index_cast %add3A_976 : i32 to index
        %swap3A_1052 = arith.constant 96 : index
        %swap3A_1053 = tpu.vector_load %arg14[%swap3A_1051, %swap3A_1052] {strides = array<i32>} : memref<128x128xf32, #tpu.memory_space<vmem>>, vector<1x16xf32>,
        %swap3A_1054 = vector.shape_cast %swap3A_1053 : vector<1x16xf32> to vector<16xf32>
        %swap3A_1055 = vector.shape_cast %mul3A_1050 : vector<16xf32> to vector<1x16xf32>
        tpu.vector_store %arg14[%swap3A_1051, %swap3A_1052], %swap3A_1055 {strides = array<i32>} : memref<128x128xf32, #tpu.memory_space<vmem>>, vector<1x16xf32>,
        %get3A_1056 = arith.index_cast %add3A_976 : i32 to index
        %get3A_1057 = arith.constant 112 : index
        %get3A_1058 = tpu.vector_load %arg14[%get3A_1056, %get3A_1057] {strides = array<i32>} : memref<128x128xf32, #tpu.memory_space<vmem>>, vector<1x16xf32>,
        %get3A_1059 = vector.shape_cast %get3A_1058 : vector<1x16xf32> to vector<16xf32>
        %mul3A_1060 = vector.broadcast %squeeze3A_978 : f32 to vector<16xf32>
        %mul3A_1061 = arith.mulf %get3A_1059, %mul3A_1060 : vector<16xf32>
        %swap3A_1062 = arith.index_cast %add3A_976 : i32 to index
        %swap3A_1063 = arith.constant 112 : index
        %swap3A_1064 = tpu.vector_load %arg14[%swap3A_1062, %swap3A_1063] {strides = array<i32>} : memref<128x128xf32, #tpu.memory_space<vmem>>, vector<1x16xf32>,
        %swap3A_1065 = vector.shape_cast %swap3A_1064 : vector<1x16xf32> to vector<16xf32>
        %swap3A_1066 = vector.shape_cast %mul3A_1061 : vector<16xf32> to vector<1x16xf32>
        tpu.vector_store %arg14[%swap3A_1062, %swap3A_1063], %swap3A_1066 {strides = array<i32>} : memref<128x128xf32, #tpu.memory_space<vmem>>, vector<1x16xf32>,
        %mul3A_1067 = arith.constant 16 : i32
        %mul3A_1068 = arith.muli %scan3A_219, %mul3A_1067 : i32
        %add3A_1069 = arith.constant 9 : i32
        %add3A_1070 = arith.addi %mul3A_1068, %add3A_1069 : i32
        %slice3A_1071 = vector.extract_strided_slice %get3A_223 {offsets = [9], sizes = [1], strides = [1]} : vector<16xf32> to vector<1xf32>
        %squeeze3A_1072 = vector.extract %slice3A_1071[0] : f32 from vector<1xf32>
        %get3A_1073 = arith.index_cast %add3A_1070 : i32 to index
        %get3A_1074 = arith.constant 0 : index
        %get3A_1075 = tpu.vector_load %arg14[%get3A_1073, %get3A_1074] {strides = array<i32>} : memref<128x128xf32, #tpu.memory_space<vmem>>, vector<1x16xf32>,
        %get3A_1076 = vector.shape_cast %get3A_1075 : vector<1x16xf32> to vector<16xf32>
        %mul3A_1077 = vector.broadcast %squeeze3A_1072 : f32 to vector<16xf32>
        %mul3A_1078 = arith.mulf %get3A_1076, %mul3A_1077 : vector<16xf32>
        %swap3A_1079 = arith.index_cast %add3A_1070 : i32 to index
        %swap3A_1080 = arith.constant 0 : index
        %swap3A_1081 = tpu.vector_load %arg14[%swap3A_1079, %swap3A_1080] {strides = array<i32>} : memref<128x128xf32, #tpu.memory_space<vmem>>, vector<1x16xf32>,
        %swap3A_1082 = vector.shape_cast %swap3A_1081 : vector<1x16xf32> to vector<16xf32>
        %swap3A_1083 = vector.shape_cast %mul3A_1078 : vector<16xf32> to vector<1x16xf32>
        tpu.vector_store %arg14[%swap3A_1079, %swap3A_1080], %swap3A_1083 {strides = array<i32>} : memref<128x128xf32, #tpu.memory_space<vmem>>, vector<1x16xf32>,
        %get3A_1084 = arith.index_cast %add3A_1070 : i32 to index
        %get3A_1085 = arith.constant 16 : index
        %get3A_1086 = tpu.vector_load %arg14[%get3A_1084, %get3A_1085] {strides = array<i32>} : memref<128x128xf32, #tpu.memory_space<vmem>>, vector<1x16xf32>,
        %get3A_1087 = vector.shape_cast %get3A_1086 : vector<1x16xf32> to vector<16xf32>
        %mul3A_1088 = vector.broadcast %squeeze3A_1072 : f32 to vector<16xf32>
        %mul3A_1089 = arith.mulf %get3A_1087, %mul3A_1088 : vector<16xf32>
        %swap3A_1090 = arith.index_cast %add3A_1070 : i32 to index
        %swap3A_1091 = arith.constant 16 : index
        %swap3A_1092 = tpu.vector_load %arg14[%swap3A_1090, %swap3A_1091] {strides = array<i32>} : memref<128x128xf32, #tpu.memory_space<vmem>>, vector<1x16xf32>,
        %swap3A_1093 = vector.shape_cast %swap3A_1092 : vector<1x16xf32> to vector<16xf32>
        %swap3A_1094 = vector.shape_cast %mul3A_1089 : vector<16xf32> to vector<1x16xf32>
        tpu.vector_store %arg14[%swap3A_1090, %swap3A_1091], %swap3A_1094 {strides = array<i32>} : memref<128x128xf32, #tpu.memory_space<vmem>>, vector<1x16xf32>,
        %get3A_1095 = arith.index_cast %add3A_1070 : i32 to index
        %get3A_1096 = arith.constant 32 : index
        %get3A_1097 = tpu.vector_load %arg14[%get3A_1095, %get3A_1096] {strides = array<i32>} : memref<128x128xf32, #tpu.memory_space<vmem>>, vector<1x16xf32>,
        %get3A_1098 = vector.shape_cast %get3A_1097 : vector<1x16xf32> to vector<16xf32>
        %mul3A_1099 = vector.broadcast %squeeze3A_1072 : f32 to vector<16xf32>
        %mul3A_1100 = arith.mulf %get3A_1098, %mul3A_1099 : vector<16xf32>
        %swap3A_1101 = arith.index_cast %add3A_1070 : i32 to index
        %swap3A_1102 = arith.constant 32 : index
        %swap3A_1103 = tpu.vector_load %arg14[%swap3A_1101, %swap3A_1102] {strides = array<i32>} : memref<128x128xf32, #tpu.memory_space<vmem>>, vector<1x16xf32>,
        %swap3A_1104 = vector.shape_cast %swap3A_1103 : vector<1x16xf32> to vector<16xf32>
        %swap3A_1105 = vector.shape_cast %mul3A_1100 : vector<16xf32> to vector<1x16xf32>
        tpu.vector_store %arg14[%swap3A_1101, %swap3A_1102], %swap3A_1105 {strides = array<i32>} : memref<128x128xf32, #tpu.memory_space<vmem>>, vector<1x16xf32>,
        %get3A_1106 = arith.index_cast %add3A_1070 : i32 to index
        %get3A_1107 = arith.constant 48 : index
        %get3A_1108 = tpu.vector_load %arg14[%get3A_1106, %get3A_1107] {strides = array<i32>} : memref<128x128xf32, #tpu.memory_space<vmem>>, vector<1x16xf32>,
        %get3A_1109 = vector.shape_cast %get3A_1108 : vector<1x16xf32> to vector<16xf32>
        %mul3A_1110 = vector.broadcast %squeeze3A_1072 : f32 to vector<16xf32>
        %mul3A_1111 = arith.mulf %get3A_1109, %mul3A_1110 : vector<16xf32>
        %swap3A_1112 = arith.index_cast %add3A_1070 : i32 to index
        %swap3A_1113 = arith.constant 48 : index
        %swap3A_1114 = tpu.vector_load %arg14[%swap3A_1112, %swap3A_1113] {strides = array<i32>} : memref<128x128xf32, #tpu.memory_space<vmem>>, vector<1x16xf32>,
        %swap3A_1115 = vector.shape_cast %swap3A_1114 : vector<1x16xf32> to vector<16xf32>
        %swap3A_1116 = vector.shape_cast %mul3A_1111 : vector<16xf32> to vector<1x16xf32>
        tpu.vector_store %arg14[%swap3A_1112, %swap3A_1113], %swap3A_1116 {strides = array<i32>} : memref<128x128xf32, #tpu.memory_space<vmem>>, vector<1x16xf32>,
        %get3A_1117 = arith.index_cast %add3A_1070 : i32 to index
        %get3A_1118 = arith.constant 64 : index
        %get3A_1119 = tpu.vector_load %arg14[%get3A_1117, %get3A_1118] {strides = array<i32>} : memref<128x128xf32, #tpu.memory_space<vmem>>, vector<1x16xf32>,
        %get3A_1120 = vector.shape_cast %get3A_1119 : vector<1x16xf32> to vector<16xf32>
        %mul3A_1121 = vector.broadcast %squeeze3A_1072 : f32 to vector<16xf32>
        %mul3A_1122 = arith.mulf %get3A_1120, %mul3A_1121 : vector<16xf32>
        %swap3A_1123 = arith.index_cast %add3A_1070 : i32 to index
        %swap3A_1124 = arith.constant 64 : index
        %swap3A_1125 = tpu.vector_load %arg14[%swap3A_1123, %swap3A_1124] {strides = array<i32>} : memref<128x128xf32, #tpu.memory_space<vmem>>, vector<1x16xf32>,
        %swap3A_1126 = vector.shape_cast %swap3A_1125 : vector<1x16xf32> to vector<16xf32>
        %swap3A_1127 = vector.shape_cast %mul3A_1122 : vector<16xf32> to vector<1x16xf32>
        tpu.vector_store %arg14[%swap3A_1123, %swap3A_1124], %swap3A_1127 {strides = array<i32>} : memref<128x128xf32, #tpu.memory_space<vmem>>, vector<1x16xf32>,
        %get3A_1128 = arith.index_cast %add3A_1070 : i32 to index
        %get3A_1129 = arith.constant 80 : index
        %get3A_1130 = tpu.vector_load %arg14[%get3A_1128, %get3A_1129] {strides = array<i32>} : memref<128x128xf32, #tpu.memory_space<vmem>>, vector<1x16xf32>,
        %get3A_1131 = vector.shape_cast %get3A_1130 : vector<1x16xf32> to vector<16xf32>
        %mul3A_1132 = vector.broadcast %squeeze3A_1072 : f32 to vector<16xf32>
        %mul3A_1133 = arith.mulf %get3A_1131, %mul3A_1132 : vector<16xf32>
        %swap3A_1134 = arith.index_cast %add3A_1070 : i32 to index
        %swap3A_1135 = arith.constant 80 : index
        %swap3A_1136 = tpu.vector_load %arg14[%swap3A_1134, %swap3A_1135] {strides = array<i32>} : memref<128x128xf32, #tpu.memory_space<vmem>>, vector<1x16xf32>,
        %swap3A_1137 = vector.shape_cast %swap3A_1136 : vector<1x16xf32> to vector<16xf32>
        %swap3A_1138 = vector.shape_cast %mul3A_1133 : vector<16xf32> to vector<1x16xf32>
        tpu.vector_store %arg14[%swap3A_1134, %swap3A_1135], %swap3A_1138 {strides = array<i32>} : memref<128x128xf32, #tpu.memory_space<vmem>>, vector<1x16xf32>,
        %get3A_1139 = arith.index_cast %add3A_1070 : i32 to index
        %get3A_1140 = arith.constant 96 : index
        %get3A_1141 = tpu.vector_load %arg14[%get3A_1139, %get3A_1140] {strides = array<i32>} : memref<128x128xf32, #tpu.memory_space<vmem>>, vector<1x16xf32>,
        %get3A_1142 = vector.shape_cast %get3A_1141 : vector<1x16xf32> to vector<16xf32>
        %mul3A_1143 = vector.broadcast %squeeze3A_1072 : f32 to vector<16xf32>
        %mul3A_1144 = arith.mulf %get3A_1142, %mul3A_1143 : vector<16xf32>
        %swap3A_1145 = arith.index_cast %add3A_1070 : i32 to index
        %swap3A_1146 = arith.constant 96 : index
        %swap3A_1147 = tpu.vector_load %arg14[%swap3A_1145, %swap3A_1146] {strides = array<i32>} : memref<128x128xf32, #tpu.memory_space<vmem>>, vector<1x16xf32>,
        %swap3A_1148 = vector.shape_cast %swap3A_1147 : vector<1x16xf32> to vector<16xf32>
        %swap3A_1149 = vector.shape_cast %mul3A_1144 : vector<16xf32> to vector<1x16xf32>
        tpu.vector_store %arg14[%swap3A_1145, %swap3A_1146], %swap3A_1149 {strides = array<i32>} : memref<128x128xf32, #tpu.memory_space<vmem>>, vector<1x16xf32>,
        %get3A_1150 = arith.index_cast %add3A_1070 : i32 to index
        %get3A_1151 = arith.constant 112 : index
        %get3A_1152 = tpu.vector_load %arg14[%get3A_1150, %get3A_1151] {strides = array<i32>} : memref<128x128xf32, #tpu.memory_space<vmem>>, vector<1x16xf32>,
        %get3A_1153 = vector.shape_cast %get3A_1152 : vector<1x16xf32> to vector<16xf32>
        %mul3A_1154 = vector.broadcast %squeeze3A_1072 : f32 to vector<16xf32>
        %mul3A_1155 = arith.mulf %get3A_1153, %mul3A_1154 : vector<16xf32>
        %swap3A_1156 = arith.index_cast %add3A_1070 : i32 to index
        %swap3A_1157 = arith.constant 112 : index
        %swap3A_1158 = tpu.vector_load %arg14[%swap3A_1156, %swap3A_1157] {strides = array<i32>} : memref<128x128xf32, #tpu.memory_space<vmem>>, vector<1x16xf32>,
        %swap3A_1159 = vector.shape_cast %swap3A_1158 : vector<1x16xf32> to vector<16xf32>
        %swap3A_1160 = vector.shape_cast %mul3A_1155 : vector<16xf32> to vector<1x16xf32>
        tpu.vector_store %arg14[%swap3A_1156, %swap3A_1157], %swap3A_1160 {strides = array<i32>} : memref<128x128xf32, #tpu.memory_space<vmem>>, vector<1x16xf32>,
        %mul3A_1161 = arith.constant 16 : i32
        %mul3A_1162 = arith.muli %scan3A_219, %mul3A_1161 : i32
        %add3A_1163 = arith.constant 10 : i32
        %add3A_1164 = arith.addi %mul3A_1162, %add3A_1163 : i32
        %slice3A_1165 = vector.extract_strided_slice %get3A_223 {offsets = [10], sizes = [1], strides = [1]} : vector<16xf32> to vector<1xf32>
        %squeeze3A_1166 = vector.extract %slice3A_1165[0] : f32 from vector<1xf32>
        %get3A_1167 = arith.index_cast %add3A_1164 : i32 to index
        %get3A_1168 = arith.constant 0 : index
        %get3A_1169 = tpu.vector_load %arg14[%get3A_1167, %get3A_1168] {strides = array<i32>} : memref<128x128xf32, #tpu.memory_space<vmem>>, vector<1x16xf32>,
        %get3A_1170 = vector.shape_cast %get3A_1169 : vector<1x16xf32> to vector<16xf32>
        %mul3A_1171 = vector.broadcast %squeeze3A_1166 : f32 to vector<16xf32>
        %mul3A_1172 = arith.mulf %get3A_1170, %mul3A_1171 : vector<16xf32>
        %swap3A_1173 = arith.index_cast %add3A_1164 : i32 to index
        %swap3A_1174 = arith.constant 0 : index
        %swap3A_1175 = tpu.vector_load %arg14[%swap3A_1173, %swap3A_1174] {strides = array<i32>} : memref<128x128xf32, #tpu.memory_space<vmem>>, vector<1x16xf32>,
        %swap3A_1176 = vector.shape_cast %swap3A_1175 : vector<1x16xf32> to vector<16xf32>
        %swap3A_1177 = vector.shape_cast %mul3A_1172 : vector<16xf32> to vector<1x16xf32>
        tpu.vector_store %arg14[%swap3A_1173, %swap3A_1174], %swap3A_1177 {strides = array<i32>} : memref<128x128xf32, #tpu.memory_space<vmem>>, vector<1x16xf32>,
        %get3A_1178 = arith.index_cast %add3A_1164 : i32 to index
        %get3A_1179 = arith.constant 16 : index
        %get3A_1180 = tpu.vector_load %arg14[%get3A_1178, %get3A_1179] {strides = array<i32>} : memref<128x128xf32, #tpu.memory_space<vmem>>, vector<1x16xf32>,
        %get3A_1181 = vector.shape_cast %get3A_1180 : vector<1x16xf32> to vector<16xf32>
        %mul3A_1182 = vector.broadcast %squeeze3A_1166 : f32 to vector<16xf32>
        %mul3A_1183 = arith.mulf %get3A_1181, %mul3A_1182 : vector<16xf32>
        %swap3A_1184 = arith.index_cast %add3A_1164 : i32 to index
        %swap3A_1185 = arith.constant 16 : index
        %swap3A_1186 = tpu.vector_load %arg14[%swap3A_1184, %swap3A_1185] {strides = array<i32>} : memref<128x128xf32, #tpu.memory_space<vmem>>, vector<1x16xf32>,
        %swap3A_1187 = vector.shape_cast %swap3A_1186 : vector<1x16xf32> to vector<16xf32>
        %swap3A_1188 = vector.shape_cast %mul3A_1183 : vector<16xf32> to vector<1x16xf32>
        tpu.vector_store %arg14[%swap3A_1184, %swap3A_1185], %swap3A_1188 {strides = array<i32>} : memref<128x128xf32, #tpu.memory_space<vmem>>, vector<1x16xf32>,
        %get3A_1189 = arith.index_cast %add3A_1164 : i32 to index
        %get3A_1190 = arith.constant 32 : index
        %get3A_1191 = tpu.vector_load %arg14[%get3A_1189, %get3A_1190] {strides = array<i32>} : memref<128x128xf32, #tpu.memory_space<vmem>>, vector<1x16xf32>,
        %get3A_1192 = vector.shape_cast %get3A_1191 : vector<1x16xf32> to vector<16xf32>
        %mul3A_1193 = vector.broadcast %squeeze3A_1166 : f32 to vector<16xf32>
        %mul3A_1194 = arith.mulf %get3A_1192, %mul3A_1193 : vector<16xf32>
        %swap3A_1195 = arith.index_cast %add3A_1164 : i32 to index
        %swap3A_1196 = arith.constant 32 : index
        %swap3A_1197 = tpu.vector_load %arg14[%swap3A_1195, %swap3A_1196] {strides = array<i32>} : memref<128x128xf32, #tpu.memory_space<vmem>>, vector<1x16xf32>,
        %swap3A_1198 = vector.shape_cast %swap3A_1197 : vector<1x16xf32> to vector<16xf32>
        %swap3A_1199 = vector.shape_cast %mul3A_1194 : vector<16xf32> to vector<1x16xf32>
        tpu.vector_store %arg14[%swap3A_1195, %swap3A_1196], %swap3A_1199 {strides = array<i32>} : memref<128x128xf32, #tpu.memory_space<vmem>>, vector<1x16xf32>,
        %get3A_1200 = arith.index_cast %add3A_1164 : i32 to index
        %get3A_1201 = arith.constant 48 : index
        %get3A_1202 = tpu.vector_load %arg14[%get3A_1200, %get3A_1201] {strides = array<i32>} : memref<128x128xf32, #tpu.memory_space<vmem>>, vector<1x16xf32>,
        %get3A_1203 = vector.shape_cast %get3A_1202 : vector<1x16xf32> to vector<16xf32>
        %mul3A_1204 = vector.broadcast %squeeze3A_1166 : f32 to vector<16xf32>
        %mul3A_1205 = arith.mulf %get3A_1203, %mul3A_1204 : vector<16xf32>
        %swap3A_1206 = arith.index_cast %add3A_1164 : i32 to index
        %swap3A_1207 = arith.constant 48 : index
        %swap3A_1208 = tpu.vector_load %arg14[%swap3A_1206, %swap3A_1207] {strides = array<i32>} : memref<128x128xf32, #tpu.memory_space<vmem>>, vector<1x16xf32>,
        %swap3A_1209 = vector.shape_cast %swap3A_1208 : vector<1x16xf32> to vector<16xf32>
        %swap3A_1210 = vector.shape_cast %mul3A_1205 : vector<16xf32> to vector<1x16xf32>
        tpu.vector_store %arg14[%swap3A_1206, %swap3A_1207], %swap3A_1210 {strides = array<i32>} : memref<128x128xf32, #tpu.memory_space<vmem>>, vector<1x16xf32>,
        %get3A_1211 = arith.index_cast %add3A_1164 : i32 to index
        %get3A_1212 = arith.constant 64 : index
        %get3A_1213 = tpu.vector_load %arg14[%get3A_1211, %get3A_1212] {strides = array<i32>} : memref<128x128xf32, #tpu.memory_space<vmem>>, vector<1x16xf32>,
        %get3A_1214 = vector.shape_cast %get3A_1213 : vector<1x16xf32> to vector<16xf32>
        %mul3A_1215 = vector.broadcast %squeeze3A_1166 : f32 to vector<16xf32>
        %mul3A_1216 = arith.mulf %get3A_1214, %mul3A_1215 : vector<16xf32>
        %swap3A_1217 = arith.index_cast %add3A_1164 : i32 to index
        %swap3A_1218 = arith.constant 64 : index
        %swap3A_1219 = tpu.vector_load %arg14[%swap3A_1217, %swap3A_1218] {strides = array<i32>} : memref<128x128xf32, #tpu.memory_space<vmem>>, vector<1x16xf32>,
        %swap3A_1220 = vector.shape_cast %swap3A_1219 : vector<1x16xf32> to vector<16xf32>
        %swap3A_1221 = vector.shape_cast %mul3A_1216 : vector<16xf32> to vector<1x16xf32>
        tpu.vector_store %arg14[%swap3A_1217, %swap3A_1218], %swap3A_1221 {strides = array<i32>} : memref<128x128xf32, #tpu.memory_space<vmem>>, vector<1x16xf32>,
        %get3A_1222 = arith.index_cast %add3A_1164 : i32 to index
        %get3A_1223 = arith.constant 80 : index
        %get3A_1224 = tpu.vector_load %arg14[%get3A_1222, %get3A_1223] {strides = array<i32>} : memref<128x128xf32, #tpu.memory_space<vmem>>, vector<1x16xf32>,
        %get3A_1225 = vector.shape_cast %get3A_1224 : vector<1x16xf32> to vector<16xf32>
        %mul3A_1226 = vector.broadcast %squeeze3A_1166 : f32 to vector<16xf32>
        %mul3A_1227 = arith.mulf %get3A_1225, %mul3A_1226 : vector<16xf32>
        %swap3A_1228 = arith.index_cast %add3A_1164 : i32 to index
        %swap3A_1229 = arith.constant 80 : index
        %swap3A_1230 = tpu.vector_load %arg14[%swap3A_1228, %swap3A_1229] {strides = array<i32>} : memref<128x128xf32, #tpu.memory_space<vmem>>, vector<1x16xf32>,
        %swap3A_1231 = vector.shape_cast %swap3A_1230 : vector<1x16xf32> to vector<16xf32>
        %swap3A_1232 = vector.shape_cast %mul3A_1227 : vector<16xf32> to vector<1x16xf32>
        tpu.vector_store %arg14[%swap3A_1228, %swap3A_1229], %swap3A_1232 {strides = array<i32>} : memref<128x128xf32, #tpu.memory_space<vmem>>, vector<1x16xf32>,
        %get3A_1233 = arith.index_cast %add3A_1164 : i32 to index
        %get3A_1234 = arith.constant 96 : index
        %get3A_1235 = tpu.vector_load %arg14[%get3A_1233, %get3A_1234] {strides = array<i32>} : memref<128x128xf32, #tpu.memory_space<vmem>>, vector<1x16xf32>,
        %get3A_1236 = vector.shape_cast %get3A_1235 : vector<1x16xf32> to vector<16xf32>
        %mul3A_1237 = vector.broadcast %squeeze3A_1166 : f32 to vector<16xf32>
        %mul3A_1238 = arith.mulf %get3A_1236, %mul3A_1237 : vector<16xf32>
        %swap3A_1239 = arith.index_cast %add3A_1164 : i32 to index
        %swap3A_1240 = arith.constant 96 : index
        %swap3A_1241 = tpu.vector_load %arg14[%swap3A_1239, %swap3A_1240] {strides = array<i32>} : memref<128x128xf32, #tpu.memory_space<vmem>>, vector<1x16xf32>,
        %swap3A_1242 = vector.shape_cast %swap3A_1241 : vector<1x16xf32> to vector<16xf32>
        %swap3A_1243 = vector.shape_cast %mul3A_1238 : vector<16xf32> to vector<1x16xf32>
        tpu.vector_store %arg14[%swap3A_1239, %swap3A_1240], %swap3A_1243 {strides = array<i32>} : memref<128x128xf32, #tpu.memory_space<vmem>>, vector<1x16xf32>,
        %get3A_1244 = arith.index_cast %add3A_1164 : i32 to index
        %get3A_1245 = arith.constant 112 : index
        %get3A_1246 = tpu.vector_load %arg14[%get3A_1244, %get3A_1245] {strides = array<i32>} : memref<128x128xf32, #tpu.memory_space<vmem>>, vector<1x16xf32>,
        %get3A_1247 = vector.shape_cast %get3A_1246 : vector<1x16xf32> to vector<16xf32>
        %mul3A_1248 = vector.broadcast %squeeze3A_1166 : f32 to vector<16xf32>
        %mul3A_1249 = arith.mulf %get3A_1247, %mul3A_1248 : vector<16xf32>
        %swap3A_1250 = arith.index_cast %add3A_1164 : i32 to index
        %swap3A_1251 = arith.constant 112 : index
        %swap3A_1252 = tpu.vector_load %arg14[%swap3A_1250, %swap3A_1251] {strides = array<i32>} : memref<128x128xf32, #tpu.memory_space<vmem>>, vector<1x16xf32>,
        %swap3A_1253 = vector.shape_cast %swap3A_1252 : vector<1x16xf32> to vector<16xf32>
        %swap3A_1254 = vector.shape_cast %mul3A_1249 : vector<16xf32> to vector<1x16xf32>
        tpu.vector_store %arg14[%swap3A_1250, %swap3A_1251], %swap3A_1254 {strides = array<i32>} : memref<128x128xf32, #tpu.memory_space<vmem>>, vector<1x16xf32>,
        %mul3A_1255 = arith.constant 16 : i32
        %mul3A_1256 = arith.muli %scan3A_219, %mul3A_1255 : i32
        %add3A_1257 = arith.constant 11 : i32
        %add3A_1258 = arith.addi %mul3A_1256, %add3A_1257 : i32
        %slice3A_1259 = vector.extract_strided_slice %get3A_223 {offsets = [11], sizes = [1], strides = [1]} : vector<16xf32> to vector<1xf32>
        %squeeze3A_1260 = vector.extract %slice3A_1259[0] : f32 from vector<1xf32>
        %get3A_1261 = arith.index_cast %add3A_1258 : i32 to index
        %get3A_1262 = arith.constant 0 : index
        %get3A_1263 = tpu.vector_load %arg14[%get3A_1261, %get3A_1262] {strides = array<i32>} : memref<128x128xf32, #tpu.memory_space<vmem>>, vector<1x16xf32>,
        %get3A_1264 = vector.shape_cast %get3A_1263 : vector<1x16xf32> to vector<16xf32>
        %mul3A_1265 = vector.broadcast %squeeze3A_1260 : f32 to vector<16xf32>
        %mul3A_1266 = arith.mulf %get3A_1264, %mul3A_1265 : vector<16xf32>
        %swap3A_1267 = arith.index_cast %add3A_1258 : i32 to index
        %swap3A_1268 = arith.constant 0 : index
        %swap3A_1269 = tpu.vector_load %arg14[%swap3A_1267, %swap3A_1268] {strides = array<i32>} : memref<128x128xf32, #tpu.memory_space<vmem>>, vector<1x16xf32>,
        %swap3A_1270 = vector.shape_cast %swap3A_1269 : vector<1x16xf32> to vector<16xf32>
        %swap3A_1271 = vector.shape_cast %mul3A_1266 : vector<16xf32> to vector<1x16xf32>
        tpu.vector_store %arg14[%swap3A_1267, %swap3A_1268], %swap3A_1271 {strides = array<i32>} : memref<128x128xf32, #tpu.memory_space<vmem>>, vector<1x16xf32>,
        %get3A_1272 = arith.index_cast %add3A_1258 : i32 to index
        %get3A_1273 = arith.constant 16 : index
        %get3A_1274 = tpu.vector_load %arg14[%get3A_1272, %get3A_1273] {strides = array<i32>} : memref<128x128xf32, #tpu.memory_space<vmem>>, vector<1x16xf32>,
        %get3A_1275 = vector.shape_cast %get3A_1274 : vector<1x16xf32> to vector<16xf32>
        %mul3A_1276 = vector.broadcast %squeeze3A_1260 : f32 to vector<16xf32>
        %mul3A_1277 = arith.mulf %get3A_1275, %mul3A_1276 : vector<16xf32>
        %swap3A_1278 = arith.index_cast %add3A_1258 : i32 to index
        %swap3A_1279 = arith.constant 16 : index
        %swap3A_1280 = tpu.vector_load %arg14[%swap3A_1278, %swap3A_1279] {strides = array<i32>} : memref<128x128xf32, #tpu.memory_space<vmem>>, vector<1x16xf32>,
        %swap3A_1281 = vector.shape_cast %swap3A_1280 : vector<1x16xf32> to vector<16xf32>
        %swap3A_1282 = vector.shape_cast %mul3A_1277 : vector<16xf32> to vector<1x16xf32>
        tpu.vector_store %arg14[%swap3A_1278, %swap3A_1279], %swap3A_1282 {strides = array<i32>} : memref<128x128xf32, #tpu.memory_space<vmem>>, vector<1x16xf32>,
        %get3A_1283 = arith.index_cast %add3A_1258 : i32 to index
        %get3A_1284 = arith.constant 32 : index
        %get3A_1285 = tpu.vector_load %arg14[%get3A_1283, %get3A_1284] {strides = array<i32>} : memref<128x128xf32, #tpu.memory_space<vmem>>, vector<1x16xf32>,
        %get3A_1286 = vector.shape_cast %get3A_1285 : vector<1x16xf32> to vector<16xf32>
        %mul3A_1287 = vector.broadcast %squeeze3A_1260 : f32 to vector<16xf32>
        %mul3A_1288 = arith.mulf %get3A_1286, %mul3A_1287 : vector<16xf32>
        %swap3A_1289 = arith.index_cast %add3A_1258 : i32 to index
        %swap3A_1290 = arith.constant 32 : index
        %swap3A_1291 = tpu.vector_load %arg14[%swap3A_1289, %swap3A_1290] {strides = array<i32>} : memref<128x128xf32, #tpu.memory_space<vmem>>, vector<1x16xf32>,
        %swap3A_1292 = vector.shape_cast %swap3A_1291 : vector<1x16xf32> to vector<16xf32>
        %swap3A_1293 = vector.shape_cast %mul3A_1288 : vector<16xf32> to vector<1x16xf32>
        tpu.vector_store %arg14[%swap3A_1289, %swap3A_1290], %swap3A_1293 {strides = array<i32>} : memref<128x128xf32, #tpu.memory_space<vmem>>, vector<1x16xf32>,
        %get3A_1294 = arith.index_cast %add3A_1258 : i32 to index
        %get3A_1295 = arith.constant 48 : index
        %get3A_1296 = tpu.vector_load %arg14[%get3A_1294, %get3A_1295] {strides = array<i32>} : memref<128x128xf32, #tpu.memory_space<vmem>>, vector<1x16xf32>,
        %get3A_1297 = vector.shape_cast %get3A_1296 : vector<1x16xf32> to vector<16xf32>
        %mul3A_1298 = vector.broadcast %squeeze3A_1260 : f32 to vector<16xf32>
        %mul3A_1299 = arith.mulf %get3A_1297, %mul3A_1298 : vector<16xf32>
        %swap3A_1300 = arith.index_cast %add3A_1258 : i32 to index
        %swap3A_1301 = arith.constant 48 : index
        %swap3A_1302 = tpu.vector_load %arg14[%swap3A_1300, %swap3A_1301] {strides = array<i32>} : memref<128x128xf32, #tpu.memory_space<vmem>>, vector<1x16xf32>,
        %swap3A_1303 = vector.shape_cast %swap3A_1302 : vector<1x16xf32> to vector<16xf32>
        %swap3A_1304 = vector.shape_cast %mul3A_1299 : vector<16xf32> to vector<1x16xf32>
        tpu.vector_store %arg14[%swap3A_1300, %swap3A_1301], %swap3A_1304 {strides = array<i32>} : memref<128x128xf32, #tpu.memory_space<vmem>>, vector<1x16xf32>,
        %get3A_1305 = arith.index_cast %add3A_1258 : i32 to index
        %get3A_1306 = arith.constant 64 : index
        %get3A_1307 = tpu.vector_load %arg14[%get3A_1305, %get3A_1306] {strides = array<i32>} : memref<128x128xf32, #tpu.memory_space<vmem>>, vector<1x16xf32>,
        %get3A_1308 = vector.shape_cast %get3A_1307 : vector<1x16xf32> to vector<16xf32>
        %mul3A_1309 = vector.broadcast %squeeze3A_1260 : f32 to vector<16xf32>
        %mul3A_1310 = arith.mulf %get3A_1308, %mul3A_1309 : vector<16xf32>
        %swap3A_1311 = arith.index_cast %add3A_1258 : i32 to index
        %swap3A_1312 = arith.constant 64 : index
        %swap3A_1313 = tpu.vector_load %arg14[%swap3A_1311, %swap3A_1312] {strides = array<i32>} : memref<128x128xf32, #tpu.memory_space<vmem>>, vector<1x16xf32>,
        %swap3A_1314 = vector.shape_cast %swap3A_1313 : vector<1x16xf32> to vector<16xf32>
        %swap3A_1315 = vector.shape_cast %mul3A_1310 : vector<16xf32> to vector<1x16xf32>
        tpu.vector_store %arg14[%swap3A_1311, %swap3A_1312], %swap3A_1315 {strides = array<i32>} : memref<128x128xf32, #tpu.memory_space<vmem>>, vector<1x16xf32>,
        %get3A_1316 = arith.index_cast %add3A_1258 : i32 to index
        %get3A_1317 = arith.constant 80 : index
        %get3A_1318 = tpu.vector_load %arg14[%get3A_1316, %get3A_1317] {strides = array<i32>} : memref<128x128xf32, #tpu.memory_space<vmem>>, vector<1x16xf32>,
        %get3A_1319 = vector.shape_cast %get3A_1318 : vector<1x16xf32> to vector<16xf32>
        %mul3A_1320 = vector.broadcast %squeeze3A_1260 : f32 to vector<16xf32>
        %mul3A_1321 = arith.mulf %get3A_1319, %mul3A_1320 : vector<16xf32>
        %swap3A_1322 = arith.index_cast %add3A_1258 : i32 to index
        %swap3A_1323 = arith.constant 80 : index
        %swap3A_1324 = tpu.vector_load %arg14[%swap3A_1322, %swap3A_1323] {strides = array<i32>} : memref<128x128xf32, #tpu.memory_space<vmem>>, vector<1x16xf32>,
        %swap3A_1325 = vector.shape_cast %swap3A_1324 : vector<1x16xf32> to vector<16xf32>
        %swap3A_1326 = vector.shape_cast %mul3A_1321 : vector<16xf32> to vector<1x16xf32>
        tpu.vector_store %arg14[%swap3A_1322, %swap3A_1323], %swap3A_1326 {strides = array<i32>} : memref<128x128xf32, #tpu.memory_space<vmem>>, vector<1x16xf32>,
        %get3A_1327 = arith.index_cast %add3A_1258 : i32 to index
        %get3A_1328 = arith.constant 96 : index
        %get3A_1329 = tpu.vector_load %arg14[%get3A_1327, %get3A_1328] {strides = array<i32>} : memref<128x128xf32, #tpu.memory_space<vmem>>, vector<1x16xf32>,
        %get3A_1330 = vector.shape_cast %get3A_1329 : vector<1x16xf32> to vector<16xf32>
        %mul3A_1331 = vector.broadcast %squeeze3A_1260 : f32 to vector<16xf32>
        %mul3A_1332 = arith.mulf %get3A_1330, %mul3A_1331 : vector<16xf32>
        %swap3A_1333 = arith.index_cast %add3A_1258 : i32 to index
        %swap3A_1334 = arith.constant 96 : index
        %swap3A_1335 = tpu.vector_load %arg14[%swap3A_1333, %swap3A_1334] {strides = array<i32>} : memref<128x128xf32, #tpu.memory_space<vmem>>, vector<1x16xf32>,
        %swap3A_1336 = vector.shape_cast %swap3A_1335 : vector<1x16xf32> to vector<16xf32>
        %swap3A_1337 = vector.shape_cast %mul3A_1332 : vector<16xf32> to vector<1x16xf32>
        tpu.vector_store %arg14[%swap3A_1333, %swap3A_1334], %swap3A_1337 {strides = array<i32>} : memref<128x128xf32, #tpu.memory_space<vmem>>, vector<1x16xf32>,
        %get3A_1338 = arith.index_cast %add3A_1258 : i32 to index
        %get3A_1339 = arith.constant 112 : index
        %get3A_1340 = tpu.vector_load %arg14[%get3A_1338, %get3A_1339] {strides = array<i32>} : memref<128x128xf32, #tpu.memory_space<vmem>>, vector<1x16xf32>,
        %get3A_1341 = vector.shape_cast %get3A_1340 : vector<1x16xf32> to vector<16xf32>
        %mul3A_1342 = vector.broadcast %squeeze3A_1260 : f32 to vector<16xf32>
        %mul3A_1343 = arith.mulf %get3A_1341, %mul3A_1342 : vector<16xf32>
        %swap3A_1344 = arith.index_cast %add3A_1258 : i32 to index
        %swap3A_1345 = arith.constant 112 : index
        %swap3A_1346 = tpu.vector_load %arg14[%swap3A_1344, %swap3A_1345] {strides = array<i32>} : memref<128x128xf32, #tpu.memory_space<vmem>>, vector<1x16xf32>,
        %swap3A_1347 = vector.shape_cast %swap3A_1346 : vector<1x16xf32> to vector<16xf32>
        %swap3A_1348 = vector.shape_cast %mul3A_1343 : vector<16xf32> to vector<1x16xf32>
        tpu.vector_store %arg14[%swap3A_1344, %swap3A_1345], %swap3A_1348 {strides = array<i32>} : memref<128x128xf32, #tpu.memory_space<vmem>>, vector<1x16xf32>,
        %mul3A_1349 = arith.constant 16 : i32
        %mul3A_1350 = arith.muli %scan3A_219, %mul3A_1349 : i32
        %add3A_1351 = arith.constant 12 : i32
        %add3A_1352 = arith.addi %mul3A_1350, %add3A_1351 : i32
        %slice3A_1353 = vector.extract_strided_slice %get3A_223 {offsets = [12], sizes = [1], strides = [1]} : vector<16xf32> to vector<1xf32>
        %squeeze3A_1354 = vector.extract %slice3A_1353[0] : f32 from vector<1xf32>
        %get3A_1355 = arith.index_cast %add3A_1352 : i32 to index
        %get3A_1356 = arith.constant 0 : index
        %get3A_1357 = tpu.vector_load %arg14[%get3A_1355, %get3A_1356] {strides = array<i32>} : memref<128x128xf32, #tpu.memory_space<vmem>>, vector<1x16xf32>,
        %get3A_1358 = vector.shape_cast %get3A_1357 : vector<1x16xf32> to vector<16xf32>
        %mul3A_1359 = vector.broadcast %squeeze3A_1354 : f32 to vector<16xf32>
        %mul3A_1360 = arith.mulf %get3A_1358, %mul3A_1359 : vector<16xf32>
        %swap3A_1361 = arith.index_cast %add3A_1352 : i32 to index
        %swap3A_1362 = arith.constant 0 : index
        %swap3A_1363 = tpu.vector_load %arg14[%swap3A_1361, %swap3A_1362] {strides = array<i32>} : memref<128x128xf32, #tpu.memory_space<vmem>>, vector<1x16xf32>,
        %swap3A_1364 = vector.shape_cast %swap3A_1363 : vector<1x16xf32> to vector<16xf32>
        %swap3A_1365 = vector.shape_cast %mul3A_1360 : vector<16xf32> to vector<1x16xf32>
        tpu.vector_store %arg14[%swap3A_1361, %swap3A_1362], %swap3A_1365 {strides = array<i32>} : memref<128x128xf32, #tpu.memory_space<vmem>>, vector<1x16xf32>,
        %get3A_1366 = arith.index_cast %add3A_1352 : i32 to index
        %get3A_1367 = arith.constant 16 : index
        %get3A_1368 = tpu.vector_load %arg14[%get3A_1366, %get3A_1367] {strides = array<i32>} : memref<128x128xf32, #tpu.memory_space<vmem>>, vector<1x16xf32>,
        %get3A_1369 = vector.shape_cast %get3A_1368 : vector<1x16xf32> to vector<16xf32>
        %mul3A_1370 = vector.broadcast %squeeze3A_1354 : f32 to vector<16xf32>
        %mul3A_1371 = arith.mulf %get3A_1369, %mul3A_1370 : vector<16xf32>
        %swap3A_1372 = arith.index_cast %add3A_1352 : i32 to index
        %swap3A_1373 = arith.constant 16 : index
        %swap3A_1374 = tpu.vector_load %arg14[%swap3A_1372, %swap3A_1373] {strides = array<i32>} : memref<128x128xf32, #tpu.memory_space<vmem>>, vector<1x16xf32>,
        %swap3A_1375 = vector.shape_cast %swap3A_1374 : vector<1x16xf32> to vector<16xf32>
        %swap3A_1376 = vector.shape_cast %mul3A_1371 : vector<16xf32> to vector<1x16xf32>
        tpu.vector_store %arg14[%swap3A_1372, %swap3A_1373], %swap3A_1376 {strides = array<i32>} : memref<128x128xf32, #tpu.memory_space<vmem>>, vector<1x16xf32>,
        %get3A_1377 = arith.index_cast %add3A_1352 : i32 to index
        %get3A_1378 = arith.constant 32 : index
        %get3A_1379 = tpu.vector_load %arg14[%get3A_1377, %get3A_1378] {strides = array<i32>} : memref<128x128xf32, #tpu.memory_space<vmem>>, vector<1x16xf32>,
        %get3A_1380 = vector.shape_cast %get3A_1379 : vector<1x16xf32> to vector<16xf32>
        %mul3A_1381 = vector.broadcast %squeeze3A_1354 : f32 to vector<16xf32>
        %mul3A_1382 = arith.mulf %get3A_1380, %mul3A_1381 : vector<16xf32>
        %swap3A_1383 = arith.index_cast %add3A_1352 : i32 to index
        %swap3A_1384 = arith.constant 32 : index
        %swap3A_1385 = tpu.vector_load %arg14[%swap3A_1383, %swap3A_1384] {strides = array<i32>} : memref<128x128xf32, #tpu.memory_space<vmem>>, vector<1x16xf32>,
        %swap3A_1386 = vector.shape_cast %swap3A_1385 : vector<1x16xf32> to vector<16xf32>
        %swap3A_1387 = vector.shape_cast %mul3A_1382 : vector<16xf32> to vector<1x16xf32>
        tpu.vector_store %arg14[%swap3A_1383, %swap3A_1384], %swap3A_1387 {strides = array<i32>} : memref<128x128xf32, #tpu.memory_space<vmem>>, vector<1x16xf32>,
        %get3A_1388 = arith.index_cast %add3A_1352 : i32 to index
        %get3A_1389 = arith.constant 48 : index
        %get3A_1390 = tpu.vector_load %arg14[%get3A_1388, %get3A_1389] {strides = array<i32>} : memref<128x128xf32, #tpu.memory_space<vmem>>, vector<1x16xf32>,
        %get3A_1391 = vector.shape_cast %get3A_1390 : vector<1x16xf32> to vector<16xf32>
        %mul3A_1392 = vector.broadcast %squeeze3A_1354 : f32 to vector<16xf32>
        %mul3A_1393 = arith.mulf %get3A_1391, %mul3A_1392 : vector<16xf32>
        %swap3A_1394 = arith.index_cast %add3A_1352 : i32 to index
        %swap3A_1395 = arith.constant 48 : index
        %swap3A_1396 = tpu.vector_load %arg14[%swap3A_1394, %swap3A_1395] {strides = array<i32>} : memref<128x128xf32, #tpu.memory_space<vmem>>, vector<1x16xf32>,
        %swap3A_1397 = vector.shape_cast %swap3A_1396 : vector<1x16xf32> to vector<16xf32>
        %swap3A_1398 = vector.shape_cast %mul3A_1393 : vector<16xf32> to vector<1x16xf32>
        tpu.vector_store %arg14[%swap3A_1394, %swap3A_1395], %swap3A_1398 {strides = array<i32>} : memref<128x128xf32, #tpu.memory_space<vmem>>, vector<1x16xf32>,
        %get3A_1399 = arith.index_cast %add3A_1352 : i32 to index
        %get3A_1400 = arith.constant 64 : index
        %get3A_1401 = tpu.vector_load %arg14[%get3A_1399, %get3A_1400] {strides = array<i32>} : memref<128x128xf32, #tpu.memory_space<vmem>>, vector<1x16xf32>,
        %get3A_1402 = vector.shape_cast %get3A_1401 : vector<1x16xf32> to vector<16xf32>
        %mul3A_1403 = vector.broadcast %squeeze3A_1354 : f32 to vector<16xf32>
        %mul3A_1404 = arith.mulf %get3A_1402, %mul3A_1403 : vector<16xf32>
        %swap3A_1405 = arith.index_cast %add3A_1352 : i32 to index
        %swap3A_1406 = arith.constant 64 : index
        %swap3A_1407 = tpu.vector_load %arg14[%swap3A_1405, %swap3A_1406] {strides = array<i32>} : memref<128x128xf32, #tpu.memory_space<vmem>>, vector<1x16xf32>,
        %swap3A_1408 = vector.shape_cast %swap3A_1407 : vector<1x16xf32> to vector<16xf32>
        %swap3A_1409 = vector.shape_cast %mul3A_1404 : vector<16xf32> to vector<1x16xf32>
        tpu.vector_store %arg14[%swap3A_1405, %swap3A_1406], %swap3A_1409 {strides = array<i32>} : memref<128x128xf32, #tpu.memory_space<vmem>>, vector<1x16xf32>,
        %get3A_1410 = arith.index_cast %add3A_1352 : i32 to index
        %get3A_1411 = arith.constant 80 : index
        %get3A_1412 = tpu.vector_load %arg14[%get3A_1410, %get3A_1411] {strides = array<i32>} : memref<128x128xf32, #tpu.memory_space<vmem>>, vector<1x16xf32>,
        %get3A_1413 = vector.shape_cast %get3A_1412 : vector<1x16xf32> to vector<16xf32>
        %mul3A_1414 = vector.broadcast %squeeze3A_1354 : f32 to vector<16xf32>
        %mul3A_1415 = arith.mulf %get3A_1413, %mul3A_1414 : vector<16xf32>
        %swap3A_1416 = arith.index_cast %add3A_1352 : i32 to index
        %swap3A_1417 = arith.constant 80 : index
        %swap3A_1418 = tpu.vector_load %arg14[%swap3A_1416, %swap3A_1417] {strides = array<i32>} : memref<128x128xf32, #tpu.memory_space<vmem>>, vector<1x16xf32>,
        %swap3A_1419 = vector.shape_cast %swap3A_1418 : vector<1x16xf32> to vector<16xf32>
        %swap3A_1420 = vector.shape_cast %mul3A_1415 : vector<16xf32> to vector<1x16xf32>
        tpu.vector_store %arg14[%swap3A_1416, %swap3A_1417], %swap3A_1420 {strides = array<i32>} : memref<128x128xf32, #tpu.memory_space<vmem>>, vector<1x16xf32>,
        %get3A_1421 = arith.index_cast %add3A_1352 : i32 to index
        %get3A_1422 = arith.constant 96 : index
        %get3A_1423 = tpu.vector_load %arg14[%get3A_1421, %get3A_1422] {strides = array<i32>} : memref<128x128xf32, #tpu.memory_space<vmem>>, vector<1x16xf32>,
        %get3A_1424 = vector.shape_cast %get3A_1423 : vector<1x16xf32> to vector<16xf32>
        %mul3A_1425 = vector.broadcast %squeeze3A_1354 : f32 to vector<16xf32>
        %mul3A_1426 = arith.mulf %get3A_1424, %mul3A_1425 : vector<16xf32>
        %swap3A_1427 = arith.index_cast %add3A_1352 : i32 to index
        %swap3A_1428 = arith.constant 96 : index
        %swap3A_1429 = tpu.vector_load %arg14[%swap3A_1427, %swap3A_1428] {strides = array<i32>} : memref<128x128xf32, #tpu.memory_space<vmem>>, vector<1x16xf32>,
        %swap3A_1430 = vector.shape_cast %swap3A_1429 : vector<1x16xf32> to vector<16xf32>
        %swap3A_1431 = vector.shape_cast %mul3A_1426 : vector<16xf32> to vector<1x16xf32>
        tpu.vector_store %arg14[%swap3A_1427, %swap3A_1428], %swap3A_1431 {strides = array<i32>} : memref<128x128xf32, #tpu.memory_space<vmem>>, vector<1x16xf32>,
        %get3A_1432 = arith.index_cast %add3A_1352 : i32 to index
        %get3A_1433 = arith.constant 112 : index
        %get3A_1434 = tpu.vector_load %arg14[%get3A_1432, %get3A_1433] {strides = array<i32>} : memref<128x128xf32, #tpu.memory_space<vmem>>, vector<1x16xf32>,
        %get3A_1435 = vector.shape_cast %get3A_1434 : vector<1x16xf32> to vector<16xf32>
        %mul3A_1436 = vector.broadcast %squeeze3A_1354 : f32 to vector<16xf32>
        %mul3A_1437 = arith.mulf %get3A_1435, %mul3A_1436 : vector<16xf32>
        %swap3A_1438 = arith.index_cast %add3A_1352 : i32 to index
        %swap3A_1439 = arith.constant 112 : index
        %swap3A_1440 = tpu.vector_load %arg14[%swap3A_1438, %swap3A_1439] {strides = array<i32>} : memref<128x128xf32, #tpu.memory_space<vmem>>, vector<1x16xf32>,
        %swap3A_1441 = vector.shape_cast %swap3A_1440 : vector<1x16xf32> to vector<16xf32>
        %swap3A_1442 = vector.shape_cast %mul3A_1437 : vector<16xf32> to vector<1x16xf32>
        tpu.vector_store %arg14[%swap3A_1438, %swap3A_1439], %swap3A_1442 {strides = array<i32>} : memref<128x128xf32, #tpu.memory_space<vmem>>, vector<1x16xf32>,
        %mul3A_1443 = arith.constant 16 : i32
        %mul3A_1444 = arith.muli %scan3A_219, %mul3A_1443 : i32
        %add3A_1445 = arith.constant 13 : i32
        %add3A_1446 = arith.addi %mul3A_1444, %add3A_1445 : i32
        %slice3A_1447 = vector.extract_strided_slice %get3A_223 {offsets = [13], sizes = [1], strides = [1]} : vector<16xf32> to vector<1xf32>
        %squeeze3A_1448 = vector.extract %slice3A_1447[0] : f32 from vector<1xf32>
        %get3A_1449 = arith.index_cast %add3A_1446 : i32 to index
        %get3A_1450 = arith.constant 0 : index
        %get3A_1451 = tpu.vector_load %arg14[%get3A_1449, %get3A_1450] {strides = array<i32>} : memref<128x128xf32, #tpu.memory_space<vmem>>, vector<1x16xf32>,
        %get3A_1452 = vector.shape_cast %get3A_1451 : vector<1x16xf32> to vector<16xf32>
        %mul3A_1453 = vector.broadcast %squeeze3A_1448 : f32 to vector<16xf32>
        %mul3A_1454 = arith.mulf %get3A_1452, %mul3A_1453 : vector<16xf32>
        %swap3A_1455 = arith.index_cast %add3A_1446 : i32 to index
        %swap3A_1456 = arith.constant 0 : index
        %swap3A_1457 = tpu.vector_load %arg14[%swap3A_1455, %swap3A_1456] {strides = array<i32>} : memref<128x128xf32, #tpu.memory_space<vmem>>, vector<1x16xf32>,
        %swap3A_1458 = vector.shape_cast %swap3A_1457 : vector<1x16xf32> to vector<16xf32>
        %swap3A_1459 = vector.shape_cast %mul3A_1454 : vector<16xf32> to vector<1x16xf32>
        tpu.vector_store %arg14[%swap3A_1455, %swap3A_1456], %swap3A_1459 {strides = array<i32>} : memref<128x128xf32, #tpu.memory_space<vmem>>, vector<1x16xf32>,
        %get3A_1460 = arith.index_cast %add3A_1446 : i32 to index
        %get3A_1461 = arith.constant 16 : index
        %get3A_1462 = tpu.vector_load %arg14[%get3A_1460, %get3A_1461] {strides = array<i32>} : memref<128x128xf32, #tpu.memory_space<vmem>>, vector<1x16xf32>,
        %get3A_1463 = vector.shape_cast %get3A_1462 : vector<1x16xf32> to vector<16xf32>
        %mul3A_1464 = vector.broadcast %squeeze3A_1448 : f32 to vector<16xf32>
        %mul3A_1465 = arith.mulf %get3A_1463, %mul3A_1464 : vector<16xf32>
        %swap3A_1466 = arith.index_cast %add3A_1446 : i32 to index
        %swap3A_1467 = arith.constant 16 : index
        %swap3A_1468 = tpu.vector_load %arg14[%swap3A_1466, %swap3A_1467] {strides = array<i32>} : memref<128x128xf32, #tpu.memory_space<vmem>>, vector<1x16xf32>,
        %swap3A_1469 = vector.shape_cast %swap3A_1468 : vector<1x16xf32> to vector<16xf32>
        %swap3A_1470 = vector.shape_cast %mul3A_1465 : vector<16xf32> to vector<1x16xf32>
        tpu.vector_store %arg14[%swap3A_1466, %swap3A_1467], %swap3A_1470 {strides = array<i32>} : memref<128x128xf32, #tpu.memory_space<vmem>>, vector<1x16xf32>,
        %get3A_1471 = arith.index_cast %add3A_1446 : i32 to index
        %get3A_1472 = arith.constant 32 : index
        %get3A_1473 = tpu.vector_load %arg14[%get3A_1471, %get3A_1472] {strides = array<i32>} : memref<128x128xf32, #tpu.memory_space<vmem>>, vector<1x16xf32>,
        %get3A_1474 = vector.shape_cast %get3A_1473 : vector<1x16xf32> to vector<16xf32>
        %mul3A_1475 = vector.broadcast %squeeze3A_1448 : f32 to vector<16xf32>
        %mul3A_1476 = arith.mulf %get3A_1474, %mul3A_1475 : vector<16xf32>
        %swap3A_1477 = arith.index_cast %add3A_1446 : i32 to index
        %swap3A_1478 = arith.constant 32 : index
        %swap3A_1479 = tpu.vector_load %arg14[%swap3A_1477, %swap3A_1478] {strides = array<i32>} : memref<128x128xf32, #tpu.memory_space<vmem>>, vector<1x16xf32>,
        %swap3A_1480 = vector.shape_cast %swap3A_1479 : vector<1x16xf32> to vector<16xf32>
        %swap3A_1481 = vector.shape_cast %mul3A_1476 : vector<16xf32> to vector<1x16xf32>
        tpu.vector_store %arg14[%swap3A_1477, %swap3A_1478], %swap3A_1481 {strides = array<i32>} : memref<128x128xf32, #tpu.memory_space<vmem>>, vector<1x16xf32>,
        %get3A_1482 = arith.index_cast %add3A_1446 : i32 to index
        %get3A_1483 = arith.constant 48 : index
        %get3A_1484 = tpu.vector_load %arg14[%get3A_1482, %get3A_1483] {strides = array<i32>} : memref<128x128xf32, #tpu.memory_space<vmem>>, vector<1x16xf32>,
        %get3A_1485 = vector.shape_cast %get3A_1484 : vector<1x16xf32> to vector<16xf32>
        %mul3A_1486 = vector.broadcast %squeeze3A_1448 : f32 to vector<16xf32>
        %mul3A_1487 = arith.mulf %get3A_1485, %mul3A_1486 : vector<16xf32>
        %swap3A_1488 = arith.index_cast %add3A_1446 : i32 to index
        %swap3A_1489 = arith.constant 48 : index
        %swap3A_1490 = tpu.vector_load %arg14[%swap3A_1488, %swap3A_1489] {strides = array<i32>} : memref<128x128xf32, #tpu.memory_space<vmem>>, vector<1x16xf32>,
        %swap3A_1491 = vector.shape_cast %swap3A_1490 : vector<1x16xf32> to vector<16xf32>
        %swap3A_1492 = vector.shape_cast %mul3A_1487 : vector<16xf32> to vector<1x16xf32>
        tpu.vector_store %arg14[%swap3A_1488, %swap3A_1489], %swap3A_1492 {strides = array<i32>} : memref<128x128xf32, #tpu.memory_space<vmem>>, vector<1x16xf32>,
        %get3A_1493 = arith.index_cast %add3A_1446 : i32 to index
        %get3A_1494 = arith.constant 64 : index
        %get3A_1495 = tpu.vector_load %arg14[%get3A_1493, %get3A_1494] {strides = array<i32>} : memref<128x128xf32, #tpu.memory_space<vmem>>, vector<1x16xf32>,
        %get3A_1496 = vector.shape_cast %get3A_1495 : vector<1x16xf32> to vector<16xf32>
        %mul3A_1497 = vector.broadcast %squeeze3A_1448 : f32 to vector<16xf32>
        %mul3A_1498 = arith.mulf %get3A_1496, %mul3A_1497 : vector<16xf32>
        %swap3A_1499 = arith.index_cast %add3A_1446 : i32 to index
        %swap3A_1500 = arith.constant 64 : index
        %swap3A_1501 = tpu.vector_load %arg14[%swap3A_1499, %swap3A_1500] {strides = array<i32>} : memref<128x128xf32, #tpu.memory_space<vmem>>, vector<1x16xf32>,
        %swap3A_1502 = vector.shape_cast %swap3A_1501 : vector<1x16xf32> to vector<16xf32>
        %swap3A_1503 = vector.shape_cast %mul3A_1498 : vector<16xf32> to vector<1x16xf32>
        tpu.vector_store %arg14[%swap3A_1499, %swap3A_1500], %swap3A_1503 {strides = array<i32>} : memref<128x128xf32, #tpu.memory_space<vmem>>, vector<1x16xf32>,
        %get3A_1504 = arith.index_cast %add3A_1446 : i32 to index
        %get3A_1505 = arith.constant 80 : index
        %get3A_1506 = tpu.vector_load %arg14[%get3A_1504, %get3A_1505] {strides = array<i32>} : memref<128x128xf32, #tpu.memory_space<vmem>>, vector<1x16xf32>,
        %get3A_1507 = vector.shape_cast %get3A_1506 : vector<1x16xf32> to vector<16xf32>
        %mul3A_1508 = vector.broadcast %squeeze3A_1448 : f32 to vector<16xf32>
        %mul3A_1509 = arith.mulf %get3A_1507, %mul3A_1508 : vector<16xf32>
        %swap3A_1510 = arith.index_cast %add3A_1446 : i32 to index
        %swap3A_1511 = arith.constant 80 : index
        %swap3A_1512 = tpu.vector_load %arg14[%swap3A_1510, %swap3A_1511] {strides = array<i32>} : memref<128x128xf32, #tpu.memory_space<vmem>>, vector<1x16xf32>,
        %swap3A_1513 = vector.shape_cast %swap3A_1512 : vector<1x16xf32> to vector<16xf32>
        %swap3A_1514 = vector.shape_cast %mul3A_1509 : vector<16xf32> to vector<1x16xf32>
        tpu.vector_store %arg14[%swap3A_1510, %swap3A_1511], %swap3A_1514 {strides = array<i32>} : memref<128x128xf32, #tpu.memory_space<vmem>>, vector<1x16xf32>,
        %get3A_1515 = arith.index_cast %add3A_1446 : i32 to index
        %get3A_1516 = arith.constant 96 : index
        %get3A_1517 = tpu.vector_load %arg14[%get3A_1515, %get3A_1516] {strides = array<i32>} : memref<128x128xf32, #tpu.memory_space<vmem>>, vector<1x16xf32>,
        %get3A_1518 = vector.shape_cast %get3A_1517 : vector<1x16xf32> to vector<16xf32>
        %mul3A_1519 = vector.broadcast %squeeze3A_1448 : f32 to vector<16xf32>
        %mul3A_1520 = arith.mulf %get3A_1518, %mul3A_1519 : vector<16xf32>
        %swap3A_1521 = arith.index_cast %add3A_1446 : i32 to index
        %swap3A_1522 = arith.constant 96 : index
        %swap3A_1523 = tpu.vector_load %arg14[%swap3A_1521, %swap3A_1522] {strides = array<i32>} : memref<128x128xf32, #tpu.memory_space<vmem>>, vector<1x16xf32>,
        %swap3A_1524 = vector.shape_cast %swap3A_1523 : vector<1x16xf32> to vector<16xf32>
        %swap3A_1525 = vector.shape_cast %mul3A_1520 : vector<16xf32> to vector<1x16xf32>
        tpu.vector_store %arg14[%swap3A_1521, %swap3A_1522], %swap3A_1525 {strides = array<i32>} : memref<128x128xf32, #tpu.memory_space<vmem>>, vector<1x16xf32>,
        %get3A_1526 = arith.index_cast %add3A_1446 : i32 to index
        %get3A_1527 = arith.constant 112 : index
        %get3A_1528 = tpu.vector_load %arg14[%get3A_1526, %get3A_1527] {strides = array<i32>} : memref<128x128xf32, #tpu.memory_space<vmem>>, vector<1x16xf32>,
        %get3A_1529 = vector.shape_cast %get3A_1528 : vector<1x16xf32> to vector<16xf32>
        %mul3A_1530 = vector.broadcast %squeeze3A_1448 : f32 to vector<16xf32>
        %mul3A_1531 = arith.mulf %get3A_1529, %mul3A_1530 : vector<16xf32>
        %swap3A_1532 = arith.index_cast %add3A_1446 : i32 to index
        %swap3A_1533 = arith.constant 112 : index
        %swap3A_1534 = tpu.vector_load %arg14[%swap3A_1532, %swap3A_1533] {strides = array<i32>} : memref<128x128xf32, #tpu.memory_space<vmem>>, vector<1x16xf32>,
        %swap3A_1535 = vector.shape_cast %swap3A_1534 : vector<1x16xf32> to vector<16xf32>
        %swap3A_1536 = vector.shape_cast %mul3A_1531 : vector<16xf32> to vector<1x16xf32>
        tpu.vector_store %arg14[%swap3A_1532, %swap3A_1533], %swap3A_1536 {strides = array<i32>} : memref<128x128xf32, #tpu.memory_space<vmem>>, vector<1x16xf32>,
        %mul3A_1537 = arith.constant 16 : i32
        %mul3A_1538 = arith.muli %scan3A_219, %mul3A_1537 : i32
        %add3A_1539 = arith.constant 14 : i32
        %add3A_1540 = arith.addi %mul3A_1538, %add3A_1539 : i32
        %slice3A_1541 = vector.extract_strided_slice %get3A_223 {offsets = [14], sizes = [1], strides = [1]} : vector<16xf32> to vector<1xf32>
        %squeeze3A_1542 = vector.extract %slice3A_1541[0] : f32 from vector<1xf32>
        %get3A_1543 = arith.index_cast %add3A_1540 : i32 to index
        %get3A_1544 = arith.constant 0 : index
        %get3A_1545 = tpu.vector_load %arg14[%get3A_1543, %get3A_1544] {strides = array<i32>} : memref<128x128xf32, #tpu.memory_space<vmem>>, vector<1x16xf32>,
        %get3A_1546 = vector.shape_cast %get3A_1545 : vector<1x16xf32> to vector<16xf32>
        %mul3A_1547 = vector.broadcast %squeeze3A_1542 : f32 to vector<16xf32>
        %mul3A_1548 = arith.mulf %get3A_1546, %mul3A_1547 : vector<16xf32>
        %swap3A_1549 = arith.index_cast %add3A_1540 : i32 to index
        %swap3A_1550 = arith.constant 0 : index
        %swap3A_1551 = tpu.vector_load %arg14[%swap3A_1549, %swap3A_1550] {strides = array<i32>} : memref<128x128xf32, #tpu.memory_space<vmem>>, vector<1x16xf32>,
        %swap3A_1552 = vector.shape_cast %swap3A_1551 : vector<1x16xf32> to vector<16xf32>
        %swap3A_1553 = vector.shape_cast %mul3A_1548 : vector<16xf32> to vector<1x16xf32>
        tpu.vector_store %arg14[%swap3A_1549, %swap3A_1550], %swap3A_1553 {strides = array<i32>} : memref<128x128xf32, #tpu.memory_space<vmem>>, vector<1x16xf32>,
        %get3A_1554 = arith.index_cast %add3A_1540 : i32 to index
        %get3A_1555 = arith.constant 16 : index
        %get3A_1556 = tpu.vector_load %arg14[%get3A_1554, %get3A_1555] {strides = array<i32>} : memref<128x128xf32, #tpu.memory_space<vmem>>, vector<1x16xf32>,
        %get3A_1557 = vector.shape_cast %get3A_1556 : vector<1x16xf32> to vector<16xf32>
        %mul3A_1558 = vector.broadcast %squeeze3A_1542 : f32 to vector<16xf32>
        %mul3A_1559 = arith.mulf %get3A_1557, %mul3A_1558 : vector<16xf32>
        %swap3A_1560 = arith.index_cast %add3A_1540 : i32 to index
        %swap3A_1561 = arith.constant 16 : index
        %swap3A_1562 = tpu.vector_load %arg14[%swap3A_1560, %swap3A_1561] {strides = array<i32>} : memref<128x128xf32, #tpu.memory_space<vmem>>, vector<1x16xf32>,
        %swap3A_1563 = vector.shape_cast %swap3A_1562 : vector<1x16xf32> to vector<16xf32>
        %swap3A_1564 = vector.shape_cast %mul3A_1559 : vector<16xf32> to vector<1x16xf32>
        tpu.vector_store %arg14[%swap3A_1560, %swap3A_1561], %swap3A_1564 {strides = array<i32>} : memref<128x128xf32, #tpu.memory_space<vmem>>, vector<1x16xf32>,
        %get3A_1565 = arith.index_cast %add3A_1540 : i32 to index
        %get3A_1566 = arith.constant 32 : index
        %get3A_1567 = tpu.vector_load %arg14[%get3A_1565, %get3A_1566] {strides = array<i32>} : memref<128x128xf32, #tpu.memory_space<vmem>>, vector<1x16xf32>,
        %get3A_1568 = vector.shape_cast %get3A_1567 : vector<1x16xf32> to vector<16xf32>
        %mul3A_1569 = vector.broadcast %squeeze3A_1542 : f32 to vector<16xf32>
        %mul3A_1570 = arith.mulf %get3A_1568, %mul3A_1569 : vector<16xf32>
        %swap3A_1571 = arith.index_cast %add3A_1540 : i32 to index
        %swap3A_1572 = arith.constant 32 : index
        %swap3A_1573 = tpu.vector_load %arg14[%swap3A_1571, %swap3A_1572] {strides = array<i32>} : memref<128x128xf32, #tpu.memory_space<vmem>>, vector<1x16xf32>,
        %swap3A_1574 = vector.shape_cast %swap3A_1573 : vector<1x16xf32> to vector<16xf32>
        %swap3A_1575 = vector.shape_cast %mul3A_1570 : vector<16xf32> to vector<1x16xf32>
        tpu.vector_store %arg14[%swap3A_1571, %swap3A_1572], %swap3A_1575 {strides = array<i32>} : memref<128x128xf32, #tpu.memory_space<vmem>>, vector<1x16xf32>,
        %get3A_1576 = arith.index_cast %add3A_1540 : i32 to index
        %get3A_1577 = arith.constant 48 : index
        %get3A_1578 = tpu.vector_load %arg14[%get3A_1576, %get3A_1577] {strides = array<i32>} : memref<128x128xf32, #tpu.memory_space<vmem>>, vector<1x16xf32>,
        %get3A_1579 = vector.shape_cast %get3A_1578 : vector<1x16xf32> to vector<16xf32>
        %mul3A_1580 = vector.broadcast %squeeze3A_1542 : f32 to vector<16xf32>
        %mul3A_1581 = arith.mulf %get3A_1579, %mul3A_1580 : vector<16xf32>
        %swap3A_1582 = arith.index_cast %add3A_1540 : i32 to index
        %swap3A_1583 = arith.constant 48 : index
        %swap3A_1584 = tpu.vector_load %arg14[%swap3A_1582, %swap3A_1583] {strides = array<i32>} : memref<128x128xf32, #tpu.memory_space<vmem>>, vector<1x16xf32>,
        %swap3A_1585 = vector.shape_cast %swap3A_1584 : vector<1x16xf32> to vector<16xf32>
        %swap3A_1586 = vector.shape_cast %mul3A_1581 : vector<16xf32> to vector<1x16xf32>
        tpu.vector_store %arg14[%swap3A_1582, %swap3A_1583], %swap3A_1586 {strides = array<i32>} : memref<128x128xf32, #tpu.memory_space<vmem>>, vector<1x16xf32>,
        %get3A_1587 = arith.index_cast %add3A_1540 : i32 to index
        %get3A_1588 = arith.constant 64 : index
        %get3A_1589 = tpu.vector_load %arg14[%get3A_1587, %get3A_1588] {strides = array<i32>} : memref<128x128xf32, #tpu.memory_space<vmem>>, vector<1x16xf32>,
        %get3A_1590 = vector.shape_cast %get3A_1589 : vector<1x16xf32> to vector<16xf32>
        %mul3A_1591 = vector.broadcast %squeeze3A_1542 : f32 to vector<16xf32>
        %mul3A_1592 = arith.mulf %get3A_1590, %mul3A_1591 : vector<16xf32>
        %swap3A_1593 = arith.index_cast %add3A_1540 : i32 to index
        %swap3A_1594 = arith.constant 64 : index
        %swap3A_1595 = tpu.vector_load %arg14[%swap3A_1593, %swap3A_1594] {strides = array<i32>} : memref<128x128xf32, #tpu.memory_space<vmem>>, vector<1x16xf32>,
        %swap3A_1596 = vector.shape_cast %swap3A_1595 : vector<1x16xf32> to vector<16xf32>
        %swap3A_1597 = vector.shape_cast %mul3A_1592 : vector<16xf32> to vector<1x16xf32>
        tpu.vector_store %arg14[%swap3A_1593, %swap3A_1594], %swap3A_1597 {strides = array<i32>} : memref<128x128xf32, #tpu.memory_space<vmem>>, vector<1x16xf32>,
        %get3A_1598 = arith.index_cast %add3A_1540 : i32 to index
        %get3A_1599 = arith.constant 80 : index
        %get3A_1600 = tpu.vector_load %arg14[%get3A_1598, %get3A_1599] {strides = array<i32>} : memref<128x128xf32, #tpu.memory_space<vmem>>, vector<1x16xf32>,
        %get3A_1601 = vector.shape_cast %get3A_1600 : vector<1x16xf32> to vector<16xf32>
        %mul3A_1602 = vector.broadcast %squeeze3A_1542 : f32 to vector<16xf32>
        %mul3A_1603 = arith.mulf %get3A_1601, %mul3A_1602 : vector<16xf32>
        %swap3A_1604 = arith.index_cast %add3A_1540 : i32 to index
        %swap3A_1605 = arith.constant 80 : index
        %swap3A_1606 = tpu.vector_load %arg14[%swap3A_1604, %swap3A_1605] {strides = array<i32>} : memref<128x128xf32, #tpu.memory_space<vmem>>, vector<1x16xf32>,
        %swap3A_1607 = vector.shape_cast %swap3A_1606 : vector<1x16xf32> to vector<16xf32>
        %swap3A_1608 = vector.shape_cast %mul3A_1603 : vector<16xf32> to vector<1x16xf32>
        tpu.vector_store %arg14[%swap3A_1604, %swap3A_1605], %swap3A_1608 {strides = array<i32>} : memref<128x128xf32, #tpu.memory_space<vmem>>, vector<1x16xf32>,
        %get3A_1609 = arith.index_cast %add3A_1540 : i32 to index
        %get3A_1610 = arith.constant 96 : index
        %get3A_1611 = tpu.vector_load %arg14[%get3A_1609, %get3A_1610] {strides = array<i32>} : memref<128x128xf32, #tpu.memory_space<vmem>>, vector<1x16xf32>,
        %get3A_1612 = vector.shape_cast %get3A_1611 : vector<1x16xf32> to vector<16xf32>
        %mul3A_1613 = vector.broadcast %squeeze3A_1542 : f32 to vector<16xf32>
        %mul3A_1614 = arith.mulf %get3A_1612, %mul3A_1613 : vector<16xf32>
        %swap3A_1615 = arith.index_cast %add3A_1540 : i32 to index
        %swap3A_1616 = arith.constant 96 : index
        %swap3A_1617 = tpu.vector_load %arg14[%swap3A_1615, %swap3A_1616] {strides = array<i32>} : memref<128x128xf32, #tpu.memory_space<vmem>>, vector<1x16xf32>,
        %swap3A_1618 = vector.shape_cast %swap3A_1617 : vector<1x16xf32> to vector<16xf32>
        %swap3A_1619 = vector.shape_cast %mul3A_1614 : vector<16xf32> to vector<1x16xf32>
        tpu.vector_store %arg14[%swap3A_1615, %swap3A_1616], %swap3A_1619 {strides = array<i32>} : memref<128x128xf32, #tpu.memory_space<vmem>>, vector<1x16xf32>,
        %get3A_1620 = arith.index_cast %add3A_1540 : i32 to index
        %get3A_1621 = arith.constant 112 : index
        %get3A_1622 = tpu.vector_load %arg14[%get3A_1620, %get3A_1621] {strides = array<i32>} : memref<128x128xf32, #tpu.memory_space<vmem>>, vector<1x16xf32>,
        %get3A_1623 = vector.shape_cast %get3A_1622 : vector<1x16xf32> to vector<16xf32>
        %mul3A_1624 = vector.broadcast %squeeze3A_1542 : f32 to vector<16xf32>
        %mul3A_1625 = arith.mulf %get3A_1623, %mul3A_1624 : vector<16xf32>
        %swap3A_1626 = arith.index_cast %add3A_1540 : i32 to index
        %swap3A_1627 = arith.constant 112 : index
        %swap3A_1628 = tpu.vector_load %arg14[%swap3A_1626, %swap3A_1627] {strides = array<i32>} : memref<128x128xf32, #tpu.memory_space<vmem>>, vector<1x16xf32>,
        %swap3A_1629 = vector.shape_cast %swap3A_1628 : vector<1x16xf32> to vector<16xf32>
        %swap3A_1630 = vector.shape_cast %mul3A_1625 : vector<16xf32> to vector<1x16xf32>
        tpu.vector_store %arg14[%swap3A_1626, %swap3A_1627], %swap3A_1630 {strides = array<i32>} : memref<128x128xf32, #tpu.memory_space<vmem>>, vector<1x16xf32>,
        %mul3A_1631 = arith.constant 16 : i32
        %mul3A_1632 = arith.muli %scan3A_219, %mul3A_1631 : i32
        %add3A_1633 = arith.constant 15 : i32
        %add3A_1634 = arith.addi %mul3A_1632, %add3A_1633 : i32
        %slice3A_1635 = vector.extract_strided_slice %get3A_223 {offsets = [15], sizes = [1], strides = [1]} : vector<16xf32> to vector<1xf32>
        %squeeze3A_1636 = vector.extract %slice3A_1635[0] : f32 from vector<1xf32>
        %get3A_1637 = arith.index_cast %add3A_1634 : i32 to index
        %get3A_1638 = arith.constant 0 : index
        %get3A_1639 = tpu.vector_load %arg14[%get3A_1637, %get3A_1638] {strides = array<i32>} : memref<128x128xf32, #tpu.memory_space<vmem>>, vector<1x16xf32>,
        %get3A_1640 = vector.shape_cast %get3A_1639 : vector<1x16xf32> to vector<16xf32>
        %mul3A_1641 = vector.broadcast %squeeze3A_1636 : f32 to vector<16xf32>
        %mul3A_1642 = arith.mulf %get3A_1640, %mul3A_1641 : vector<16xf32>
        %swap3A_1643 = arith.index_cast %add3A_1634 : i32 to index
        %swap3A_1644 = arith.constant 0 : index
        %swap3A_1645 = tpu.vector_load %arg14[%swap3A_1643, %swap3A_1644] {strides = array<i32>} : memref<128x128xf32, #tpu.memory_space<vmem>>, vector<1x16xf32>,
        %swap3A_1646 = vector.shape_cast %swap3A_1645 : vector<1x16xf32> to vector<16xf32>
        %swap3A_1647 = vector.shape_cast %mul3A_1642 : vector<16xf32> to vector<1x16xf32>
        tpu.vector_store %arg14[%swap3A_1643, %swap3A_1644], %swap3A_1647 {strides = array<i32>} : memref<128x128xf32, #tpu.memory_space<vmem>>, vector<1x16xf32>,
        %get3A_1648 = arith.index_cast %add3A_1634 : i32 to index
        %get3A_1649 = arith.constant 16 : index
        %get3A_1650 = tpu.vector_load %arg14[%get3A_1648, %get3A_1649] {strides = array<i32>} : memref<128x128xf32, #tpu.memory_space<vmem>>, vector<1x16xf32>,
        %get3A_1651 = vector.shape_cast %get3A_1650 : vector<1x16xf32> to vector<16xf32>
        %mul3A_1652 = vector.broadcast %squeeze3A_1636 : f32 to vector<16xf32>
        %mul3A_1653 = arith.mulf %get3A_1651, %mul3A_1652 : vector<16xf32>
        %swap3A_1654 = arith.index_cast %add3A_1634 : i32 to index
        %swap3A_1655 = arith.constant 16 : index
        %swap3A_1656 = tpu.vector_load %arg14[%swap3A_1654, %swap3A_1655] {strides = array<i32>} : memref<128x128xf32, #tpu.memory_space<vmem>>, vector<1x16xf32>,
        %swap3A_1657 = vector.shape_cast %swap3A_1656 : vector<1x16xf32> to vector<16xf32>
        %swap3A_1658 = vector.shape_cast %mul3A_1653 : vector<16xf32> to vector<1x16xf32>
        tpu.vector_store %arg14[%swap3A_1654, %swap3A_1655], %swap3A_1658 {strides = array<i32>} : memref<128x128xf32, #tpu.memory_space<vmem>>, vector<1x16xf32>,
        %get3A_1659 = arith.index_cast %add3A_1634 : i32 to index
        %get3A_1660 = arith.constant 32 : index
        %get3A_1661 = tpu.vector_load %arg14[%get3A_1659, %get3A_1660] {strides = array<i32>} : memref<128x128xf32, #tpu.memory_space<vmem>>, vector<1x16xf32>,
        %get3A_1662 = vector.shape_cast %get3A_1661 : vector<1x16xf32> to vector<16xf32>
        %mul3A_1663 = vector.broadcast %squeeze3A_1636 : f32 to vector<16xf32>
        %mul3A_1664 = arith.mulf %get3A_1662, %mul3A_1663 : vector<16xf32>
        %swap3A_1665 = arith.index_cast %add3A_1634 : i32 to index
        %swap3A_1666 = arith.constant 32 : index
        %swap3A_1667 = tpu.vector_load %arg14[%swap3A_1665, %swap3A_1666] {strides = array<i32>} : memref<128x128xf32, #tpu.memory_space<vmem>>, vector<1x16xf32>,
        %swap3A_1668 = vector.shape_cast %swap3A_1667 : vector<1x16xf32> to vector<16xf32>
        %swap3A_1669 = vector.shape_cast %mul3A_1664 : vector<16xf32> to vector<1x16xf32>
        tpu.vector_store %arg14[%swap3A_1665, %swap3A_1666], %swap3A_1669 {strides = array<i32>} : memref<128x128xf32, #tpu.memory_space<vmem>>, vector<1x16xf32>,
        %get3A_1670 = arith.index_cast %add3A_1634 : i32 to index
        %get3A_1671 = arith.constant 48 : index
        %get3A_1672 = tpu.vector_load %arg14[%get3A_1670, %get3A_1671] {strides = array<i32>} : memref<128x128xf32, #tpu.memory_space<vmem>>, vector<1x16xf32>,
        %get3A_1673 = vector.shape_cast %get3A_1672 : vector<1x16xf32> to vector<16xf32>
        %mul3A_1674 = vector.broadcast %squeeze3A_1636 : f32 to vector<16xf32>
        %mul3A_1675 = arith.mulf %get3A_1673, %mul3A_1674 : vector<16xf32>
        %swap3A_1676 = arith.index_cast %add3A_1634 : i32 to index
        %swap3A_1677 = arith.constant 48 : index
        %swap3A_1678 = tpu.vector_load %arg14[%swap3A_1676, %swap3A_1677] {strides = array<i32>} : memref<128x128xf32, #tpu.memory_space<vmem>>, vector<1x16xf32>,
        %swap3A_1679 = vector.shape_cast %swap3A_1678 : vector<1x16xf32> to vector<16xf32>
        %swap3A_1680 = vector.shape_cast %mul3A_1675 : vector<16xf32> to vector<1x16xf32>
        tpu.vector_store %arg14[%swap3A_1676, %swap3A_1677], %swap3A_1680 {strides = array<i32>} : memref<128x128xf32, #tpu.memory_space<vmem>>, vector<1x16xf32>,
        %get3A_1681 = arith.index_cast %add3A_1634 : i32 to index
        %get3A_1682 = arith.constant 64 : index
        %get3A_1683 = tpu.vector_load %arg14[%get3A_1681, %get3A_1682] {strides = array<i32>} : memref<128x128xf32, #tpu.memory_space<vmem>>, vector<1x16xf32>,
        %get3A_1684 = vector.shape_cast %get3A_1683 : vector<1x16xf32> to vector<16xf32>
        %mul3A_1685 = vector.broadcast %squeeze3A_1636 : f32 to vector<16xf32>
        %mul3A_1686 = arith.mulf %get3A_1684, %mul3A_1685 : vector<16xf32>
        %swap3A_1687 = arith.index_cast %add3A_1634 : i32 to index
        %swap3A_1688 = arith.constant 64 : index
        %swap3A_1689 = tpu.vector_load %arg14[%swap3A_1687, %swap3A_1688] {strides = array<i32>} : memref<128x128xf32, #tpu.memory_space<vmem>>, vector<1x16xf32>,
        %swap3A_1690 = vector.shape_cast %swap3A_1689 : vector<1x16xf32> to vector<16xf32>
        %swap3A_1691 = vector.shape_cast %mul3A_1686 : vector<16xf32> to vector<1x16xf32>
        tpu.vector_store %arg14[%swap3A_1687, %swap3A_1688], %swap3A_1691 {strides = array<i32>} : memref<128x128xf32, #tpu.memory_space<vmem>>, vector<1x16xf32>,
        %get3A_1692 = arith.index_cast %add3A_1634 : i32 to index
        %get3A_1693 = arith.constant 80 : index
        %get3A_1694 = tpu.vector_load %arg14[%get3A_1692, %get3A_1693] {strides = array<i32>} : memref<128x128xf32, #tpu.memory_space<vmem>>, vector<1x16xf32>,
        %get3A_1695 = vector.shape_cast %get3A_1694 : vector<1x16xf32> to vector<16xf32>
        %mul3A_1696 = vector.broadcast %squeeze3A_1636 : f32 to vector<16xf32>
        %mul3A_1697 = arith.mulf %get3A_1695, %mul3A_1696 : vector<16xf32>
        %swap3A_1698 = arith.index_cast %add3A_1634 : i32 to index
        %swap3A_1699 = arith.constant 80 : index
        %swap3A_1700 = tpu.vector_load %arg14[%swap3A_1698, %swap3A_1699] {strides = array<i32>} : memref<128x128xf32, #tpu.memory_space<vmem>>, vector<1x16xf32>,
        %swap3A_1701 = vector.shape_cast %swap3A_1700 : vector<1x16xf32> to vector<16xf32>
        %swap3A_1702 = vector.shape_cast %mul3A_1697 : vector<16xf32> to vector<1x16xf32>
        tpu.vector_store %arg14[%swap3A_1698, %swap3A_1699], %swap3A_1702 {strides = array<i32>} : memref<128x128xf32, #tpu.memory_space<vmem>>, vector<1x16xf32>,
        %get3A_1703 = arith.index_cast %add3A_1634 : i32 to index
        %get3A_1704 = arith.constant 96 : index
        %get3A_1705 = tpu.vector_load %arg14[%get3A_1703, %get3A_1704] {strides = array<i32>} : memref<128x128xf32, #tpu.memory_space<vmem>>, vector<1x16xf32>,
        %get3A_1706 = vector.shape_cast %get3A_1705 : vector<1x16xf32> to vector<16xf32>
        %mul3A_1707 = vector.broadcast %squeeze3A_1636 : f32 to vector<16xf32>
        %mul3A_1708 = arith.mulf %get3A_1706, %mul3A_1707 : vector<16xf32>
        %swap3A_1709 = arith.index_cast %add3A_1634 : i32 to index
        %swap3A_1710 = arith.constant 96 : index
        %swap3A_1711 = tpu.vector_load %arg14[%swap3A_1709, %swap3A_1710] {strides = array<i32>} : memref<128x128xf32, #tpu.memory_space<vmem>>, vector<1x16xf32>,
        %swap3A_1712 = vector.shape_cast %swap3A_1711 : vector<1x16xf32> to vector<16xf32>
        %swap3A_1713 = vector.shape_cast %mul3A_1708 : vector<16xf32> to vector<1x16xf32>
        tpu.vector_store %arg14[%swap3A_1709, %swap3A_1710], %swap3A_1713 {strides = array<i32>} : memref<128x128xf32, #tpu.memory_space<vmem>>, vector<1x16xf32>,
        %get3A_1714 = arith.index_cast %add3A_1634 : i32 to index
        %get3A_1715 = arith.constant 112 : index
        %get3A_1716 = tpu.vector_load %arg14[%get3A_1714, %get3A_1715] {strides = array<i32>} : memref<128x128xf32, #tpu.memory_space<vmem>>, vector<1x16xf32>,
        %get3A_1717 = vector.shape_cast %get3A_1716 : vector<1x16xf32> to vector<16xf32>
        %mul3A_1718 = vector.broadcast %squeeze3A_1636 : f32 to vector<16xf32>
        %mul3A_1719 = arith.mulf %get3A_1717, %mul3A_1718 : vector<16xf32>
        %swap3A_1720 = arith.index_cast %add3A_1634 : i32 to index
        %swap3A_1721 = arith.constant 112 : index
        %swap3A_1722 = tpu.vector_load %arg14[%swap3A_1720, %swap3A_1721] {strides = array<i32>} : memref<128x128xf32, #tpu.memory_space<vmem>>, vector<1x16xf32>,
        %swap3A_1723 = vector.shape_cast %swap3A_1722 : vector<1x16xf32> to vector<16xf32>
        %swap3A_1724 = vector.shape_cast %mul3A_1719 : vector<16xf32> to vector<1x16xf32>
        tpu.vector_store %arg14[%swap3A_1720, %swap3A_1721], %swap3A_1724 {strides = array<i32>} : memref<128x128xf32, #tpu.memory_space<vmem>>, vector<1x16xf32>,
      }
      %scan3A_205 = arith.constant 8 : i32
      "tpu.region"() ({
        %run_scoped3A = tpu.sem_alloc : memref<!tpu.dma_semaphore, #tpu.memory_space<semaphore_mem>>
        %dma_start3A_219 = arith.constant 0 : i32
        %dma_start3A_220 = arith.constant 0 : i32
        %dma_start3A_221 = tpu.memref_slice %arg15[%dma_start3A_219, %dma_start3A_220] : memref<10000x128xf32, #tpu.memory_space<vmem_shared>> -> memref<10000x128xf32, #tpu.memory_space<vmem_shared>>
        tpu.enqueue_indirect_dma source(%arg14 : memref<128x128xf32, #tpu.memory_space<vmem>>) target(%dma_start3A_221 : memref<10000x128xf32, #tpu.memory_space<vmem_shared>>) offsets(%arg10 : memref<128xi32, #tpu.memory_space<vmem>>) semaphore(%run_scoped3A : memref<!tpu.dma_semaphore, #tpu.memory_space<semaphore_mem>>) {add = true}
        %dma_wait3A_222 = arith.constant 0 : i32
        %dma_wait3A_223 = arith.constant 0 : i32
        %dma_wait3A_224 = tpu.memref_slice %arg15[%dma_wait3A_222, %dma_wait3A_223] : memref<10000x128xf32, #tpu.memory_space<vmem_shared>> -> memref<10000x128xf32, #tpu.memory_space<vmem_shared>>
        tpu.wait_indirect_dma semaphore(%run_scoped3A : memref<!tpu.dma_semaphore, #tpu.memory_space<semaphore_mem>>) src(%arg14 : memref<128x128xf32, #tpu.memory_space<vmem>>) dst(%dma_wait3A_224 : memref<10000x128xf32, #tpu.memory_space<vmem_shared>>)
        tpu.yield
      }) : () -> ()
      %add3A_206 = arith.constant 2 : i32
      %add3A_207 = arith.addi %add3A_181, %add3A_206 : i32
      %min3A_208 = arith.constant 79 : i32
      %min3A_209 = arith.minsi %add3A_207, %min3A_208 : i32
      %mul3A_210 = arith.constant 128 : i32
      %mul3A_211 = arith.muli %min3A_209, %mul3A_210 : i32
      %add3A_212 = arith.addi %mul3A_4, %mul3A_211 : i32
      %dma_start3A_213 = tpu.memref_slice %arg3[%add3A_212] : memref<327680xi32, #tpu.memory_space<hbm>> -> memref<128xi32, #tpu.memory_space<hbm>>
      %dma_start3A_214 = tpu.memref_slice %arg3[%add3A_212] : memref<327680xi32, #tpu.memory_space<hbm>> -> memref<128xi32, #tpu.memory_space<hbm>>
      tpu.enqueue_dma source(%dma_start3A_214 : memref<128xi32, #tpu.memory_space<hbm>>) target(%arg8 : memref<128xi32, #tpu.memory_space<vmem>>) target_semaphore(%arg17 : memref<!tpu.dma_semaphore, #tpu.memory_space<semaphore_mem>>)
      %dma_start3A_215 = tpu.memref_slice %arg2[%add3A_212] : memref<327680xi32, #tpu.memory_space<hbm>> -> memref<128xi32, #tpu.memory_space<hbm>>
      %dma_start3A_216 = tpu.memref_slice %arg2[%add3A_212] : memref<327680xi32, #tpu.memory_space<hbm>> -> memref<128xi32, #tpu.memory_space<hbm>>
      tpu.enqueue_dma source(%dma_start3A_216 : memref<128xi32, #tpu.memory_space<hbm>>) target(%arg10 : memref<128xi32, #tpu.memory_space<vmem>>) target_semaphore(%arg17 : memref<!tpu.dma_semaphore, #tpu.memory_space<semaphore_mem>>)
      %dma_start3A_217 = tpu.memref_slice %arg4[%add3A_212] : memref<327680xf32, #tpu.memory_space<hbm>> -> memref<128xf32, #tpu.memory_space<hbm>>
      %dma_start3A_218 = tpu.memref_slice %arg4[%add3A_212] : memref<327680xf32, #tpu.memory_space<hbm>> -> memref<128xf32, #tpu.memory_space<hbm>>
      tpu.enqueue_dma source(%dma_start3A_218 : memref<128xf32, #tpu.memory_space<hbm>>) target(%arg12 : memref<128xf32, #tpu.memory_space<vmem>>) target_semaphore(%arg17 : memref<!tpu.dma_semaphore, #tpu.memory_space<semaphore_mem>>)
    }
    %scan3A_80 = arith.constant 40 : i32
    %dma_wait3A_81 = arith.constant 0 : i32
    %dma_wait3A_82 = arith.constant 0 : i32
    %dma_wait3A_83 = tpu.memref_slice %arg5[%dma_wait3A_81, %dma_wait3A_82] : memref<10000x128xf32, #tpu.memory_space<hbm>> -> memref<10000x128xf32, #tpu.memory_space<hbm>>
    tpu.wait_indirect_dma semaphore(%arg18 : memref<!tpu.dma_semaphore, #tpu.memory_space<semaphore_mem>>) src(%dma_wait3A_83 : memref<10000x128xf32, #tpu.memory_space<hbm>>) dst(%arg13 : memref<128x128xf32, #tpu.memory_space<vmem>>)
    %dma_wait3A_84 = arith.constant 0 : i32
    %dma_wait3A_85 = tpu.memref_slice %arg3[%dma_wait3A_84] : memref<327680xi32, #tpu.memory_space<hbm>> -> memref<128xi32, #tpu.memory_space<hbm>>
    %dma_wait3A_86 = arith.constant 0 : i32
    %dma_wait3A_87 = tpu.memref_slice %arg3[%dma_wait3A_86] : memref<327680xi32, #tpu.memory_space<hbm>> -> memref<128xi32, #tpu.memory_space<hbm>>
    tpu.wait_dma2 semaphore(%arg17 : memref<!tpu.dma_semaphore, #tpu.memory_space<semaphore_mem>>) src(%dma_wait3A_87 : memref<128xi32, #tpu.memory_space<hbm>>) dst(%arg8 : memref<128xi32, #tpu.memory_space<vmem>>)
    %dma_wait3A_88 = arith.constant 0 : i32
    %dma_wait3A_89 = tpu.memref_slice %arg2[%dma_wait3A_88] : memref<327680xi32, #tpu.memory_space<hbm>> -> memref<128xi32, #tpu.memory_space<hbm>>
    %dma_wait3A_90 = arith.constant 0 : i32
    %dma_wait3A_91 = tpu.memref_slice %arg2[%dma_wait3A_90] : memref<327680xi32, #tpu.memory_space<hbm>> -> memref<128xi32, #tpu.memory_space<hbm>>
    tpu.wait_dma2 semaphore(%arg17 : memref<!tpu.dma_semaphore, #tpu.memory_space<semaphore_mem>>) src(%dma_wait3A_91 : memref<128xi32, #tpu.memory_space<hbm>>) dst(%arg10 : memref<128xi32, #tpu.memory_space<vmem>>)
    %dma_wait3A_92 = arith.constant 0 : i32
    %dma_wait3A_93 = tpu.memref_slice %arg4[%dma_wait3A_92] : memref<327680xf32, #tpu.memory_space<hbm>> -> memref<128xf32, #tpu.memory_space<hbm>>
    %dma_wait3A_94 = arith.constant 0 : i32
    %dma_wait3A_95 = tpu.memref_slice %arg4[%dma_wait3A_94] : memref<327680xf32, #tpu.memory_space<hbm>> -> memref<128xf32, #tpu.memory_space<hbm>>
    tpu.wait_dma2 semaphore(%arg17 : memref<!tpu.dma_semaphore, #tpu.memory_space<semaphore_mem>>) src(%dma_wait3A_95 : memref<128xf32, #tpu.memory_space<hbm>>) dst(%arg12 : memref<128xf32, #tpu.memory_space<vmem>>)
    %barrier3A_96 = arith.constant 0 : index
    tpu.barrier barrier_id(%barrier3A_96)
    %add3A_97 = arith.constant 0 : i32
    %add3A_98 = arith.addi %arg1, %add3A_97 : i32
    %lt3A_99 = arith.constant 78 : i32
    %lt3A_100 = arith.cmpi slt, %add3A_98, %lt3A_99 : i32
    %convert_element_type3A_101 = arith.extui %lt3A_100 : i1 to i32
    %cond3A_102 = arith.constant 0 : i32
    %cond3A_103 = arith.cmpi ne, %convert_element_type3A_101, %cond3A_102 : i32
    scf.if %cond3A_103 {
      %mul3A_137 = arith.constant 128 : i32
      %mul3A_138 = arith.muli %add3A_98, %mul3A_137 : i32
      %mul3A_139 = arith.constant 10000 : i32
      %mul3A_140 = arith.muli %arg0, %mul3A_139 : i32
      %mul3A_141 = arith.constant 128 : i32
      %mul3A_142 = arith.muli %add3A_98, %mul3A_141 : i32
      %add3A_143 = arith.addi %mul3A_140, %mul3A_142 : i32
      "tpu.region"() ({
        %run_scoped3A = tpu.sem_alloc : memref<!tpu.dma_semaphore, #tpu.memory_space<semaphore_mem>>
        %dma_start3A_144 = arith.constant 0 : i32
        %dma_start3A_145 = tpu.memref_slice %arg6[%add3A_143, %dma_start3A_144] : memref<20000x128xf32, #tpu.memory_space<hbm>> -> memref<128x128xf32, #tpu.memory_space<hbm>>
        %dma_start3A_146 = arith.constant 0 : i32
        %dma_start3A_147 = tpu.memref_slice %arg15[%mul3A_138, %dma_start3A_146] : memref<10000x128xf32, #tpu.memory_space<vmem_shared>> -> memref<128x128xf32, #tpu.memory_space<vmem_shared>>
        tpu.enqueue_dma source(%dma_start3A_147 : memref<128x128xf32, #tpu.memory_space<vmem_shared>>) target(%dma_start3A_145 : memref<128x128xf32, #tpu.memory_space<hbm>>) target_semaphore(%run_scoped3A : memref<!tpu.dma_semaphore, #tpu.memory_space<semaphore_mem>>)
        %dma_wait3A_148 = arith.constant 0 : i32
        %dma_wait3A_149 = tpu.memref_slice %arg6[%add3A_143, %dma_wait3A_148] : memref<20000x128xf32, #tpu.memory_space<hbm>> -> memref<128x128xf32, #tpu.memory_space<hbm>>
        %dma_wait3A_150 = arith.constant 0 : i32
        %dma_wait3A_151 = tpu.memref_slice %arg15[%mul3A_138, %dma_wait3A_150] : memref<10000x128xf32, #tpu.memory_space<vmem_shared>> -> memref<128x128xf32, #tpu.memory_space<vmem_shared>>
        tpu.wait_dma2 semaphore(%run_scoped3A : memref<!tpu.dma_semaphore, #tpu.memory_space<semaphore_mem>>) src(%dma_wait3A_151 : memref<128x128xf32, #tpu.memory_space<vmem_shared>>) dst(%dma_wait3A_149 : memref<128x128xf32, #tpu.memory_space<hbm>>)
        tpu.yield
      }) : () -> ()
    } else {
    }
    %add3A_104 = arith.constant 16 : i32
    %add3A_105 = arith.addi %arg1, %add3A_104 : i32
    %lt3A_106 = arith.constant 78 : i32
    %lt3A_107 = arith.cmpi slt, %add3A_105, %lt3A_106 : i32
    %convert_element_type3A_108 = arith.extui %lt3A_107 : i1 to i32
    %cond3A_109 = arith.constant 0 : i32
    %cond3A_110 = arith.cmpi ne, %convert_element_type3A_108, %cond3A_109 : i32
    scf.if %cond3A_110 {
      %mul3A_137 = arith.constant 128 : i32
      %mul3A_138 = arith.muli %add3A_105, %mul3A_137 : i32
      %mul3A_139 = arith.constant 10000 : i32
      %mul3A_140 = arith.muli %arg0, %mul3A_139 : i32
      %mul3A_141 = arith.constant 128 : i32
      %mul3A_142 = arith.muli %add3A_105, %mul3A_141 : i32
      %add3A_143 = arith.addi %mul3A_140, %mul3A_142 : i32
      "tpu.region"() ({
        %run_scoped3A = tpu.sem_alloc : memref<!tpu.dma_semaphore, #tpu.memory_space<semaphore_mem>>
        %dma_start3A_144 = arith.constant 0 : i32
        %dma_start3A_145 = tpu.memref_slice %arg6[%add3A_143, %dma_start3A_144] : memref<20000x128xf32, #tpu.memory_space<hbm>> -> memref<128x128xf32, #tpu.memory_space<hbm>>
        %dma_start3A_146 = arith.constant 0 : i32
        %dma_start3A_147 = tpu.memref_slice %arg15[%mul3A_138, %dma_start3A_146] : memref<10000x128xf32, #tpu.memory_space<vmem_shared>> -> memref<128x128xf32, #tpu.memory_space<vmem_shared>>
        tpu.enqueue_dma source(%dma_start3A_147 : memref<128x128xf32, #tpu.memory_space<vmem_shared>>) target(%dma_start3A_145 : memref<128x128xf32, #tpu.memory_space<hbm>>) target_semaphore(%run_scoped3A : memref<!tpu.dma_semaphore, #tpu.memory_space<semaphore_mem>>)
        %dma_wait3A_148 = arith.constant 0 : i32
        %dma_wait3A_149 = tpu.memref_slice %arg6[%add3A_143, %dma_wait3A_148] : memref<20000x128xf32, #tpu.memory_space<hbm>> -> memref<128x128xf32, #tpu.memory_space<hbm>>
        %dma_wait3A_150 = arith.constant 0 : i32
        %dma_wait3A_151 = tpu.memref_slice %arg15[%mul3A_138, %dma_wait3A_150] : memref<10000x128xf32, #tpu.memory_space<vmem_shared>> -> memref<128x128xf32, #tpu.memory_space<vmem_shared>>
        tpu.wait_dma2 semaphore(%run_scoped3A : memref<!tpu.dma_semaphore, #tpu.memory_space<semaphore_mem>>) src(%dma_wait3A_151 : memref<128x128xf32, #tpu.memory_space<vmem_shared>>) dst(%dma_wait3A_149 : memref<128x128xf32, #tpu.memory_space<hbm>>)
        tpu.yield
      }) : () -> ()
    } else {
    }
    %add3A_111 = arith.constant 32 : i32
    %add3A_112 = arith.addi %arg1, %add3A_111 : i32
    %lt3A_113 = arith.constant 78 : i32
    %lt3A_114 = arith.cmpi slt, %add3A_112, %lt3A_113 : i32
    %convert_element_type3A_115 = arith.extui %lt3A_114 : i1 to i32
    %cond3A_116 = arith.constant 0 : i32
    %cond3A_117 = arith.cmpi ne, %convert_element_type3A_115, %cond3A_116 : i32
    scf.if %cond3A_117 {
      %mul3A_137 = arith.constant 128 : i32
      %mul3A_138 = arith.muli %add3A_112, %mul3A_137 : i32
      %mul3A_139 = arith.constant 10000 : i32
      %mul3A_140 = arith.muli %arg0, %mul3A_139 : i32
      %mul3A_141 = arith.constant 128 : i32
      %mul3A_142 = arith.muli %add3A_112, %mul3A_141 : i32
      %add3A_143 = arith.addi %mul3A_140, %mul3A_142 : i32
      "tpu.region"() ({
        %run_scoped3A = tpu.sem_alloc : memref<!tpu.dma_semaphore, #tpu.memory_space<semaphore_mem>>
        %dma_start3A_144 = arith.constant 0 : i32
        %dma_start3A_145 = tpu.memref_slice %arg6[%add3A_143, %dma_start3A_144] : memref<20000x128xf32, #tpu.memory_space<hbm>> -> memref<128x128xf32, #tpu.memory_space<hbm>>
        %dma_start3A_146 = arith.constant 0 : i32
        %dma_start3A_147 = tpu.memref_slice %arg15[%mul3A_138, %dma_start3A_146] : memref<10000x128xf32, #tpu.memory_space<vmem_shared>> -> memref<128x128xf32, #tpu.memory_space<vmem_shared>>
        tpu.enqueue_dma source(%dma_start3A_147 : memref<128x128xf32, #tpu.memory_space<vmem_shared>>) target(%dma_start3A_145 : memref<128x128xf32, #tpu.memory_space<hbm>>) target_semaphore(%run_scoped3A : memref<!tpu.dma_semaphore, #tpu.memory_space<semaphore_mem>>)
        %dma_wait3A_148 = arith.constant 0 : i32
        %dma_wait3A_149 = tpu.memref_slice %arg6[%add3A_143, %dma_wait3A_148] : memref<20000x128xf32, #tpu.memory_space<hbm>> -> memref<128x128xf32, #tpu.memory_space<hbm>>
        %dma_wait3A_150 = arith.constant 0 : i32
        %dma_wait3A_151 = tpu.memref_slice %arg15[%mul3A_138, %dma_wait3A_150] : memref<10000x128xf32, #tpu.memory_space<vmem_shared>> -> memref<128x128xf32, #tpu.memory_space<vmem_shared>>
        tpu.wait_dma2 semaphore(%run_scoped3A : memref<!tpu.dma_semaphore, #tpu.memory_space<semaphore_mem>>) src(%dma_wait3A_151 : memref<128x128xf32, #tpu.memory_space<vmem_shared>>) dst(%dma_wait3A_149 : memref<128x128xf32, #tpu.memory_space<hbm>>)
        tpu.yield
      }) : () -> ()
    } else {
    }
    %add3A_118 = arith.constant 48 : i32
    %add3A_119 = arith.addi %arg1, %add3A_118 : i32
    %lt3A_120 = arith.constant 78 : i32
    %lt3A_121 = arith.cmpi slt, %add3A_119, %lt3A_120 : i32
    %convert_element_type3A_122 = arith.extui %lt3A_121 : i1 to i32
    %cond3A_123 = arith.constant 0 : i32
    %cond3A_124 = arith.cmpi ne, %convert_element_type3A_122, %cond3A_123 : i32
    scf.if %cond3A_124 {
      %mul3A_137 = arith.constant 128 : i32
      %mul3A_138 = arith.muli %add3A_119, %mul3A_137 : i32
      %mul3A_139 = arith.constant 10000 : i32
      %mul3A_140 = arith.muli %arg0, %mul3A_139 : i32
      %mul3A_141 = arith.constant 128 : i32
      %mul3A_142 = arith.muli %add3A_119, %mul3A_141 : i32
      %add3A_143 = arith.addi %mul3A_140, %mul3A_142 : i32
      "tpu.region"() ({
        %run_scoped3A = tpu.sem_alloc : memref<!tpu.dma_semaphore, #tpu.memory_space<semaphore_mem>>
        %dma_start3A_144 = arith.constant 0 : i32
        %dma_start3A_145 = tpu.memref_slice %arg6[%add3A_143, %dma_start3A_144] : memref<20000x128xf32, #tpu.memory_space<hbm>> -> memref<128x128xf32, #tpu.memory_space<hbm>>
        %dma_start3A_146 = arith.constant 0 : i32
        %dma_start3A_147 = tpu.memref_slice %arg15[%mul3A_138, %dma_start3A_146] : memref<10000x128xf32, #tpu.memory_space<vmem_shared>> -> memref<128x128xf32, #tpu.memory_space<vmem_shared>>
        tpu.enqueue_dma source(%dma_start3A_147 : memref<128x128xf32, #tpu.memory_space<vmem_shared>>) target(%dma_start3A_145 : memref<128x128xf32, #tpu.memory_space<hbm>>) target_semaphore(%run_scoped3A : memref<!tpu.dma_semaphore, #tpu.memory_space<semaphore_mem>>)
        %dma_wait3A_148 = arith.constant 0 : i32
        %dma_wait3A_149 = tpu.memref_slice %arg6[%add3A_143, %dma_wait3A_148] : memref<20000x128xf32, #tpu.memory_space<hbm>> -> memref<128x128xf32, #tpu.memory_space<hbm>>
        %dma_wait3A_150 = arith.constant 0 : i32
        %dma_wait3A_151 = tpu.memref_slice %arg15[%mul3A_138, %dma_wait3A_150] : memref<10000x128xf32, #tpu.memory_space<vmem_shared>> -> memref<128x128xf32, #tpu.memory_space<vmem_shared>>
        tpu.wait_dma2 semaphore(%run_scoped3A : memref<!tpu.dma_semaphore, #tpu.memory_space<semaphore_mem>>) src(%dma_wait3A_151 : memref<128x128xf32, #tpu.memory_space<vmem_shared>>) dst(%dma_wait3A_149 : memref<128x128xf32, #tpu.memory_space<hbm>>)
        tpu.yield
      }) : () -> ()
    } else {
    }
    %add3A_125 = arith.constant 64 : i32
    %add3A_126 = arith.addi %arg1, %add3A_125 : i32
    %lt3A_127 = arith.constant 78 : i32
    %lt3A_128 = arith.cmpi slt, %add3A_126, %lt3A_127 : i32
    %convert_element_type3A_129 = arith.extui %lt3A_128 : i1 to i32
    %cond3A_130 = arith.constant 0 : i32
    %cond3A_131 = arith.cmpi ne, %convert_element_type3A_129, %cond3A_130 : i32
    scf.if %cond3A_131 {
      %mul3A_137 = arith.constant 128 : i32
      %mul3A_138 = arith.muli %add3A_126, %mul3A_137 : i32
      %mul3A_139 = arith.constant 10000 : i32
      %mul3A_140 = arith.muli %arg0, %mul3A_139 : i32
      %mul3A_141 = arith.constant 128 : i32
      %mul3A_142 = arith.muli %add3A_126, %mul3A_141 : i32
      %add3A_143 = arith.addi %mul3A_140, %mul3A_142 : i32
      "tpu.region"() ({
        %run_scoped3A = tpu.sem_alloc : memref<!tpu.dma_semaphore, #tpu.memory_space<semaphore_mem>>
        %dma_start3A_144 = arith.constant 0 : i32
        %dma_start3A_145 = tpu.memref_slice %arg6[%add3A_143, %dma_start3A_144] : memref<20000x128xf32, #tpu.memory_space<hbm>> -> memref<128x128xf32, #tpu.memory_space<hbm>>
        %dma_start3A_146 = arith.constant 0 : i32
        %dma_start3A_147 = tpu.memref_slice %arg15[%mul3A_138, %dma_start3A_146] : memref<10000x128xf32, #tpu.memory_space<vmem_shared>> -> memref<128x128xf32, #tpu.memory_space<vmem_shared>>
        tpu.enqueue_dma source(%dma_start3A_147 : memref<128x128xf32, #tpu.memory_space<vmem_shared>>) target(%dma_start3A_145 : memref<128x128xf32, #tpu.memory_space<hbm>>) target_semaphore(%run_scoped3A : memref<!tpu.dma_semaphore, #tpu.memory_space<semaphore_mem>>)
        %dma_wait3A_148 = arith.constant 0 : i32
        %dma_wait3A_149 = tpu.memref_slice %arg6[%add3A_143, %dma_wait3A_148] : memref<20000x128xf32, #tpu.memory_space<hbm>> -> memref<128x128xf32, #tpu.memory_space<hbm>>
        %dma_wait3A_150 = arith.constant 0 : i32
        %dma_wait3A_151 = tpu.memref_slice %arg15[%mul3A_138, %dma_wait3A_150] : memref<10000x128xf32, #tpu.memory_space<vmem_shared>> -> memref<128x128xf32, #tpu.memory_space<vmem_shared>>
        tpu.wait_dma2 semaphore(%run_scoped3A : memref<!tpu.dma_semaphore, #tpu.memory_space<semaphore_mem>>) src(%dma_wait3A_151 : memref<128x128xf32, #tpu.memory_space<vmem_shared>>) dst(%dma_wait3A_149 : memref<128x128xf32, #tpu.memory_space<hbm>>)
        tpu.yield
      }) : () -> ()
    } else {
    }
    %eq3A_132 = arith.constant 0 : i32
    %eq3A_133 = arith.cmpi eq, %arg1, %eq3A_132 : i32
    %convert_element_type3A_134 = arith.extui %eq3A_133 : i1 to i32
    %cond3A_135 = arith.constant 0 : i32
    %cond3A_136 = arith.cmpi ne, %convert_element_type3A_134, %cond3A_135 : i32
    scf.if %cond3A_136 {
      %mul3A_137 = arith.constant 10000 : i32
      %mul3A_138 = arith.muli %arg0, %mul3A_137 : i32
      %add3A_139 = arith.constant 9984 : i32
      %add3A_140 = arith.addi %mul3A_138, %add3A_139 : i32
      "tpu.region"() ({
        %run_scoped3A = tpu.sem_alloc : memref<!tpu.dma_semaphore, #tpu.memory_space<semaphore_mem>>
        %dma_start3A_141 = arith.constant 0 : i32
        %dma_start3A_142 = tpu.memref_slice %arg6[%add3A_140, %dma_start3A_141] : memref<20000x128xf32, #tpu.memory_space<hbm>> -> memref<16x128xf32, #tpu.memory_space<hbm>>
        %dma_start3A_143 = arith.constant 9984 : i32
        %dma_start3A_144 = arith.constant 0 : i32
        %dma_start3A_145 = tpu.memref_slice %arg15[%dma_start3A_143, %dma_start3A_144] : memref<10000x128xf32, #tpu.memory_space<vmem_shared>> -> memref<16x128xf32, #tpu.memory_space<vmem_shared>>
        tpu.enqueue_dma source(%dma_start3A_145 : memref<16x128xf32, #tpu.memory_space<vmem_shared>>) target(%dma_start3A_142 : memref<16x128xf32, #tpu.memory_space<hbm>>) target_semaphore(%run_scoped3A : memref<!tpu.dma_semaphore, #tpu.memory_space<semaphore_mem>>)
        %dma_wait3A_146 = arith.constant 0 : i32
        %dma_wait3A_147 = tpu.memref_slice %arg6[%add3A_140, %dma_wait3A_146] : memref<20000x128xf32, #tpu.memory_space<hbm>> -> memref<16x128xf32, #tpu.memory_space<hbm>>
        %dma_wait3A_148 = arith.constant 9984 : i32
        %dma_wait3A_149 = arith.constant 0 : i32
        %dma_wait3A_150 = tpu.memref_slice %arg15[%dma_wait3A_148, %dma_wait3A_149] : memref<10000x128xf32, #tpu.memory_space<vmem_shared>> -> memref<16x128xf32, #tpu.memory_space<vmem_shared>>
        tpu.wait_dma2 semaphore(%run_scoped3A : memref<!tpu.dma_semaphore, #tpu.memory_space<semaphore_mem>>) src(%dma_wait3A_150 : memref<16x128xf32, #tpu.memory_space<vmem_shared>>) dst(%dma_wait3A_147 : memref<16x128xf32, #tpu.memory_space<hbm>>)
        tpu.yield
      }) : () -> ()
    } else {
    }
    return
  }
}

module attributes {stable_mosaic.version = 14 : i64} {
  func.func @_add_body(%arg0: i32, %arg1: memref<400x128xf32, #tpu.memory_space<vmem>>, %arg2: memref<400x128xf32, #tpu.memory_space<vmem>>, %arg3: memref<400x128xf32, #tpu.memory_space<vmem>>) attributes {dimension_semantics = [#tpu.dimension_semantics<arbitrary>], iteration_bounds = array<i64: 25>, scalar_prefetch = 0 : i64, scratch_operands = 0 : i64, tpu.core_type = #tpu.core_type<tc>, window_params = [{transform_indices = @transform_0, window_bounds = array<i64: 400, 128>}, {transform_indices = @transform_1, window_bounds = array<i64: 400, 128>}, {transform_indices = @transform_2, window_bounds = array<i64: 400, 128>}]} {
    %get3A = arith.constant 0 : index
    %get3A_0 = arith.constant 0 : index
    %get3A_1 = vector.load %arg1[%get3A, %get3A_0] : memref<400x128xf32, #tpu.memory_space<vmem>>, vector<400x128xf32>
    %get3A_2 = arith.constant 0 : index
    %get3A_3 = arith.constant 0 : index
    %get3A_4 = vector.load %arg2[%get3A_2, %get3A_3] : memref<400x128xf32, #tpu.memory_space<vmem>>, vector<400x128xf32>
    %add3A = arith.addf %get3A_1, %get3A_4 : vector<400x128xf32>
    %swap3A = arith.constant 0 : index
    %swap3A_5 = arith.constant 0 : index
    %swap3A_6 = vector.load %arg3[%swap3A, %swap3A_5] : memref<400x128xf32, #tpu.memory_space<vmem>>, vector<400x128xf32>
    tpu.vector_store %arg3[%swap3A, %swap3A_5], %add3A {strides = array<i32>} : memref<400x128xf32, #tpu.memory_space<vmem>>, vector<400x128xf32>,
    return
  }
  func.func @transform_0(%arg0: i32) -> (i32, i32) {
    %c0_i32 = arith.constant 0 : i32
    %c0_i32_0 = arith.constant 0 : i32
    return %arg0, %c0_i32 : i32, i32
  }
  func.func @transform_1(%arg0: i32) -> (i32, i32) {
    %add3A = arith.constant 25 : i32
    %add3A_0 = arith.addi %arg0, %add3A : i32
    %c0_i32 = arith.constant 0 : i32
    %c0_i32_1 = arith.constant 0 : i32
    return %add3A_0, %c0_i32 : i32, i32
  }
  func.func @transform_2(%arg0: i32) -> (i32, i32) {
    %c0_i32 = arith.constant 0 : i32
    %c0_i32_0 = arith.constant 0 : i32
    return %arg0, %c0_i32 : i32, i32
  }
}

</mosaic_0001>

<sc_bundles>
// kernel: kernel.4.cloned.1.call-start
scs
__scs_entry_jumppad:
0x0: {  	(pc) =	sbr.rel $0x88, $3  }
0x1: {  	(tag) =	ssettag $0x0;
	lr =	simm.s32 $0x1  }
0x2: {  	[smem:$0x3F9E] =	sst lr;
	_ =	strace $0xD0000000  }
0x3: {  	_ = 	snop  }
0x4: {  	_ = 	snop  }
0x5: {  	_ = 	snop  }
0x6: {  	_ = 	snop  }
0x7: {  	_ = 	snop  }
__scs_overlays_trampoline_lowered:
0x8: {  	[smem:$0x3FAD] =	sst s0  }
0x9: {  	[smem:$0x3FAE] =	sst s1  }
0xa: {  	[smem:$0x3FAF] =	sst s2  }
0xb: {  	[smem:$0x3FB0] =	sst s3  }
0xc: {  	[smem:$0x3FB1] =	sst s4  }
0xd: {  	[smem:$0x3FB2] =	sst s5  }
0xe: {  	[smem:$0x3FB3] =	sst s6  }
0xf: {  	[smem:$0x3FB4] =	sst s7  }
0x10: {  	[smem:$0x3FB5] =	sst s8  }
0x11: {  	[smem:$0x3FB6] =	sst s9;
	s0 =	simm.s32 @!p0 $0x0  }
0x12: {  	s1 =	sld [smem:$0x3F9C];
	s0 =	simm.s32 @p0 $0x1  }
0x13: {  	[smem:$0x3FB7] =	sst s0;
	s0 =	simm.s32 @!p1 $0x0  }
0x14: {  	s2 =	sld [smem:$0x3F9B];
	s0 =	simm.s32 @p1 $0x1  }
0x15: {  	[smem:$0x3FB8] =	sst s0;
	s0 =	simm.s32 @!p2 $0x0  }
0x16: {  	s3 =	sld [smem:$0x3FDB];
	s0 =	simm.s32 @p2 $0x1  }
0x17: {  	s4 =	simm.s32 $0x1BF5;
	[smem:$0x3FBA] =	sst s0  }
0x18: {  	s0 =	sld [smem:$0x3F9D];
	_ =	swait.ge [sflag:s4], $0x0  }
0x19: {  	s7 =	sld [smem:$0x3F9E]  }
0x1a: {  	s8 =	sadd.s32 $0xFFFFE003, lr  }
0x1b: {  	s9 =	sadd.s32 $0xFFFFFEF7, lr;
	s5 =	simm.s32 $0xFFFFFFFF;
	p2 =	slt.u32 s8, $0xFFFFF086  }
0x1c: {  	p1 =	slt.u32 s9, $0xF7A;
	s5 =	simm.s32 @!p2 $0x0  }
0x1d: {  	s5 =	simm.s32 @p1 $0x1;
	p0 =	seq.s32 s7, s2  }
0x1e: {  	s7 =	smul.u32 @!p0 $0xF7A, s2;
	p2 =	seq.s32 @!p0 s5, $0x0  }
0x1f: {  	s9 =	smul.u32 $0xF7A, s1;
	s8 =	simm.s32 @!p0 $0x1BF5;
	p2 =	por !p2, p0  }
0x20: {  	[sflag:s8] =	ssyncset.s32 @!p0 $0xFFFFF086;
	s6 =	sadd.s32 @!p0 s3, s7;
	s7 =	simm.s32 @!p0 $0x108  }
0x21: {  	s3 =	sadd.s32 s3, s9;
	s6 =	sadd.s32 @!p0 $0x88, s6;
	s7 =	simm.s32 @p2 $0x1082  }
0x22: {  	[simem:s7], [sflag:s8] =	dma.local @!p0 [hbm:s6], $0xF7A  }
0x23: {  	s9 =	sor.u32 $0xD0000000, s2;
	s6 =	simm.s32 $0x108;
	_ =	swait.ge @!p0 [sflag:s8], $0x0  }
0x24: {  	s3 =	sadd.s32 $0x88, s3;
	s6 =	simm.s32 @!p1 $0x1082;
	[sflag:s4] =	ssyncset.s32 $0xFFFFF086  }
0x25: {  	[simem:s6], [sflag:s4] =	dma.local [hbm:s3], $0xF7A  }
0x26: {  	[smem:$0x3F9E] =	sst s1;
	(tag) =	ssettag s2;
	_ =	strace s9  }
0x27: {  	s1 =	sld [smem:$0x3FAE]  }
0x28: {  	s2 =	sld [smem:$0x3FAF]  }
0x29: {  	s4 =	sld [smem:$0x3FB1]  }
0x2a: {  	p0 =	seq.s32 s5, $0x0;
	s5 =	sld [smem:$0x3FB2]  }
0x2b: {  	s6 =	sld [smem:$0x3FB3]  }
0x2c: {  	s7 =	sld [smem:$0x3FB4]  }
0x2d: {  	s3 =	simm.s32 $0x108;
	s8 =	sld [smem:$0x3FB5]  }
0x2e: {  	s3 =	simm.s32 @!p0 $0x1082;
	s9 =	sld [smem:$0x3FB6]  }
0x2f: {  	lr =	sadd.s32 s0, s3;
	s0 =	sld [smem:$0x3FAD]  }
0x30: {  	s3 =	sld [smem:$0x3FB0]  }
0x31: {  	[smem:$0x3FB9] =	sst s10  }
0x32: {  	s10 =	sld [smem:$0x3FB7];
	_ =	sdelay $0x3  }
0x33: {  	p0 =	seq.s32 s10, $0x1;
	s10 =	sld [smem:$0x3FB9];
	_ =	sdelay $0x3  }
0x34: {  	[smem:$0x3FB9] =	sst s10  }
0x35: {  	s10 =	sld [smem:$0x3FB8];
	_ =	sdelay $0x3  }
0x36: {  	p1 =	seq.s32 s10, $0x1;
	s10 =	sld [smem:$0x3FB9];
	_ =	sdelay $0x3  }
0x37: {  	[smem:$0x3FB9] =	sst s10  }
0x38: {  	s10 =	sld [smem:$0x3FBA]  }
0x39: {  	_ = 	snop;
	(pc) =	sbr.ind lr, $3  }
0x3a: {  	_ = 	snop  }
0x3b: {  	_ = 	snop  }
0x3c: {  	p2 =	seq.s32 s10, $0x1;
	s10 =	sld [smem:$0x3FB9]  }
0x3d: {  	_ =	shalt  }
0x3e: {  	_ =	shalt  }
0x3f: {  	_ =	shalt  }
0x40: {  	_ =	shalt  }
0x41: {  	_ =	shalt  }
0x42: {  	_ =	shalt  }
0x43: {  	_ =	shalt  }
0x44: {  	_ =	shalt  }
0x45: {  	_ =	shalt  }
0x46: {  	_ =	shalt  }
0x47: {  	_ =	shalt  }
0x48: {  	_ =	shalt  }
0x49: {  	_ =	shalt  }
0x4a: {  	_ =	shalt  }
0x4b: {  	_ =	shalt  }
0x4c: {  	_ =	shalt  }
0x4d: {  	_ =	shalt  }
0x4e: {  	_ =	shalt  }
0x4f: {  	_ =	shalt  }
0x50: {  	_ =	shalt  }
0x51: {  	_ =	shalt  }
0x52: {  	_ =	shalt  }
0x53: {  	_ =	shalt  }
0x54: {  	_ =	shalt  }
0x55: {  	_ =	shalt  }
0x56: {  	_ =	shalt  }
0x57: {  	_ =	shalt  }
0x58: {  	_ =	shalt  }
0x59: {  	_ =	shalt  }
0x5a: {  	_ =	shalt  }
0x5b: {  	_ =	shalt  }
0x5c: {  	_ =	shalt  }
0x5d: {  	_ =	shalt  }
0x5e: {  	_ =	shalt  }
0x5f: {  	_ =	shalt  }
0x60: {  	_ =	shalt  }
0x61: {  	_ =	shalt  }
0x62: {  	_ =	shalt  }
0x63: {  	_ =	shalt  }
0x64: {  	_ =	shalt  }
0x65: {  	_ =	shalt  }
0x66: {  	_ =	shalt  }
0x67: {  	_ =	shalt  }
0x68: {  	_ =	shalt  }
0x69: {  	_ =	shalt  }
0x6a: {  	_ =	shalt  }
0x6b: {  	_ =	shalt  }
0x6c: {  	_ =	shalt  }
0x6d: {  	_ =	shalt  }
0x6e: {  	_ =	shalt  }
0x6f: {  	_ =	shalt  }
0x70: {  	_ =	shalt  }
0x71: {  	_ =	shalt  }
0x72: {  	_ =	shalt  }
0x73: {  	_ =	shalt  }
0x74: {  	_ =	shalt  }
0x75: {  	_ =	shalt  }
0x76: {  	_ =	shalt  }
0x77: {  	_ =	shalt  }
0x78: {  	_ =	shalt  }
0x79: {  	_ =	shalt  }
0x7a: {  	_ =	shalt  }
0x7b: {  	_ =	shalt  }
0x7c: {  	_ =	shalt  }
0x7d: {  	_ =	shalt  }
0x7e: {  	_ =	shalt  }
0x7f: {  	_ =	shalt  }
0x80: {  	_ =	shalt  }
0x81: {  	_ =	shalt  }
0x82: {  	_ =	shalt  }
0x83: {  	_ =	shalt  }
0x84: {  	_ =	shalt  }
0x85: {  	_ =	shalt  }
0x86: {  	_ =	shalt  }
0x87: {  	_ =	shalt  }
.Lfunc_end0:
.L_simem_size_0:
called_computation_lowered:
.L_overlay_start_0:
0x88: {  	s2 =	sld [smem:$0x3FD9]  }
0x89: {  	s3 =	sld [smem:$0x3FFE];
	_ =	sdelay $0x1  }
0x8a: {  	s1 =	srdreg.scid  }
0x8b: {  	s0 =	sand.u32 $0x1, s1  }
0x8c: {  	s17 =	sshll.u32 s0, $0xA;
	s2 =	sadd.s32 s3, s2  }
0x8d: {  	s2 =	sadd.s32 s2, s17  }
0x8e: {  	[smem:$0x3FC5] =	sst s2  }
0x8f: {  	_ = 	snop  }
0x90: {  	s2 =	sld [smem:$0x3FC7]  }
0x91: {  	s18 =	sld [smem:$0x3FD0];
	(tm) =	ssettm $0x1  }
0x92: {  	s4 =	sld [smem:$0x3FFB];
	_ =	sdelay $0x3  }
0x93: {  	_ =	strace s4  }
0x94: {  	s4 =	sld [smem:$0x3FFC];
	_ =	sdelay $0x3  }
0x95: {  	_ =	strace s4  }
0x96: {  	s4 =	sld [smem:$0x3FFD];
	_ =	sdelay $0x3  }
0x97: {  	_ =	strace s4  }
0x98: {  	_ =	strace $0x8FFFFFFF  }
0x99: {  	s19 =	sld [smem:$0x3FDB];
	_ =	sdelay $0x1  }
0x9a: {  	s5 =	simm.s32 $_scs_section_size  }
0x9b: {  	s6 =	simm.s32 $_size__tile_overlayer_lowered;
	s7 =	simm.s32 $_tile_overlayer_lowered  }
0x9c: {  	s22 =	simm.s32 $0x1BFF;
	s21 =	sshll.u32 s7, $0x1;
	s4 =	sadd.s32 s5, s19  }
0x9d: {  	s8 =	simm.s32 $0x0;
	s20 =	sshll.u32 s6, $0x1;
	s6 =	sadd.s32 s21, s4  }
0x9e: {  	[timem:s8], [sflag:s22] =	dma.local [hbm:s6], s20  }
0x9f: {  	_ =	swait.ge [sflag:s22], s20  }
0xa0: {  	s5 =	ssub.s32 $0x0, s20;
	[sflag:s22] =	ssyncset.done $0x0  }
0xa1: {  	[sflag:s22] =	ssyncadd.s32 s5;
	_ =	sdelay $0x1  }
0xa2: {  	s23 =	simm.s32 $0x1B8B  }
0xa3: {  	_ =	swait.ge [sflag:s23], $0x1  }
0xa4: {  	[sflag:s23] =	ssyncset.done $0x0  }
0xa5: {  	s25 =	simm.s32 $0x1B8E;
	s24 =	sld [smem:$0x3FFE];
	[sflag:s23] =	ssyncadd.s32 $0xFFFFFFFF  }
0xa6: {  	s26 =	simm.s32 $execute0_lowered;
	[smem:$0x3FD2] =	sst s25  }
0xa7: {  	s6 =	sshll.u32 s26, $0x1;
	_ =	strace $0x80000046;
	[dreg:$0x1] =	wrdreg $0xFFFFFFFF  }
0xa8: {  	s28 =	simm.s32 $_size_execute0_lowered;
	s4 =	sadd.s32 s4, s6;
	[dreg:$0x0] =	wrdreg $0x0  }
0xa9: {  	s6 =	sshll.u32 s28, $0x1;
	[dreg:$0x2] =	wrdreg s4  }
0xaa: {  	[dreg:$0x3] =	wrdreg s6  }
0xab: {  	[dreg:$0x4] =	wrdreg $0xC0  }
0xac: {  	_ =	task [dreg:s8], $0x5FFFF  }
0xad: {  	[dreg:$0x1] =	wrdreg $0xFFFFFFFF  }
0xae: {  	[dreg:$0x0] =	wrdreg $0x60  }
0xaf: {  	[dreg:$0x2] =	wrdreg s18  }
0xb0: {  	[dreg:$0x3] =	wrdreg s24  }
0xb1: {  	[dreg:$0x4] =	wrdreg s2  }
0xb2: {  	[dreg:$0x5] =	wrdreg $0x83000  }
0xb3: {  	[dreg:$0x6] =	wrdreg $0x9  }
0xb4: {  	_ =	task.clear_ibuf [dreg:s8], $0x7FFFF;
	_ =	strace $0x90000046  }
0xb5: {  	s29 =	simm.s32 $0x9;
	_ =	strace $0x80000048  }
0xb6: {  	_ =	swait.ge [sflag:s29], $0x1  }
0xb7: {  	[sflag:s29] =	ssyncadd.s32 $0xFFFFFFFF  }
0xb8: {  	_ =	strace $0x90000048  }
0xb9: {  	_ =	sfence  }
0xba: {  	s30 =	sld [smem:$0x0];
	_ =	sdelay $0x2  }
0xbb: {  	s31 =	sshll.u32 s1, $0xD;
	s1 =	sshrl.u32 s1, $0x2  }
0xbc: {  	s3 =	sand.u32 $0x4000, s31;
	s1 =	sadd.s32 s1, s30  }
0xbd: {  	s0 =	sor.u32 s3, s0;
	s1 =	sshll.u32 s1, $0x11  }
0xbe: {  	s0 =	sor.u32 s1, s0  }
0xbf: {  	s0 =	sadd.s32 $0x8F2B, s0  }
0xc0: {  	[sflag:s0] =	ssyncadd.remote.s32 $0x1  }
0xc1: {  	_ =	sfence.sel $0xFFFF  }
0xc2: {  	[dreg:$0x0] =	wrdreg $0xFFFFFFFF;
	(pc) =	sbr.abs _section_cstart, $3  }
0xc3: {  	[dreg:$0x1] =	wrdreg $0xFFFFFFFF  }
0xc4: {  	_ =	task.clear_ibuf [dreg:s8], $0x2FFFF;
	_ =	strace $0x9FFFFFFF  }
0xc5: {  	(tm) =	ssettm $0x7FFFFFFF  }
tec
execute0_lowered:
.L_overlay_start_1:
0x0: {  	(tag) =	ssettag $0x1  }
0x1: {  	s1 =	rddreg [dreg:$0x0]  }
0x2: {  	s2 =	rddreg [dreg:$0x1]  }
0x3: {  	s3 =	rddreg [dreg:$0x2]  }
0x4: {  	s4 =	rddreg [dreg:$0x3];
	s5 =	simm.s32 $0x0;
	s0 =	srdreg.scid  }
0x5: {  	s21 =	stileid.u32;
	s30 =	simm.s32 $0x300;
	s31 =	simm.s32 $0x5  }
0x6: {  	[smem:$0x7FF] =	sst s5;
	s0 =	sand.u32 $0x1, s0;
	s7 =	sadd.s32 $0xA000, s2  }
0x7: {  	s8 =	sshll.u32 s21, $0x1;
	s13 =	sadd.s32 $0x14000, s2;
	s15 =	sshll.u32 s21, $0xE  }
0x8: {  	p0 =	sgt.u32 s21, $0xD;
	s29 =	sadd.s32 $0x138000, s4;
	_ =	strace $0x80000047  }
0x9: {  	s6 =	ssub.s32 $0x2, s0;
	s8 =	sor.u32 s0, s8;
	s26 =	sadd.s32 s15, s4  }
0xa: {  	s16 =	sor.u32 $0x40000, s15;
	s17 =	sor.u32 $0x80000, s15;
	s18 =	sor.u32 $0xC0000, s15  }
0xb: {  	s19 =	sor.u32 $0x100000, s15;
	s0 =	smul.u32 $0x138800, s0;
	p2 =	sne.s32 @!p0 s21, $0x0  }
0xc: {  	s21 =	simm.s32 $0x0;
	s9 =	sshrl.u32 s6, $0x1;
	s14 =	smul.u32 $0x2800, s8  }
0xd: {  	s28 =	sadd.s32 s16, s4;
	s24 =	sadd.s32 s17, s4;
	s11 =	sadd.s32 s18, s4  }
0xe: {  	s12 =	sadd.s32 s19, s4;
	p1 =	por p2, p0;
	p2 =	por !p2, p0  }
0xf: {  	s6 =	ssub.s32 s6, s9;
	[dreg:$0x5] =	wrdreg s24;
	s20 =	sshrl.u32 s14, $0x3  }
0x10: {  	s15 =	sadd.s32 s0, s15;
	s16 =	sadd.s32 s0, s16;
	s25 =	sadd.s32 s2, s20  }
0x11: {  	s17 =	sadd.s32 s0, s17;
	s9 =	sadd.s32 s1, s20;
	[dreg:$0x6] =	wrdreg s25  }
0x12: {  	s15 =	sshrl.u32 s15, $0x3;
	s10 =	sadd.s32 s7, s20;
	[dreg:$0x7] =	wrdreg s9  }
0x13: {  	s16 =	sshrl.u32 s16, $0x3;
	s15 =	sadd.s32 s13, s15;
	[dreg:$0x8] =	wrdreg s10  }
0x14: {  	s24 =	sadd.s32 s0, s18;
	s22 =	sadd.s32 s13, s16;
	[dreg:$0x9] =	wrdreg s15  }
0x15: {  	s23 =	sshrl.u32 s17, $0x3;
	s20 =	sor.u32 $0x10, s20;
	[dreg:$0xa] =	wrdreg s22  }
0x16: {  	s25 =	sadd.s32 s13, s23;
	s9 =	sshrl.u32 s24, $0x3;
	s10 =	sadd.s32 s0, s19  }
0x17: {  	s0 =	sshrl.u32 s0, $0x3;
	s18 =	sadd.s32 s2, s20;
	s19 =	sadd.s32 s1, s20  }
0x18: {  	s22 =	sadd.s32 s7, s20;
	s24 =	sor.u32 $0x100, s14;
	[dreg:$0xb] =	wrdreg s25  }
0x19: {  	s23 =	smax.u32 s6, $0x1;
	s6 =	simm.s32 $0x200;
	[dreg:$0xe] =	wrdreg s18  }
0x1a: {  	s20 =	simm.s32 $0x4;
	s15 =	sadd.s32 s13, s9;
	[dreg:$0xf] =	wrdreg s19  }
0x1b: {  	s16 =	sshrl.u32 s10, $0x3;
	s0 =	sadd.s32 s13, s0;
	[dreg:$0x10] =	wrdreg s22  }
0x1c: {  	s25 =	sor.u32 $0x180, s14;
	[dreg:$0x12] =	wrdreg s23;
	s14 =	simm.s32 $0x180  }
0x1d: {  	s18 =	simm.s32 $0x2;
	s19 =	simm.s32 $0x4300;
	[dreg:$0xc] =	wrdreg s15  }
0x1e: {  	s17 =	sadd.s32 s13, s16;
	s0 =	sadd.s32 $0x27000, s0;
	s13 =	simm.s32 $0x80  }
0x1f: {  	s15 =	simm.s32 $0x280;
	s16 =	simm.s32 $0x1;
	[dreg:$0xd] =	wrdreg s17  }
0x20: {  	v0 =	vimm.f32 $0.0e+00;
	[dreg:$0x11] =	wrdreg s0;
	s0 =	simm.s32 $0x100;
	s17 =	simm.s32 $0x3  }
.LBB2_1:
0x21: {  	s22 =	simm.s32 $0x0;
	s23 =	simm.s32 $0x200  }
.LBB2_2:
0x22: {  	p3 =	sne.s32 s23, $0xFE00;
	[tilespmem:s22+$0x370] =	vst v0  }
0x23: {  	[tilespmem:s22+$0x300] =	vst v0  }
0x24: {  	[tilespmem:s22+$0x310] =	vst v0  }
.Ltmp0:
0x25: {  	[tilespmem:s22+$0x320] =	vst v0;
	(pc) =	sbr.rel @p3 .LBB2_2-.Ltmp0, $4  }
0x26: {  	[tilespmem:s22+$0x330] =	vst v0  }
0x27: {  	[tilespmem:s22+$0x340] =	vst v0  }
0x28: {  	[tilespmem:s22+$0x350] =	vst v0  }
0x29: {  	[tilespmem:s22+$0x360] =	vst v0;
	s22 =	sshra.s32 s23, $0x2;
	s23 =	sadd.s32 $0x200, s23  }
0x2a: {  	[tilespmem:s22+$0x370] =	vst v0  }
0x2b: {  	[tilespmem:s22+$0x300] =	vst v0  }
0x2c: {  	[tilespmem:s22+$0x310] =	vst v0  }
0x2d: {  	[tilespmem:s22+$0x320] =	vst v0  }
0x2e: {  	[tilespmem:s22+$0x330] =	vst v0  }
0x2f: {  	[tilespmem:s22+$0x340] =	vst v0  }
0x30: {  	[tilespmem:s22+$0x350] =	vst v0  }
0x31: {  	[tilespmem:s22+$0x360] =	vst v0  }
0x32: {  	[spmem:s26] =	stream.linear.scatter [tilespmem:s30], [sflag:$0x5], $0x4000, $0x38;
	[tilespmem:$0x1BB80] =	vst v63  }
0x33: {  	_ =	swait.ge [sflag:s31], $0x4000  }
0x34: {  	[sflag:s31] =	ssyncset.done $0x0  }
0x35: {  	[sflag:s31] =	ssyncadd.s32 $0xFFFFC000  }
0x36: {  	[spmem:s28] =	stream.linear.scatter [tilespmem:s30], [sflag:$0x5], $0x4000, $0x38;
	[tilespmem:$0x1BB80] =	vst v63  }
0x37: {  	_ =	swait.ge [sflag:s31], $0x4000  }
0x38: {  	[sflag:s31] =	ssyncset.done $0x0  }
0x39: {  	s8 =	rddreg [dreg:$0x5];
	[sflag:s31] =	ssyncadd.s32 $0xFFFFC000  }
0x3a: {  	[spmem:s8] =	stream.linear.scatter [tilespmem:s30], [sflag:$0x5], $0x4000, $0x38;
	[tilespmem:$0x1BB80] =	vst v63  }
0x3b: {  	_ =	swait.ge [sflag:s31], $0x4000  }
0x3c: {  	[sflag:s31] =	ssyncset.done $0x0  }
0x3d: {  	[sflag:s31] =	ssyncadd.s32 $0xFFFFC000  }
0x3e: {  	[spmem:s11] =	stream.linear.scatter [tilespmem:s30], [sflag:$0x5], $0x4000, $0x38;
	[tilespmem:$0x1BB80] =	vst v63  }
0x3f: {  	_ =	swait.ge [sflag:s31], $0x4000  }
0x40: {  	[sflag:s31] =	ssyncset.done $0x0  }
0x41: {  	s22 =	simm.s32 @!p0 $0x300;
	[sflag:s31] =	ssyncadd.s32 $0xFFFFC000  }
0x42: {  	[spmem:s12] =	stream.linear.scatter @!p0 [tilespmem:s22], [sflag:$0x5], $0x4000, $0x38;
	[tilespmem:$0x1BB80] =	vst v63  }
0x43: {  	s22 =	simm.s32 @!p0 $0x5  }
0x44: {  	_ =	swait.ge @!p0 [sflag:s22], $0x4000  }
0x45: {  	[sflag:s22] =	ssyncset.done @!p0 $0x0  }
0x46: {  	[sflag:s22] =	ssyncadd.s32 @!p0 $0xFFFFC000;
	s22 =	simm.s32 @!p1 $0x300  }
0x47: {  	[spmem:s29] =	stream.linear.scatter @!p1 [tilespmem:s22], [sflag:$0x5], $0x800, $0x38;
	[tilespmem:$0x1BB80] =	vst v63  }
0x48: {  	s22 =	simm.s32 @!p1 $0x5  }
0x49: {  	_ =	swait.ge @!p1 [sflag:s22], $0x800  }
0x4a: {  	[sflag:s22] =	ssyncset.done @!p1 $0x0  }
0x4b: {  	[sflag:s22] =	ssyncadd.s32 @!p1 $0xFFFFF800  }
0x4c: {  	[bflag:$0x0] =	sbarrier.arrive $0xFFFF  }
0x4d: {  	s22 =	simm.s32 $0x0;
	s23 =	rddreg [dreg:$0x6]  }
0x4e: {  	[tilespmem:s22], [sflag:$0x1] =	stream.linear.gather [hbm4b:s23+s22], $0x80, $0x38;
	[tilespmem:$0x1BB80] =	vst v63  }
0x4f: {  	s9 =	smov.u32 s26;
	s26 =	rddreg [dreg:$0x7]  }
0x50: {  	[tilespmem:s0], [sflag:$0x1] =	stream.linear.gather [hbm4b:s26+s22], $0x80, $0x38;
	[tilespmem:$0x1BB80] =	vst v63  }
0x51: {  	s10 =	smov.u32 s28;
	s28 =	rddreg [dreg:$0x8]  }
0x52: {  	[tilespmem:s6], [sflag:$0x1] =	stream.linear.gather [hbm4b:s28+s22], $0x80, $0x38;
	[tilespmem:$0x1BB80] =	vst v63  }
0x53: {  	s23 =	rddreg [dreg:$0xe]  }
0x54: {  	[tilespmem:s13], [sflag:$0x2] =	stream.linear.gather [hbm4b:s23+s22], $0x80, $0x38;
	[tilespmem:$0x1BB80] =	vst v63  }
0x55: {  	s26 =	rddreg [dreg:$0xf]  }
0x56: {  	[tilespmem:s14], [sflag:$0x2] =	stream.linear.gather [hbm4b:s26+s22], $0x80, $0x38;
	[tilespmem:$0x1BB80] =	vst v63  }
0x57: {  	s28 =	rddreg [dreg:$0x10]  }
0x58: {  	[tilespmem:s15], [sflag:$0x2] =	stream.linear.gather [hbm4b:s28+s22], $0x80, $0x38;
	[tilespmem:$0x1BB80] =	vst v63  }
0x59: {  	_ =	swait.ge [sflag:s16], $0x80  }
0x5a: {  	[sflag:s16] =	ssyncset.done $0x0  }
0x5b: {  	[sflag:s16] =	ssyncadd.s32 $0xFFFFFF80  }
0x5c: {  	_ =	swait.ge [sflag:s16], $0x80  }
0x5d: {  	[sflag:s16] =	ssyncset.done $0x0  }
0x5e: {  	[sflag:s16] =	ssyncadd.s32 $0xFFFFFF80  }
0x5f: {  	p3 =	por @!p0 $0x0, $0x0;
	p4 =	por @!p1 $0x1, $0x1;
	_ =	swait.ge [sflag:s16], $0x80  }
0x60: {  	p4 =	por @!p2 p3, p3;
	p3 =	por $0x0, $0x0;
	[sflag:s16] =	ssyncset.done $0x0  }
0x61: {  	p3 =	por @!p0 p4, p4;
	[sflag:s16] =	ssyncadd.s32 $0xFFFFFF80  }
0x62: {  	[tilespmem:s30], [sflag:$0x3] =	stream.indirect.gather [hbm4b:s3+s13], $0x80, s22, s13, $0xb8;
	[tilespmem:$0x1BB80] =	vst v63  }
.LBB2_4:
0x63: {  	_ =	swait.ge [sflag:s17], $0x4000  }
0x64: {  	[sflag:s17] =	ssyncset.done $0x0  }
0x65: {  	[sflag:s17] =	ssyncadd.s32 $0xFFFFC000  }
0x66: {  	_ =	swait.ge [sflag:s18], $0x80  }
0x67: {  	[sflag:s18] =	ssyncset.done $0x0  }
0x68: {  	[sflag:s18] =	ssyncadd.s32 $0xFFFFFF80  }
0x69: {  	_ =	swait.ge [sflag:s18], $0x80  }
0x6a: {  	[sflag:s18] =	ssyncset.done $0x0  }
0x6b: {  	[sflag:s18] =	ssyncadd.s32 $0xFFFFFF80  }
0x6c: {  	_ =	swait.ge [sflag:s18], $0x80  }
0x6d: {  	s23 =	simm.s32 $0x0;
	[sflag:s18] =	ssyncset.done $0x0  }
0x6e: {  	s23 =	sand.u32 $0x3FFFFFF0, s23;
	[sflag:s18] =	ssyncadd.s32 $0xFFFFFF80  }
0x6f: {  	[tilespmem:s19], [sflag:$0x4] =	stream.indirect.gather [hbm4b:s3+s13], $0x80, s13, s13, $0xb8;
	[tilespmem:$0x1BB80] =	vst v63  }
0x70: {  	s26 =	simm.s32 $0x0;
	v1 =	vld [tilespmem:s23+$0x200]  }
0x71: {  	s23 =	sand.u32 $0x3FFFF800, s26  }
0x72: {  	v3 =	vld [tilespmem:s23+$0x320]  }
0x73: {  	v4 =	vld [tilespmem:s23+$0x330]  }
0x74: {  	v10 =	vld [tilespmem:s23+$0x360]  }
0x75: {  	v11 =	vld [tilespmem:s23+$0x370];
	v2 =	vbroadcast v1, $0x0  }
0x76: {  	v12 =	vld [tilespmem:s23+$0x380]  }
0x77: {  	v13 =	vld [tilespmem:s23+$0x390];
	v3 =	vmul.f32 v3, v2  }
0x78: {  	v14 =	vld [tilespmem:s23+$0x3A0];
	v4 =	vmul.f32 v4, v2  }
0x79: {  	v9 =	vld [tilespmem:s23+$0x3B0];
	v23 =	vbroadcast v1, $0x1;
	v22 =	vmul.f32 v10, v2;
	[tilespmem:s23+$0x320] =	vst v3  }
0x7a: {  	v7 =	vld [tilespmem:s23+$0x3C0];
	v11 =	vmul.f32 v11, v2;
	[tilespmem:s23+$0x330] =	vst v4  }
0x7b: {  	v8 =	vld [tilespmem:s23+$0x3D0];
	v12 =	vmul.f32 v12, v23;
	[tilespmem:s23+$0x360] =	vst v22  }
0x7c: {  	v25 =	vld [tilespmem:s23+$0x3F0];
	v13 =	vmul.f32 v13, v23;
	[tilespmem:s23+$0x370] =	vst v11  }
0x7d: {  	v26 =	vld [tilespmem:s23+$0x400];
	v14 =	vmul.f32 v14, v23;
	[tilespmem:s23+$0x380] =	vst v12  }
0x7e: {  	v27 =	vld [tilespmem:s23+$0x410];
	v9 =	vmul.f32 v9, v23;
	[tilespmem:s23+$0x390] =	vst v13  }
0x7f: {  	v6 =	vld [tilespmem:s23+$0x870];
	v7 =	vmul.f32 v7, v23;
	[tilespmem:s23+$0x3A0] =	vst v14  }
0x80: {  	v24 =	vld [tilespmem:s23+$0x3E0];
	v15 =	vbroadcast v1, $0x2;
	v8 =	vmul.f32 v8, v23;
	[tilespmem:s23+$0x3B0] =	vst v9  }
0x81: {  	v28 =	vld [tilespmem:s23+$0x420];
	v10 =	vmul.f32 v25, v23;
	[tilespmem:s23+$0x3C0] =	vst v7  }
0x82: {  	v29 =	vld [tilespmem:s23+$0x430];
	v5 =	vbroadcast v1, $0xA;
	v32 =	vmul.f32 v26, v15;
	[tilespmem:s23+$0x3D0] =	vst v8  }
0x83: {  	v30 =	vld [tilespmem:s23+$0x440];
	v34 =	vmul.f32 v27, v15;
	[tilespmem:s23+$0x3F0] =	vst v10  }
0x84: {  	v33 =	vld [tilespmem:s23+$0x460];
	v3 =	vmul.f32 v6, v5;
	[tilespmem:s23+$0x400] =	vst v32  }
0x85: {  	v35 =	vld [tilespmem:s23+$0x470];
	v11 =	vmul.f32 v24, v23;
	[tilespmem:s23+$0x410] =	vst v34  }
0x86: {  	v36 =	vld [tilespmem:s23+$0x480];
	v9 =	vmul.f32 v28, v15;
	[tilespmem:s23+$0x870] =	vst v3  }
0x87: {  	v31 =	vld [tilespmem:s23+$0x450];
	v7 =	vmul.f32 v29, v15;
	[tilespmem:s23+$0x3E0] =	vst v11  }
0x88: {  	v37 =	vld [tilespmem:s23+$0x490];
	v8 =	vmul.f32 v30, v15;
	[tilespmem:s23+$0x420] =	vst v9  }
0x89: {  	v38 =	vld [tilespmem:s23+$0x4A0];
	v41 =	vbroadcast v1, $0x3;
	v10 =	vmul.f32 v33, v15;
	[tilespmem:s23+$0x430] =	vst v7  }
0x8a: {  	v39 =	vld [tilespmem:s23+$0x4B0];
	v12 =	vmul.f32 v35, v15;
	[tilespmem:s23+$0x440] =	vst v8  }
0x8b: {  	v42 =	vld [tilespmem:s23+$0x4D0];
	v13 =	vmul.f32 v36, v41;
	[tilespmem:s23+$0x460] =	vst v10  }
0x8c: {  	v43 =	vld [tilespmem:s23+$0x4E0];
	v11 =	vmul.f32 v31, v15;
	[tilespmem:s23+$0x470] =	vst v12  }
0x8d: {  	v44 =	vld [tilespmem:s23+$0x4F0];
	v9 =	vmul.f32 v37, v41;
	[tilespmem:s23+$0x480] =	vst v13  }
0x8e: {  	v40 =	vld [tilespmem:s23+$0x4C0];
	v7 =	vmul.f32 v38, v41;
	[tilespmem:s23+$0x450] =	vst v11  }
0x8f: {  	v45 =	vld [tilespmem:s23+$0x500];
	v8 =	vmul.f32 v39, v41;
	[tilespmem:s23+$0x490] =	vst v9  }
0x90: {  	v46 =	vld [tilespmem:s23+$0x510];
	v10 =	vmul.f32 v42, v41;
	[tilespmem:s23+$0x4A0] =	vst v7  }
0x91: {  	v47 =	vld [tilespmem:s23+$0x520];
	v12 =	vmul.f32 v43, v41;
	[tilespmem:s23+$0x4B0] =	vst v8  }
0x92: {  	v49 =	vld [tilespmem:s23+$0x540];
	v50 =	vbroadcast v1, $0x4;
	v13 =	vmul.f32 v44, v41;
	[tilespmem:s23+$0x4D0] =	vst v10  }
0x93: {  	v51 =	vld [tilespmem:s23+$0x550];
	v11 =	vmul.f32 v40, v41;
	[tilespmem:s23+$0x4E0] =	vst v12  }
0x94: {  	v52 =	vld [tilespmem:s23+$0x560];
	v9 =	vmul.f32 v45, v50;
	[tilespmem:s23+$0x4F0] =	vst v13  }
0x95: {  	v48 =	vld [tilespmem:s23+$0x530];
	v7 =	vmul.f32 v46, v50;
	[tilespmem:s23+$0x4C0] =	vst v11  }
0x96: {  	v53 =	vld [tilespmem:s23+$0x570];
	v8 =	vmul.f32 v47, v50;
	[tilespmem:s23+$0x500] =	vst v9  }
0x97: {  	v54 =	vld [tilespmem:s23+$0x580];
	v10 =	vmul.f32 v49, v50;
	[tilespmem:s23+$0x510] =	vst v7  }
0x98: {  	v55 =	vld [tilespmem:s23+$0x590];
	v12 =	vmul.f32 v51, v50;
	[tilespmem:s23+$0x520] =	vst v8  }
0x99: {  	v57 =	vld [tilespmem:s23+$0x5B0];
	v13 =	vmul.f32 v52, v50;
	[tilespmem:s23+$0x540] =	vst v10  }
0x9a: {  	v58 =	vld [tilespmem:s23+$0x5C0];
	v59 =	vbroadcast v1, $0x5;
	v11 =	vmul.f32 v48, v50;
	[tilespmem:s23+$0x550] =	vst v12  }
0x9b: {  	v60 =	vld [tilespmem:s23+$0x5D0];
	v9 =	vmul.f32 v53, v50;
	[tilespmem:s23+$0x560] =	vst v13  }
0x9c: {  	v56 =	vld [tilespmem:s23+$0x5A0];
	v7 =	vmul.f32 v54, v59;
	[tilespmem:s23+$0x530] =	vst v11  }
0x9d: {  	v61 =	vld [tilespmem:s23+$0x5E0];
	v8 =	vmul.f32 v55, v59;
	[tilespmem:s23+$0x570] =	vst v9  }
0x9e: {  	v62 =	vld [tilespmem:s23+$0x5F0];
	v10 =	vmul.f32 v57, v59;
	[tilespmem:s23+$0x580] =	vst v7  }
0x9f: {  	v63 =	vld [tilespmem:s23+$0x600];
	v12 =	vmul.f32 v58, v59;
	[tilespmem:s23+$0x590] =	vst v8  }
0xa0: {  	v19 =	vld [tilespmem:s23+$0x620];
	v13 =	vmul.f32 v60, v59;
	[tilespmem:s23+$0x5B0] =	vst v10  }
0xa1: {  	v20 =	vld [tilespmem:s23+$0x630];
	v11 =	vmul.f32 v56, v59;
	[tilespmem:s23+$0x5C0] =	vst v12  }
0xa2: {  	v21 =	vld [tilespmem:s23+$0x640];
	v22 =	vbroadcast v1, $0x6;
	v9 =	vmul.f32 v61, v59;
	[tilespmem:s23+$0x5D0] =	vst v13  }
0xa3: {  	v18 =	vld [tilespmem:s23+$0x610];
	v7 =	vmul.f32 v62, v59;
	[tilespmem:s23+$0x5A0] =	vst v11  }
0xa4: {  	v23 =	vld [tilespmem:s23+$0x650];
	v8 =	vmul.f32 v63, v22;
	[tilespmem:s23+$0x5E0] =	vst v9  }
0xa5: {  	v24 =	vld [tilespmem:s23+$0x660];
	v10 =	vmul.f32 v19, v22;
	[tilespmem:s23+$0x5F0] =	vst v7  }
0xa6: {  	v25 =	vld [tilespmem:s23+$0x670];
	v12 =	vmul.f32 v20, v22;
	[tilespmem:s23+$0x600] =	vst v8  }
0xa7: {  	v27 =	vld [tilespmem:s23+$0x690];
	v13 =	vmul.f32 v21, v22;
	[tilespmem:s23+$0x620] =	vst v10  }
0xa8: {  	v28 =	vld [tilespmem:s23+$0x6A0];
	v11 =	vmul.f32 v18, v22;
	[tilespmem:s23+$0x630] =	vst v12  }
0xa9: {  	v29 =	vld [tilespmem:s23+$0x6B0];
	v9 =	vmul.f32 v23, v22;
	[tilespmem:s23+$0x640] =	vst v13  }
0xaa: {  	v31 =	vbroadcast v1, $0x7;
	v53 =	vld [tilespmem:s23+$0x800];
	v7 =	vmul.f32 v24, v22;
	[tilespmem:s23+$0x610] =	vst v11  }
0xab: {  	v57 =	vld [tilespmem:s23+$0x840];
	v8 =	vmul.f32 v25, v22;
	[tilespmem:s23+$0x650] =	vst v9  }
0xac: {  	v58 =	vld [tilespmem:s23+$0x850];
	v10 =	vmul.f32 v27, v31;
	[tilespmem:s23+$0x660] =	vst v7  }
0xad: {  	v26 =	vld [tilespmem:s23+$0x680];
	v12 =	vmul.f32 v28, v31;
	[tilespmem:s23+$0x670] =	vst v8  }
0xae: {  	v30 =	vld [tilespmem:s23+$0x6C0];
	v13 =	vmul.f32 v29, v31;
	[tilespmem:s23+$0x690] =	vst v10  }
0xaf: {  	v32 =	vld [tilespmem:s23+$0x6D0];
	v59 =	vmul.f32 v53, v5;
	[tilespmem:s23+$0x6A0] =	vst v12  }
0xb0: {  	v33 =	vld [tilespmem:s23+$0x6E0];
	v18 =	vmul.f32 v57, v5;
	[tilespmem:s23+$0x6B0] =	vst v13  }
0xb1: {  	v35 =	vld [tilespmem:s23+$0x700];
	v20 =	vmul.f32 v58, v5;
	[tilespmem:s23+$0x800] =	vst v59  }
0xb2: {  	v36 =	vld [tilespmem:s23+$0x710];
	v11 =	vmul.f32 v26, v31;
	[tilespmem:s23+$0x840] =	vst v18  }
0xb3: {  	v37 =	vld [tilespmem:s23+$0x720];
	v9 =	vmul.f32 v30, v31;
	[tilespmem:s23+$0x850] =	vst v20  }
0xb4: {  	v4 =	vld [tilespmem:s23+$0x880];
	v40 =	vbroadcast v1, $0x8;
	v7 =	vmul.f32 v32, v31;
	[tilespmem:s23+$0x680] =	vst v11  }
0xb5: {  	v6 =	vld [tilespmem:s23+$0x890];
	v8 =	vmul.f32 v33, v31;
	[tilespmem:s23+$0x6C0] =	vst v9  }
0xb6: {  	v3 =	vld [tilespmem:s23+$0xAD0];
	v10 =	vmul.f32 v35, v40;
	[tilespmem:s23+$0x6D0] =	vst v7  }
0xb7: {  	v61 =	vld [tilespmem:s23+$0x300];
	v23 =	vbroadcast v1, $0xB;
	v12 =	vmul.f32 v36, v40;
	[tilespmem:s23+$0x6E0] =	vst v8  }
0xb8: {  	v34 =	vld [tilespmem:s23+$0x6F0];
	v13 =	vmul.f32 v37, v40;
	[tilespmem:s23+$0x700] =	vst v10  }
0xb9: {  	v38 =	vld [tilespmem:s23+$0x730];
	v27 =	vbroadcast v1, $0xF;
	v4 =	vmul.f32 v4, v23;
	[tilespmem:s23+$0x710] =	vst v12  }
0xba: {  	v39 =	vld [tilespmem:s23+$0x740];
	v6 =	vmul.f32 v6, v23;
	[tilespmem:s23+$0x720] =	vst v13  }
0xbb: {  	v41 =	vld [tilespmem:s23+$0x750];
	v3 =	vmul.f32 v3, v27;
	[tilespmem:s23+$0x880] =	vst v4  }
0xbc: {  	v43 =	vld [tilespmem:s23+$0x770];
	v24 =	vmul.f32 v2, v61;
	[tilespmem:s23+$0x890] =	vst v6  }
0xbd: {  	v44 =	vld [tilespmem:s23+$0x780];
	v11 =	vmul.f32 v34, v31;
	[tilespmem:s23+$0xAD0] =	vst v3  }
0xbe: {  	v45 =	vld [tilespmem:s23+$0x790];
	v9 =	vmul.f32 v38, v40;
	[tilespmem:s23+$0x300] =	vst v24  }
0xbf: {  	v63 =	vld [tilespmem:s23+$0x340];
	v7 =	vmul.f32 v39, v40;
	[tilespmem:s23+$0x6F0] =	vst v11  }
0xc0: {  	v49 =	vbroadcast v1, $0x9;
	v29 =	vld [tilespmem:s23+$0x8F0];
	v8 =	vmul.f32 v41, v40;
	[tilespmem:s23+$0x730] =	vst v9  }
0xc1: {  	v42 =	vld [tilespmem:s23+$0x760];
	v10 =	vmul.f32 v43, v40;
	[tilespmem:s23+$0x740] =	vst v7  }
0xc2: {  	v46 =	vld [tilespmem:s23+$0x7A0];
	v12 =	vmul.f32 v44, v49;
	[tilespmem:s23+$0x750] =	vst v8  }
0xc3: {  	v47 =	vld [tilespmem:s23+$0x7B0];
	v13 =	vmul.f32 v45, v49;
	[tilespmem:s23+$0x770] =	vst v10  }
0xc4: {  	v48 =	vld [tilespmem:s23+$0x7C0];
	v3 =	vmul.f32 v63, v2;
	[tilespmem:s23+$0x780] =	vst v12  }
0xc5: {  	v51 =	vld [tilespmem:s23+$0x7E0];
	v6 =	vmul.f32 v29, v23;
	[tilespmem:s23+$0x790] =	vst v13  }
0xc6: {  	v52 =	vld [tilespmem:s23+$0x7F0];
	v11 =	vmul.f32 v42, v40;
	[tilespmem:s23+$0x340] =	vst v3  }
0xc7: {  	v28 =	vld [tilespmem:s23+$0x8E0];
	v9 =	vmul.f32 v46, v49;
	[tilespmem:s23+$0x8F0] =	vst v6  }
0xc8: {  	v26 =	vld [tilespmem:s23+$0x8D0];
	v7 =	vmul.f32 v47, v49;
	[tilespmem:s23+$0x760] =	vst v11  }
0xc9: {  	v30 =	vld [tilespmem:s23+$0x900];
	v8 =	vmul.f32 v48, v49;
	[tilespmem:s23+$0x7A0] =	vst v9  }
0xca: {  	v50 =	vld [tilespmem:s23+$0x7D0];
	v10 =	vmul.f32 v51, v49;
	[tilespmem:s23+$0x7B0] =	vst v7  }
0xcb: {  	v54 =	vld [tilespmem:s23+$0x810];
	v12 =	vmul.f32 v52, v49;
	[tilespmem:s23+$0x7C0] =	vst v8  }
0xcc: {  	v55 =	vld [tilespmem:s23+$0x820];
	v35 =	vbroadcast v1, $0xC;
	v40 =	vmul.f32 v28, v23;
	[tilespmem:s23+$0x7E0] =	vst v10  }
0xcd: {  	v56 =	vld [tilespmem:s23+$0x830];
	v32 =	vmul.f32 v26, v23;
	[tilespmem:s23+$0x7F0] =	vst v12  }
0xce: {  	v60 =	vld [tilespmem:s23+$0x860];
	v15 =	vmul.f32 v30, v35;
	[tilespmem:s23+$0x8E0] =	vst v40  }
0xcf: {  	v62 =	vld [tilespmem:s23+$0x310];
	v11 =	vmul.f32 v50, v49;
	[tilespmem:s23+$0x8D0] =	vst v32  }
0xd0: {  	v19 =	vld [tilespmem:s23+$0x350];
	v9 =	vmul.f32 v54, v5;
	[tilespmem:s23+$0x900] =	vst v15  }
0xd1: {  	v33 =	vld [tilespmem:s23+$0x930];
	v7 =	vmul.f32 v55, v5;
	[tilespmem:s23+$0x7D0] =	vst v11  }
0xd2: {  	v61 =	vld [tilespmem:s23+$0xAF0];
	v8 =	vmul.f32 v56, v5;
	[tilespmem:s23+$0x810] =	vst v9  }
0xd3: {  	v38 =	vld [tilespmem:s23+$0x970];
	v5 =	vmul.f32 v60, v5;
	[tilespmem:s23+$0x820] =	vst v7  }
0xd4: {  	v21 =	vld [tilespmem:s23+$0x8A0];
	v12 =	vmul.f32 v62, v2;
	[tilespmem:s23+$0x830] =	vst v8  }
0xd5: {  	v22 =	vld [tilespmem:s23+$0x8B0];
	v2 =	vmul.f32 v19, v2;
	[tilespmem:s23+$0x860] =	vst v5  }
0xd6: {  	v25 =	vld [tilespmem:s23+$0x8C0];
	v62 =	vmul.f32 v33, v35;
	[tilespmem:s23+$0x310] =	vst v12  }
0xd7: {  	v31 =	vld [tilespmem:s23+$0x910];
	v63 =	vmul.f32 v61, v27;
	[tilespmem:s23+$0x350] =	vst v2  }
0xd8: {  	v34 =	vld [tilespmem:s23+$0x940];
	v15 =	vmul.f32 v38, v35;
	[tilespmem:s23+$0x930] =	vst v62  }
0xd9: {  	v41 =	vld [tilespmem:s23+$0x9A0];
	v7 =	vmul.f32 v21, v23;
	[tilespmem:s23+$0xAF0] =	vst v63  }
0xda: {  	v46 =	vld [tilespmem:s23+$0x9E0];
	v8 =	vmul.f32 v22, v23;
	[tilespmem:s23+$0x970] =	vst v15  }
0xdb: {  	v36 =	vld [tilespmem:s23+$0x950];
	v5 =	vmul.f32 v25, v23;
	[tilespmem:s23+$0x8A0] =	vst v7  }
0xdc: {  	v44 =	vbroadcast v1, $0xD;
	v9 =	vmul.f32 v31, v35;
	v2 =	vld [tilespmem:s23+$0x990];
	[tilespmem:s23+$0x8B0] =	vst v8  }
0xdd: {  	v37 =	vld [tilespmem:s23+$0x960];
	v12 =	vmul.f32 v34, v35;
	[tilespmem:s23+$0x8C0] =	vst v5  }
0xde: {  	v39 =	vld [tilespmem:s23+$0x980];
	v11 =	vmul.f32 v41, v44;
	[tilespmem:s23+$0x910] =	vst v9  }
0xdf: {  	v42 =	vld [tilespmem:s23+$0x9B0];
	v51 =	vmul.f32 v46, v44;
	[tilespmem:s23+$0x940] =	vst v12  }
0xe0: {  	v48 =	vld [tilespmem:s23+$0xA10];
	v8 =	vmul.f32 v36, v35;
	[tilespmem:s23+$0x9A0] =	vst v11  }
0xe1: {  	v49 =	vld [tilespmem:s23+$0xA20];
	[tilespmem:s23+$0x9E0] =	vst v51;
	v2 =	vmul.f32 v2, v44  }
0xe2: {  	v50 =	vld [tilespmem:s23+$0xA30];
	v5 =	vmul.f32 v37, v35;
	[tilespmem:s23+$0x950] =	vst v8  }
0xe3: {  	v1 =	vbroadcast v1, $0xE;
	v9 =	vmul.f32 v39, v44;
	[tilespmem:s23+$0x990] =	vst v2;
	v2 =	vld [tilespmem:s23+$0xA00]  }
0xe4: {  	v60 =	vld [tilespmem:s23+$0xAE0];
	v12 =	vmul.f32 v42, v44;
	[tilespmem:s23+$0x960] =	vst v5  }
0xe5: {  	v45 =	vld [tilespmem:s23+$0x9D0];
	v11 =	vmul.f32 v48, v1;
	[tilespmem:s23+$0x980] =	vst v9  }
0xe6: {  	v47 =	vld [tilespmem:s23+$0x9F0];
	v10 =	vmul.f32 v49, v1;
	[tilespmem:s23+$0x9B0] =	vst v12  }
0xe7: {  	v43 =	vld [tilespmem:s23+$0x9C0];
	v6 =	vmul.f32 v50, v1;
	[tilespmem:s23+$0xA10] =	vst v11  }
0xe8: {  	v55 =	vld [tilespmem:s23+$0xA80];
	[tilespmem:s23+$0xA20] =	vst v10;
	v2 =	vmul.f32 v2, v1  }
0xe9: {  	v57 =	vld [tilespmem:s23+$0xAA0];
	v4 =	vmul.f32 v60, v27;
	[tilespmem:s23+$0xA30] =	vst v6  }
0xea: {  	v5 =	vmul.f32 v45, v44;
	[tilespmem:s23+$0xA00] =	vst v2;
	v2 =	vld [tilespmem:s23+$0xA70]  }
0xeb: {  	v52 =	vld [tilespmem:s23+$0xA40];
	v9 =	vmul.f32 v47, v44;
	[tilespmem:s23+$0xAE0] =	vst v4  }
0xec: {  	v56 =	vld [tilespmem:s23+$0xA90];
	v8 =	vmul.f32 v43, v44;
	[tilespmem:s23+$0x9D0] =	vst v5  }
0xed: {  	v54 =	vld [tilespmem:s23+$0xA60];
	v11 =	vmul.f32 v55, v27;
	[tilespmem:s23+$0x9F0] =	vst v9  }
0xee: {  	v58 =	vld [tilespmem:s23+$0xAB0];
	v6 =	vmul.f32 v57, v27;
	[tilespmem:s23+$0x9C0] =	vst v8  }
0xef: {  	v53 =	vld [tilespmem:s23+$0xA50];
	[tilespmem:s23+$0xA80] =	vst v11;
	v2 =	vmul.f32 v2, v1  }
0xf0: {  	v59 =	vld [tilespmem:s23+$0xAC0];
	v5 =	vmul.f32 v52, v1;
	[tilespmem:s23+$0xAA0] =	vst v6  }
0xf1: {  	[tilespmem:s23+$0xA70] =	vst v2;
	v2 =	vmul.f32 v56, v27  }
0xf2: {  	v3 =	vld [tilespmem:s23+$0x920];
	v9 =	vmul.f32 v54, v1;
	[tilespmem:s23+$0xA40] =	vst v5  }
0xf3: {  	[tilespmem:s23+$0xA90] =	vst v2;
	v2 =	vmul.f32 v58, v27  }
0xf4: {  	[tilespmem:s23+$0xA60] =	vst v9;
	v1 =	vmul.f32 v53, v1  }
0xf5: {  	[tilespmem:s23+$0xAB0] =	vst v2;
	v2 =	vmul.f32 v59, v27  }
0xf6: {  	[tilespmem:s23+$0xA50] =	vst v1  }
0xf7: {  	s26 =	simm.s32 $0x1;
	[tilespmem:s23+$0xAC0] =	vst v2;
	v2 =	vmul.f32 v3, v35  }
.LBB2_5:
0xf8: {  	s28 =	sshll.u32 s26, $0x4  }
0xf9: {  	p4 =	sne.s32 s26, $0x7;
	[tilespmem:s23+$0x920] =	vst v2;
	s23 =	smov.u32 s26;
	s26 =	sadd.s32 $0x1, s26  }
0xfa: {  	s28 =	sand.u32 $0x3FFFFFF0, s28  }
0xfb: {  	s23 =	sshll.u32 s23, $0xB;
	v1 =	vld [tilespmem:s28+$0x200]  }
0xfc: {  	s23 =	sand.u32 $0x3FFFF800, s23  }
0xfd: {  	v8 =	vld [tilespmem:s23+$0x3C0]  }
0xfe: {  	v9 =	vld [tilespmem:s23+$0x3D0]  }
0xff: {  	v10 =	vld [tilespmem:s23+$0x3B0]  }
0x100: {  	v2 =	vbroadcast v1, $0x0;
	v3 =	vld [tilespmem:s23+$0x320];
	v7 =	vbroadcast v1, $0x4  }
0x101: {  	v5 =	vld [tilespmem:s23+$0x330]  }
0x102: {  	v6 =	vld [tilespmem:s23+$0x870]  }
0x103: {  	v11 =	vld [tilespmem:s23+$0x360]  }
0x104: {  	v12 =	vld [tilespmem:s23+$0x370]  }
0x105: {  	v4 =	vbroadcast v1, $0xA;
	v3 =	vmul.f32 v3, v2;
	v13 =	vld [tilespmem:s23+$0x380]  }
0x106: {  	v5 =	vmul.f32 v5, v2;
	v14 =	vld [tilespmem:s23+$0x390]  }
0x107: {  	[tilespmem:s23+$0x320] =	vst v3;
	v15 =	vld [tilespmem:s23+$0x3A0];
	v3 =	vmul.f32 v6, v4  }
0x108: {  	[tilespmem:s23+$0x330] =	vst v5;
	v6 =	vmul.f32 v11, v2;
	v11 =	vbroadcast v1, $0x1;
	v5 =	vld [tilespmem:s23+$0x880]  }
0x109: {  	v12 =	vmul.f32 v12, v2;
	[tilespmem:s23+$0x870] =	vst v3;
	v3 =	vld [tilespmem:s23+$0xAD0]  }
0x10a: {  	[tilespmem:s23+$0x360] =	vst v6;
	v13 =	vmul.f32 v13, v11;
	v6 =	vld [tilespmem:s23+$0x890]  }
0x10b: {  	[tilespmem:s23+$0x370] =	vst v12;
	v12 =	vmul.f32 v14, v11;
	v14 =	vld [tilespmem:s23+$0x3E0]  }
0x10c: {  	[tilespmem:s23+$0x380] =	vst v13;
	v13 =	vmul.f32 v15, v11;
	v15 =	vld [tilespmem:s23+$0x3F0]  }
0x10d: {  	v10 =	vmul.f32 v10, v11;
	[tilespmem:s23+$0x390] =	vst v12;
	v12 =	vld [tilespmem:s23+$0x400]  }
0x10e: {  	v8 =	vmul.f32 v8, v11;
	[tilespmem:s23+$0x3A0] =	vst v13;
	v13 =	vld [tilespmem:s23+$0x410]  }
0x10f: {  	v9 =	vmul.f32 v9, v11;
	[tilespmem:s23+$0x3B0] =	vst v10;
	v10 =	vld [tilespmem:s23+$0x420]  }
0x110: {  	[tilespmem:s23+$0x3C0] =	vst v8;
	v8 =	vmul.f32 v14, v11;
	v14 =	vbroadcast v1, $0x2;
	v16 =	vld [tilespmem:s23+$0x430]  }
0x111: {  	[tilespmem:s23+$0x3D0] =	vst v9;
	v9 =	vmul.f32 v15, v11;
	v11 =	vld [tilespmem:s23+$0x440]  }
0x112: {  	[tilespmem:s23+$0x3E0] =	vst v8;
	v8 =	vmul.f32 v12, v14;
	v12 =	vld [tilespmem:s23+$0x450]  }
0x113: {  	[tilespmem:s23+$0x3F0] =	vst v9;
	v9 =	vmul.f32 v13, v14;
	v13 =	vld [tilespmem:s23+$0x460]  }
0x114: {  	[tilespmem:s23+$0x400] =	vst v8;
	v8 =	vmul.f32 v10, v14;
	v10 =	vld [tilespmem:s23+$0x470]  }
0x115: {  	[tilespmem:s23+$0x410] =	vst v9;
	v9 =	vmul.f32 v16, v14;
	v15 =	vld [tilespmem:s23+$0x480]  }
0x116: {  	[tilespmem:s23+$0x420] =	vst v8;
	v8 =	vmul.f32 v11, v14;
	v11 =	vld [tilespmem:s23+$0x490]  }
0x117: {  	[tilespmem:s23+$0x430] =	vst v9;
	v9 =	vmul.f32 v12, v14;
	v12 =	vld [tilespmem:s23+$0x4A0]  }
0x118: {  	[tilespmem:s23+$0x440] =	vst v8;
	v8 =	vmul.f32 v13, v14;
	v13 =	vbroadcast v1, $0x3;
	v16 =	vld [tilespmem:s23+$0x4B0]  }
0x119: {  	[tilespmem:s23+$0x450] =	vst v9;
	v9 =	vmul.f32 v10, v14;
	v10 =	vld [tilespmem:s23+$0x4C0]  }
0x11a: {  	[tilespmem:s23+$0x460] =	vst v8;
	v8 =	vmul.f32 v15, v13;
	v14 =	vld [tilespmem:s23+$0x4D0]  }
0x11b: {  	[tilespmem:s23+$0x470] =	vst v9;
	v9 =	vmul.f32 v11, v13;
	v11 =	vld [tilespmem:s23+$0x4E0]  }
0x11c: {  	[tilespmem:s23+$0x480] =	vst v8;
	v8 =	vmul.f32 v12, v13;
	v12 =	vld [tilespmem:s23+$0x4F0]  }
0x11d: {  	[tilespmem:s23+$0x490] =	vst v9;
	v9 =	vmul.f32 v16, v13;
	v15 =	vld [tilespmem:s23+$0x500]  }
0x11e: {  	[tilespmem:s23+$0x4A0] =	vst v8;
	v8 =	vmul.f32 v10, v13;
	v10 =	vld [tilespmem:s23+$0x510]  }
0x11f: {  	[tilespmem:s23+$0x4B0] =	vst v9;
	v9 =	vmul.f32 v14, v13;
	v14 =	vld [tilespmem:s23+$0x520]  }
0x120: {  	[tilespmem:s23+$0x4C0] =	vst v8;
	v8 =	vmul.f32 v11, v13;
	v11 =	vld [tilespmem:s23+$0x530]  }
0x121: {  	[tilespmem:s23+$0x4D0] =	vst v9;
	v9 =	vmul.f32 v12, v13;
	v12 =	vld [tilespmem:s23+$0x540]  }
0x122: {  	[tilespmem:s23+$0x4E0] =	vst v8;
	v8 =	vmul.f32 v15, v7;
	v13 =	vld [tilespmem:s23+$0x550]  }
0x123: {  	[tilespmem:s23+$0x4F0] =	vst v9;
	v9 =	vmul.f32 v10, v7;
	v10 =	vld [tilespmem:s23+$0x560]  }
0x124: {  	[tilespmem:s23+$0x500] =	vst v8;
	v8 =	vmul.f32 v14, v7;
	v14 =	vld [tilespmem:s23+$0x570]  }
0x125: {  	[tilespmem:s23+$0x510] =	vst v9;
	v9 =	vmul.f32 v11, v7;
	v11 =	vld [tilespmem:s23+$0x580]  }
0x126: {  	[tilespmem:s23+$0x520] =	vst v8;
	v8 =	vmul.f32 v12, v7;
	v12 =	vld [tilespmem:s23+$0x590]  }
0x127: {  	[tilespmem:s23+$0x530] =	vst v9;
	v9 =	vmul.f32 v13, v7;
	v13 =	vld [tilespmem:s23+$0x5A0]  }
0x128: {  	[tilespmem:s23+$0x540] =	vst v8;
	v8 =	vmul.f32 v10, v7;
	v10 =	vbroadcast v1, $0x5;
	v15 =	vld [tilespmem:s23+$0x5B0]  }
0x129: {  	[tilespmem:s23+$0x550] =	vst v9;
	v7 =	vmul.f32 v14, v7;
	v9 =	vld [tilespmem:s23+$0x5C0]  }
0x12a: {  	[tilespmem:s23+$0x560] =	vst v8;
	v8 =	vmul.f32 v11, v10;
	v11 =	vld [tilespmem:s23+$0x5D0]  }
0x12b: {  	[tilespmem:s23+$0x570] =	vst v7;
	v7 =	vmul.f32 v12, v10;
	v12 =	vld [tilespmem:s23+$0x5E0]  }
0x12c: {  	[tilespmem:s23+$0x580] =	vst v8;
	v8 =	vmul.f32 v13, v10;
	v13 =	vld [tilespmem:s23+$0x5F0]  }
0x12d: {  	[tilespmem:s23+$0x590] =	vst v7;
	v7 =	vmul.f32 v15, v10;
	v14 =	vld [tilespmem:s23+$0x600]  }
0x12e: {  	[tilespmem:s23+$0x5A0] =	vst v8;
	v8 =	vmul.f32 v9, v10;
	v9 =	vld [tilespmem:s23+$0x610]  }
0x12f: {  	[tilespmem:s23+$0x5B0] =	vst v7;
	v7 =	vmul.f32 v11, v10;
	v11 =	vld [tilespmem:s23+$0x620]  }
0x130: {  	[tilespmem:s23+$0x5C0] =	vst v8;
	v8 =	vmul.f32 v12, v10;
	v12 =	vbroadcast v1, $0x6;
	v15 =	vld [tilespmem:s23+$0x630]  }
0x131: {  	[tilespmem:s23+$0x5D0] =	vst v7;
	v7 =	vmul.f32 v13, v10;
	v10 =	vld [tilespmem:s23+$0x640]  }
0x132: {  	[tilespmem:s23+$0x5E0] =	vst v8;
	v8 =	vmul.f32 v14, v12;
	v13 =	vld [tilespmem:s23+$0x650]  }
0x133: {  	[tilespmem:s23+$0x5F0] =	vst v7;
	v7 =	vmul.f32 v9, v12;
	v9 =	vld [tilespmem:s23+$0x660]  }
0x134: {  	[tilespmem:s23+$0x600] =	vst v8;
	v8 =	vmul.f32 v11, v12;
	v11 =	vld [tilespmem:s23+$0x670]  }
0x135: {  	[tilespmem:s23+$0x610] =	vst v7;
	v7 =	vmul.f32 v15, v12;
	v14 =	vld [tilespmem:s23+$0x680]  }
0x136: {  	[tilespmem:s23+$0x620] =	vst v8;
	v8 =	vmul.f32 v10, v12;
	v10 =	vld [tilespmem:s23+$0x690]  }
0x137: {  	[tilespmem:s23+$0x630] =	vst v7;
	v7 =	vmul.f32 v13, v12;
	v13 =	vld [tilespmem:s23+$0x6A0]  }
0x138: {  	[tilespmem:s23+$0x640] =	vst v8;
	v8 =	vmul.f32 v9, v12;
	v9 =	vbroadcast v1, $0x7;
	v15 =	vld [tilespmem:s23+$0x6B0]  }
0x139: {  	[tilespmem:s23+$0x650] =	vst v7;
	v7 =	vmul.f32 v11, v12;
	v11 =	vld [tilespmem:s23+$0x6C0]  }
0x13a: {  	[tilespmem:s23+$0x660] =	vst v8;
	v8 =	vmul.f32 v14, v9;
	v12 =	vld [tilespmem:s23+$0x6D0]  }
0x13b: {  	[tilespmem:s23+$0x670] =	vst v7;
	v7 =	vmul.f32 v10, v9;
	v10 =	vld [tilespmem:s23+$0x6E0]  }
0x13c: {  	[tilespmem:s23+$0x680] =	vst v8;
	v8 =	vmul.f32 v13, v9;
	v13 =	vld [tilespmem:s23+$0x6F0]  }
0x13d: {  	[tilespmem:s23+$0x690] =	vst v7;
	v7 =	vmul.f32 v15, v9;
	v14 =	vld [tilespmem:s23+$0x700]  }
0x13e: {  	[tilespmem:s23+$0x6A0] =	vst v8;
	v8 =	vmul.f32 v11, v9;
	v11 =	vld [tilespmem:s23+$0x710]  }
0x13f: {  	[tilespmem:s23+$0x6B0] =	vst v7;
	v7 =	vmul.f32 v12, v9;
	v12 =	vld [tilespmem:s23+$0x720]  }
0x140: {  	[tilespmem:s23+$0x6C0] =	vst v8;
	v8 =	vmul.f32 v10, v9;
	v10 =	vbroadcast v1, $0x8;
	v15 =	vld [tilespmem:s23+$0x730]  }
0x141: {  	[tilespmem:s23+$0x6D0] =	vst v7;
	v7 =	vmul.f32 v13, v9;
	v9 =	vld [tilespmem:s23+$0x740]  }
0x142: {  	[tilespmem:s23+$0x6E0] =	vst v8;
	v8 =	vmul.f32 v14, v10;
	v13 =	vld [tilespmem:s23+$0x750]  }
0x143: {  	[tilespmem:s23+$0x6F0] =	vst v7;
	v7 =	vmul.f32 v11, v10;
	v11 =	vld [tilespmem:s23+$0x760]  }
0x144: {  	[tilespmem:s23+$0x700] =	vst v8;
	v8 =	vmul.f32 v12, v10;
	v12 =	vld [tilespmem:s23+$0x770]  }
0x145: {  	[tilespmem:s23+$0x710] =	vst v7;
	v7 =	vmul.f32 v15, v10;
	v14 =	vld [tilespmem:s23+$0x780]  }
0x146: {  	[tilespmem:s23+$0x720] =	vst v8;
	v8 =	vmul.f32 v9, v10;
	v9 =	vld [tilespmem:s23+$0x790]  }
0x147: {  	[tilespmem:s23+$0x730] =	vst v7;
	v7 =	vmul.f32 v13, v10;
	v13 =	vld [tilespmem:s23+$0x7A0]  }
0x148: {  	[tilespmem:s23+$0x740] =	vst v8;
	v8 =	vmul.f32 v11, v10;
	v11 =	vbroadcast v1, $0x9;
	v15 =	vld [tilespmem:s23+$0x7B0]  }
0x149: {  	[tilespmem:s23+$0x750] =	vst v7;
	v7 =	vmul.f32 v12, v10;
	v10 =	vld [tilespmem:s23+$0x7C0]  }
0x14a: {  	[tilespmem:s23+$0x760] =	vst v8;
	v8 =	vmul.f32 v14, v11;
	v12 =	vld [tilespmem:s23+$0x7D0]  }
0x14b: {  	[tilespmem:s23+$0x770] =	vst v7;
	v7 =	vmul.f32 v9, v11;
	v9 =	vld [tilespmem:s23+$0x7E0]  }
0x14c: {  	[tilespmem:s23+$0x780] =	vst v8;
	v8 =	vmul.f32 v13, v11;
	v13 =	vld [tilespmem:s23+$0x7F0]  }
0x14d: {  	[tilespmem:s23+$0x790] =	vst v7;
	v7 =	vmul.f32 v15, v11;
	v14 =	vld [tilespmem:s23+$0x800]  }
0x14e: {  	[tilespmem:s23+$0x7A0] =	vst v8;
	v8 =	vmul.f32 v10, v11;
	v10 =	vld [tilespmem:s23+$0x810]  }
0x14f: {  	[tilespmem:s23+$0x7B0] =	vst v7;
	v7 =	vmul.f32 v12, v11;
	v12 =	vld [tilespmem:s23+$0x820]  }
0x150: {  	[tilespmem:s23+$0x7C0] =	vst v8;
	v8 =	vmul.f32 v9, v11;
	v9 =	vld [tilespmem:s23+$0x830]  }
0x151: {  	[tilespmem:s23+$0x7D0] =	vst v7;
	v7 =	vmul.f32 v13, v11;
	v11 =	vld [tilespmem:s23+$0x840]  }
0x152: {  	[tilespmem:s23+$0x7E0] =	vst v8;
	v8 =	vmul.f32 v14, v4;
	v13 =	vld [tilespmem:s23+$0x850]  }
0x153: {  	[tilespmem:s23+$0x7F0] =	vst v7;
	v7 =	vmul.f32 v10, v4;
	v10 =	vld [tilespmem:s23+$0x860]  }
0x154: {  	v14 =	vld [tilespmem:s23+$0x300];
	[tilespmem:s23+$0x800] =	vst v8;
	v8 =	vmul.f32 v12, v4  }
0x155: {  	v12 =	vld [tilespmem:s23+$0x310];
	[tilespmem:s23+$0x810] =	vst v7;
	v7 =	vmul.f32 v9, v4  }
0x156: {  	v9 =	vld [tilespmem:s23+$0x340];
	[tilespmem:s23+$0x820] =	vst v8;
	v8 =	vmul.f32 v11, v4  }
0x157: {  	v11 =	vld [tilespmem:s23+$0x350];
	[tilespmem:s23+$0x830] =	vst v7;
	v7 =	vmul.f32 v13, v4  }
0x158: {  	[tilespmem:s23+$0x840] =	vst v8;
	v8 =	vmul.f32 v10, v4;
	v10 =	vbroadcast v1, $0xB;
	v13 =	vld [tilespmem:s23+$0x8A0]  }
0x159: {  	v4 =	vbroadcast v1, $0xF;
	v14 =	vmul.f32 v2, v14;
	[tilespmem:s23+$0x850] =	vst v7;
	v7 =	vld [tilespmem:s23+$0x8B0]  }
0x15a: {  	v12 =	vmul.f32 v12, v2;
	[tilespmem:s23+$0x860] =	vst v8;
	v5 =	vmul.f32 v5, v10;
	v8 =	vld [tilespmem:s23+$0x8C0]  }
0x15b: {  	v6 =	vmul.f32 v6, v10;
	[tilespmem:s23+$0x300] =	vst v14;
	v9 =	vmul.f32 v9, v2;
	v14 =	vld [tilespmem:s23+$0x8D0]  }
0x15c: {  	v3 =	vmul.f32 v3, v4;
	v11 =	vmul.f32 v11, v2;
	[tilespmem:s23+$0x880] =	vst v5;
	v2 =	vld [tilespmem:s23+$0x8E0]  }
0x15d: {  	[tilespmem:s23+$0x890] =	vst v6;
	v5 =	vmul.f32 v13, v10;
	v6 =	vld [tilespmem:s23+$0x8F0]  }
0x15e: {  	v7 =	vmul.f32 v7, v10;
	v13 =	vld [tilespmem:s23+$0x900];
	[tilespmem:s23+$0xAD0] =	vst v3  }
0x15f: {  	[tilespmem:s23+$0x310] =	vst v12;
	v3 =	vmul.f32 v8, v10;
	v8 =	vld [tilespmem:s23+$0x910]  }
0x160: {  	[tilespmem:s23+$0x340] =	vst v9;
	v9 =	vmul.f32 v14, v10;
	v12 =	vld [tilespmem:s23+$0x920]  }
0x161: {  	v14 =	vbroadcast v1, $0xC;
	[tilespmem:s23+$0x8A0] =	vst v5;
	v5 =	vmul.f32 v2, v10;
	v15 =	vld [tilespmem:s23+$0x930]  }
0x162: {  	[tilespmem:s23+$0x8D0] =	vst v9;
	v6 =	vmul.f32 v6, v10;
	v9 =	vld [tilespmem:s23+$0x940]  }
0x163: {  	[tilespmem:s23+$0x8B0] =	vst v7;
	v2 =	vmul.f32 v13, v14;
	v7 =	vld [tilespmem:s23+$0x950]  }
0x164: {  	[tilespmem:s23+$0x8C0] =	vst v3;
	v3 =	vmul.f32 v8, v14;
	v8 =	vld [tilespmem:s23+$0x960]  }
0x165: {  	[tilespmem:s23+$0x900] =	vst v2;
	v2 =	vmul.f32 v12, v14;
	v10 =	vld [tilespmem:s23+$0x970]  }
0x166: {  	[tilespmem:s23+$0x910] =	vst v3;
	v3 =	vld [tilespmem:s23+$0x980]  }
0x167: {  	[tilespmem:s23+$0x350] =	vst v11;
	v9 =	vmul.f32 v9, v14;
	v11 =	vld [tilespmem:s23+$0x990]  }
0x168: {  	[tilespmem:s23+$0x8E0] =	vst v5;
	v5 =	vmul.f32 v7, v14;
	v7 =	vld [tilespmem:s23+$0x9A0]  }
0x169: {  	[tilespmem:s23+$0x940] =	vst v9;
	v8 =	vmul.f32 v8, v14;
	v9 =	vbroadcast v1, $0xD;
	v12 =	vld [tilespmem:s23+$0x9B0]  }
0x16a: {  	[tilespmem:s23+$0x950] =	vst v5;
	v5 =	vmul.f32 v10, v14;
	v10 =	vld [tilespmem:s23+$0x9C0]  }
0x16b: {  	[tilespmem:s23+$0x960] =	vst v8;
	v3 =	vmul.f32 v3, v9;
	v8 =	vld [tilespmem:s23+$0x9D0]  }
0x16c: {  	[tilespmem:s23+$0x970] =	vst v5;
	v5 =	vmul.f32 v11, v9;
	v11 =	vld [tilespmem:s23+$0x9E0]  }
0x16d: {  	[tilespmem:s23+$0x980] =	vst v3;
	v3 =	vmul.f32 v7, v9;
	v7 =	vld [tilespmem:s23+$0x9F0]  }
0x16e: {  	[tilespmem:s23+$0x990] =	vst v5;
	v5 =	vmul.f32 v12, v9;
	v12 =	vld [tilespmem:s23+$0xA00]  }
0x16f: {  	[tilespmem:s23+$0x9A0] =	vst v3;
	v3 =	vmul.f32 v10, v9;
	v10 =	vld [tilespmem:s23+$0xA10]  }
0x170: {  	[tilespmem:s23+$0x9B0] =	vst v5;
	v5 =	vmul.f32 v8, v9;
	v8 =	vld [tilespmem:s23+$0xA20]  }
0x171: {  	v1 =	vbroadcast v1, $0xE;
	[tilespmem:s23+$0x8F0] =	vst v6;
	v6 =	vmul.f32 v11, v9;
	v11 =	vld [tilespmem:s23+$0xA30]  }
0x172: {  	[tilespmem:s23+$0x9D0] =	vst v5;
	v5 =	vmul.f32 v7, v9;
	v7 =	vld [tilespmem:s23+$0xA40]  }
0x173: {  	[tilespmem:s23+$0x9E0] =	vst v6;
	v6 =	vmul.f32 v12, v1;
	v9 =	vld [tilespmem:s23+$0xA50]  }
0x174: {  	[tilespmem:s23+$0x9F0] =	vst v5;
	v5 =	vmul.f32 v10, v1;
	v10 =	vld [tilespmem:s23+$0xA60]  }
0x175: {  	[tilespmem:s23+$0xA00] =	vst v6;
	v6 =	vmul.f32 v8, v1;
	v8 =	vld [tilespmem:s23+$0xA70]  }
0x176: {  	[tilespmem:s23+$0xA10] =	vst v5;
	v5 =	vmul.f32 v11, v1;
	v11 =	vld [tilespmem:s23+$0xA80]  }
0x177: {  	[tilespmem:s23+$0xA20] =	vst v6;
	v6 =	vmul.f32 v7, v1;
	v7 =	vld [tilespmem:s23+$0xA90]  }
0x178: {  	[tilespmem:s23+$0xA30] =	vst v5;
	v5 =	vmul.f32 v9, v1;
	v9 =	vld [tilespmem:s23+$0xAA0]  }
0x179: {  	[tilespmem:s23+$0xA40] =	vst v6;
	v6 =	vmul.f32 v10, v1;
	v10 =	vld [tilespmem:s23+$0xAB0]  }
0x17a: {  	[tilespmem:s23+$0x9C0] =	vst v3;
	v1 =	vmul.f32 v8, v1;
	v3 =	vld [tilespmem:s23+$0xAC0]  }
0x17b: {  	[tilespmem:s23+$0xA60] =	vst v6;
	v6 =	vmul.f32 v11, v4;
	v8 =	vld [tilespmem:s23+$0xAE0]  }
0x17c: {  	[tilespmem:s23+$0xA70] =	vst v1;
	v1 =	vmul.f32 v7, v4;
	v7 =	vld [tilespmem:s23+$0xAF0]  }
0x17d: {  	[tilespmem:s23+$0xA80] =	vst v6;
	v6 =	vmul.f32 v9, v4  }
0x17e: {  	[tilespmem:s23+$0xA90] =	vst v1;
	v1 =	vmul.f32 v10, v4  }
0x17f: {  	v9 =	vmul.f32 v15, v14;
	[tilespmem:s23+$0xAA0] =	vst v6  }
0x180: {  	[tilespmem:s23+$0xAB0] =	vst v1;
	v1 =	vmul.f32 v3, v4  }
.Ltmp1:
0x181: {  	[tilespmem:s23+$0x930] =	vst v9;
	v3 =	vmul.f32 v7, v4;
	(pc) =	sbr.rel @p4 .LBB2_5-.Ltmp1, $4  }
0x182: {  	[tilespmem:s23+$0xAC0] =	vst v1  }
0x183: {  	v1 =	vmul.f32 v8, v4;
	[tilespmem:s23+$0xAF0] =	vst v3  }
0x184: {  	[tilespmem:s23+$0xA50] =	vst v5  }
0x185: {  	[tilespmem:s23+$0xAE0] =	vst v1  }
0x186: {  	[tilespmem:s23+$0x920] =	vst v2;
	s23 =	sshll.u32 s22, $0x1  }
0x187: {  	[spmem:s4] =	stream.indirect.scatter.add.f32 [tilespmem:s30], [sflag:$0x5], $0x80, s0, s13, $0xb8;
	[tilespmem:$0x1BB80] =	vst v63  }
0x188: {  	s26 =	smin.u32 s23, $0x4D  }
0x189: {  	s26 =	sshll.u32 s26, $0x7  }
0x18a: {  	_ =	swait.ge [sflag:s31], $0x4000;
	s26 =	sadd.s32 s26, s24  }
0x18b: {  	[sflag:s31] =	ssyncset.done $0x0;
	s26 =	sshrl.u32 s26, $0x3  }
0x18c: {  	s8 =	simm.s32 $0x0;
	[sflag:s31] =	ssyncadd.s32 $0xFFFFC000;
	s28 =	sadd.s32 s2, s26  }
0x18d: {  	[tilespmem:s8], [sflag:$0x1] =	stream.linear.gather [hbm4b:s28+s8], $0x80, $0x38;
	[tilespmem:$0x1BB80] =	vst v63  }
0x18e: {  	s28 =	sadd.s32 s1, s26  }
0x18f: {  	[tilespmem:s0], [sflag:$0x1] =	stream.linear.gather [hbm4b:s28+s8], $0x80, $0x38;
	[tilespmem:$0x1BB80] =	vst v63  }
0x190: {  	s26 =	sadd.s32 s7, s26  }
0x191: {  	[tilespmem:s6], [sflag:$0x1] =	stream.linear.gather [hbm4b:s26+s8], $0x80, $0x38;
	[tilespmem:$0x1BB80] =	vst v63  }
0x192: {  	_ =	swait.ge [sflag:s20], $0x4000  }
0x193: {  	[sflag:s20] =	ssyncset.done $0x0  }
0x194: {  	[sflag:s20] =	ssyncadd.s32 $0xFFFFC000  }
0x195: {  	_ =	swait.ge [sflag:s16], $0x80  }
0x196: {  	[sflag:s16] =	ssyncset.done $0x0  }
0x197: {  	[sflag:s16] =	ssyncadd.s32 $0xFFFFFF80  }
0x198: {  	_ =	swait.ge [sflag:s16], $0x80  }
0x199: {  	[sflag:s16] =	ssyncset.done $0x0  }
0x19a: {  	[sflag:s16] =	ssyncadd.s32 $0xFFFFFF80  }
0x19b: {  	_ =	swait.ge [sflag:s16], $0x80  }
0x19c: {  	[sflag:s16] =	ssyncset.done $0x0  }
0x19d: {  	s26 =	simm.s32 $0x0;
	[sflag:s16] =	ssyncadd.s32 $0xFFFFFF80  }
0x19e: {  	[tilespmem:s30], [sflag:$0x3] =	stream.indirect.gather [hbm4b:s3+s13], $0x80, s8, s13, $0xb8;
	[tilespmem:$0x1BB80] =	vst v63  }
0x19f: {  	s8 =	sand.u32 $0x3FFFFFF0, s26  }
0x1a0: {  	s26 =	simm.s32 $0x0;
	v1 =	vld [tilespmem:s8+$0x280]  }
0x1a1: {  	s26 =	sand.u32 $0x3FFFF800, s26  }
0x1a2: {  	v3 =	vld [tilespmem:s26+$0x4320]  }
0x1a3: {  	v4 =	vld [tilespmem:s26+$0x4330]  }
0x1a4: {  	v10 =	vld [tilespmem:s26+$0x4360]  }
0x1a5: {  	v11 =	vld [tilespmem:s26+$0x4370];
	v2 =	vbroadcast v1, $0x0  }
0x1a6: {  	v12 =	vld [tilespmem:s26+$0x4380]  }
0x1a7: {  	v13 =	vld [tilespmem:s26+$0x4390];
	v3 =	vmul.f32 v3, v2  }
0x1a8: {  	v14 =	vld [tilespmem:s26+$0x43A0];
	v4 =	vmul.f32 v4, v2  }
0x1a9: {  	v9 =	vld [tilespmem:s26+$0x43B0];
	v23 =	vbroadcast v1, $0x1;
	v22 =	vmul.f32 v10, v2;
	[tilespmem:s26+$0x4320] =	vst v3  }
0x1aa: {  	v7 =	vld [tilespmem:s26+$0x43C0];
	v11 =	vmul.f32 v11, v2;
	[tilespmem:s26+$0x4330] =	vst v4  }
0x1ab: {  	v8 =	vld [tilespmem:s26+$0x43D0];
	v12 =	vmul.f32 v12, v23;
	[tilespmem:s26+$0x4360] =	vst v22  }
0x1ac: {  	v25 =	vld [tilespmem:s26+$0x43F0];
	v13 =	vmul.f32 v13, v23;
	[tilespmem:s26+$0x4370] =	vst v11  }
0x1ad: {  	v26 =	vld [tilespmem:s26+$0x4400];
	v14 =	vmul.f32 v14, v23;
	[tilespmem:s26+$0x4380] =	vst v12  }
0x1ae: {  	v27 =	vld [tilespmem:s26+$0x4410];
	v9 =	vmul.f32 v9, v23;
	[tilespmem:s26+$0x4390] =	vst v13  }
0x1af: {  	v6 =	vld [tilespmem:s26+$0x4870];
	v7 =	vmul.f32 v7, v23;
	[tilespmem:s26+$0x43A0] =	vst v14  }
0x1b0: {  	v24 =	vld [tilespmem:s26+$0x43E0];
	v15 =	vbroadcast v1, $0x2;
	v8 =	vmul.f32 v8, v23;
	[tilespmem:s26+$0x43B0] =	vst v9  }
0x1b1: {  	v28 =	vld [tilespmem:s26+$0x4420];
	v10 =	vmul.f32 v25, v23;
	[tilespmem:s26+$0x43C0] =	vst v7  }
0x1b2: {  	v29 =	vld [tilespmem:s26+$0x4430];
	v5 =	vbroadcast v1, $0xA;
	v32 =	vmul.f32 v26, v15;
	[tilespmem:s26+$0x43D0] =	vst v8  }
0x1b3: {  	v30 =	vld [tilespmem:s26+$0x4440];
	v34 =	vmul.f32 v27, v15;
	[tilespmem:s26+$0x43F0] =	vst v10  }
0x1b4: {  	v33 =	vld [tilespmem:s26+$0x4460];
	v3 =	vmul.f32 v6, v5;
	[tilespmem:s26+$0x4400] =	vst v32  }
0x1b5: {  	v35 =	vld [tilespmem:s26+$0x4470];
	v11 =	vmul.f32 v24, v23;
	[tilespmem:s26+$0x4410] =	vst v34  }
0x1b6: {  	v36 =	vld [tilespmem:s26+$0x4480];
	v9 =	vmul.f32 v28, v15;
	[tilespmem:s26+$0x4870] =	vst v3  }
0x1b7: {  	v31 =	vld [tilespmem:s26+$0x4450];
	v7 =	vmul.f32 v29, v15;
	[tilespmem:s26+$0x43E0] =	vst v11  }
0x1b8: {  	v37 =	vld [tilespmem:s26+$0x4490];
	v8 =	vmul.f32 v30, v15;
	[tilespmem:s26+$0x4420] =	vst v9  }
0x1b9: {  	v38 =	vld [tilespmem:s26+$0x44A0];
	v41 =	vbroadcast v1, $0x3;
	v10 =	vmul.f32 v33, v15;
	[tilespmem:s26+$0x4430] =	vst v7  }
0x1ba: {  	v39 =	vld [tilespmem:s26+$0x44B0];
	v12 =	vmul.f32 v35, v15;
	[tilespmem:s26+$0x4440] =	vst v8  }
0x1bb: {  	v42 =	vld [tilespmem:s26+$0x44D0];
	v13 =	vmul.f32 v36, v41;
	[tilespmem:s26+$0x4460] =	vst v10  }
0x1bc: {  	v43 =	vld [tilespmem:s26+$0x44E0];
	v11 =	vmul.f32 v31, v15;
	[tilespmem:s26+$0x4470] =	vst v12  }
0x1bd: {  	v44 =	vld [tilespmem:s26+$0x44F0];
	v9 =	vmul.f32 v37, v41;
	[tilespmem:s26+$0x4480] =	vst v13  }
0x1be: {  	v40 =	vld [tilespmem:s26+$0x44C0];
	v7 =	vmul.f32 v38, v41;
	[tilespmem:s26+$0x4450] =	vst v11  }
0x1bf: {  	v45 =	vld [tilespmem:s26+$0x4500];
	v8 =	vmul.f32 v39, v41;
	[tilespmem:s26+$0x4490] =	vst v9  }
0x1c0: {  	v46 =	vld [tilespmem:s26+$0x4510];
	v10 =	vmul.f32 v42, v41;
	[tilespmem:s26+$0x44A0] =	vst v7  }
0x1c1: {  	v47 =	vld [tilespmem:s26+$0x4520];
	v12 =	vmul.f32 v43, v41;
	[tilespmem:s26+$0x44B0] =	vst v8  }
0x1c2: {  	v49 =	vld [tilespmem:s26+$0x4540];
	v50 =	vbroadcast v1, $0x4;
	v13 =	vmul.f32 v44, v41;
	[tilespmem:s26+$0x44D0] =	vst v10  }
0x1c3: {  	v51 =	vld [tilespmem:s26+$0x4550];
	v11 =	vmul.f32 v40, v41;
	[tilespmem:s26+$0x44E0] =	vst v12  }
0x1c4: {  	v52 =	vld [tilespmem:s26+$0x4560];
	v9 =	vmul.f32 v45, v50;
	[tilespmem:s26+$0x44F0] =	vst v13  }
0x1c5: {  	v48 =	vld [tilespmem:s26+$0x4530];
	v7 =	vmul.f32 v46, v50;
	[tilespmem:s26+$0x44C0] =	vst v11  }
0x1c6: {  	v53 =	vld [tilespmem:s26+$0x4570];
	v8 =	vmul.f32 v47, v50;
	[tilespmem:s26+$0x4500] =	vst v9  }
0x1c7: {  	v54 =	vld [tilespmem:s26+$0x4580];
	v10 =	vmul.f32 v49, v50;
	[tilespmem:s26+$0x4510] =	vst v7  }
0x1c8: {  	v55 =	vld [tilespmem:s26+$0x4590];
	v12 =	vmul.f32 v51, v50;
	[tilespmem:s26+$0x4520] =	vst v8  }
0x1c9: {  	v57 =	vld [tilespmem:s26+$0x45B0];
	v13 =	vmul.f32 v52, v50;
	[tilespmem:s26+$0x4540] =	vst v10  }
0x1ca: {  	v58 =	vld [tilespmem:s26+$0x45C0];
	v59 =	vbroadcast v1, $0x5;
	v11 =	vmul.f32 v48, v50;
	[tilespmem:s26+$0x4550] =	vst v12  }
0x1cb: {  	v60 =	vld [tilespmem:s26+$0x45D0];
	v9 =	vmul.f32 v53, v50;
	[tilespmem:s26+$0x4560] =	vst v13  }
0x1cc: {  	v56 =	vld [tilespmem:s26+$0x45A0];
	v7 =	vmul.f32 v54, v59;
	[tilespmem:s26+$0x4530] =	vst v11  }
0x1cd: {  	v61 =	vld [tilespmem:s26+$0x45E0];
	v8 =	vmul.f32 v55, v59;
	[tilespmem:s26+$0x4570] =	vst v9  }
0x1ce: {  	v62 =	vld [tilespmem:s26+$0x45F0];
	v10 =	vmul.f32 v57, v59;
	[tilespmem:s26+$0x4580] =	vst v7  }
0x1cf: {  	v63 =	vld [tilespmem:s26+$0x4600];
	v12 =	vmul.f32 v58, v59;
	[tilespmem:s26+$0x4590] =	vst v8  }
0x1d0: {  	v19 =	vld [tilespmem:s26+$0x4620];
	v13 =	vmul.f32 v60, v59;
	[tilespmem:s26+$0x45B0] =	vst v10  }
0x1d1: {  	v20 =	vld [tilespmem:s26+$0x4630];
	v11 =	vmul.f32 v56, v59;
	[tilespmem:s26+$0x45C0] =	vst v12  }
0x1d2: {  	v21 =	vld [tilespmem:s26+$0x4640];
	v22 =	vbroadcast v1, $0x6;
	v9 =	vmul.f32 v61, v59;
	[tilespmem:s26+$0x45D0] =	vst v13  }
0x1d3: {  	v18 =	vld [tilespmem:s26+$0x4610];
	v7 =	vmul.f32 v62, v59;
	[tilespmem:s26+$0x45A0] =	vst v11  }
0x1d4: {  	v23 =	vld [tilespmem:s26+$0x4650];
	v8 =	vmul.f32 v63, v22;
	[tilespmem:s26+$0x45E0] =	vst v9  }
0x1d5: {  	v24 =	vld [tilespmem:s26+$0x4660];
	v10 =	vmul.f32 v19, v22;
	[tilespmem:s26+$0x45F0] =	vst v7  }
0x1d6: {  	v25 =	vld [tilespmem:s26+$0x4670];
	v12 =	vmul.f32 v20, v22;
	[tilespmem:s26+$0x4600] =	vst v8  }
0x1d7: {  	v27 =	vld [tilespmem:s26+$0x4690];
	v13 =	vmul.f32 v21, v22;
	[tilespmem:s26+$0x4620] =	vst v10  }
0x1d8: {  	v28 =	vld [tilespmem:s26+$0x46A0];
	v11 =	vmul.f32 v18, v22;
	[tilespmem:s26+$0x4630] =	vst v12  }
0x1d9: {  	v29 =	vld [tilespmem:s26+$0x46B0];
	v9 =	vmul.f32 v23, v22;
	[tilespmem:s26+$0x4640] =	vst v13  }
0x1da: {  	v31 =	vbroadcast v1, $0x7;
	v53 =	vld [tilespmem:s26+$0x4800];
	v7 =	vmul.f32 v24, v22;
	[tilespmem:s26+$0x4610] =	vst v11  }
0x1db: {  	v57 =	vld [tilespmem:s26+$0x4840];
	v8 =	vmul.f32 v25, v22;
	[tilespmem:s26+$0x4650] =	vst v9  }
0x1dc: {  	v58 =	vld [tilespmem:s26+$0x4850];
	v10 =	vmul.f32 v27, v31;
	[tilespmem:s26+$0x4660] =	vst v7  }
0x1dd: {  	v26 =	vld [tilespmem:s26+$0x4680];
	v12 =	vmul.f32 v28, v31;
	[tilespmem:s26+$0x4670] =	vst v8  }
0x1de: {  	v30 =	vld [tilespmem:s26+$0x46C0];
	v13 =	vmul.f32 v29, v31;
	[tilespmem:s26+$0x4690] =	vst v10  }
0x1df: {  	v32 =	vld [tilespmem:s26+$0x46D0];
	v59 =	vmul.f32 v53, v5;
	[tilespmem:s26+$0x46A0] =	vst v12  }
0x1e0: {  	v33 =	vld [tilespmem:s26+$0x46E0];
	v18 =	vmul.f32 v57, v5;
	[tilespmem:s26+$0x46B0] =	vst v13  }
0x1e1: {  	v35 =	vld [tilespmem:s26+$0x4700];
	v20 =	vmul.f32 v58, v5;
	[tilespmem:s26+$0x4800] =	vst v59  }
0x1e2: {  	v36 =	vld [tilespmem:s26+$0x4710];
	v11 =	vmul.f32 v26, v31;
	[tilespmem:s26+$0x4840] =	vst v18  }
0x1e3: {  	v37 =	vld [tilespmem:s26+$0x4720];
	v9 =	vmul.f32 v30, v31;
	[tilespmem:s26+$0x4850] =	vst v20  }
0x1e4: {  	v4 =	vld [tilespmem:s26+$0x4880];
	v40 =	vbroadcast v1, $0x8;
	v7 =	vmul.f32 v32, v31;
	[tilespmem:s26+$0x4680] =	vst v11  }
0x1e5: {  	v6 =	vld [tilespmem:s26+$0x4890];
	v8 =	vmul.f32 v33, v31;
	[tilespmem:s26+$0x46C0] =	vst v9  }
0x1e6: {  	v3 =	vld [tilespmem:s26+$0x4AD0];
	v10 =	vmul.f32 v35, v40;
	[tilespmem:s26+$0x46D0] =	vst v7  }
0x1e7: {  	v61 =	vld [tilespmem:s26+$0x4300];
	v23 =	vbroadcast v1, $0xB;
	v12 =	vmul.f32 v36, v40;
	[tilespmem:s26+$0x46E0] =	vst v8  }
0x1e8: {  	v34 =	vld [tilespmem:s26+$0x46F0];
	v13 =	vmul.f32 v37, v40;
	[tilespmem:s26+$0x4700] =	vst v10  }
0x1e9: {  	v38 =	vld [tilespmem:s26+$0x4730];
	v27 =	vbroadcast v1, $0xF;
	v4 =	vmul.f32 v4, v23;
	[tilespmem:s26+$0x4710] =	vst v12  }
0x1ea: {  	v39 =	vld [tilespmem:s26+$0x4740];
	v6 =	vmul.f32 v6, v23;
	[tilespmem:s26+$0x4720] =	vst v13  }
0x1eb: {  	v41 =	vld [tilespmem:s26+$0x4750];
	v3 =	vmul.f32 v3, v27;
	[tilespmem:s26+$0x4880] =	vst v4  }
0x1ec: {  	v43 =	vld [tilespmem:s26+$0x4770];
	v24 =	vmul.f32 v2, v61;
	[tilespmem:s26+$0x4890] =	vst v6  }
0x1ed: {  	v44 =	vld [tilespmem:s26+$0x4780];
	v11 =	vmul.f32 v34, v31;
	[tilespmem:s26+$0x4AD0] =	vst v3  }
0x1ee: {  	v45 =	vld [tilespmem:s26+$0x4790];
	v9 =	vmul.f32 v38, v40;
	[tilespmem:s26+$0x4300] =	vst v24  }
0x1ef: {  	v63 =	vld [tilespmem:s26+$0x4340];
	v7 =	vmul.f32 v39, v40;
	[tilespmem:s26+$0x46F0] =	vst v11  }
0x1f0: {  	v49 =	vbroadcast v1, $0x9;
	v29 =	vld [tilespmem:s26+$0x48F0];
	v8 =	vmul.f32 v41, v40;
	[tilespmem:s26+$0x4730] =	vst v9  }
0x1f1: {  	v42 =	vld [tilespmem:s26+$0x4760];
	v10 =	vmul.f32 v43, v40;
	[tilespmem:s26+$0x4740] =	vst v7  }
0x1f2: {  	v46 =	vld [tilespmem:s26+$0x47A0];
	v12 =	vmul.f32 v44, v49;
	[tilespmem:s26+$0x4750] =	vst v8  }
0x1f3: {  	v47 =	vld [tilespmem:s26+$0x47B0];
	v13 =	vmul.f32 v45, v49;
	[tilespmem:s26+$0x4770] =	vst v10  }
0x1f4: {  	v48 =	vld [tilespmem:s26+$0x47C0];
	v3 =	vmul.f32 v63, v2;
	[tilespmem:s26+$0x4780] =	vst v12  }
0x1f5: {  	v51 =	vld [tilespmem:s26+$0x47E0];
	v6 =	vmul.f32 v29, v23;
	[tilespmem:s26+$0x4790] =	vst v13  }
0x1f6: {  	v52 =	vld [tilespmem:s26+$0x47F0];
	v11 =	vmul.f32 v42, v40;
	[tilespmem:s26+$0x4340] =	vst v3  }
0x1f7: {  	v28 =	vld [tilespmem:s26+$0x48E0];
	v9 =	vmul.f32 v46, v49;
	[tilespmem:s26+$0x48F0] =	vst v6  }
0x1f8: {  	v26 =	vld [tilespmem:s26+$0x48D0];
	v7 =	vmul.f32 v47, v49;
	[tilespmem:s26+$0x4760] =	vst v11  }
0x1f9: {  	v30 =	vld [tilespmem:s26+$0x4900];
	v8 =	vmul.f32 v48, v49;
	[tilespmem:s26+$0x47A0] =	vst v9  }
0x1fa: {  	v50 =	vld [tilespmem:s26+$0x47D0];
	v10 =	vmul.f32 v51, v49;
	[tilespmem:s26+$0x47B0] =	vst v7  }
0x1fb: {  	v54 =	vld [tilespmem:s26+$0x4810];
	v12 =	vmul.f32 v52, v49;
	[tilespmem:s26+$0x47C0] =	vst v8  }
0x1fc: {  	v55 =	vld [tilespmem:s26+$0x4820];
	v35 =	vbroadcast v1, $0xC;
	v40 =	vmul.f32 v28, v23;
	[tilespmem:s26+$0x47E0] =	vst v10  }
0x1fd: {  	v56 =	vld [tilespmem:s26+$0x4830];
	v32 =	vmul.f32 v26, v23;
	[tilespmem:s26+$0x47F0] =	vst v12  }
0x1fe: {  	v60 =	vld [tilespmem:s26+$0x4860];
	v15 =	vmul.f32 v30, v35;
	[tilespmem:s26+$0x48E0] =	vst v40  }
0x1ff: {  	v62 =	vld [tilespmem:s26+$0x4310];
	v11 =	vmul.f32 v50, v49;
	[tilespmem:s26+$0x48D0] =	vst v32  }
0x200: {  	v19 =	vld [tilespmem:s26+$0x4350];
	v9 =	vmul.f32 v54, v5;
	[tilespmem:s26+$0x4900] =	vst v15  }
0x201: {  	v33 =	vld [tilespmem:s26+$0x4930];
	v7 =	vmul.f32 v55, v5;
	[tilespmem:s26+$0x47D0] =	vst v11  }
0x202: {  	v61 =	vld [tilespmem:s26+$0x4AF0];
	v8 =	vmul.f32 v56, v5;
	[tilespmem:s26+$0x4810] =	vst v9  }
0x203: {  	v38 =	vld [tilespmem:s26+$0x4970];
	v5 =	vmul.f32 v60, v5;
	[tilespmem:s26+$0x4820] =	vst v7  }
0x204: {  	v21 =	vld [tilespmem:s26+$0x48A0];
	v12 =	vmul.f32 v62, v2;
	[tilespmem:s26+$0x4830] =	vst v8  }
0x205: {  	v22 =	vld [tilespmem:s26+$0x48B0];
	v2 =	vmul.f32 v19, v2;
	[tilespmem:s26+$0x4860] =	vst v5  }
0x206: {  	v25 =	vld [tilespmem:s26+$0x48C0];
	v62 =	vmul.f32 v33, v35;
	[tilespmem:s26+$0x4310] =	vst v12  }
0x207: {  	v31 =	vld [tilespmem:s26+$0x4910];
	v63 =	vmul.f32 v61, v27;
	[tilespmem:s26+$0x4350] =	vst v2  }
0x208: {  	v34 =	vld [tilespmem:s26+$0x4940];
	v15 =	vmul.f32 v38, v35;
	[tilespmem:s26+$0x4930] =	vst v62  }
0x209: {  	v41 =	vld [tilespmem:s26+$0x49A0];
	v7 =	vmul.f32 v21, v23;
	[tilespmem:s26+$0x4AF0] =	vst v63  }
0x20a: {  	v46 =	vld [tilespmem:s26+$0x49E0];
	v8 =	vmul.f32 v22, v23;
	[tilespmem:s26+$0x4970] =	vst v15  }
0x20b: {  	v36 =	vld [tilespmem:s26+$0x4950];
	v5 =	vmul.f32 v25, v23;
	[tilespmem:s26+$0x48A0] =	vst v7  }
0x20c: {  	v44 =	vbroadcast v1, $0xD;
	v9 =	vmul.f32 v31, v35;
	v2 =	vld [tilespmem:s26+$0x4990];
	[tilespmem:s26+$0x48B0] =	vst v8  }
0x20d: {  	v37 =	vld [tilespmem:s26+$0x4960];
	v12 =	vmul.f32 v34, v35;
	[tilespmem:s26+$0x48C0] =	vst v5  }
0x20e: {  	v39 =	vld [tilespmem:s26+$0x4980];
	v11 =	vmul.f32 v41, v44;
	[tilespmem:s26+$0x4910] =	vst v9  }
0x20f: {  	v42 =	vld [tilespmem:s26+$0x49B0];
	v51 =	vmul.f32 v46, v44;
	[tilespmem:s26+$0x4940] =	vst v12  }
0x210: {  	v48 =	vld [tilespmem:s26+$0x4A10];
	v8 =	vmul.f32 v36, v35;
	[tilespmem:s26+$0x49A0] =	vst v11  }
0x211: {  	v49 =	vld [tilespmem:s26+$0x4A20];
	[tilespmem:s26+$0x49E0] =	vst v51;
	v2 =	vmul.f32 v2, v44  }
0x212: {  	v50 =	vld [tilespmem:s26+$0x4A30];
	v5 =	vmul.f32 v37, v35;
	[tilespmem:s26+$0x4950] =	vst v8  }
0x213: {  	v1 =	vbroadcast v1, $0xE;
	v9 =	vmul.f32 v39, v44;
	[tilespmem:s26+$0x4990] =	vst v2;
	v2 =	vld [tilespmem:s26+$0x4A00]  }
0x214: {  	v60 =	vld [tilespmem:s26+$0x4AE0];
	v12 =	vmul.f32 v42, v44;
	[tilespmem:s26+$0x4960] =	vst v5  }
0x215: {  	v45 =	vld [tilespmem:s26+$0x49D0];
	v11 =	vmul.f32 v48, v1;
	[tilespmem:s26+$0x4980] =	vst v9  }
0x216: {  	v47 =	vld [tilespmem:s26+$0x49F0];
	v10 =	vmul.f32 v49, v1;
	[tilespmem:s26+$0x49B0] =	vst v12  }
0x217: {  	v43 =	vld [tilespmem:s26+$0x49C0];
	v6 =	vmul.f32 v50, v1;
	[tilespmem:s26+$0x4A10] =	vst v11  }
0x218: {  	v55 =	vld [tilespmem:s26+$0x4A80];
	[tilespmem:s26+$0x4A20] =	vst v10;
	v2 =	vmul.f32 v2, v1  }
0x219: {  	v57 =	vld [tilespmem:s26+$0x4AA0];
	v4 =	vmul.f32 v60, v27;
	[tilespmem:s26+$0x4A30] =	vst v6  }
0x21a: {  	v5 =	vmul.f32 v45, v44;
	[tilespmem:s26+$0x4A00] =	vst v2;
	v2 =	vld [tilespmem:s26+$0x4A70]  }
0x21b: {  	v52 =	vld [tilespmem:s26+$0x4A40];
	v9 =	vmul.f32 v47, v44;
	[tilespmem:s26+$0x4AE0] =	vst v4  }
0x21c: {  	v56 =	vld [tilespmem:s26+$0x4A90];
	v8 =	vmul.f32 v43, v44;
	[tilespmem:s26+$0x49D0] =	vst v5  }
0x21d: {  	v54 =	vld [tilespmem:s26+$0x4A60];
	v11 =	vmul.f32 v55, v27;
	[tilespmem:s26+$0x49F0] =	vst v9  }
0x21e: {  	v58 =	vld [tilespmem:s26+$0x4AB0];
	v6 =	vmul.f32 v57, v27;
	[tilespmem:s26+$0x49C0] =	vst v8  }
0x21f: {  	v53 =	vld [tilespmem:s26+$0x4A50];
	[tilespmem:s26+$0x4A80] =	vst v11;
	v2 =	vmul.f32 v2, v1  }
0x220: {  	v59 =	vld [tilespmem:s26+$0x4AC0];
	v5 =	vmul.f32 v52, v1;
	[tilespmem:s26+$0x4AA0] =	vst v6  }
0x221: {  	[tilespmem:s26+$0x4A70] =	vst v2;
	v2 =	vmul.f32 v56, v27  }
0x222: {  	v3 =	vld [tilespmem:s26+$0x4920];
	v9 =	vmul.f32 v54, v1;
	[tilespmem:s26+$0x4A40] =	vst v5  }
0x223: {  	[tilespmem:s26+$0x4A90] =	vst v2;
	v2 =	vmul.f32 v58, v27  }
0x224: {  	[tilespmem:s26+$0x4A60] =	vst v9;
	v1 =	vmul.f32 v53, v1  }
0x225: {  	[tilespmem:s26+$0x4AB0] =	vst v2;
	v2 =	vmul.f32 v59, v27  }
0x226: {  	[tilespmem:s26+$0x4A50] =	vst v1  }
0x227: {  	s28 =	simm.s32 $0x1;
	[tilespmem:s26+$0x4AC0] =	vst v2;
	v2 =	vmul.f32 v3, v35  }
.LBB2_7:
0x228: {  	s8 =	sshll.u32 s28, $0x4  }
0x229: {  	p4 =	sne.s32 s28, $0x7;
	[tilespmem:s26+$0x4920] =	vst v2;
	s26 =	smov.u32 s28;
	s28 =	sadd.s32 $0x1, s28  }
0x22a: {  	s8 =	sand.u32 $0x3FFFFFF0, s8  }
0x22b: {  	v1 =	vld [tilespmem:s8+$0x280];
	s8 =	sshll.u32 s26, $0xB  }
0x22c: {  	s26 =	sand.u32 $0x3FFFF800, s8  }
0x22d: {  	v8 =	vld [tilespmem:s26+$0x43C0]  }
0x22e: {  	v9 =	vld [tilespmem:s26+$0x43D0]  }
0x22f: {  	v10 =	vld [tilespmem:s26+$0x43B0]  }
0x230: {  	v2 =	vbroadcast v1, $0x0;
	v3 =	vld [tilespmem:s26+$0x4320];
	v7 =	vbroadcast v1, $0x4  }
0x231: {  	v5 =	vld [tilespmem:s26+$0x4330]  }
0x232: {  	v6 =	vld [tilespmem:s26+$0x4870]  }
0x233: {  	v11 =	vld [tilespmem:s26+$0x4360]  }
0x234: {  	v12 =	vld [tilespmem:s26+$0x4370]  }
0x235: {  	v4 =	vbroadcast v1, $0xA;
	v3 =	vmul.f32 v3, v2;
	v13 =	vld [tilespmem:s26+$0x4380]  }
0x236: {  	v5 =	vmul.f32 v5, v2;
	v14 =	vld [tilespmem:s26+$0x4390]  }
0x237: {  	[tilespmem:s26+$0x4320] =	vst v3;
	v15 =	vld [tilespmem:s26+$0x43A0];
	v3 =	vmul.f32 v6, v4  }
0x238: {  	[tilespmem:s26+$0x4330] =	vst v5;
	v6 =	vmul.f32 v11, v2;
	v11 =	vbroadcast v1, $0x1;
	v5 =	vld [tilespmem:s26+$0x4880]  }
0x239: {  	v12 =	vmul.f32 v12, v2;
	[tilespmem:s26+$0x4870] =	vst v3;
	v3 =	vld [tilespmem:s26+$0x4AD0]  }
0x23a: {  	[tilespmem:s26+$0x4360] =	vst v6;
	v13 =	vmul.f32 v13, v11;
	v6 =	vld [tilespmem:s26+$0x4890]  }
0x23b: {  	[tilespmem:s26+$0x4370] =	vst v12;
	v12 =	vmul.f32 v14, v11;
	v14 =	vld [tilespmem:s26+$0x43E0]  }
0x23c: {  	[tilespmem:s26+$0x4380] =	vst v13;
	v13 =	vmul.f32 v15, v11;
	v15 =	vld [tilespmem:s26+$0x43F0]  }
0x23d: {  	v10 =	vmul.f32 v10, v11;
	[tilespmem:s26+$0x4390] =	vst v12;
	v12 =	vld [tilespmem:s26+$0x4400]  }
0x23e: {  	v8 =	vmul.f32 v8, v11;
	[tilespmem:s26+$0x43A0] =	vst v13;
	v13 =	vld [tilespmem:s26+$0x4410]  }
0x23f: {  	v9 =	vmul.f32 v9, v11;
	[tilespmem:s26+$0x43B0] =	vst v10;
	v10 =	vld [tilespmem:s26+$0x4420]  }
0x240: {  	[tilespmem:s26+$0x43C0] =	vst v8;
	v8 =	vmul.f32 v14, v11;
	v14 =	vbroadcast v1, $0x2;
	v16 =	vld [tilespmem:s26+$0x4430]  }
0x241: {  	[tilespmem:s26+$0x43D0] =	vst v9;
	v9 =	vmul.f32 v15, v11;
	v11 =	vld [tilespmem:s26+$0x4440]  }
0x242: {  	[tilespmem:s26+$0x43E0] =	vst v8;
	v8 =	vmul.f32 v12, v14;
	v12 =	vld [tilespmem:s26+$0x4450]  }
0x243: {  	[tilespmem:s26+$0x43F0] =	vst v9;
	v9 =	vmul.f32 v13, v14;
	v13 =	vld [tilespmem:s26+$0x4460]  }
0x244: {  	[tilespmem:s26+$0x4400] =	vst v8;
	v8 =	vmul.f32 v10, v14;
	v10 =	vld [tilespmem:s26+$0x4470]  }
0x245: {  	[tilespmem:s26+$0x4410] =	vst v9;
	v9 =	vmul.f32 v16, v14;
	v15 =	vld [tilespmem:s26+$0x4480]  }
0x246: {  	[tilespmem:s26+$0x4420] =	vst v8;
	v8 =	vmul.f32 v11, v14;
	v11 =	vld [tilespmem:s26+$0x4490]  }
0x247: {  	[tilespmem:s26+$0x4430] =	vst v9;
	v9 =	vmul.f32 v12, v14;
	v12 =	vld [tilespmem:s26+$0x44A0]  }
0x248: {  	[tilespmem:s26+$0x4440] =	vst v8;
	v8 =	vmul.f32 v13, v14;
	v13 =	vbroadcast v1, $0x3;
	v16 =	vld [tilespmem:s26+$0x44B0]  }
0x249: {  	[tilespmem:s26+$0x4450] =	vst v9;
	v9 =	vmul.f32 v10, v14;
	v10 =	vld [tilespmem:s26+$0x44C0]  }
0x24a: {  	[tilespmem:s26+$0x4460] =	vst v8;
	v8 =	vmul.f32 v15, v13;
	v14 =	vld [tilespmem:s26+$0x44D0]  }
0x24b: {  	[tilespmem:s26+$0x4470] =	vst v9;
	v9 =	vmul.f32 v11, v13;
	v11 =	vld [tilespmem:s26+$0x44E0]  }
0x24c: {  	[tilespmem:s26+$0x4480] =	vst v8;
	v8 =	vmul.f32 v12, v13;
	v12 =	vld [tilespmem:s26+$0x44F0]  }
0x24d: {  	[tilespmem:s26+$0x4490] =	vst v9;
	v9 =	vmul.f32 v16, v13;
	v15 =	vld [tilespmem:s26+$0x4500]  }
0x24e: {  	[tilespmem:s26+$0x44A0] =	vst v8;
	v8 =	vmul.f32 v10, v13;
	v10 =	vld [tilespmem:s26+$0x4510]  }
0x24f: {  	[tilespmem:s26+$0x44B0] =	vst v9;
	v9 =	vmul.f32 v14, v13;
	v14 =	vld [tilespmem:s26+$0x4520]  }
0x250: {  	[tilespmem:s26+$0x44C0] =	vst v8;
	v8 =	vmul.f32 v11, v13;
	v11 =	vld [tilespmem:s26+$0x4530]  }
0x251: {  	[tilespmem:s26+$0x44D0] =	vst v9;
	v9 =	vmul.f32 v12, v13;
	v12 =	vld [tilespmem:s26+$0x4540]  }
0x252: {  	[tilespmem:s26+$0x44E0] =	vst v8;
	v8 =	vmul.f32 v15, v7;
	v13 =	vld [tilespmem:s26+$0x4550]  }
0x253: {  	[tilespmem:s26+$0x44F0] =	vst v9;
	v9 =	vmul.f32 v10, v7;
	v10 =	vld [tilespmem:s26+$0x4560]  }
0x254: {  	[tilespmem:s26+$0x4500] =	vst v8;
	v8 =	vmul.f32 v14, v7;
	v14 =	vld [tilespmem:s26+$0x4570]  }
0x255: {  	[tilespmem:s26+$0x4510] =	vst v9;
	v9 =	vmul.f32 v11, v7;
	v11 =	vld [tilespmem:s26+$0x4580]  }
0x256: {  	[tilespmem:s26+$0x4520] =	vst v8;
	v8 =	vmul.f32 v12, v7;
	v12 =	vld [tilespmem:s26+$0x4590]  }
0x257: {  	[tilespmem:s26+$0x4530] =	vst v9;
	v9 =	vmul.f32 v13, v7;
	v13 =	vld [tilespmem:s26+$0x45A0]  }
0x258: {  	[tilespmem:s26+$0x4540] =	vst v8;
	v8 =	vmul.f32 v10, v7;
	v10 =	vbroadcast v1, $0x5;
	v15 =	vld [tilespmem:s26+$0x45B0]  }
0x259: {  	[tilespmem:s26+$0x4550] =	vst v9;
	v7 =	vmul.f32 v14, v7;
	v9 =	vld [tilespmem:s26+$0x45C0]  }
0x25a: {  	[tilespmem:s26+$0x4560] =	vst v8;
	v8 =	vmul.f32 v11, v10;
	v11 =	vld [tilespmem:s26+$0x45D0]  }
0x25b: {  	[tilespmem:s26+$0x4570] =	vst v7;
	v7 =	vmul.f32 v12, v10;
	v12 =	vld [tilespmem:s26+$0x45E0]  }
0x25c: {  	[tilespmem:s26+$0x4580] =	vst v8;
	v8 =	vmul.f32 v13, v10;
	v13 =	vld [tilespmem:s26+$0x45F0]  }
0x25d: {  	[tilespmem:s26+$0x4590] =	vst v7;
	v7 =	vmul.f32 v15, v10;
	v14 =	vld [tilespmem:s26+$0x4600]  }
0x25e: {  	[tilespmem:s26+$0x45A0] =	vst v8;
	v8 =	vmul.f32 v9, v10;
	v9 =	vld [tilespmem:s26+$0x4610]  }
0x25f: {  	[tilespmem:s26+$0x45B0] =	vst v7;
	v7 =	vmul.f32 v11, v10;
	v11 =	vld [tilespmem:s26+$0x4620]  }
0x260: {  	[tilespmem:s26+$0x45C0] =	vst v8;
	v8 =	vmul.f32 v12, v10;
	v12 =	vbroadcast v1, $0x6;
	v15 =	vld [tilespmem:s26+$0x4630]  }
0x261: {  	[tilespmem:s26+$0x45D0] =	vst v7;
	v7 =	vmul.f32 v13, v10;
	v10 =	vld [tilespmem:s26+$0x4640]  }
0x262: {  	[tilespmem:s26+$0x45E0] =	vst v8;
	v8 =	vmul.f32 v14, v12;
	v13 =	vld [tilespmem:s26+$0x4650]  }
0x263: {  	[tilespmem:s26+$0x45F0] =	vst v7;
	v7 =	vmul.f32 v9, v12;
	v9 =	vld [tilespmem:s26+$0x4660]  }
0x264: {  	[tilespmem:s26+$0x4600] =	vst v8;
	v8 =	vmul.f32 v11, v12;
	v11 =	vld [tilespmem:s26+$0x4670]  }
0x265: {  	[tilespmem:s26+$0x4610] =	vst v7;
	v7 =	vmul.f32 v15, v12;
	v14 =	vld [tilespmem:s26+$0x4680]  }
0x266: {  	[tilespmem:s26+$0x4620] =	vst v8;
	v8 =	vmul.f32 v10, v12;
	v10 =	vld [tilespmem:s26+$0x4690]  }
0x267: {  	[tilespmem:s26+$0x4630] =	vst v7;
	v7 =	vmul.f32 v13, v12;
	v13 =	vld [tilespmem:s26+$0x46A0]  }
0x268: {  	[tilespmem:s26+$0x4640] =	vst v8;
	v8 =	vmul.f32 v9, v12;
	v9 =	vbroadcast v1, $0x7;
	v15 =	vld [tilespmem:s26+$0x46B0]  }
0x269: {  	[tilespmem:s26+$0x4650] =	vst v7;
	v7 =	vmul.f32 v11, v12;
	v11 =	vld [tilespmem:s26+$0x46C0]  }
0x26a: {  	[tilespmem:s26+$0x4660] =	vst v8;
	v8 =	vmul.f32 v14, v9;
	v12 =	vld [tilespmem:s26+$0x46D0]  }
0x26b: {  	[tilespmem:s26+$0x4670] =	vst v7;
	v7 =	vmul.f32 v10, v9;
	v10 =	vld [tilespmem:s26+$0x46E0]  }
0x26c: {  	[tilespmem:s26+$0x4680] =	vst v8;
	v8 =	vmul.f32 v13, v9;
	v13 =	vld [tilespmem:s26+$0x46F0]  }
0x26d: {  	[tilespmem:s26+$0x4690] =	vst v7;
	v7 =	vmul.f32 v15, v9;
	v14 =	vld [tilespmem:s26+$0x4700]  }
0x26e: {  	[tilespmem:s26+$0x46A0] =	vst v8;
	v8 =	vmul.f32 v11, v9;
	v11 =	vld [tilespmem:s26+$0x4710]  }
0x26f: {  	[tilespmem:s26+$0x46B0] =	vst v7;
	v7 =	vmul.f32 v12, v9;
	v12 =	vld [tilespmem:s26+$0x4720]  }
0x270: {  	[tilespmem:s26+$0x46C0] =	vst v8;
	v8 =	vmul.f32 v10, v9;
	v10 =	vbroadcast v1, $0x8;
	v15 =	vld [tilespmem:s26+$0x4730]  }
0x271: {  	[tilespmem:s26+$0x46D0] =	vst v7;
	v7 =	vmul.f32 v13, v9;
	v9 =	vld [tilespmem:s26+$0x4740]  }
0x272: {  	[tilespmem:s26+$0x46E0] =	vst v8;
	v8 =	vmul.f32 v14, v10;
	v13 =	vld [tilespmem:s26+$0x4750]  }
0x273: {  	[tilespmem:s26+$0x46F0] =	vst v7;
	v7 =	vmul.f32 v11, v10;
	v11 =	vld [tilespmem:s26+$0x4760]  }
0x274: {  	[tilespmem:s26+$0x4700] =	vst v8;
	v8 =	vmul.f32 v12, v10;
	v12 =	vld [tilespmem:s26+$0x4770]  }
0x275: {  	[tilespmem:s26+$0x4710] =	vst v7;
	v7 =	vmul.f32 v15, v10;
	v14 =	vld [tilespmem:s26+$0x4780]  }
0x276: {  	[tilespmem:s26+$0x4720] =	vst v8;
	v8 =	vmul.f32 v9, v10;
	v9 =	vld [tilespmem:s26+$0x4790]  }
0x277: {  	[tilespmem:s26+$0x4730] =	vst v7;
	v7 =	vmul.f32 v13, v10;
	v13 =	vld [tilespmem:s26+$0x47A0]  }
0x278: {  	[tilespmem:s26+$0x4740] =	vst v8;
	v8 =	vmul.f32 v11, v10;
	v11 =	vbroadcast v1, $0x9;
	v15 =	vld [tilespmem:s26+$0x47B0]  }
0x279: {  	[tilespmem:s26+$0x4750] =	vst v7;
	v7 =	vmul.f32 v12, v10;
	v10 =	vld [tilespmem:s26+$0x47C0]  }
0x27a: {  	[tilespmem:s26+$0x4760] =	vst v8;
	v8 =	vmul.f32 v14, v11;
	v12 =	vld [tilespmem:s26+$0x47D0]  }
0x27b: {  	[tilespmem:s26+$0x4770] =	vst v7;
	v7 =	vmul.f32 v9, v11;
	v9 =	vld [tilespmem:s26+$0x47E0]  }
0x27c: {  	[tilespmem:s26+$0x4780] =	vst v8;
	v8 =	vmul.f32 v13, v11;
	v13 =	vld [tilespmem:s26+$0x47F0]  }
0x27d: {  	[tilespmem:s26+$0x4790] =	vst v7;
	v7 =	vmul.f32 v15, v11;
	v14 =	vld [tilespmem:s26+$0x4800]  }
0x27e: {  	[tilespmem:s26+$0x47A0] =	vst v8;
	v8 =	vmul.f32 v10, v11;
	v10 =	vld [tilespmem:s26+$0x4810]  }
0x27f: {  	[tilespmem:s26+$0x47B0] =	vst v7;
	v7 =	vmul.f32 v12, v11;
	v12 =	vld [tilespmem:s26+$0x4820]  }
0x280: {  	[tilespmem:s26+$0x47C0] =	vst v8;
	v8 =	vmul.f32 v9, v11;
	v9 =	vld [tilespmem:s26+$0x4830]  }
0x281: {  	[tilespmem:s26+$0x47D0] =	vst v7;
	v7 =	vmul.f32 v13, v11;
	v11 =	vld [tilespmem:s26+$0x4840]  }
0x282: {  	[tilespmem:s26+$0x47E0] =	vst v8;
	v8 =	vmul.f32 v14, v4;
	v13 =	vld [tilespmem:s26+$0x4850]  }
0x283: {  	[tilespmem:s26+$0x47F0] =	vst v7;
	v7 =	vmul.f32 v10, v4;
	v10 =	vld [tilespmem:s26+$0x4860]  }
0x284: {  	v14 =	vld [tilespmem:s26+$0x4300];
	[tilespmem:s26+$0x4800] =	vst v8;
	v8 =	vmul.f32 v12, v4  }
0x285: {  	v12 =	vld [tilespmem:s26+$0x4310];
	[tilespmem:s26+$0x4810] =	vst v7;
	v7 =	vmul.f32 v9, v4  }
0x286: {  	v9 =	vld [tilespmem:s26+$0x4340];
	[tilespmem:s26+$0x4820] =	vst v8;
	v8 =	vmul.f32 v11, v4  }
0x287: {  	v11 =	vld [tilespmem:s26+$0x4350];
	[tilespmem:s26+$0x4830] =	vst v7;
	v7 =	vmul.f32 v13, v4  }
0x288: {  	[tilespmem:s26+$0x4840] =	vst v8;
	v8 =	vmul.f32 v10, v4;
	v10 =	vbroadcast v1, $0xB;
	v13 =	vld [tilespmem:s26+$0x48A0]  }
0x289: {  	v4 =	vbroadcast v1, $0xF;
	v14 =	vmul.f32 v2, v14;
	[tilespmem:s26+$0x4850] =	vst v7;
	v7 =	vld [tilespmem:s26+$0x48B0]  }
0x28a: {  	v12 =	vmul.f32 v12, v2;
	[tilespmem:s26+$0x4860] =	vst v8;
	v5 =	vmul.f32 v5, v10;
	v8 =	vld [tilespmem:s26+$0x48C0]  }
0x28b: {  	v6 =	vmul.f32 v6, v10;
	[tilespmem:s26+$0x4300] =	vst v14;
	v9 =	vmul.f32 v9, v2;
	v14 =	vld [tilespmem:s26+$0x48D0]  }
0x28c: {  	v3 =	vmul.f32 v3, v4;
	v11 =	vmul.f32 v11, v2;
	[tilespmem:s26+$0x4880] =	vst v5;
	v2 =	vld [tilespmem:s26+$0x48E0]  }
0x28d: {  	[tilespmem:s26+$0x4890] =	vst v6;
	v5 =	vmul.f32 v13, v10;
	v6 =	vld [tilespmem:s26+$0x48F0]  }
0x28e: {  	v7 =	vmul.f32 v7, v10;
	v13 =	vld [tilespmem:s26+$0x4900];
	[tilespmem:s26+$0x4AD0] =	vst v3  }
0x28f: {  	[tilespmem:s26+$0x4310] =	vst v12;
	v3 =	vmul.f32 v8, v10;
	v8 =	vld [tilespmem:s26+$0x4910]  }
0x290: {  	[tilespmem:s26+$0x4340] =	vst v9;
	v9 =	vmul.f32 v14, v10;
	v12 =	vld [tilespmem:s26+$0x4920]  }
0x291: {  	v14 =	vbroadcast v1, $0xC;
	[tilespmem:s26+$0x48A0] =	vst v5;
	v5 =	vmul.f32 v2, v10;
	v15 =	vld [tilespmem:s26+$0x4930]  }
0x292: {  	[tilespmem:s26+$0x48D0] =	vst v9;
	v6 =	vmul.f32 v6, v10;
	v9 =	vld [tilespmem:s26+$0x4940]  }
0x293: {  	[tilespmem:s26+$0x48B0] =	vst v7;
	v2 =	vmul.f32 v13, v14;
	v7 =	vld [tilespmem:s26+$0x4950]  }
0x294: {  	[tilespmem:s26+$0x48C0] =	vst v3;
	v3 =	vmul.f32 v8, v14;
	v8 =	vld [tilespmem:s26+$0x4960]  }
0x295: {  	[tilespmem:s26+$0x4900] =	vst v2;
	v2 =	vmul.f32 v12, v14;
	v10 =	vld [tilespmem:s26+$0x4970]  }
0x296: {  	[tilespmem:s26+$0x4910] =	vst v3;
	v3 =	vld [tilespmem:s26+$0x4980]  }
0x297: {  	[tilespmem:s26+$0x4350] =	vst v11;
	v9 =	vmul.f32 v9, v14;
	v11 =	vld [tilespmem:s26+$0x4990]  }
0x298: {  	[tilespmem:s26+$0x48E0] =	vst v5;
	v5 =	vmul.f32 v7, v14;
	v7 =	vld [tilespmem:s26+$0x49A0]  }
0x299: {  	[tilespmem:s26+$0x4940] =	vst v9;
	v8 =	vmul.f32 v8, v14;
	v9 =	vbroadcast v1, $0xD;
	v12 =	vld [tilespmem:s26+$0x49B0]  }
0x29a: {  	[tilespmem:s26+$0x4950] =	vst v5;
	v5 =	vmul.f32 v10, v14;
	v10 =	vld [tilespmem:s26+$0x49C0]  }
0x29b: {  	[tilespmem:s26+$0x4960] =	vst v8;
	v3 =	vmul.f32 v3, v9;
	v8 =	vld [tilespmem:s26+$0x49D0]  }
0x29c: {  	[tilespmem:s26+$0x4970] =	vst v5;
	v5 =	vmul.f32 v11, v9;
	v11 =	vld [tilespmem:s26+$0x49E0]  }
0x29d: {  	[tilespmem:s26+$0x4980] =	vst v3;
	v3 =	vmul.f32 v7, v9;
	v7 =	vld [tilespmem:s26+$0x49F0]  }
0x29e: {  	[tilespmem:s26+$0x4990] =	vst v5;
	v5 =	vmul.f32 v12, v9;
	v12 =	vld [tilespmem:s26+$0x4A00]  }
0x29f: {  	[tilespmem:s26+$0x49A0] =	vst v3;
	v3 =	vmul.f32 v10, v9;
	v10 =	vld [tilespmem:s26+$0x4A10]  }
0x2a0: {  	[tilespmem:s26+$0x49B0] =	vst v5;
	v5 =	vmul.f32 v8, v9;
	v8 =	vld [tilespmem:s26+$0x4A20]  }
0x2a1: {  	v1 =	vbroadcast v1, $0xE;
	[tilespmem:s26+$0x48F0] =	vst v6;
	v6 =	vmul.f32 v11, v9;
	v11 =	vld [tilespmem:s26+$0x4A30]  }
0x2a2: {  	[tilespmem:s26+$0x49D0] =	vst v5;
	v5 =	vmul.f32 v7, v9;
	v7 =	vld [tilespmem:s26+$0x4A40]  }
0x2a3: {  	[tilespmem:s26+$0x49E0] =	vst v6;
	v6 =	vmul.f32 v12, v1;
	v9 =	vld [tilespmem:s26+$0x4A50]  }
0x2a4: {  	[tilespmem:s26+$0x49F0] =	vst v5;
	v5 =	vmul.f32 v10, v1;
	v10 =	vld [tilespmem:s26+$0x4A60]  }
0x2a5: {  	[tilespmem:s26+$0x4A00] =	vst v6;
	v6 =	vmul.f32 v8, v1;
	v8 =	vld [tilespmem:s26+$0x4A70]  }
0x2a6: {  	[tilespmem:s26+$0x4A10] =	vst v5;
	v5 =	vmul.f32 v11, v1;
	v11 =	vld [tilespmem:s26+$0x4A80]  }
0x2a7: {  	[tilespmem:s26+$0x4A20] =	vst v6;
	v6 =	vmul.f32 v7, v1;
	v7 =	vld [tilespmem:s26+$0x4A90]  }
0x2a8: {  	[tilespmem:s26+$0x4A30] =	vst v5;
	v5 =	vmul.f32 v9, v1;
	v9 =	vld [tilespmem:s26+$0x4AA0]  }
0x2a9: {  	[tilespmem:s26+$0x4A40] =	vst v6;
	v6 =	vmul.f32 v10, v1;
	v10 =	vld [tilespmem:s26+$0x4AB0]  }
0x2aa: {  	[tilespmem:s26+$0x49C0] =	vst v3;
	v1 =	vmul.f32 v8, v1;
	v3 =	vld [tilespmem:s26+$0x4AC0]  }
0x2ab: {  	[tilespmem:s26+$0x4A60] =	vst v6;
	v6 =	vmul.f32 v11, v4;
	v8 =	vld [tilespmem:s26+$0x4AE0]  }
0x2ac: {  	[tilespmem:s26+$0x4A70] =	vst v1;
	v1 =	vmul.f32 v7, v4;
	v7 =	vld [tilespmem:s26+$0x4AF0]  }
0x2ad: {  	[tilespmem:s26+$0x4A80] =	vst v6;
	v6 =	vmul.f32 v9, v4  }
0x2ae: {  	[tilespmem:s26+$0x4A90] =	vst v1;
	v1 =	vmul.f32 v10, v4  }
0x2af: {  	v9 =	vmul.f32 v15, v14;
	[tilespmem:s26+$0x4AA0] =	vst v6  }
0x2b0: {  	[tilespmem:s26+$0x4AB0] =	vst v1;
	v1 =	vmul.f32 v3, v4  }
.Ltmp2:
0x2b1: {  	[tilespmem:s26+$0x4930] =	vst v9;
	v3 =	vmul.f32 v7, v4;
	(pc) =	sbr.rel @p4 .LBB2_7-.Ltmp2, $4  }
0x2b2: {  	[tilespmem:s26+$0x4AC0] =	vst v1  }
0x2b3: {  	v1 =	vmul.f32 v8, v4;
	[tilespmem:s26+$0x4AF0] =	vst v3  }
0x2b4: {  	[tilespmem:s26+$0x4A50] =	vst v5  }
0x2b5: {  	[tilespmem:s26+$0x4AE0] =	vst v1  }
0x2b6: {  	[tilespmem:s26+$0x4920] =	vst v2;
	s8 =	smin.u32 s23, $0x4C  }
0x2b7: {  	[spmem:s4] =	stream.indirect.scatter.add.f32 [tilespmem:s19], [sflag:$0x5], $0x80, s14, s13, $0xb8;
	[tilespmem:$0x1BB80] =	vst v63  }
0x2b8: {  	s8 =	sshll.u32 s8, $0x7  }
0x2b9: {  	_ =	swait.ge [sflag:s31], $0x4000;
	s8 =	sadd.s32 s8, s25  }
0x2ba: {  	s22 =	sadd.s32 $0x1, s22;
	[sflag:s31] =	ssyncset.done $0x0;
	s8 =	sshrl.u32 s8, $0x3  }
0x2bb: {  	p4 =	sne.s32 s22, $0x28;
	[sflag:s31] =	ssyncadd.s32 $0xFFFFC000;
	s26 =	sadd.s32 s2, s8  }
0x2bc: {  	[tilespmem:s13], [sflag:$0x2] =	stream.linear.gather [hbm4b:s26+s5], $0x80, $0x38;
	[tilespmem:$0x1BB80] =	vst v63  }
.Ltmp3:
0x2bd: {  	_ = 	snop;
	(pc) =	sbr.rel @p4 .LBB2_4-.Ltmp3, $4  }
0x2be: {  	s28 =	sadd.s32 s1, s8  }
0x2bf: {  	[tilespmem:s14], [sflag:$0x2] =	stream.linear.gather [hbm4b:s28+s5], $0x80, $0x38;
	[tilespmem:$0x1BB80] =	vst v63  }
0x2c0: {  	s8 =	sadd.s32 s7, s8  }
0x2c1: {  	[tilespmem:s15], [sflag:$0x2] =	stream.linear.gather [hbm4b:s8+s5], $0x80, $0x38;
	[tilespmem:$0x1BB80] =	vst v63  }
0x2c2: {  	_ =	swait.ge [sflag:s17], $0x4000  }
0x2c3: {  	[sflag:s17] =	ssyncset.done $0x0  }
0x2c4: {  	[sflag:s17] =	ssyncadd.s32 $0xFFFFC000  }
0x2c5: {  	_ =	swait.ge [sflag:s18], $0x80  }
0x2c6: {  	[sflag:s18] =	ssyncset.done $0x0  }
0x2c7: {  	[sflag:s18] =	ssyncadd.s32 $0xFFFFFF80  }
0x2c8: {  	_ =	swait.ge [sflag:s18], $0x80  }
0x2c9: {  	[sflag:s18] =	ssyncset.done $0x0  }
0x2ca: {  	[sflag:s18] =	ssyncadd.s32 $0xFFFFFF80  }
0x2cb: {  	_ =	swait.ge [sflag:s18], $0x80  }
0x2cc: {  	[sflag:s18] =	ssyncset.done $0x0  }
0x2cd: {  	s8 =	stileid.u32;
	[sflag:s18] =	ssyncadd.s32 $0xFFFFFF80  }
0x2ce: {  	s8 =	sshll.u32 s8, $0x6;
	[bflag:$0x0] =	sbarrier.arrive $0xFFFF  }
0x2cf: {  	s22 =	sshrl.u32 s9, $0x3;
	s8 =	sor.u32 $0x1C05, s8;
	s23 =	rddreg [dreg:$0x9]  }
0x2d0: {  	[hbm:s23], [sflag:s8] =	dma.local [spmem:s22], $0x800  }
0x2d1: {  	_ =	swait.ge [sflag:s31], $0x800  }
0x2d2: {  	s26 =	smov.u32 s9;
	s28 =	smov.u32 s10;
	[sflag:s31] =	ssyncset.done $0x0  }
0x2d3: {  	s9 =	sshrl.u32 s10, $0x3;
	s10 =	rddreg [dreg:$0xa];
	[sflag:s31] =	ssyncadd.s32 $0xFFFFF800  }
0x2d4: {  	[hbm:s10], [sflag:s8] =	dma.local [spmem:s9], $0x800  }
0x2d5: {  	_ =	swait.ge [sflag:s31], $0x800  }
0x2d6: {  	[sflag:s31] =	ssyncset.done $0x0;
	s23 =	rddreg [dreg:$0x5]  }
0x2d7: {  	[sflag:s31] =	ssyncadd.s32 $0xFFFFF800;
	s10 =	sshrl.u32 s23, $0x3;
	s23 =	rddreg [dreg:$0xb]  }
0x2d8: {  	[hbm:s23], [sflag:s8] =	dma.local [spmem:s10], $0x800  }
0x2d9: {  	_ =	swait.ge [sflag:s31], $0x800  }
0x2da: {  	[sflag:s31] =	ssyncset.done $0x0  }
0x2db: {  	s9 =	sshrl.u32 s11, $0x3;
	s10 =	rddreg [dreg:$0xc];
	[sflag:s31] =	ssyncadd.s32 $0xFFFFF800  }
0x2dc: {  	[hbm:s10], [sflag:s8] =	dma.local [spmem:s9], $0x800  }
0x2dd: {  	_ =	swait.ge [sflag:s31], $0x800  }
0x2de: {  	[sflag:s31] =	ssyncset.done $0x0  }
0x2df: {  	s22 =	sshrl.u32 @!p0 s12, $0x3;
	s9 =	rddreg [dreg:$0xd];
	[sflag:s31] =	ssyncadd.s32 $0xFFFFF800  }
0x2e0: {  	[hbm:s9], [sflag:s8] =	dma.local @!p0 [spmem:s22], $0x800  }
0x2e1: {  	s22 =	simm.s32 @!p0 $0x5  }
0x2e2: {  	_ =	swait.ge @!p0 [sflag:s22], $0x800  }
0x2e3: {  	[sflag:s22] =	ssyncset.done @!p0 $0x0  }
0x2e4: {  	s9 =	rddreg [dreg:$0x11];
	[sflag:s22] =	ssyncadd.s32 @!p0 $0xFFFFF800;
	s22 =	sshrl.u32 @p3 s29, $0x3  }
0x2e5: {  	[hbm:s9], [sflag:s8] =	dma.local @p3 [spmem:s22], $0x100  }
0x2e6: {  	s8 =	simm.s32 @p3 $0x5  }
0x2e7: {  	_ =	swait.ge @p3 [sflag:s8], $0x100  }
0x2e8: {  	s21 =	sadd.s32 $0x1, s21;
	s23 =	rddreg [dreg:$0x12]  }
0x2e9: {  	p4 =	sne.s32 s21, s23  }
.Ltmp4:
0x2ea: {  	_ = 	snop;
	(pc) =	sbr.rel @p4 .LBB2_1-.Ltmp4, $3  }
0x2eb: {  	_ =	sdelay $0x1  }
0x2ec: {  	[sflag:s8] =	ssyncset.done @p3 $0x0  }
0x2ed: {  	[sflag:s8] =	ssyncadd.s32 @p3 $0xFFFFFF00  }
0x2ee: {  	_ =	sfence.sel $0x180000  }
0x2ef: {  	[bflag:$0x0] =	sbarrier.arrive $0xFFFF  }
0x2f0: {  	_ =	strace $0x90000047  }
0x2f1: {  	s0 =	stileid.u32;
	[bflag:$0x2] =	sbarrier.arrive $0xFFFF  }
0x2f2: {  	p0 =	sne.s32 s0, $0x0;
	s0 =	rddreg [dreg:$0x4]  }
0x2f3: {  	s0 =	sadd.s32 @!p0 $0x100000, s0  }
0x2f4: {  	[sflag:s0] =	ssyncadd.tile.s32 @!p0 $0x1;
	_ =	shalt  }
.Lfunc_end2:
_tile_overlayer_lowered:
.L_overlay_start_2:
0x2f5: {  	(tag) =	ssettag $0x2  }
0x2f6: {  	s0 =	rddreg [dreg:$0x0];
	s2 =	stileid.u32  }
0x2f7: {  	s1 =	rddreg [dreg:$0x1];
	p0 =	sne.s32 s2, $0x0  }
0x2f8: {  	s3 =	rddreg [dreg:$0x2];
	[bflag:$0x3] =	sbarrier.arrive $0xFFFF;
	s2 =	simm.s32 @!p0 $0x1C05  }
0x2f9: {  	[timem:s3], [sflag:s2] =	dma.local @!p0 [hbm:s0], s1  }
0x2fa: {  	s0 =	simm.s32 @!p0 $0x5  }
0x2fb: {  	_ =	swait.ge @!p0 [sflag:s0], s1  }
0x2fc: {  	s1 =	ssub.s32 @!p0 $0x0, s1;
	[sflag:s0] =	ssyncset.done @!p0 $0x0  }
0x2fd: {  	[sflag:s0] =	ssyncadd.s32 @!p0 s1  }
0x2fe: {  	[bflag:$0x3] =	sbarrier.arrive $0xFFFF  }
0x2ff: {  	_ =	shalt  }

</sc_bundles>
